<compile_context>
chip_gen: v7x
topology: tpu7x:2x2x1
jax: 0.10.2.dev20260603
libtpu: 0.0.44.dev20260713+nightly
codegen_flags: <defaults>
</compile_context>

<pallas_src>
import functools

import jax
import jax.numpy as jnp
from jax import lax
from jax.experimental import pallas as pl
from jax.experimental.pallas import tpu as pltpu
from jax.experimental.pallas import tpu_sc as plsc

NUM_LINKS = 10000
NUM_PATHS = 500
NUM_QUESTS = 50
TOTAL_PATHS = NUM_PATHS * NUM_QUESTS
PATH_LEN = 8
E = TOTAL_PATHS * PATH_LEN
LINK_DIM = 16
T = 4
HID = 256

NLP = 10016
LPP = 25088
EP = LPP * PATH_LEN
NW = 32
WIDX = EP // NW
WCH = WIDX // 128
RPS = NLP // 16

PB = 3136
RB = 5000


def _sc_mesh():
    return plsc.VectorSubcoreMesh(core_axis_name="c", subcore_axis_name="s")


def _sc_gather(table, idx2d):

    @functools.partial(
        pl.kernel,
        mesh=_sc_mesh(),
        out_type=jax.ShapeDtypeStruct((EP, LINK_DIM), jnp.float32),
        compiler_params=pltpu.CompilerParams(use_tc_tiling_on_sc=False),
        scratch_types=[
            pltpu.VMEM((WCH, 128), jnp.int32),
            pltpu.VMEM((WIDX, LINK_DIM), jnp.float32),
            pltpu.SemaphoreType.DMA,
        ],
    )
    def k(table_hbm, idx_hbm, out_hbm, idx_v, rows_v, sem):
        wid = lax.axis_index("s") * 2 + lax.axis_index("c")
        pltpu.sync_copy(idx_hbm.at[wid], idx_v)

        def outer(j, carry):
            cps = []
            for i in range(7):
                c = j * 7 + i
                off = pl.multiple_of(c * 128, 128)
                cps.append(
                    pltpu.async_copy(
                        table_hbm.at[idx_v.at[c]],
                        rows_v.at[pl.ds(off, 128)],
                        sem,
                    )
                )
            for cp in cps:
                cp.wait()
            return carry

        lax.fori_loop(0, 7, outer, 0)
        pltpu.sync_copy(rows_v, out_hbm.at[pl.ds(wid * WIDX, WIDX)])

    return k(table, idx2d)


def _sc_scatter(vals, idx2d, zeros_nl):

    @functools.partial(
        pl.kernel,
        mesh=_sc_mesh(),
        out_type=jax.ShapeDtypeStruct((2, NLP, LINK_DIM), jnp.float32),
        compiler_params=pltpu.CompilerParams(use_tc_tiling_on_sc=False),
        scratch_types=[
            pltpu.VMEM((WCH, 128), jnp.int32),
            pltpu.VMEM((WIDX, LINK_DIM), jnp.float32),
            pltpu.VMEM_SHARED((NLP, LINK_DIM), jnp.float32),
            pltpu.SemaphoreType.DMA,
        ],
    )
    def k(vals_hbm, idx_hbm, zeros_hbm, out_hbm, idx_v, rows_v, acc_sh, sem):
        cid = lax.axis_index("c")
        sid = lax.axis_index("s")
        wid = sid * 2 + cid
        pltpu.sync_copy(idx_hbm.at[wid], idx_v)
        pltpu.sync_copy(vals_hbm.at[pl.ds(wid * WIDX, WIDX)], rows_v)
        pltpu.sync_copy(
            zeros_hbm.at[pl.ds(sid * RPS, RPS)],
            acc_sh.at[pl.ds(sid * RPS, RPS)],
        )
        plsc.subcore_barrier()

        def body(c, carry):
            off = pl.multiple_of(c * 128, 128)
            pltpu.sync_copy(
                rows_v.at[pl.ds(off, 128)],
                acc_sh.at[idx_v.at[c]],
                add=True,
            )
            return carry

        lax.fori_loop(0, WCH, body, 0)
        plsc.subcore_barrier()
        pltpu.sync_copy(
            acc_sh.at[pl.ds(sid * RPS, RPS)],
            out_hbm.at[cid, pl.ds(sid * RPS, RPS)],
        )

    return k(vals, idx2d, zeros_nl)


def _gru_gates(mx, mh, h):
    z = jax.nn.sigmoid(mx[:, 0:16] + mh[:, 0:16])
    r = jax.nn.sigmoid(mx[:, 16:32] + mh[:, 16:32])
    n = jnp.tanh(mx[:, 32:48] + r * mh[:, 32:48])
    return z * h + (1.0 - z) * n


def _pgru_body(x_ref, h0_ref, wpb_ref, up_ref, bpx_ref, bp1_ref, out_ref, ht_ref):
    mx_all = jnp.dot(x_ref[...], wpb_ref[...],
                     preferred_element_type=jnp.float32) + bpx_ref[...]
    h = h0_ref[...]
    up = up_ref[...]
    bp1 = bp1_ref[...]
    for t in range(PATH_LEN):
        mh = jnp.dot(h, up, preferred_element_type=jnp.float32) + bp1
        h = _gru_gates(mx_all[:, t * 48:(t + 1) * 48], mh, h)
        out_ref[:, t * 16:(t + 1) * 16] = h
    ht_ref[...] = h


def _pgru_last_body(x_ref, h0_ref, wpb_ref, up_ref, bpx_ref, bp1_ref, ht_ref):
    mx_all = jnp.dot(x_ref[...], wpb_ref[...],
                     preferred_element_type=jnp.float32) + bpx_ref[...]
    h = h0_ref[...]
    up = up_ref[...]
    bp1 = bp1_ref[...]
    for t in range(PATH_LEN):
        mh = jnp.dot(h, up, preferred_element_type=jnp.float32) + bp1
        h = _gru_gates(mx_all[:, t * 48:(t + 1) * 48], mh, h)
    ht_ref[...] = h


def _pgru_in_specs():
    return [
        pl.BlockSpec((PB, 128), lambda i: (i, 0)),
        pl.BlockSpec((PB, 16), lambda i: (i, 0)),
        pl.BlockSpec((128, 384), lambda i: (0, 0)),
        pl.BlockSpec((16, 48), lambda i: (0, 0)),
        pl.BlockSpec((1, 384), lambda i: (0, 0)),
        pl.BlockSpec((1, 48), lambda i: (0, 0)),
    ]


def _path_gru_full(x2d, h0, wpb, up, bpx, bp1):
    return pl.pallas_call(
        _pgru_body,
        grid=(LPP // PB,),
        in_specs=_pgru_in_specs(),
        out_specs=[
            pl.BlockSpec((PB, 128), lambda i: (i, 0)),
            pl.BlockSpec((PB, 16), lambda i: (i, 0)),
        ],
        out_shape=[
            jax.ShapeDtypeStruct((LPP, 128), jnp.float32),
            jax.ShapeDtypeStruct((LPP, 16), jnp.float32),
        ],
    )(x2d, h0, wpb, up, bpx, bp1)


def _path_gru_last(x2d, h0, wpb, up, bpx, bp1):
    return pl.pallas_call(
        _pgru_last_body,
        grid=(LPP // PB,),
        in_specs=_pgru_in_specs(),
        out_specs=pl.BlockSpec((PB, 16), lambda i: (i, 0)),
        out_shape=jax.ShapeDtypeStruct((LPP, 16), jnp.float32),
    )(x2d, h0, wpb, up, bpx, bp1)


def _lgru_body(parts_ref, h_ref, we_ref, ue_ref, be_ref, o_ref):
    m = parts_ref[0] + parts_ref[1]
    h = h_ref[...]
    mx = jnp.dot(m, we_ref[...], preferred_element_type=jnp.float32) + be_ref[0:1, :]
    mh = jnp.dot(h, ue_ref[...], preferred_element_type=jnp.float32) + be_ref[1:2, :]
    o_ref[...] = _gru_gates(mx, mh, h)


def _link_gru(parts, h, we, ue, be):
    return pl.pallas_call(
        _lgru_body,
        out_shape=jax.ShapeDtypeStruct((NLP, LINK_DIM), jnp.float32),
    )(parts, h, we, ue, be)


_SELU_SCALE = 1.0507009873554805
_SELU_ALPHA = 1.6732632423543772


def _selu(x):
    return _SELU_SCALE * jnp.where(x > 0, x, _SELU_ALPHA * (jnp.exp(x) - 1.0))


def _mlp_body(ps_ref, w1_ref, b1_ref, w2_ref, b2_ref, w3_ref, b3_ref,
              mm1_ref, mm2_ref, o_ref):
    h = jnp.dot(ps_ref[...], w1_ref[...],
                preferred_element_type=jnp.float32) + b1_ref[...]
    h = _selu(h) * mm1_ref[...]
    h = jnp.dot(h, w2_ref[...], preferred_element_type=jnp.float32) + b2_ref[...]
    h = _selu(h) * mm2_ref[...]
    r = jnp.dot(h, w3_ref[...], preferred_element_type=jnp.float32) + b3_ref[...]
    o_ref[...] = jnp.maximum(r, 0.0)


def _readout(ps, w1, b1, w2, b2, w3, b3, mm1, mm2):
    return pl.pallas_call(
        _mlp_body,
        grid=(TOTAL_PATHS // RB,),
        in_specs=[
            pl.BlockSpec((RB, 16), lambda i: (i, 0)),
            pl.BlockSpec((16, HID), lambda i: (0, 0)),
            pl.BlockSpec((1, HID), lambda i: (0, 0)),
            pl.BlockSpec((HID, HID), lambda i: (0, 0)),
            pl.BlockSpec((1, HID), lambda i: (0, 0)),
            pl.BlockSpec((HID, 1), lambda i: (0, 0)),
            pl.BlockSpec((1, 1), lambda i: (0, 0)),
            pl.BlockSpec((RB, HID), lambda i: (i, 0)),
            pl.BlockSpec((RB, HID), lambda i: (i, 0)),
        ],
        out_specs=pl.BlockSpec((RB, 1), lambda i: (i, 0)),
        out_shape=jax.ShapeDtypeStruct((TOTAL_PATHS, 1), jnp.float32),
    )(ps, w1, b1, w2, b2, w3, b3, mm1, mm2)


def kernel(link_capacity, traffic, links, paths, sequences, Wp, Up, bp,
           We, Ue, be, W1, b1, W2, b2, W3, b3):
    f32 = jnp.float32
    link_state = jnp.pad(
        jnp.pad(link_capacity, (0, NLP - NUM_LINKS))[:, None], ((0, 0), (0, 15)))
    path_state = jnp.pad(
        jnp.pad(traffic, (0, LPP - TOTAL_PATHS))[:, None], ((0, 0), (0, 15)))
    idx2d = jnp.pad(links, (0, EP - E),
                    constant_values=NUM_LINKS).reshape(NW, WCH, 128)
    zeros_nl = jnp.zeros((NLP, LINK_DIM), f32)
    wpb = jnp.kron(jnp.eye(PATH_LEN, dtype=f32), Wp)
    bpx = jnp.tile(bp[0], PATH_LEN)[None, :]
    bp1 = bp[1][None, :]

    for it in range(T):
        g = _sc_gather(link_state, idx2d)
        x2d = g.reshape(LPP, 128)
        if it < T - 1:
            outs, path_state = _path_gru_full(x2d, path_state, wpb, Up, bpx, bp1)
            parts = _sc_scatter(outs.reshape(EP, LINK_DIM), idx2d, zeros_nl)
            link_state = _link_gru(parts, link_state, We, Ue, be)
        else:
            path_state = _path_gru_last(x2d, path_state, wpb, Up, bpx, bp1)

    dk = jax.random.key(42)
    mm1 = jnp.where(jax.random.bernoulli(jax.random.fold_in(dk, 0), 0.5,
                                         (TOTAL_PATHS, HID)), f32(2.0), f32(0.0))
    mm2 = jnp.where(jax.random.bernoulli(jax.random.fold_in(dk, 1), 0.5,
                                         (TOTAL_PATHS, HID)), f32(2.0), f32(0.0))
    r = _readout(path_state[:TOTAL_PATHS], W1, b1[None, :], W2, b2[None, :],
                 W3, b3[None, :], mm1, mm2)
    return r.reshape(NUM_QUESTS, NUM_PATHS)

# --- scband reference (transcript-rebuilt; emitter-appended) ---
"""Pipeline reference for scband-comnet-layer-14783277433448 (READ-ONLY COPY).

The authoritative reference and input builder live on the scoring server;
editing this copy changes nothing except your own understanding.
"""

import jax, jax.numpy as jnp
import numpy as np

NUM_LINKS = 10000
NUM_PATHS = 500
NUM_QUESTS = 50
TOTAL_PATHS = NUM_PATHS * NUM_QUESTS
PATH_LEN = 8
E = TOTAL_PATHS * PATH_LEN
LINK_DIM = 16
PATH_DIM = 16
T = 4
HID = 256


def _glorot(key, shape):
    limit = np.sqrt(6.0 / (shape[0] + shape[1]))
    return jax.random.uniform(key, shape, minval=-limit, maxval=limit, dtype=jnp.float32)


def setup_inputs(seed: int = 0):
    key = jax.random.key(seed)
    ks = jax.random.split(key, 12)
    link_capacity = jax.random.uniform(ks[0], (NUM_LINKS,), dtype=jnp.float32)
    traffic = jax.random.uniform(ks[1], (TOTAL_PATHS,), dtype=jnp.float32)
    links = jax.random.randint(ks[2], (E,), 0, NUM_LINKS, dtype=jnp.int32)
    paths = jnp.repeat(jnp.arange(TOTAL_PATHS, dtype=jnp.int32), PATH_LEN)
    sequences = jnp.tile(jnp.arange(PATH_LEN, dtype=jnp.int32), TOTAL_PATHS)
    return {
        "link_capacity": link_capacity,
        "traffic": traffic,
        "links": links,
        "paths": paths,
        "sequences": sequences,
        "Wp": _glorot(ks[3], (LINK_DIM, 3 * PATH_DIM)),
        "Up": _glorot(ks[4], (PATH_DIM, 3 * PATH_DIM)),
        "bp": jnp.zeros((2, 3 * PATH_DIM), jnp.float32),
        "We": _glorot(ks[5], (PATH_DIM, 3 * LINK_DIM)),
        "Ue": _glorot(ks[6], (LINK_DIM, 3 * LINK_DIM)),
        "be": jnp.zeros((2, 3 * LINK_DIM), jnp.float32),
        "W1": _glorot(ks[7], (PATH_DIM, HID)),
        "b1": jnp.zeros((HID,), jnp.float32),
        "W2": _glorot(ks[8], (HID, HID)),
        "b2": jnp.zeros((HID,), jnp.float32),
        "W3": _glorot(ks[9], (HID, 1)),
        "b3": jnp.zeros((1,), jnp.float32),
    }


def _gru(x, h, W, U, b):
    # Keras GRUCell (reset_after=True): separate input and recurrent biases
    mx = x @ W + b[0]
    mh = h @ U + b[1]
    xz, xr, xh = jnp.split(mx, 3, axis=-1)
    hz, hr, hh = jnp.split(mh, 3, axis=-1)
    z = jax.nn.sigmoid(xz + hz)
    r = jax.nn.sigmoid(xr + hr)
    n = jnp.tanh(xh + r * hh)
    return z * h + (1.0 - z) * n


def reference(link_capacity, traffic, links, paths, sequences, Wp, Up, bp, We, Ue, be, W1, b1, W2, b2, W3, b3):
    link_state = jnp.concatenate(
        [link_capacity[:, None], jnp.zeros((NUM_LINKS, LINK_DIM - 1), jnp.float32)], axis=1)
    path_state = jnp.concatenate(
        [traffic[:TOTAL_PATHS][:, None], jnp.zeros((TOTAL_PATHS, PATH_DIM - 1), jnp.float32)], axis=1)
    lens = jax.ops.segment_sum(jnp.ones_like(paths), paths, num_segments=TOTAL_PATHS)
    max_len = PATH_LEN  # sequences values are in [0, PATH_LEN)
    for _ in range(T):
        # gather link states along every (path, step) record
        h_tild = link_state[links]
        # scatter_nd into dense [paths, max_len, link_dim] tensor (duplicates add)
        link_inputs = jnp.zeros((TOTAL_PATHS, max_len, LINK_DIM), jnp.float32).at[paths, sequences].add(h_tild)
        # dynamic_rnn over the link sequence of every path
        st = path_state
        outs = []
        for t in range(max_len):
            new = _gru(link_inputs[:, t, :], st, Wp, Up, bp)
            mask = (t < lens)[:, None]
            outs.append(jnp.where(mask, new, 0.0))  # outputs are zero past seq len
            st = jnp.where(mask, new, st)           # state frozen past seq len
        path_state = st
        outputs = jnp.stack(outs, axis=1)
        # gather_nd path messages back per record, aggregate per link
        m = outputs[paths, sequences]
        m = jax.ops.segment_sum(m, links, num_segments=NUM_LINKS)
        link_state = _gru(m, link_state, We, Ue, be)
    # readout MLP; original calls it with training=True so dropout is active
    dk = jax.random.key(42)
    h = jax.nn.selu(path_state @ W1 + b1)
    m1 = jax.random.bernoulli(jax.random.fold_in(dk, 0), 0.5, h.shape)
    h = jnp.where(m1, h * 2.0, 0.0)
    h = jax.nn.selu(h @ W2 + b2)
    m2 = jax.random.bernoulli(jax.random.fold_in(dk, 1), 0.5, h.shape)
    h = jnp.where(m2, h * 2.0, 0.0)
    r = jax.nn.relu(h @ W3 + b3)
    return r.reshape(NUM_QUESTS, NUM_PATHS)

if __name__ == "__main__":
    import jax
    _d = setup_inputs()
    print(jax.jit(kernel)(*tuple(_d.values())))

</pallas_src>

<mosaic_0001>
#map = affine_map<(d0, d1) -> (0, 0)>
#map1 = affine_map<(d0, d1) -> (0, 0, 0)>
module attributes {stable_mosaic.version = 14 : i64} {
  func.func @k(%arg0: i32, %arg1: i32, %arg2: memref<10016x16xf32, #tpu.memory_space<hbm>>, %arg3: memref<32x49x128xi32, #tpu.memory_space<hbm>>, %arg4: memref<200704x16xf32, #tpu.memory_space<hbm>>, %arg5: memref<49x128xi32, #tpu.memory_space<vmem>>, %arg6: memref<6272x16xf32, #tpu.memory_space<vmem>>, %arg7: memref<!tpu.dma_semaphore, #tpu.memory_space<semaphore_mem>>) attributes {dimension_semantics = [#tpu.dimension_semantics<core_parallel>, #tpu.dimension_semantics<subcore_parallel>], iteration_bounds = array<i64: 2, 16>, scalar_prefetch = 0 : i64, scratch_operands = 3 : i64, tpu.core_type = #tpu.core_type<sc_vector_subcore>, window_params = [{transform_indices = #map}, {transform_indices = #map1}, {transform_indices = #map}]} {
    %mul3A = arith.constant 2 : i32
    %mul3A_0 = arith.muli %arg1, %mul3A : i32
    %add3A = arith.addi %mul3A_0, %arg0 : i32
    "tpu.region"() ({
      %run_scoped3A = tpu.sem_alloc : memref<!tpu.dma_semaphore, #tpu.memory_space<semaphore_mem>>
      %dma_start3A = arith.constant 0 : i32
      %dma_start3A_8 = arith.constant 0 : i32
      %dma_start3A_9 = tpu.memref_slice %arg3[%add3A, %dma_start3A, %dma_start3A_8] : memref<32x49x128xi32, #tpu.memory_space<hbm>> -> memref<1x49x128xi32, #tpu.memory_space<hbm>>
      %dma_start3A_10 = tpu.memref_squeeze %dma_start3A_9 : memref<1x49x128xi32, #tpu.memory_space<hbm>> -> memref<49x128xi32, #tpu.memory_space<hbm>>
      %dma_start3A_11 = arith.constant 0 : i32
      %dma_start3A_12 = arith.constant 0 : i32
      %dma_start3A_13 = tpu.memref_slice %arg3[%add3A, %dma_start3A_11, %dma_start3A_12] : memref<32x49x128xi32, #tpu.memory_space<hbm>> -> memref<1x49x128xi32, #tpu.memory_space<hbm>>
      %dma_start3A_14 = tpu.memref_squeeze %dma_start3A_13 : memref<1x49x128xi32, #tpu.memory_space<hbm>> -> memref<49x128xi32, #tpu.memory_space<hbm>>
      tpu.enqueue_dma source(%dma_start3A_14 : memref<49x128xi32, #tpu.memory_space<hbm>>) target(%arg5 : memref<49x128xi32, #tpu.memory_space<vmem>>) target_semaphore(%run_scoped3A : memref<!tpu.dma_semaphore, #tpu.memory_space<semaphore_mem>>)
      %dma_wait3A = arith.constant 0 : i32
      %dma_wait3A_15 = arith.constant 0 : i32
      %dma_wait3A_16 = tpu.memref_slice %arg3[%add3A, %dma_wait3A, %dma_wait3A_15] : memref<32x49x128xi32, #tpu.memory_space<hbm>> -> memref<1x49x128xi32, #tpu.memory_space<hbm>>
      %dma_wait3A_17 = tpu.memref_squeeze %dma_wait3A_16 : memref<1x49x128xi32, #tpu.memory_space<hbm>> -> memref<49x128xi32, #tpu.memory_space<hbm>>
      %dma_wait3A_18 = arith.constant 0 : i32
      %dma_wait3A_19 = arith.constant 0 : i32
      %dma_wait3A_20 = tpu.memref_slice %arg3[%add3A, %dma_wait3A_18, %dma_wait3A_19] : memref<32x49x128xi32, #tpu.memory_space<hbm>> -> memref<1x49x128xi32, #tpu.memory_space<hbm>>
      %dma_wait3A_21 = tpu.memref_squeeze %dma_wait3A_20 : memref<1x49x128xi32, #tpu.memory_space<hbm>> -> memref<49x128xi32, #tpu.memory_space<hbm>>
      tpu.wait_dma2 semaphore(%run_scoped3A : memref<!tpu.dma_semaphore, #tpu.memory_space<semaphore_mem>>) src(%dma_wait3A_21 : memref<49x128xi32, #tpu.memory_space<hbm>>) dst(%arg5 : memref<49x128xi32, #tpu.memory_space<vmem>>)
      tpu.yield
    }) : () -> ()
    %scan3A = arith.constant 0 : i32
    %scan3A_1 = arith.constant 0 : i32
    %scan3A_2 = arith.constant 7 : i32
    %scan3A_3 = arith.addi %scan3A_1, %scan3A_2 : i32
    %scan3A_4 = arith.constant 1 : i32
    scf.for %scan3A_8 = %scan3A_1 to %scan3A_3 step %scan3A_4  : i32 {
      %mul3A_9 = arith.constant 7 : i32
      %mul3A_10 = arith.muli %scan3A_8, %mul3A_9 : i32
      %add3A_11 = arith.constant 0 : i32
      %add3A_12 = arith.addi %mul3A_10, %add3A_11 : i32
      %mul3A_13 = arith.constant 128 : i32
      %mul3A_14 = arith.muli %add3A_12, %mul3A_13 : i32
      %multiple_of3A = tpu.assume_multiple %mul3A_14, 128 : i32
      %dma_start3A = arith.constant 0 : i32
      %dma_start3A_15 = tpu.memref_slice %arg6[%multiple_of3A, %dma_start3A] : memref<6272x16xf32, #tpu.memory_space<vmem>> -> memref<128x16xf32, #tpu.memory_space<vmem>>
      %dma_start3A_16 = arith.constant 0 : i32
      %dma_start3A_17 = tpu.memref_slice %arg5[%add3A_12, %dma_start3A_16] : memref<49x128xi32, #tpu.memory_space<vmem>> -> memref<1x128xi32, #tpu.memory_space<vmem>>
      %dma_start3A_18 = tpu.memref_squeeze %dma_start3A_17 : memref<1x128xi32, #tpu.memory_space<vmem>> -> memref<128xi32, #tpu.memory_space<vmem>>
      %dma_start3A_19 = arith.constant 0 : i32
      %dma_start3A_20 = arith.constant 0 : i32
      %dma_start3A_21 = tpu.memref_slice %arg2[%dma_start3A_19, %dma_start3A_20] : memref<10016x16xf32, #tpu.memory_space<hbm>> -> memref<10016x16xf32, #tpu.memory_space<hbm>>
      tpu.enqueue_indirect_dma source(%dma_start3A_21 : memref<10016x16xf32, #tpu.memory_space<hbm>>) target(%dma_start3A_15 : memref<128x16xf32, #tpu.memory_space<vmem>>) offsets(%dma_start3A_18 : memref<128xi32, #tpu.memory_space<vmem>>) semaphore(%arg7 : memref<!tpu.dma_semaphore, #tpu.memory_space<semaphore_mem>>)
      %mul3A_22 = arith.constant 7 : i32
      %mul3A_23 = arith.muli %scan3A_8, %mul3A_22 : i32
      %add3A_24 = arith.constant 1 : i32
      %add3A_25 = arith.addi %mul3A_23, %add3A_24 : i32
      %mul3A_26 = arith.constant 128 : i32
      %mul3A_27 = arith.muli %add3A_25, %mul3A_26 : i32
      %multiple_of3A_28 = tpu.assume_multiple %mul3A_27, 128 : i32
      %dma_start3A_29 = arith.constant 0 : i32
      %dma_start3A_30 = tpu.memref_slice %arg6[%multiple_of3A_28, %dma_start3A_29] : memref<6272x16xf32, #tpu.memory_space<vmem>> -> memref<128x16xf32, #tpu.memory_space<vmem>>
      %dma_start3A_31 = arith.constant 0 : i32
      %dma_start3A_32 = tpu.memref_slice %arg5[%add3A_25, %dma_start3A_31] : memref<49x128xi32, #tpu.memory_space<vmem>> -> memref<1x128xi32, #tpu.memory_space<vmem>>
      %dma_start3A_33 = tpu.memref_squeeze %dma_start3A_32 : memref<1x128xi32, #tpu.memory_space<vmem>> -> memref<128xi32, #tpu.memory_space<vmem>>
      %dma_start3A_34 = arith.constant 0 : i32
      %dma_start3A_35 = arith.constant 0 : i32
      %dma_start3A_36 = tpu.memref_slice %arg2[%dma_start3A_34, %dma_start3A_35] : memref<10016x16xf32, #tpu.memory_space<hbm>> -> memref<10016x16xf32, #tpu.memory_space<hbm>>
      tpu.enqueue_indirect_dma source(%dma_start3A_36 : memref<10016x16xf32, #tpu.memory_space<hbm>>) target(%dma_start3A_30 : memref<128x16xf32, #tpu.memory_space<vmem>>) offsets(%dma_start3A_33 : memref<128xi32, #tpu.memory_space<vmem>>) semaphore(%arg7 : memref<!tpu.dma_semaphore, #tpu.memory_space<semaphore_mem>>)
      %mul3A_37 = arith.constant 7 : i32
      %mul3A_38 = arith.muli %scan3A_8, %mul3A_37 : i32
      %add3A_39 = arith.constant 2 : i32
      %add3A_40 = arith.addi %mul3A_38, %add3A_39 : i32
      %mul3A_41 = arith.constant 128 : i32
      %mul3A_42 = arith.muli %add3A_40, %mul3A_41 : i32
      %multiple_of3A_43 = tpu.assume_multiple %mul3A_42, 128 : i32
      %dma_start3A_44 = arith.constant 0 : i32
      %dma_start3A_45 = tpu.memref_slice %arg6[%multiple_of3A_43, %dma_start3A_44] : memref<6272x16xf32, #tpu.memory_space<vmem>> -> memref<128x16xf32, #tpu.memory_space<vmem>>
      %dma_start3A_46 = arith.constant 0 : i32
      %dma_start3A_47 = tpu.memref_slice %arg5[%add3A_40, %dma_start3A_46] : memref<49x128xi32, #tpu.memory_space<vmem>> -> memref<1x128xi32, #tpu.memory_space<vmem>>
      %dma_start3A_48 = tpu.memref_squeeze %dma_start3A_47 : memref<1x128xi32, #tpu.memory_space<vmem>> -> memref<128xi32, #tpu.memory_space<vmem>>
      %dma_start3A_49 = arith.constant 0 : i32
      %dma_start3A_50 = arith.constant 0 : i32
      %dma_start3A_51 = tpu.memref_slice %arg2[%dma_start3A_49, %dma_start3A_50] : memref<10016x16xf32, #tpu.memory_space<hbm>> -> memref<10016x16xf32, #tpu.memory_space<hbm>>
      tpu.enqueue_indirect_dma source(%dma_start3A_51 : memref<10016x16xf32, #tpu.memory_space<hbm>>) target(%dma_start3A_45 : memref<128x16xf32, #tpu.memory_space<vmem>>) offsets(%dma_start3A_48 : memref<128xi32, #tpu.memory_space<vmem>>) semaphore(%arg7 : memref<!tpu.dma_semaphore, #tpu.memory_space<semaphore_mem>>)
      %mul3A_52 = arith.constant 7 : i32
      %mul3A_53 = arith.muli %scan3A_8, %mul3A_52 : i32
      %add3A_54 = arith.constant 3 : i32
      %add3A_55 = arith.addi %mul3A_53, %add3A_54 : i32
      %mul3A_56 = arith.constant 128 : i32
      %mul3A_57 = arith.muli %add3A_55, %mul3A_56 : i32
      %multiple_of3A_58 = tpu.assume_multiple %mul3A_57, 128 : i32
      %dma_start3A_59 = arith.constant 0 : i32
      %dma_start3A_60 = tpu.memref_slice %arg6[%multiple_of3A_58, %dma_start3A_59] : memref<6272x16xf32, #tpu.memory_space<vmem>> -> memref<128x16xf32, #tpu.memory_space<vmem>>
      %dma_start3A_61 = arith.constant 0 : i32
      %dma_start3A_62 = tpu.memref_slice %arg5[%add3A_55, %dma_start3A_61] : memref<49x128xi32, #tpu.memory_space<vmem>> -> memref<1x128xi32, #tpu.memory_space<vmem>>
      %dma_start3A_63 = tpu.memref_squeeze %dma_start3A_62 : memref<1x128xi32, #tpu.memory_space<vmem>> -> memref<128xi32, #tpu.memory_space<vmem>>
      %dma_start3A_64 = arith.constant 0 : i32
      %dma_start3A_65 = arith.constant 0 : i32
      %dma_start3A_66 = tpu.memref_slice %arg2[%dma_start3A_64, %dma_start3A_65] : memref<10016x16xf32, #tpu.memory_space<hbm>> -> memref<10016x16xf32, #tpu.memory_space<hbm>>
      tpu.enqueue_indirect_dma source(%dma_start3A_66 : memref<10016x16xf32, #tpu.memory_space<hbm>>) target(%dma_start3A_60 : memref<128x16xf32, #tpu.memory_space<vmem>>) offsets(%dma_start3A_63 : memref<128xi32, #tpu.memory_space<vmem>>) semaphore(%arg7 : memref<!tpu.dma_semaphore, #tpu.memory_space<semaphore_mem>>)
      %mul3A_67 = arith.constant 7 : i32
      %mul3A_68 = arith.muli %scan3A_8, %mul3A_67 : i32
      %add3A_69 = arith.constant 4 : i32
      %add3A_70 = arith.addi %mul3A_68, %add3A_69 : i32
      %mul3A_71 = arith.constant 128 : i32
      %mul3A_72 = arith.muli %add3A_70, %mul3A_71 : i32
      %multiple_of3A_73 = tpu.assume_multiple %mul3A_72, 128 : i32
      %dma_start3A_74 = arith.constant 0 : i32
      %dma_start3A_75 = tpu.memref_slice %arg6[%multiple_of3A_73, %dma_start3A_74] : memref<6272x16xf32, #tpu.memory_space<vmem>> -> memref<128x16xf32, #tpu.memory_space<vmem>>
      %dma_start3A_76 = arith.constant 0 : i32
      %dma_start3A_77 = tpu.memref_slice %arg5[%add3A_70, %dma_start3A_76] : memref<49x128xi32, #tpu.memory_space<vmem>> -> memref<1x128xi32, #tpu.memory_space<vmem>>
      %dma_start3A_78 = tpu.memref_squeeze %dma_start3A_77 : memref<1x128xi32, #tpu.memory_space<vmem>> -> memref<128xi32, #tpu.memory_space<vmem>>
      %dma_start3A_79 = arith.constant 0 : i32
      %dma_start3A_80 = arith.constant 0 : i32
      %dma_start3A_81 = tpu.memref_slice %arg2[%dma_start3A_79, %dma_start3A_80] : memref<10016x16xf32, #tpu.memory_space<hbm>> -> memref<10016x16xf32, #tpu.memory_space<hbm>>
      tpu.enqueue_indirect_dma source(%dma_start3A_81 : memref<10016x16xf32, #tpu.memory_space<hbm>>) target(%dma_start3A_75 : memref<128x16xf32, #tpu.memory_space<vmem>>) offsets(%dma_start3A_78 : memref<128xi32, #tpu.memory_space<vmem>>) semaphore(%arg7 : memref<!tpu.dma_semaphore, #tpu.memory_space<semaphore_mem>>)
      %mul3A_82 = arith.constant 7 : i32
      %mul3A_83 = arith.muli %scan3A_8, %mul3A_82 : i32
      %add3A_84 = arith.constant 5 : i32
      %add3A_85 = arith.addi %mul3A_83, %add3A_84 : i32
      %mul3A_86 = arith.constant 128 : i32
      %mul3A_87 = arith.muli %add3A_85, %mul3A_86 : i32
      %multiple_of3A_88 = tpu.assume_multiple %mul3A_87, 128 : i32
      %dma_start3A_89 = arith.constant 0 : i32
      %dma_start3A_90 = tpu.memref_slice %arg6[%multiple_of3A_88, %dma_start3A_89] : memref<6272x16xf32, #tpu.memory_space<vmem>> -> memref<128x16xf32, #tpu.memory_space<vmem>>
      %dma_start3A_91 = arith.constant 0 : i32
      %dma_start3A_92 = tpu.memref_slice %arg5[%add3A_85, %dma_start3A_91] : memref<49x128xi32, #tpu.memory_space<vmem>> -> memref<1x128xi32, #tpu.memory_space<vmem>>
      %dma_start3A_93 = tpu.memref_squeeze %dma_start3A_92 : memref<1x128xi32, #tpu.memory_space<vmem>> -> memref<128xi32, #tpu.memory_space<vmem>>
      %dma_start3A_94 = arith.constant 0 : i32
      %dma_start3A_95 = arith.constant 0 : i32
      %dma_start3A_96 = tpu.memref_slice %arg2[%dma_start3A_94, %dma_start3A_95] : memref<10016x16xf32, #tpu.memory_space<hbm>> -> memref<10016x16xf32, #tpu.memory_space<hbm>>
      tpu.enqueue_indirect_dma source(%dma_start3A_96 : memref<10016x16xf32, #tpu.memory_space<hbm>>) target(%dma_start3A_90 : memref<128x16xf32, #tpu.memory_space<vmem>>) offsets(%dma_start3A_93 : memref<128xi32, #tpu.memory_space<vmem>>) semaphore(%arg7 : memref<!tpu.dma_semaphore, #tpu.memory_space<semaphore_mem>>)
      %mul3A_97 = arith.constant 7 : i32
      %mul3A_98 = arith.muli %scan3A_8, %mul3A_97 : i32
      %add3A_99 = arith.constant 6 : i32
      %add3A_100 = arith.addi %mul3A_98, %add3A_99 : i32
      %mul3A_101 = arith.constant 128 : i32
      %mul3A_102 = arith.muli %add3A_100, %mul3A_101 : i32
      %multiple_of3A_103 = tpu.assume_multiple %mul3A_102, 128 : i32
      %dma_start3A_104 = arith.constant 0 : i32
      %dma_start3A_105 = tpu.memref_slice %arg6[%multiple_of3A_103, %dma_start3A_104] : memref<6272x16xf32, #tpu.memory_space<vmem>> -> memref<128x16xf32, #tpu.memory_space<vmem>>
      %dma_start3A_106 = arith.constant 0 : i32
      %dma_start3A_107 = tpu.memref_slice %arg5[%add3A_100, %dma_start3A_106] : memref<49x128xi32, #tpu.memory_space<vmem>> -> memref<1x128xi32, #tpu.memory_space<vmem>>
      %dma_start3A_108 = tpu.memref_squeeze %dma_start3A_107 : memref<1x128xi32, #tpu.memory_space<vmem>> -> memref<128xi32, #tpu.memory_space<vmem>>
      %dma_start3A_109 = arith.constant 0 : i32
      %dma_start3A_110 = arith.constant 0 : i32
      %dma_start3A_111 = tpu.memref_slice %arg2[%dma_start3A_109, %dma_start3A_110] : memref<10016x16xf32, #tpu.memory_space<hbm>> -> memref<10016x16xf32, #tpu.memory_space<hbm>>
      tpu.enqueue_indirect_dma source(%dma_start3A_111 : memref<10016x16xf32, #tpu.memory_space<hbm>>) target(%dma_start3A_105 : memref<128x16xf32, #tpu.memory_space<vmem>>) offsets(%dma_start3A_108 : memref<128xi32, #tpu.memory_space<vmem>>) semaphore(%arg7 : memref<!tpu.dma_semaphore, #tpu.memory_space<semaphore_mem>>)
      %dma_wait3A = arith.constant 0 : i32
      %dma_wait3A_112 = tpu.memref_slice %arg6[%multiple_of3A, %dma_wait3A] : memref<6272x16xf32, #tpu.memory_space<vmem>> -> memref<128x16xf32, #tpu.memory_space<vmem>>
      %dma_wait3A_113 = arith.constant 0 : i32
      %dma_wait3A_114 = tpu.memref_slice %arg5[%add3A_12, %dma_wait3A_113] : memref<49x128xi32, #tpu.memory_space<vmem>> -> memref<1x128xi32, #tpu.memory_space<vmem>>
      %dma_wait3A_115 = tpu.memref_squeeze %dma_wait3A_114 : memref<1x128xi32, #tpu.memory_space<vmem>> -> memref<128xi32, #tpu.memory_space<vmem>>
      %dma_wait3A_116 = arith.constant 0 : i32
      %dma_wait3A_117 = arith.constant 0 : i32
      %dma_wait3A_118 = tpu.memref_slice %arg2[%dma_wait3A_116, %dma_wait3A_117] : memref<10016x16xf32, #tpu.memory_space<hbm>> -> memref<10016x16xf32, #tpu.memory_space<hbm>>
      tpu.wait_indirect_dma semaphore(%arg7 : memref<!tpu.dma_semaphore, #tpu.memory_space<semaphore_mem>>) src(%dma_wait3A_118 : memref<10016x16xf32, #tpu.memory_space<hbm>>) dst(%dma_wait3A_112 : memref<128x16xf32, #tpu.memory_space<vmem>>)
      %dma_wait3A_119 = arith.constant 0 : i32
      %dma_wait3A_120 = tpu.memref_slice %arg6[%multiple_of3A_28, %dma_wait3A_119] : memref<6272x16xf32, #tpu.memory_space<vmem>> -> memref<128x16xf32, #tpu.memory_space<vmem>>
      %dma_wait3A_121 = arith.constant 0 : i32
      %dma_wait3A_122 = tpu.memref_slice %arg5[%add3A_25, %dma_wait3A_121] : memref<49x128xi32, #tpu.memory_space<vmem>> -> memref<1x128xi32, #tpu.memory_space<vmem>>
      %dma_wait3A_123 = tpu.memref_squeeze %dma_wait3A_122 : memref<1x128xi32, #tpu.memory_space<vmem>> -> memref<128xi32, #tpu.memory_space<vmem>>
      %dma_wait3A_124 = arith.constant 0 : i32
      %dma_wait3A_125 = arith.constant 0 : i32
      %dma_wait3A_126 = tpu.memref_slice %arg2[%dma_wait3A_124, %dma_wait3A_125] : memref<10016x16xf32, #tpu.memory_space<hbm>> -> memref<10016x16xf32, #tpu.memory_space<hbm>>
      tpu.wait_indirect_dma semaphore(%arg7 : memref<!tpu.dma_semaphore, #tpu.memory_space<semaphore_mem>>) src(%dma_wait3A_126 : memref<10016x16xf32, #tpu.memory_space<hbm>>) dst(%dma_wait3A_120 : memref<128x16xf32, #tpu.memory_space<vmem>>)
      %dma_wait3A_127 = arith.constant 0 : i32
      %dma_wait3A_128 = tpu.memref_slice %arg6[%multiple_of3A_43, %dma_wait3A_127] : memref<6272x16xf32, #tpu.memory_space<vmem>> -> memref<128x16xf32, #tpu.memory_space<vmem>>
      %dma_wait3A_129 = arith.constant 0 : i32
      %dma_wait3A_130 = tpu.memref_slice %arg5[%add3A_40, %dma_wait3A_129] : memref<49x128xi32, #tpu.memory_space<vmem>> -> memref<1x128xi32, #tpu.memory_space<vmem>>
      %dma_wait3A_131 = tpu.memref_squeeze %dma_wait3A_130 : memref<1x128xi32, #tpu.memory_space<vmem>> -> memref<128xi32, #tpu.memory_space<vmem>>
      %dma_wait3A_132 = arith.constant 0 : i32
      %dma_wait3A_133 = arith.constant 0 : i32
      %dma_wait3A_134 = tpu.memref_slice %arg2[%dma_wait3A_132, %dma_wait3A_133] : memref<10016x16xf32, #tpu.memory_space<hbm>> -> memref<10016x16xf32, #tpu.memory_space<hbm>>
      tpu.wait_indirect_dma semaphore(%arg7 : memref<!tpu.dma_semaphore, #tpu.memory_space<semaphore_mem>>) src(%dma_wait3A_134 : memref<10016x16xf32, #tpu.memory_space<hbm>>) dst(%dma_wait3A_128 : memref<128x16xf32, #tpu.memory_space<vmem>>)
      %dma_wait3A_135 = arith.constant 0 : i32
      %dma_wait3A_136 = tpu.memref_slice %arg6[%multiple_of3A_58, %dma_wait3A_135] : memref<6272x16xf32, #tpu.memory_space<vmem>> -> memref<128x16xf32, #tpu.memory_space<vmem>>
      %dma_wait3A_137 = arith.constant 0 : i32
      %dma_wait3A_138 = tpu.memref_slice %arg5[%add3A_55, %dma_wait3A_137] : memref<49x128xi32, #tpu.memory_space<vmem>> -> memref<1x128xi32, #tpu.memory_space<vmem>>
      %dma_wait3A_139 = tpu.memref_squeeze %dma_wait3A_138 : memref<1x128xi32, #tpu.memory_space<vmem>> -> memref<128xi32, #tpu.memory_space<vmem>>
      %dma_wait3A_140 = arith.constant 0 : i32
      %dma_wait3A_141 = arith.constant 0 : i32
      %dma_wait3A_142 = tpu.memref_slice %arg2[%dma_wait3A_140, %dma_wait3A_141] : memref<10016x16xf32, #tpu.memory_space<hbm>> -> memref<10016x16xf32, #tpu.memory_space<hbm>>
      tpu.wait_indirect_dma semaphore(%arg7 : memref<!tpu.dma_semaphore, #tpu.memory_space<semaphore_mem>>) src(%dma_wait3A_142 : memref<10016x16xf32, #tpu.memory_space<hbm>>) dst(%dma_wait3A_136 : memref<128x16xf32, #tpu.memory_space<vmem>>)
      %dma_wait3A_143 = arith.constant 0 : i32
      %dma_wait3A_144 = tpu.memref_slice %arg6[%multiple_of3A_73, %dma_wait3A_143] : memref<6272x16xf32, #tpu.memory_space<vmem>> -> memref<128x16xf32, #tpu.memory_space<vmem>>
      %dma_wait3A_145 = arith.constant 0 : i32
      %dma_wait3A_146 = tpu.memref_slice %arg5[%add3A_70, %dma_wait3A_145] : memref<49x128xi32, #tpu.memory_space<vmem>> -> memref<1x128xi32, #tpu.memory_space<vmem>>
      %dma_wait3A_147 = tpu.memref_squeeze %dma_wait3A_146 : memref<1x128xi32, #tpu.memory_space<vmem>> -> memref<128xi32, #tpu.memory_space<vmem>>
      %dma_wait3A_148 = arith.constant 0 : i32
      %dma_wait3A_149 = arith.constant 0 : i32
      %dma_wait3A_150 = tpu.memref_slice %arg2[%dma_wait3A_148, %dma_wait3A_149] : memref<10016x16xf32, #tpu.memory_space<hbm>> -> memref<10016x16xf32, #tpu.memory_space<hbm>>
      tpu.wait_indirect_dma semaphore(%arg7 : memref<!tpu.dma_semaphore, #tpu.memory_space<semaphore_mem>>) src(%dma_wait3A_150 : memref<10016x16xf32, #tpu.memory_space<hbm>>) dst(%dma_wait3A_144 : memref<128x16xf32, #tpu.memory_space<vmem>>)
      %dma_wait3A_151 = arith.constant 0 : i32
      %dma_wait3A_152 = tpu.memref_slice %arg6[%multiple_of3A_88, %dma_wait3A_151] : memref<6272x16xf32, #tpu.memory_space<vmem>> -> memref<128x16xf32, #tpu.memory_space<vmem>>
      %dma_wait3A_153 = arith.constant 0 : i32
      %dma_wait3A_154 = tpu.memref_slice %arg5[%add3A_85, %dma_wait3A_153] : memref<49x128xi32, #tpu.memory_space<vmem>> -> memref<1x128xi32, #tpu.memory_space<vmem>>
      %dma_wait3A_155 = tpu.memref_squeeze %dma_wait3A_154 : memref<1x128xi32, #tpu.memory_space<vmem>> -> memref<128xi32, #tpu.memory_space<vmem>>
      %dma_wait3A_156 = arith.constant 0 : i32
      %dma_wait3A_157 = arith.constant 0 : i32
      %dma_wait3A_158 = tpu.memref_slice %arg2[%dma_wait3A_156, %dma_wait3A_157] : memref<10016x16xf32, #tpu.memory_space<hbm>> -> memref<10016x16xf32, #tpu.memory_space<hbm>>
      tpu.wait_indirect_dma semaphore(%arg7 : memref<!tpu.dma_semaphore, #tpu.memory_space<semaphore_mem>>) src(%dma_wait3A_158 : memref<10016x16xf32, #tpu.memory_space<hbm>>) dst(%dma_wait3A_152 : memref<128x16xf32, #tpu.memory_space<vmem>>)
      %dma_wait3A_159 = arith.constant 0 : i32
      %dma_wait3A_160 = tpu.memref_slice %arg6[%multiple_of3A_103, %dma_wait3A_159] : memref<6272x16xf32, #tpu.memory_space<vmem>> -> memref<128x16xf32, #tpu.memory_space<vmem>>
      %dma_wait3A_161 = arith.constant 0 : i32
      %dma_wait3A_162 = tpu.memref_slice %arg5[%add3A_100, %dma_wait3A_161] : memref<49x128xi32, #tpu.memory_space<vmem>> -> memref<1x128xi32, #tpu.memory_space<vmem>>
      %dma_wait3A_163 = tpu.memref_squeeze %dma_wait3A_162 : memref<1x128xi32, #tpu.memory_space<vmem>> -> memref<128xi32, #tpu.memory_space<vmem>>
      %dma_wait3A_164 = arith.constant 0 : i32
      %dma_wait3A_165 = arith.constant 0 : i32
      %dma_wait3A_166 = tpu.memref_slice %arg2[%dma_wait3A_164, %dma_wait3A_165] : memref<10016x16xf32, #tpu.memory_space<hbm>> -> memref<10016x16xf32, #tpu.memory_space<hbm>>
      tpu.wait_indirect_dma semaphore(%arg7 : memref<!tpu.dma_semaphore, #tpu.memory_space<semaphore_mem>>) src(%dma_wait3A_166 : memref<10016x16xf32, #tpu.memory_space<hbm>>) dst(%dma_wait3A_160 : memref<128x16xf32, #tpu.memory_space<vmem>>)
    }
    %scan3A_5 = arith.constant 7 : i32
    %mul3A_6 = arith.constant 6272 : i32
    %mul3A_7 = arith.muli %add3A, %mul3A_6 : i32
    "tpu.region"() ({
      %run_scoped3A = tpu.sem_alloc : memref<!tpu.dma_semaphore, #tpu.memory_space<semaphore_mem>>
      %dma_start3A = arith.constant 0 : i32
      %dma_start3A_8 = tpu.memref_slice %arg4[%mul3A_7, %dma_start3A] : memref<200704x16xf32, #tpu.memory_space<hbm>> -> memref<6272x16xf32, #tpu.memory_space<hbm>>
      %dma_start3A_9 = arith.constant 0 : i32
      %dma_start3A_10 = tpu.memref_slice %arg4[%mul3A_7, %dma_start3A_9] : memref<200704x16xf32, #tpu.memory_space<hbm>> -> memref<6272x16xf32, #tpu.memory_space<hbm>>
      tpu.enqueue_dma source(%arg6 : memref<6272x16xf32, #tpu.memory_space<vmem>>) target(%dma_start3A_10 : memref<6272x16xf32, #tpu.memory_space<hbm>>) target_semaphore(%run_scoped3A : memref<!tpu.dma_semaphore, #tpu.memory_space<semaphore_mem>>)
      %dma_wait3A = arith.constant 0 : i32
      %dma_wait3A_11 = tpu.memref_slice %arg4[%mul3A_7, %dma_wait3A] : memref<200704x16xf32, #tpu.memory_space<hbm>> -> memref<6272x16xf32, #tpu.memory_space<hbm>>
      %dma_wait3A_12 = arith.constant 0 : i32
      %dma_wait3A_13 = tpu.memref_slice %arg4[%mul3A_7, %dma_wait3A_12] : memref<200704x16xf32, #tpu.memory_space<hbm>> -> memref<6272x16xf32, #tpu.memory_space<hbm>>
      tpu.wait_dma2 semaphore(%run_scoped3A : memref<!tpu.dma_semaphore, #tpu.memory_space<semaphore_mem>>) src(%arg6 : memref<6272x16xf32, #tpu.memory_space<vmem>>) dst(%dma_wait3A_13 : memref<6272x16xf32, #tpu.memory_space<hbm>>)
      tpu.yield
    }) : () -> ()
    return
  }
}

#map = affine_map<(d0, d1) -> (0, 0)>
#map1 = affine_map<(d0, d1) -> (0, 0, 0)>
module attributes {stable_mosaic.version = 14 : i64} {
  func.func @k(%arg0: i32, %arg1: i32, %arg2: memref<10016x16xf32, #tpu.memory_space<hbm>>, %arg3: memref<32x49x128xi32, #tpu.memory_space<hbm>>, %arg4: memref<200704x16xf32, #tpu.memory_space<hbm>>, %arg5: memref<49x128xi32, #tpu.memory_space<vmem>>, %arg6: memref<6272x16xf32, #tpu.memory_space<vmem>>, %arg7: memref<!tpu.dma_semaphore, #tpu.memory_space<semaphore_mem>>) attributes {dimension_semantics = [#tpu.dimension_semantics<core_parallel>, #tpu.dimension_semantics<subcore_parallel>], iteration_bounds = array<i64: 2, 16>, scalar_prefetch = 0 : i64, scratch_operands = 3 : i64, tpu.core_type = #tpu.core_type<sc_vector_subcore>, window_params = [{transform_indices = #map}, {transform_indices = #map1}, {transform_indices = #map}]} {
    %mul3A = arith.constant 2 : i32
    %mul3A_0 = arith.muli %arg1, %mul3A : i32
    %add3A = arith.addi %mul3A_0, %arg0 : i32
    "tpu.region"() ({
      %run_scoped3A = tpu.sem_alloc : memref<!tpu.dma_semaphore, #tpu.memory_space<semaphore_mem>>
      %dma_start3A = arith.constant 0 : i32
      %dma_start3A_8 = arith.constant 0 : i32
      %dma_start3A_9 = tpu.memref_slice %arg3[%add3A, %dma_start3A, %dma_start3A_8] : memref<32x49x128xi32, #tpu.memory_space<hbm>> -> memref<1x49x128xi32, #tpu.memory_space<hbm>>
      %dma_start3A_10 = tpu.memref_squeeze %dma_start3A_9 : memref<1x49x128xi32, #tpu.memory_space<hbm>> -> memref<49x128xi32, #tpu.memory_space<hbm>>
      %dma_start3A_11 = arith.constant 0 : i32
      %dma_start3A_12 = arith.constant 0 : i32
      %dma_start3A_13 = tpu.memref_slice %arg3[%add3A, %dma_start3A_11, %dma_start3A_12] : memref<32x49x128xi32, #tpu.memory_space<hbm>> -> memref<1x49x128xi32, #tpu.memory_space<hbm>>
      %dma_start3A_14 = tpu.memref_squeeze %dma_start3A_13 : memref<1x49x128xi32, #tpu.memory_space<hbm>> -> memref<49x128xi32, #tpu.memory_space<hbm>>
      tpu.enqueue_dma source(%dma_start3A_14 : memref<49x128xi32, #tpu.memory_space<hbm>>) target(%arg5 : memref<49x128xi32, #tpu.memory_space<vmem>>) target_semaphore(%run_scoped3A : memref<!tpu.dma_semaphore, #tpu.memory_space<semaphore_mem>>)
      %dma_wait3A = arith.constant 0 : i32
      %dma_wait3A_15 = arith.constant 0 : i32
      %dma_wait3A_16 = tpu.memref_slice %arg3[%add3A, %dma_wait3A, %dma_wait3A_15] : memref<32x49x128xi32, #tpu.memory_space<hbm>> -> memref<1x49x128xi32, #tpu.memory_space<hbm>>
      %dma_wait3A_17 = tpu.memref_squeeze %dma_wait3A_16 : memref<1x49x128xi32, #tpu.memory_space<hbm>> -> memref<49x128xi32, #tpu.memory_space<hbm>>
      %dma_wait3A_18 = arith.constant 0 : i32
      %dma_wait3A_19 = arith.constant 0 : i32
      %dma_wait3A_20 = tpu.memref_slice %arg3[%add3A, %dma_wait3A_18, %dma_wait3A_19] : memref<32x49x128xi32, #tpu.memory_space<hbm>> -> memref<1x49x128xi32, #tpu.memory_space<hbm>>
      %dma_wait3A_21 = tpu.memref_squeeze %dma_wait3A_20 : memref<1x49x128xi32, #tpu.memory_space<hbm>> -> memref<49x128xi32, #tpu.memory_space<hbm>>
      tpu.wait_dma2 semaphore(%run_scoped3A : memref<!tpu.dma_semaphore, #tpu.memory_space<semaphore_mem>>) src(%dma_wait3A_21 : memref<49x128xi32, #tpu.memory_space<hbm>>) dst(%arg5 : memref<49x128xi32, #tpu.memory_space<vmem>>)
      tpu.yield
    }) : () -> ()
    %scan3A = arith.constant 0 : i32
    %scan3A_1 = arith.constant 0 : i32
    %scan3A_2 = arith.constant 7 : i32
    %scan3A_3 = arith.addi %scan3A_1, %scan3A_2 : i32
    %scan3A_4 = arith.constant 1 : i32
    scf.for %scan3A_8 = %scan3A_1 to %scan3A_3 step %scan3A_4  : i32 {
      %mul3A_9 = arith.constant 7 : i32
      %mul3A_10 = arith.muli %scan3A_8, %mul3A_9 : i32
      %add3A_11 = arith.constant 0 : i32
      %add3A_12 = arith.addi %mul3A_10, %add3A_11 : i32
      %mul3A_13 = arith.constant 128 : i32
      %mul3A_14 = arith.muli %add3A_12, %mul3A_13 : i32
      %multiple_of3A = tpu.assume_multiple %mul3A_14, 128 : i32
      %dma_start3A = arith.constant 0 : i32
      %dma_start3A_15 = tpu.memref_slice %arg6[%multiple_of3A, %dma_start3A] : memref<6272x16xf32, #tpu.memory_space<vmem>> -> memref<128x16xf32, #tpu.memory_space<vmem>>
      %dma_start3A_16 = arith.constant 0 : i32
      %dma_start3A_17 = tpu.memref_slice %arg5[%add3A_12, %dma_start3A_16] : memref<49x128xi32, #tpu.memory_space<vmem>> -> memref<1x128xi32, #tpu.memory_space<vmem>>
      %dma_start3A_18 = tpu.memref_squeeze %dma_start3A_17 : memref<1x128xi32, #tpu.memory_space<vmem>> -> memref<128xi32, #tpu.memory_space<vmem>>
      %dma_start3A_19 = arith.constant 0 : i32
      %dma_start3A_20 = arith.constant 0 : i32
      %dma_start3A_21 = tpu.memref_slice %arg2[%dma_start3A_19, %dma_start3A_20] : memref<10016x16xf32, #tpu.memory_space<hbm>> -> memref<10016x16xf32, #tpu.memory_space<hbm>>
      tpu.enqueue_indirect_dma source(%dma_start3A_21 : memref<10016x16xf32, #tpu.memory_space<hbm>>) target(%dma_start3A_15 : memref<128x16xf32, #tpu.memory_space<vmem>>) offsets(%dma_start3A_18 : memref<128xi32, #tpu.memory_space<vmem>>) semaphore(%arg7 : memref<!tpu.dma_semaphore, #tpu.memory_space<semaphore_mem>>)
      %mul3A_22 = arith.constant 7 : i32
      %mul3A_23 = arith.muli %scan3A_8, %mul3A_22 : i32
      %add3A_24 = arith.constant 1 : i32
      %add3A_25 = arith.addi %mul3A_23, %add3A_24 : i32
      %mul3A_26 = arith.constant 128 : i32
      %mul3A_27 = arith.muli %add3A_25, %mul3A_26 : i32
      %multiple_of3A_28 = tpu.assume_multiple %mul3A_27, 128 : i32
      %dma_start3A_29 = arith.constant 0 : i32
      %dma_start3A_30 = tpu.memref_slice %arg6[%multiple_of3A_28, %dma_start3A_29] : memref<6272x16xf32, #tpu.memory_space<vmem>> -> memref<128x16xf32, #tpu.memory_space<vmem>>
      %dma_start3A_31 = arith.constant 0 : i32
      %dma_start3A_32 = tpu.memref_slice %arg5[%add3A_25, %dma_start3A_31] : memref<49x128xi32, #tpu.memory_space<vmem>> -> memref<1x128xi32, #tpu.memory_space<vmem>>
      %dma_start3A_33 = tpu.memref_squeeze %dma_start3A_32 : memref<1x128xi32, #tpu.memory_space<vmem>> -> memref<128xi32, #tpu.memory_space<vmem>>
      %dma_start3A_34 = arith.constant 0 : i32
      %dma_start3A_35 = arith.constant 0 : i32
      %dma_start3A_36 = tpu.memref_slice %arg2[%dma_start3A_34, %dma_start3A_35] : memref<10016x16xf32, #tpu.memory_space<hbm>> -> memref<10016x16xf32, #tpu.memory_space<hbm>>
      tpu.enqueue_indirect_dma source(%dma_start3A_36 : memref<10016x16xf32, #tpu.memory_space<hbm>>) target(%dma_start3A_30 : memref<128x16xf32, #tpu.memory_space<vmem>>) offsets(%dma_start3A_33 : memref<128xi32, #tpu.memory_space<vmem>>) semaphore(%arg7 : memref<!tpu.dma_semaphore, #tpu.memory_space<semaphore_mem>>)
      %mul3A_37 = arith.constant 7 : i32
      %mul3A_38 = arith.muli %scan3A_8, %mul3A_37 : i32
      %add3A_39 = arith.constant 2 : i32
      %add3A_40 = arith.addi %mul3A_38, %add3A_39 : i32
      %mul3A_41 = arith.constant 128 : i32
      %mul3A_42 = arith.muli %add3A_40, %mul3A_41 : i32
      %multiple_of3A_43 = tpu.assume_multiple %mul3A_42, 128 : i32
      %dma_start3A_44 = arith.constant 0 : i32
      %dma_start3A_45 = tpu.memref_slice %arg6[%multiple_of3A_43, %dma_start3A_44] : memref<6272x16xf32, #tpu.memory_space<vmem>> -> memref<128x16xf32, #tpu.memory_space<vmem>>
      %dma_start3A_46 = arith.constant 0 : i32
      %dma_start3A_47 = tpu.memref_slice %arg5[%add3A_40, %dma_start3A_46] : memref<49x128xi32, #tpu.memory_space<vmem>> -> memref<1x128xi32, #tpu.memory_space<vmem>>
      %dma_start3A_48 = tpu.memref_squeeze %dma_start3A_47 : memref<1x128xi32, #tpu.memory_space<vmem>> -> memref<128xi32, #tpu.memory_space<vmem>>
      %dma_start3A_49 = arith.constant 0 : i32
      %dma_start3A_50 = arith.constant 0 : i32
      %dma_start3A_51 = tpu.memref_slice %arg2[%dma_start3A_49, %dma_start3A_50] : memref<10016x16xf32, #tpu.memory_space<hbm>> -> memref<10016x16xf32, #tpu.memory_space<hbm>>
      tpu.enqueue_indirect_dma source(%dma_start3A_51 : memref<10016x16xf32, #tpu.memory_space<hbm>>) target(%dma_start3A_45 : memref<128x16xf32, #tpu.memory_space<vmem>>) offsets(%dma_start3A_48 : memref<128xi32, #tpu.memory_space<vmem>>) semaphore(%arg7 : memref<!tpu.dma_semaphore, #tpu.memory_space<semaphore_mem>>)
      %mul3A_52 = arith.constant 7 : i32
      %mul3A_53 = arith.muli %scan3A_8, %mul3A_52 : i32
      %add3A_54 = arith.constant 3 : i32
      %add3A_55 = arith.addi %mul3A_53, %add3A_54 : i32
      %mul3A_56 = arith.constant 128 : i32
      %mul3A_57 = arith.muli %add3A_55, %mul3A_56 : i32
      %multiple_of3A_58 = tpu.assume_multiple %mul3A_57, 128 : i32
      %dma_start3A_59 = arith.constant 0 : i32
      %dma_start3A_60 = tpu.memref_slice %arg6[%multiple_of3A_58, %dma_start3A_59] : memref<6272x16xf32, #tpu.memory_space<vmem>> -> memref<128x16xf32, #tpu.memory_space<vmem>>
      %dma_start3A_61 = arith.constant 0 : i32
      %dma_start3A_62 = tpu.memref_slice %arg5[%add3A_55, %dma_start3A_61] : memref<49x128xi32, #tpu.memory_space<vmem>> -> memref<1x128xi32, #tpu.memory_space<vmem>>
      %dma_start3A_63 = tpu.memref_squeeze %dma_start3A_62 : memref<1x128xi32, #tpu.memory_space<vmem>> -> memref<128xi32, #tpu.memory_space<vmem>>
      %dma_start3A_64 = arith.constant 0 : i32
      %dma_start3A_65 = arith.constant 0 : i32
      %dma_start3A_66 = tpu.memref_slice %arg2[%dma_start3A_64, %dma_start3A_65] : memref<10016x16xf32, #tpu.memory_space<hbm>> -> memref<10016x16xf32, #tpu.memory_space<hbm>>
      tpu.enqueue_indirect_dma source(%dma_start3A_66 : memref<10016x16xf32, #tpu.memory_space<hbm>>) target(%dma_start3A_60 : memref<128x16xf32, #tpu.memory_space<vmem>>) offsets(%dma_start3A_63 : memref<128xi32, #tpu.memory_space<vmem>>) semaphore(%arg7 : memref<!tpu.dma_semaphore, #tpu.memory_space<semaphore_mem>>)
      %mul3A_67 = arith.constant 7 : i32
      %mul3A_68 = arith.muli %scan3A_8, %mul3A_67 : i32
      %add3A_69 = arith.constant 4 : i32
      %add3A_70 = arith.addi %mul3A_68, %add3A_69 : i32
      %mul3A_71 = arith.constant 128 : i32
      %mul3A_72 = arith.muli %add3A_70, %mul3A_71 : i32
      %multiple_of3A_73 = tpu.assume_multiple %mul3A_72, 128 : i32
      %dma_start3A_74 = arith.constant 0 : i32
      %dma_start3A_75 = tpu.memref_slice %arg6[%multiple_of3A_73, %dma_start3A_74] : memref<6272x16xf32, #tpu.memory_space<vmem>> -> memref<128x16xf32, #tpu.memory_space<vmem>>
      %dma_start3A_76 = arith.constant 0 : i32
      %dma_start3A_77 = tpu.memref_slice %arg5[%add3A_70, %dma_start3A_76] : memref<49x128xi32, #tpu.memory_space<vmem>> -> memref<1x128xi32, #tpu.memory_space<vmem>>
      %dma_start3A_78 = tpu.memref_squeeze %dma_start3A_77 : memref<1x128xi32, #tpu.memory_space<vmem>> -> memref<128xi32, #tpu.memory_space<vmem>>
      %dma_start3A_79 = arith.constant 0 : i32
      %dma_start3A_80 = arith.constant 0 : i32
      %dma_start3A_81 = tpu.memref_slice %arg2[%dma_start3A_79, %dma_start3A_80] : memref<10016x16xf32, #tpu.memory_space<hbm>> -> memref<10016x16xf32, #tpu.memory_space<hbm>>
      tpu.enqueue_indirect_dma source(%dma_start3A_81 : memref<10016x16xf32, #tpu.memory_space<hbm>>) target(%dma_start3A_75 : memref<128x16xf32, #tpu.memory_space<vmem>>) offsets(%dma_start3A_78 : memref<128xi32, #tpu.memory_space<vmem>>) semaphore(%arg7 : memref<!tpu.dma_semaphore, #tpu.memory_space<semaphore_mem>>)
      %mul3A_82 = arith.constant 7 : i32
      %mul3A_83 = arith.muli %scan3A_8, %mul3A_82 : i32
      %add3A_84 = arith.constant 5 : i32
      %add3A_85 = arith.addi %mul3A_83, %add3A_84 : i32
      %mul3A_86 = arith.constant 128 : i32
      %mul3A_87 = arith.muli %add3A_85, %mul3A_86 : i32
      %multiple_of3A_88 = tpu.assume_multiple %mul3A_87, 128 : i32
      %dma_start3A_89 = arith.constant 0 : i32
      %dma_start3A_90 = tpu.memref_slice %arg6[%multiple_of3A_88, %dma_start3A_89] : memref<6272x16xf32, #tpu.memory_space<vmem>> -> memref<128x16xf32, #tpu.memory_space<vmem>>
      %dma_start3A_91 = arith.constant 0 : i32
      %dma_start3A_92 = tpu.memref_slice %arg5[%add3A_85, %dma_start3A_91] : memref<49x128xi32, #tpu.memory_space<vmem>> -> memref<1x128xi32, #tpu.memory_space<vmem>>
      %dma_start3A_93 = tpu.memref_squeeze %dma_start3A_92 : memref<1x128xi32, #tpu.memory_space<vmem>> -> memref<128xi32, #tpu.memory_space<vmem>>
      %dma_start3A_94 = arith.constant 0 : i32
      %dma_start3A_95 = arith.constant 0 : i32
      %dma_start3A_96 = tpu.memref_slice %arg2[%dma_start3A_94, %dma_start3A_95] : memref<10016x16xf32, #tpu.memory_space<hbm>> -> memref<10016x16xf32, #tpu.memory_space<hbm>>
      tpu.enqueue_indirect_dma source(%dma_start3A_96 : memref<10016x16xf32, #tpu.memory_space<hbm>>) target(%dma_start3A_90 : memref<128x16xf32, #tpu.memory_space<vmem>>) offsets(%dma_start3A_93 : memref<128xi32, #tpu.memory_space<vmem>>) semaphore(%arg7 : memref<!tpu.dma_semaphore, #tpu.memory_space<semaphore_mem>>)
      %mul3A_97 = arith.constant 7 : i32
      %mul3A_98 = arith.muli %scan3A_8, %mul3A_97 : i32
      %add3A_99 = arith.constant 6 : i32
      %add3A_100 = arith.addi %mul3A_98, %add3A_99 : i32
      %mul3A_101 = arith.constant 128 : i32
      %mul3A_102 = arith.muli %add3A_100, %mul3A_101 : i32
      %multiple_of3A_103 = tpu.assume_multiple %mul3A_102, 128 : i32
      %dma_start3A_104 = arith.constant 0 : i32
      %dma_start3A_105 = tpu.memref_slice %arg6[%multiple_of3A_103, %dma_start3A_104] : memref<6272x16xf32, #tpu.memory_space<vmem>> -> memref<128x16xf32, #tpu.memory_space<vmem>>
      %dma_start3A_106 = arith.constant 0 : i32
      %dma_start3A_107 = tpu.memref_slice %arg5[%add3A_100, %dma_start3A_106] : memref<49x128xi32, #tpu.memory_space<vmem>> -> memref<1x128xi32, #tpu.memory_space<vmem>>
      %dma_start3A_108 = tpu.memref_squeeze %dma_start3A_107 : memref<1x128xi32, #tpu.memory_space<vmem>> -> memref<128xi32, #tpu.memory_space<vmem>>
      %dma_start3A_109 = arith.constant 0 : i32
      %dma_start3A_110 = arith.constant 0 : i32
      %dma_start3A_111 = tpu.memref_slice %arg2[%dma_start3A_109, %dma_start3A_110] : memref<10016x16xf32, #tpu.memory_space<hbm>> -> memref<10016x16xf32, #tpu.memory_space<hbm>>
      tpu.enqueue_indirect_dma source(%dma_start3A_111 : memref<10016x16xf32, #tpu.memory_space<hbm>>) target(%dma_start3A_105 : memref<128x16xf32, #tpu.memory_space<vmem>>) offsets(%dma_start3A_108 : memref<128xi32, #tpu.memory_space<vmem>>) semaphore(%arg7 : memref<!tpu.dma_semaphore, #tpu.memory_space<semaphore_mem>>)
      %dma_wait3A = arith.constant 0 : i32
      %dma_wait3A_112 = tpu.memref_slice %arg6[%multiple_of3A, %dma_wait3A] : memref<6272x16xf32, #tpu.memory_space<vmem>> -> memref<128x16xf32, #tpu.memory_space<vmem>>
      %dma_wait3A_113 = arith.constant 0 : i32
      %dma_wait3A_114 = tpu.memref_slice %arg5[%add3A_12, %dma_wait3A_113] : memref<49x128xi32, #tpu.memory_space<vmem>> -> memref<1x128xi32, #tpu.memory_space<vmem>>
      %dma_wait3A_115 = tpu.memref_squeeze %dma_wait3A_114 : memref<1x128xi32, #tpu.memory_space<vmem>> -> memref<128xi32, #tpu.memory_space<vmem>>
      %dma_wait3A_116 = arith.constant 0 : i32
      %dma_wait3A_117 = arith.constant 0 : i32
      %dma_wait3A_118 = tpu.memref_slice %arg2[%dma_wait3A_116, %dma_wait3A_117] : memref<10016x16xf32, #tpu.memory_space<hbm>> -> memref<10016x16xf32, #tpu.memory_space<hbm>>
      tpu.wait_indirect_dma semaphore(%arg7 : memref<!tpu.dma_semaphore, #tpu.memory_space<semaphore_mem>>) src(%dma_wait3A_118 : memref<10016x16xf32, #tpu.memory_space<hbm>>) dst(%dma_wait3A_112 : memref<128x16xf32, #tpu.memory_space<vmem>>)
      %dma_wait3A_119 = arith.constant 0 : i32
      %dma_wait3A_120 = tpu.memref_slice %arg6[%multiple_of3A_28, %dma_wait3A_119] : memref<6272x16xf32, #tpu.memory_space<vmem>> -> memref<128x16xf32, #tpu.memory_space<vmem>>
      %dma_wait3A_121 = arith.constant 0 : i32
      %dma_wait3A_122 = tpu.memref_slice %arg5[%add3A_25, %dma_wait3A_121] : memref<49x128xi32, #tpu.memory_space<vmem>> -> memref<1x128xi32, #tpu.memory_space<vmem>>
      %dma_wait3A_123 = tpu.memref_squeeze %dma_wait3A_122 : memref<1x128xi32, #tpu.memory_space<vmem>> -> memref<128xi32, #tpu.memory_space<vmem>>
      %dma_wait3A_124 = arith.constant 0 : i32
      %dma_wait3A_125 = arith.constant 0 : i32
      %dma_wait3A_126 = tpu.memref_slice %arg2[%dma_wait3A_124, %dma_wait3A_125] : memref<10016x16xf32, #tpu.memory_space<hbm>> -> memref<10016x16xf32, #tpu.memory_space<hbm>>
      tpu.wait_indirect_dma semaphore(%arg7 : memref<!tpu.dma_semaphore, #tpu.memory_space<semaphore_mem>>) src(%dma_wait3A_126 : memref<10016x16xf32, #tpu.memory_space<hbm>>) dst(%dma_wait3A_120 : memref<128x16xf32, #tpu.memory_space<vmem>>)
      %dma_wait3A_127 = arith.constant 0 : i32
      %dma_wait3A_128 = tpu.memref_slice %arg6[%multiple_of3A_43, %dma_wait3A_127] : memref<6272x16xf32, #tpu.memory_space<vmem>> -> memref<128x16xf32, #tpu.memory_space<vmem>>
      %dma_wait3A_129 = arith.constant 0 : i32
      %dma_wait3A_130 = tpu.memref_slice %arg5[%add3A_40, %dma_wait3A_129] : memref<49x128xi32, #tpu.memory_space<vmem>> -> memref<1x128xi32, #tpu.memory_space<vmem>>
      %dma_wait3A_131 = tpu.memref_squeeze %dma_wait3A_130 : memref<1x128xi32, #tpu.memory_space<vmem>> -> memref<128xi32, #tpu.memory_space<vmem>>
      %dma_wait3A_132 = arith.constant 0 : i32
      %dma_wait3A_133 = arith.constant 0 : i32
      %dma_wait3A_134 = tpu.memref_slice %arg2[%dma_wait3A_132, %dma_wait3A_133] : memref<10016x16xf32, #tpu.memory_space<hbm>> -> memref<10016x16xf32, #tpu.memory_space<hbm>>
      tpu.wait_indirect_dma semaphore(%arg7 : memref<!tpu.dma_semaphore, #tpu.memory_space<semaphore_mem>>) src(%dma_wait3A_134 : memref<10016x16xf32, #tpu.memory_space<hbm>>) dst(%dma_wait3A_128 : memref<128x16xf32, #tpu.memory_space<vmem>>)
      %dma_wait3A_135 = arith.constant 0 : i32
      %dma_wait3A_136 = tpu.memref_slice %arg6[%multiple_of3A_58, %dma_wait3A_135] : memref<6272x16xf32, #tpu.memory_space<vmem>> -> memref<128x16xf32, #tpu.memory_space<vmem>>
      %dma_wait3A_137 = arith.constant 0 : i32
      %dma_wait3A_138 = tpu.memref_slice %arg5[%add3A_55, %dma_wait3A_137] : memref<49x128xi32, #tpu.memory_space<vmem>> -> memref<1x128xi32, #tpu.memory_space<vmem>>
      %dma_wait3A_139 = tpu.memref_squeeze %dma_wait3A_138 : memref<1x128xi32, #tpu.memory_space<vmem>> -> memref<128xi32, #tpu.memory_space<vmem>>
      %dma_wait3A_140 = arith.constant 0 : i32
      %dma_wait3A_141 = arith.constant 0 : i32
      %dma_wait3A_142 = tpu.memref_slice %arg2[%dma_wait3A_140, %dma_wait3A_141] : memref<10016x16xf32, #tpu.memory_space<hbm>> -> memref<10016x16xf32, #tpu.memory_space<hbm>>
      tpu.wait_indirect_dma semaphore(%arg7 : memref<!tpu.dma_semaphore, #tpu.memory_space<semaphore_mem>>) src(%dma_wait3A_142 : memref<10016x16xf32, #tpu.memory_space<hbm>>) dst(%dma_wait3A_136 : memref<128x16xf32, #tpu.memory_space<vmem>>)
      %dma_wait3A_143 = arith.constant 0 : i32
      %dma_wait3A_144 = tpu.memref_slice %arg6[%multiple_of3A_73, %dma_wait3A_143] : memref<6272x16xf32, #tpu.memory_space<vmem>> -> memref<128x16xf32, #tpu.memory_space<vmem>>
      %dma_wait3A_145 = arith.constant 0 : i32
      %dma_wait3A_146 = tpu.memref_slice %arg5[%add3A_70, %dma_wait3A_145] : memref<49x128xi32, #tpu.memory_space<vmem>> -> memref<1x128xi32, #tpu.memory_space<vmem>>
      %dma_wait3A_147 = tpu.memref_squeeze %dma_wait3A_146 : memref<1x128xi32, #tpu.memory_space<vmem>> -> memref<128xi32, #tpu.memory_space<vmem>>
      %dma_wait3A_148 = arith.constant 0 : i32
      %dma_wait3A_149 = arith.constant 0 : i32
      %dma_wait3A_150 = tpu.memref_slice %arg2[%dma_wait3A_148, %dma_wait3A_149] : memref<10016x16xf32, #tpu.memory_space<hbm>> -> memref<10016x16xf32, #tpu.memory_space<hbm>>
      tpu.wait_indirect_dma semaphore(%arg7 : memref<!tpu.dma_semaphore, #tpu.memory_space<semaphore_mem>>) src(%dma_wait3A_150 : memref<10016x16xf32, #tpu.memory_space<hbm>>) dst(%dma_wait3A_144 : memref<128x16xf32, #tpu.memory_space<vmem>>)
      %dma_wait3A_151 = arith.constant 0 : i32
      %dma_wait3A_152 = tpu.memref_slice %arg6[%multiple_of3A_88, %dma_wait3A_151] : memref<6272x16xf32, #tpu.memory_space<vmem>> -> memref<128x16xf32, #tpu.memory_space<vmem>>
      %dma_wait3A_153 = arith.constant 0 : i32
      %dma_wait3A_154 = tpu.memref_slice %arg5[%add3A_85, %dma_wait3A_153] : memref<49x128xi32, #tpu.memory_space<vmem>> -> memref<1x128xi32, #tpu.memory_space<vmem>>
      %dma_wait3A_155 = tpu.memref_squeeze %dma_wait3A_154 : memref<1x128xi32, #tpu.memory_space<vmem>> -> memref<128xi32, #tpu.memory_space<vmem>>
      %dma_wait3A_156 = arith.constant 0 : i32
      %dma_wait3A_157 = arith.constant 0 : i32
      %dma_wait3A_158 = tpu.memref_slice %arg2[%dma_wait3A_156, %dma_wait3A_157] : memref<10016x16xf32, #tpu.memory_space<hbm>> -> memref<10016x16xf32, #tpu.memory_space<hbm>>
      tpu.wait_indirect_dma semaphore(%arg7 : memref<!tpu.dma_semaphore, #tpu.memory_space<semaphore_mem>>) src(%dma_wait3A_158 : memref<10016x16xf32, #tpu.memory_space<hbm>>) dst(%dma_wait3A_152 : memref<128x16xf32, #tpu.memory_space<vmem>>)
      %dma_wait3A_159 = arith.constant 0 : i32
      %dma_wait3A_160 = tpu.memref_slice %arg6[%multiple_of3A_103, %dma_wait3A_159] : memref<6272x16xf32, #tpu.memory_space<vmem>> -> memref<128x16xf32, #tpu.memory_space<vmem>>
      %dma_wait3A_161 = arith.constant 0 : i32
      %dma_wait3A_162 = tpu.memref_slice %arg5[%add3A_100, %dma_wait3A_161] : memref<49x128xi32, #tpu.memory_space<vmem>> -> memref<1x128xi32, #tpu.memory_space<vmem>>
      %dma_wait3A_163 = tpu.memref_squeeze %dma_wait3A_162 : memref<1x128xi32, #tpu.memory_space<vmem>> -> memref<128xi32, #tpu.memory_space<vmem>>
      %dma_wait3A_164 = arith.constant 0 : i32
      %dma_wait3A_165 = arith.constant 0 : i32
      %dma_wait3A_166 = tpu.memref_slice %arg2[%dma_wait3A_164, %dma_wait3A_165] : memref<10016x16xf32, #tpu.memory_space<hbm>> -> memref<10016x16xf32, #tpu.memory_space<hbm>>
      tpu.wait_indirect_dma semaphore(%arg7 : memref<!tpu.dma_semaphore, #tpu.memory_space<semaphore_mem>>) src(%dma_wait3A_166 : memref<10016x16xf32, #tpu.memory_space<hbm>>) dst(%dma_wait3A_160 : memref<128x16xf32, #tpu.memory_space<vmem>>)
    }
    %scan3A_5 = arith.constant 7 : i32
    %mul3A_6 = arith.constant 6272 : i32
    %mul3A_7 = arith.muli %add3A, %mul3A_6 : i32
    "tpu.region"() ({
      %run_scoped3A = tpu.sem_alloc : memref<!tpu.dma_semaphore, #tpu.memory_space<semaphore_mem>>
      %dma_start3A = arith.constant 0 : i32
      %dma_start3A_8 = tpu.memref_slice %arg4[%mul3A_7, %dma_start3A] : memref<200704x16xf32, #tpu.memory_space<hbm>> -> memref<6272x16xf32, #tpu.memory_space<hbm>>
      %dma_start3A_9 = arith.constant 0 : i32
      %dma_start3A_10 = tpu.memref_slice %arg4[%mul3A_7, %dma_start3A_9] : memref<200704x16xf32, #tpu.memory_space<hbm>> -> memref<6272x16xf32, #tpu.memory_space<hbm>>
      tpu.enqueue_dma source(%arg6 : memref<6272x16xf32, #tpu.memory_space<vmem>>) target(%dma_start3A_10 : memref<6272x16xf32, #tpu.memory_space<hbm>>) target_semaphore(%run_scoped3A : memref<!tpu.dma_semaphore, #tpu.memory_space<semaphore_mem>>)
      %dma_wait3A = arith.constant 0 : i32
      %dma_wait3A_11 = tpu.memref_slice %arg4[%mul3A_7, %dma_wait3A] : memref<200704x16xf32, #tpu.memory_space<hbm>> -> memref<6272x16xf32, #tpu.memory_space<hbm>>
      %dma_wait3A_12 = arith.constant 0 : i32
      %dma_wait3A_13 = tpu.memref_slice %arg4[%mul3A_7, %dma_wait3A_12] : memref<200704x16xf32, #tpu.memory_space<hbm>> -> memref<6272x16xf32, #tpu.memory_space<hbm>>
      tpu.wait_dma2 semaphore(%run_scoped3A : memref<!tpu.dma_semaphore, #tpu.memory_space<semaphore_mem>>) src(%arg6 : memref<6272x16xf32, #tpu.memory_space<vmem>>) dst(%dma_wait3A_13 : memref<6272x16xf32, #tpu.memory_space<hbm>>)
      tpu.yield
    }) : () -> ()
    return
  }
}

#map = affine_map<(d0, d1) -> (0, 0)>
#map1 = affine_map<(d0, d1) -> (0, 0, 0)>
module attributes {stable_mosaic.version = 14 : i64} {
  func.func @k(%arg0: i32, %arg1: i32, %arg2: memref<200704x16xf32, #tpu.memory_space<hbm>>, %arg3: memref<32x49x128xi32, #tpu.memory_space<hbm>>, %arg4: memref<10016x16xf32, #tpu.memory_space<hbm>>, %arg5: memref<2x10016x16xf32, #tpu.memory_space<hbm>>, %arg6: memref<49x128xi32, #tpu.memory_space<vmem>>, %arg7: memref<6272x16xf32, #tpu.memory_space<vmem>>, %arg8: memref<10016x16xf32, #tpu.memory_space<vmem_shared>>, %arg9: memref<!tpu.dma_semaphore, #tpu.memory_space<semaphore_mem>>) attributes {dimension_semantics = [#tpu.dimension_semantics<core_parallel>, #tpu.dimension_semantics<subcore_parallel>], iteration_bounds = array<i64: 2, 16>, scalar_prefetch = 0 : i64, scratch_operands = 4 : i64, tpu.core_type = #tpu.core_type<sc_vector_subcore>, window_params = [{transform_indices = #map}, {transform_indices = #map1}, {transform_indices = #map}, {transform_indices = #map1}]} {
    %mul3A = arith.constant 2 : i32
    %mul3A_0 = arith.muli %arg1, %mul3A : i32
    %add3A = arith.addi %mul3A_0, %arg0 : i32
    "tpu.region"() ({
      %run_scoped3A = tpu.sem_alloc : memref<!tpu.dma_semaphore, #tpu.memory_space<semaphore_mem>>
      %dma_start3A = arith.constant 0 : i32
      %dma_start3A_17 = arith.constant 0 : i32
      %dma_start3A_18 = tpu.memref_slice %arg3[%add3A, %dma_start3A, %dma_start3A_17] : memref<32x49x128xi32, #tpu.memory_space<hbm>> -> memref<1x49x128xi32, #tpu.memory_space<hbm>>
      %dma_start3A_19 = tpu.memref_squeeze %dma_start3A_18 : memref<1x49x128xi32, #tpu.memory_space<hbm>> -> memref<49x128xi32, #tpu.memory_space<hbm>>
      %dma_start3A_20 = arith.constant 0 : i32
      %dma_start3A_21 = arith.constant 0 : i32
      %dma_start3A_22 = tpu.memref_slice %arg3[%add3A, %dma_start3A_20, %dma_start3A_21] : memref<32x49x128xi32, #tpu.memory_space<hbm>> -> memref<1x49x128xi32, #tpu.memory_space<hbm>>
      %dma_start3A_23 = tpu.memref_squeeze %dma_start3A_22 : memref<1x49x128xi32, #tpu.memory_space<hbm>> -> memref<49x128xi32, #tpu.memory_space<hbm>>
      tpu.enqueue_dma source(%dma_start3A_23 : memref<49x128xi32, #tpu.memory_space<hbm>>) target(%arg6 : memref<49x128xi32, #tpu.memory_space<vmem>>) target_semaphore(%run_scoped3A : memref<!tpu.dma_semaphore, #tpu.memory_space<semaphore_mem>>)
      %dma_wait3A = arith.constant 0 : i32
      %dma_wait3A_24 = arith.constant 0 : i32
      %dma_wait3A_25 = tpu.memref_slice %arg3[%add3A, %dma_wait3A, %dma_wait3A_24] : memref<32x49x128xi32, #tpu.memory_space<hbm>> -> memref<1x49x128xi32, #tpu.memory_space<hbm>>
      %dma_wait3A_26 = tpu.memref_squeeze %dma_wait3A_25 : memref<1x49x128xi32, #tpu.memory_space<hbm>> -> memref<49x128xi32, #tpu.memory_space<hbm>>
      %dma_wait3A_27 = arith.constant 0 : i32
      %dma_wait3A_28 = arith.constant 0 : i32
      %dma_wait3A_29 = tpu.memref_slice %arg3[%add3A, %dma_wait3A_27, %dma_wait3A_28] : memref<32x49x128xi32, #tpu.memory_space<hbm>> -> memref<1x49x128xi32, #tpu.memory_space<hbm>>
      %dma_wait3A_30 = tpu.memref_squeeze %dma_wait3A_29 : memref<1x49x128xi32, #tpu.memory_space<hbm>> -> memref<49x128xi32, #tpu.memory_space<hbm>>
      tpu.wait_dma2 semaphore(%run_scoped3A : memref<!tpu.dma_semaphore, #tpu.memory_space<semaphore_mem>>) src(%dma_wait3A_30 : memref<49x128xi32, #tpu.memory_space<hbm>>) dst(%arg6 : memref<49x128xi32, #tpu.memory_space<vmem>>)
      tpu.yield
    }) : () -> ()
    %mul3A_1 = arith.constant 6272 : i32
    %mul3A_2 = arith.muli %add3A, %mul3A_1 : i32
    "tpu.region"() ({
      %run_scoped3A = tpu.sem_alloc : memref<!tpu.dma_semaphore, #tpu.memory_space<semaphore_mem>>
      %dma_start3A = arith.constant 0 : i32
      %dma_start3A_17 = tpu.memref_slice %arg2[%mul3A_2, %dma_start3A] : memref<200704x16xf32, #tpu.memory_space<hbm>> -> memref<6272x16xf32, #tpu.memory_space<hbm>>
      %dma_start3A_18 = arith.constant 0 : i32
      %dma_start3A_19 = tpu.memref_slice %arg2[%mul3A_2, %dma_start3A_18] : memref<200704x16xf32, #tpu.memory_space<hbm>> -> memref<6272x16xf32, #tpu.memory_space<hbm>>
      tpu.enqueue_dma source(%dma_start3A_19 : memref<6272x16xf32, #tpu.memory_space<hbm>>) target(%arg7 : memref<6272x16xf32, #tpu.memory_space<vmem>>) target_semaphore(%run_scoped3A : memref<!tpu.dma_semaphore, #tpu.memory_space<semaphore_mem>>)
      %dma_wait3A = arith.constant 0 : i32
      %dma_wait3A_20 = tpu.memref_slice %arg2[%mul3A_2, %dma_wait3A] : memref<200704x16xf32, #tpu.memory_space<hbm>> -> memref<6272x16xf32, #tpu.memory_space<hbm>>
      %dma_wait3A_21 = arith.constant 0 : i32
      %dma_wait3A_22 = tpu.memref_slice %arg2[%mul3A_2, %dma_wait3A_21] : memref<200704x16xf32, #tpu.memory_space<hbm>> -> memref<6272x16xf32, #tpu.memory_space<hbm>>
      tpu.wait_dma2 semaphore(%run_scoped3A : memref<!tpu.dma_semaphore, #tpu.memory_space<semaphore_mem>>) src(%dma_wait3A_22 : memref<6272x16xf32, #tpu.memory_space<hbm>>) dst(%arg7 : memref<6272x16xf32, #tpu.memory_space<vmem>>)
      tpu.yield
    }) : () -> ()
    %mul3A_3 = arith.constant 626 : i32
    %mul3A_4 = arith.muli %arg1, %mul3A_3 : i32
    %mul3A_5 = arith.constant 626 : i32
    %mul3A_6 = arith.muli %arg1, %mul3A_5 : i32
    "tpu.region"() ({
      %run_scoped3A = tpu.sem_alloc : memref<!tpu.dma_semaphore, #tpu.memory_space<semaphore_mem>>
      %dma_start3A = arith.constant 0 : i32
      %dma_start3A_17 = tpu.memref_slice %arg8[%mul3A_6, %dma_start3A] : memref<10016x16xf32, #tpu.memory_space<vmem_shared>> -> memref<626x16xf32, #tpu.memory_space<vmem_shared>>
      %dma_start3A_18 = arith.constant 0 : i32
      %dma_start3A_19 = tpu.memref_slice %arg4[%mul3A_4, %dma_start3A_18] : memref<10016x16xf32, #tpu.memory_space<hbm>> -> memref<626x16xf32, #tpu.memory_space<hbm>>
      tpu.enqueue_dma source(%dma_start3A_19 : memref<626x16xf32, #tpu.memory_space<hbm>>) target(%dma_start3A_17 : memref<626x16xf32, #tpu.memory_space<vmem_shared>>) target_semaphore(%run_scoped3A : memref<!tpu.dma_semaphore, #tpu.memory_space<semaphore_mem>>)
      %dma_wait3A = arith.constant 0 : i32
      %dma_wait3A_20 = tpu.memref_slice %arg8[%mul3A_6, %dma_wait3A] : memref<10016x16xf32, #tpu.memory_space<vmem_shared>> -> memref<626x16xf32, #tpu.memory_space<vmem_shared>>
      %dma_wait3A_21 = arith.constant 0 : i32
      %dma_wait3A_22 = tpu.memref_slice %arg4[%mul3A_4, %dma_wait3A_21] : memref<10016x16xf32, #tpu.memory_space<hbm>> -> memref<626x16xf32, #tpu.memory_space<hbm>>
      tpu.wait_dma2 semaphore(%run_scoped3A : memref<!tpu.dma_semaphore, #tpu.memory_space<semaphore_mem>>) src(%dma_wait3A_22 : memref<626x16xf32, #tpu.memory_space<hbm>>) dst(%dma_wait3A_20 : memref<626x16xf32, #tpu.memory_space<vmem_shared>>)
      tpu.yield
    }) : () -> ()
    %barrier3A = arith.constant 0 : index
    tpu.barrier barrier_id(%barrier3A)
    %scan3A = arith.constant 0 : i32
    %scan3A_7 = arith.constant 0 : i32
    %scan3A_8 = arith.constant 49 : i32
    %scan3A_9 = arith.addi %scan3A_7, %scan3A_8 : i32
    %scan3A_10 = arith.constant 1 : i32
    scf.for %scan3A_17 = %scan3A_7 to %scan3A_9 step %scan3A_10  : i32 {
      %mul3A_18 = arith.constant 128 : i32
      %mul3A_19 = arith.muli %scan3A_17, %mul3A_18 : i32
      %multiple_of3A = tpu.assume_multiple %mul3A_19, 128 : i32
      "tpu.region"() ({
        %run_scoped3A = tpu.sem_alloc : memref<!tpu.dma_semaphore, #tpu.memory_space<semaphore_mem>>
        %dma_start3A = arith.constant 0 : i32
        %dma_start3A_20 = tpu.memref_slice %arg7[%multiple_of3A, %dma_start3A] : memref<6272x16xf32, #tpu.memory_space<vmem>> -> memref<128x16xf32, #tpu.memory_space<vmem>>
        %dma_start3A_21 = arith.constant 0 : i32
        %dma_start3A_22 = tpu.memref_slice %arg6[%scan3A_17, %dma_start3A_21] : memref<49x128xi32, #tpu.memory_space<vmem>> -> memref<1x128xi32, #tpu.memory_space<vmem>>
        %dma_start3A_23 = tpu.memref_squeeze %dma_start3A_22 : memref<1x128xi32, #tpu.memory_space<vmem>> -> memref<128xi32, #tpu.memory_space<vmem>>
        %dma_start3A_24 = arith.constant 0 : i32
        %dma_start3A_25 = arith.constant 0 : i32
        %dma_start3A_26 = tpu.memref_slice %arg8[%dma_start3A_24, %dma_start3A_25] : memref<10016x16xf32, #tpu.memory_space<vmem_shared>> -> memref<10016x16xf32, #tpu.memory_space<vmem_shared>>
        tpu.enqueue_indirect_dma source(%dma_start3A_20 : memref<128x16xf32, #tpu.memory_space<vmem>>) target(%dma_start3A_26 : memref<10016x16xf32, #tpu.memory_space<vmem_shared>>) offsets(%dma_start3A_23 : memref<128xi32, #tpu.memory_space<vmem>>) semaphore(%run_scoped3A : memref<!tpu.dma_semaphore, #tpu.memory_space<semaphore_mem>>) {add = true}
        %dma_wait3A = arith.constant 0 : i32
        %dma_wait3A_27 = tpu.memref_slice %arg7[%multiple_of3A, %dma_wait3A] : memref<6272x16xf32, #tpu.memory_space<vmem>> -> memref<128x16xf32, #tpu.memory_space<vmem>>
        %dma_wait3A_28 = arith.constant 0 : i32
        %dma_wait3A_29 = tpu.memref_slice %arg6[%scan3A_17, %dma_wait3A_28] : memref<49x128xi32, #tpu.memory_space<vmem>> -> memref<1x128xi32, #tpu.memory_space<vmem>>
        %dma_wait3A_30 = tpu.memref_squeeze %dma_wait3A_29 : memref<1x128xi32, #tpu.memory_space<vmem>> -> memref<128xi32, #tpu.memory_space<vmem>>
        %dma_wait3A_31 = arith.constant 0 : i32
        %dma_wait3A_32 = arith.constant 0 : i32
        %dma_wait3A_33 = tpu.memref_slice %arg8[%dma_wait3A_31, %dma_wait3A_32] : memref<10016x16xf32, #tpu.memory_space<vmem_shared>> -> memref<10016x16xf32, #tpu.memory_space<vmem_shared>>
        tpu.wait_indirect_dma semaphore(%run_scoped3A : memref<!tpu.dma_semaphore, #tpu.memory_space<semaphore_mem>>) src(%dma_wait3A_27 : memref<128x16xf32, #tpu.memory_space<vmem>>) dst(%dma_wait3A_33 : memref<10016x16xf32, #tpu.memory_space<vmem_shared>>)
        tpu.yield
      }) : () -> ()
    }
    %scan3A_11 = arith.constant 49 : i32
    %barrier3A_12 = arith.constant 0 : index
    tpu.barrier barrier_id(%barrier3A_12)
    %mul3A_13 = arith.constant 626 : i32
    %mul3A_14 = arith.muli %arg1, %mul3A_13 : i32
    %mul3A_15 = arith.constant 626 : i32
    %mul3A_16 = arith.muli %arg1, %mul3A_15 : i32
    "tpu.region"() ({
      %run_scoped3A = tpu.sem_alloc : memref<!tpu.dma_semaphore, #tpu.memory_space<semaphore_mem>>
      %dma_start3A = arith.constant 0 : i32
      %dma_start3A_17 = tpu.memref_slice %arg5[%arg0, %mul3A_16, %dma_start3A] : memref<2x10016x16xf32, #tpu.memory_space<hbm>> -> memref<1x626x16xf32, #tpu.memory_space<hbm>>
      %dma_start3A_18 = tpu.memref_squeeze %dma_start3A_17 : memref<1x626x16xf32, #tpu.memory_space<hbm>> -> memref<626x16xf32, #tpu.memory_space<hbm>>
      %dma_start3A_19 = arith.constant 0 : i32
      %dma_start3A_20 = tpu.memref_slice %arg8[%mul3A_14, %dma_start3A_19] : memref<10016x16xf32, #tpu.memory_space<vmem_shared>> -> memref<626x16xf32, #tpu.memory_space<vmem_shared>>
      tpu.enqueue_dma source(%dma_start3A_20 : memref<626x16xf32, #tpu.memory_space<vmem_shared>>) target(%dma_start3A_18 : memref<626x16xf32, #tpu.memory_space<hbm>>) target_semaphore(%run_scoped3A : memref<!tpu.dma_semaphore, #tpu.memory_space<semaphore_mem>>)
      %dma_wait3A = arith.constant 0 : i32
      %dma_wait3A_21 = tpu.memref_slice %arg5[%arg0, %mul3A_16, %dma_wait3A] : memref<2x10016x16xf32, #tpu.memory_space<hbm>> -> memref<1x626x16xf32, #tpu.memory_space<hbm>>
      %dma_wait3A_22 = tpu.memref_squeeze %dma_wait3A_21 : memref<1x626x16xf32, #tpu.memory_space<hbm>> -> memref<626x16xf32, #tpu.memory_space<hbm>>
      %dma_wait3A_23 = arith.constant 0 : i32
      %dma_wait3A_24 = tpu.memref_slice %arg8[%mul3A_14, %dma_wait3A_23] : memref<10016x16xf32, #tpu.memory_space<vmem_shared>> -> memref<626x16xf32, #tpu.memory_space<vmem_shared>>
      tpu.wait_dma2 semaphore(%run_scoped3A : memref<!tpu.dma_semaphore, #tpu.memory_space<semaphore_mem>>) src(%dma_wait3A_24 : memref<626x16xf32, #tpu.memory_space<vmem_shared>>) dst(%dma_wait3A_22 : memref<626x16xf32, #tpu.memory_space<hbm>>)
      tpu.yield
    }) : () -> ()
    return
  }
}

#map = affine_map<(d0, d1) -> (0, 0)>
#map1 = affine_map<(d0, d1) -> (0, 0, 0)>
module attributes {stable_mosaic.version = 14 : i64} {
  func.func @k(%arg0: i32, %arg1: i32, %arg2: memref<200704x16xf32, #tpu.memory_space<hbm>>, %arg3: memref<32x49x128xi32, #tpu.memory_space<hbm>>, %arg4: memref<10016x16xf32, #tpu.memory_space<hbm>>, %arg5: memref<2x10016x16xf32, #tpu.memory_space<hbm>>, %arg6: memref<49x128xi32, #tpu.memory_space<vmem>>, %arg7: memref<6272x16xf32, #tpu.memory_space<vmem>>, %arg8: memref<10016x16xf32, #tpu.memory_space<vmem_shared>>, %arg9: memref<!tpu.dma_semaphore, #tpu.memory_space<semaphore_mem>>) attributes {dimension_semantics = [#tpu.dimension_semantics<core_parallel>, #tpu.dimension_semantics<subcore_parallel>], iteration_bounds = array<i64: 2, 16>, scalar_prefetch = 0 : i64, scratch_operands = 4 : i64, tpu.core_type = #tpu.core_type<sc_vector_subcore>, window_params = [{transform_indices = #map}, {transform_indices = #map1}, {transform_indices = #map}, {transform_indices = #map1}]} {
    %mul3A = arith.constant 2 : i32
    %mul3A_0 = arith.muli %arg1, %mul3A : i32
    %add3A = arith.addi %mul3A_0, %arg0 : i32
    "tpu.region"() ({
      %run_scoped3A = tpu.sem_alloc : memref<!tpu.dma_semaphore, #tpu.memory_space<semaphore_mem>>
      %dma_start3A = arith.constant 0 : i32
      %dma_start3A_17 = arith.constant 0 : i32
      %dma_start3A_18 = tpu.memref_slice %arg3[%add3A, %dma_start3A, %dma_start3A_17] : memref<32x49x128xi32, #tpu.memory_space<hbm>> -> memref<1x49x128xi32, #tpu.memory_space<hbm>>
      %dma_start3A_19 = tpu.memref_squeeze %dma_start3A_18 : memref<1x49x128xi32, #tpu.memory_space<hbm>> -> memref<49x128xi32, #tpu.memory_space<hbm>>
      %dma_start3A_20 = arith.constant 0 : i32
      %dma_start3A_21 = arith.constant 0 : i32
      %dma_start3A_22 = tpu.memref_slice %arg3[%add3A, %dma_start3A_20, %dma_start3A_21] : memref<32x49x128xi32, #tpu.memory_space<hbm>> -> memref<1x49x128xi32, #tpu.memory_space<hbm>>
      %dma_start3A_23 = tpu.memref_squeeze %dma_start3A_22 : memref<1x49x128xi32, #tpu.memory_space<hbm>> -> memref<49x128xi32, #tpu.memory_space<hbm>>
      tpu.enqueue_dma source(%dma_start3A_23 : memref<49x128xi32, #tpu.memory_space<hbm>>) target(%arg6 : memref<49x128xi32, #tpu.memory_space<vmem>>) target_semaphore(%run_scoped3A : memref<!tpu.dma_semaphore, #tpu.memory_space<semaphore_mem>>)
      %dma_wait3A = arith.constant 0 : i32
      %dma_wait3A_24 = arith.constant 0 : i32
      %dma_wait3A_25 = tpu.memref_slice %arg3[%add3A, %dma_wait3A, %dma_wait3A_24] : memref<32x49x128xi32, #tpu.memory_space<hbm>> -> memref<1x49x128xi32, #tpu.memory_space<hbm>>
      %dma_wait3A_26 = tpu.memref_squeeze %dma_wait3A_25 : memref<1x49x128xi32, #tpu.memory_space<hbm>> -> memref<49x128xi32, #tpu.memory_space<hbm>>
      %dma_wait3A_27 = arith.constant 0 : i32
      %dma_wait3A_28 = arith.constant 0 : i32
      %dma_wait3A_29 = tpu.memref_slice %arg3[%add3A, %dma_wait3A_27, %dma_wait3A_28] : memref<32x49x128xi32, #tpu.memory_space<hbm>> -> memref<1x49x128xi32, #tpu.memory_space<hbm>>
      %dma_wait3A_30 = tpu.memref_squeeze %dma_wait3A_29 : memref<1x49x128xi32, #tpu.memory_space<hbm>> -> memref<49x128xi32, #tpu.memory_space<hbm>>
      tpu.wait_dma2 semaphore(%run_scoped3A : memref<!tpu.dma_semaphore, #tpu.memory_space<semaphore_mem>>) src(%dma_wait3A_30 : memref<49x128xi32, #tpu.memory_space<hbm>>) dst(%arg6 : memref<49x128xi32, #tpu.memory_space<vmem>>)
      tpu.yield
    }) : () -> ()
    %mul3A_1 = arith.constant 6272 : i32
    %mul3A_2 = arith.muli %add3A, %mul3A_1 : i32
    "tpu.region"() ({
      %run_scoped3A = tpu.sem_alloc : memref<!tpu.dma_semaphore, #tpu.memory_space<semaphore_mem>>
      %dma_start3A = arith.constant 0 : i32
      %dma_start3A_17 = tpu.memref_slice %arg2[%mul3A_2, %dma_start3A] : memref<200704x16xf32, #tpu.memory_space<hbm>> -> memref<6272x16xf32, #tpu.memory_space<hbm>>
      %dma_start3A_18 = arith.constant 0 : i32
      %dma_start3A_19 = tpu.memref_slice %arg2[%mul3A_2, %dma_start3A_18] : memref<200704x16xf32, #tpu.memory_space<hbm>> -> memref<6272x16xf32, #tpu.memory_space<hbm>>
      tpu.enqueue_dma source(%dma_start3A_19 : memref<6272x16xf32, #tpu.memory_space<hbm>>) target(%arg7 : memref<6272x16xf32, #tpu.memory_space<vmem>>) target_semaphore(%run_scoped3A : memref<!tpu.dma_semaphore, #tpu.memory_space<semaphore_mem>>)
      %dma_wait3A = arith.constant 0 : i32
      %dma_wait3A_20 = tpu.memref_slice %arg2[%mul3A_2, %dma_wait3A] : memref<200704x16xf32, #tpu.memory_space<hbm>> -> memref<6272x16xf32, #tpu.memory_space<hbm>>
      %dma_wait3A_21 = arith.constant 0 : i32
      %dma_wait3A_22 = tpu.memref_slice %arg2[%mul3A_2, %dma_wait3A_21] : memref<200704x16xf32, #tpu.memory_space<hbm>> -> memref<6272x16xf32, #tpu.memory_space<hbm>>
      tpu.wait_dma2 semaphore(%run_scoped3A : memref<!tpu.dma_semaphore, #tpu.memory_space<semaphore_mem>>) src(%dma_wait3A_22 : memref<6272x16xf32, #tpu.memory_space<hbm>>) dst(%arg7 : memref<6272x16xf32, #tpu.memory_space<vmem>>)
      tpu.yield
    }) : () -> ()
    %mul3A_3 = arith.constant 626 : i32
    %mul3A_4 = arith.muli %arg1, %mul3A_3 : i32
    %mul3A_5 = arith.constant 626 : i32
    %mul3A_6 = arith.muli %arg1, %mul3A_5 : i32
    "tpu.region"() ({
      %run_scoped3A = tpu.sem_alloc : memref<!tpu.dma_semaphore, #tpu.memory_space<semaphore_mem>>
      %dma_start3A = arith.constant 0 : i32
      %dma_start3A_17 = tpu.memref_slice %arg8[%mul3A_6, %dma_start3A] : memref<10016x16xf32, #tpu.memory_space<vmem_shared>> -> memref<626x16xf32, #tpu.memory_space<vmem_shared>>
      %dma_start3A_18 = arith.constant 0 : i32
      %dma_start3A_19 = tpu.memref_slice %arg4[%mul3A_4, %dma_start3A_18] : memref<10016x16xf32, #tpu.memory_space<hbm>> -> memref<626x16xf32, #tpu.memory_space<hbm>>
      tpu.enqueue_dma source(%dma_start3A_19 : memref<626x16xf32, #tpu.memory_space<hbm>>) target(%dma_start3A_17 : memref<626x16xf32, #tpu.memory_space<vmem_shared>>) target_semaphore(%run_scoped3A : memref<!tpu.dma_semaphore, #tpu.memory_space<semaphore_mem>>)
      %dma_wait3A = arith.constant 0 : i32
      %dma_wait3A_20 = tpu.memref_slice %arg8[%mul3A_6, %dma_wait3A] : memref<10016x16xf32, #tpu.memory_space<vmem_shared>> -> memref<626x16xf32, #tpu.memory_space<vmem_shared>>
      %dma_wait3A_21 = arith.constant 0 : i32
      %dma_wait3A_22 = tpu.memref_slice %arg4[%mul3A_4, %dma_wait3A_21] : memref<10016x16xf32, #tpu.memory_space<hbm>> -> memref<626x16xf32, #tpu.memory_space<hbm>>
      tpu.wait_dma2 semaphore(%run_scoped3A : memref<!tpu.dma_semaphore, #tpu.memory_space<semaphore_mem>>) src(%dma_wait3A_22 : memref<626x16xf32, #tpu.memory_space<hbm>>) dst(%dma_wait3A_20 : memref<626x16xf32, #tpu.memory_space<vmem_shared>>)
      tpu.yield
    }) : () -> ()
    %barrier3A = arith.constant 0 : index
    tpu.barrier barrier_id(%barrier3A)
    %scan3A = arith.constant 0 : i32
    %scan3A_7 = arith.constant 0 : i32
    %scan3A_8 = arith.constant 49 : i32
    %scan3A_9 = arith.addi %scan3A_7, %scan3A_8 : i32
    %scan3A_10 = arith.constant 1 : i32
    scf.for %scan3A_17 = %scan3A_7 to %scan3A_9 step %scan3A_10  : i32 {
      %mul3A_18 = arith.constant 128 : i32
      %mul3A_19 = arith.muli %scan3A_17, %mul3A_18 : i32
      %multiple_of3A = tpu.assume_multiple %mul3A_19, 128 : i32
      "tpu.region"() ({
        %run_scoped3A = tpu.sem_alloc : memref<!tpu.dma_semaphore, #tpu.memory_space<semaphore_mem>>
        %dma_start3A = arith.constant 0 : i32
        %dma_start3A_20 = tpu.memref_slice %arg7[%multiple_of3A, %dma_start3A] : memref<6272x16xf32, #tpu.memory_space<vmem>> -> memref<128x16xf32, #tpu.memory_space<vmem>>
        %dma_start3A_21 = arith.constant 0 : i32
        %dma_start3A_22 = tpu.memref_slice %arg6[%scan3A_17, %dma_start3A_21] : memref<49x128xi32, #tpu.memory_space<vmem>> -> memref<1x128xi32, #tpu.memory_space<vmem>>
        %dma_start3A_23 = tpu.memref_squeeze %dma_start3A_22 : memref<1x128xi32, #tpu.memory_space<vmem>> -> memref<128xi32, #tpu.memory_space<vmem>>
        %dma_start3A_24 = arith.constant 0 : i32
        %dma_start3A_25 = arith.constant 0 : i32
        %dma_start3A_26 = tpu.memref_slice %arg8[%dma_start3A_24, %dma_start3A_25] : memref<10016x16xf32, #tpu.memory_space<vmem_shared>> -> memref<10016x16xf32, #tpu.memory_space<vmem_shared>>
        tpu.enqueue_indirect_dma source(%dma_start3A_20 : memref<128x16xf32, #tpu.memory_space<vmem>>) target(%dma_start3A_26 : memref<10016x16xf32, #tpu.memory_space<vmem_shared>>) offsets(%dma_start3A_23 : memref<128xi32, #tpu.memory_space<vmem>>) semaphore(%run_scoped3A : memref<!tpu.dma_semaphore, #tpu.memory_space<semaphore_mem>>) {add = true}
        %dma_wait3A = arith.constant 0 : i32
        %dma_wait3A_27 = tpu.memref_slice %arg7[%multiple_of3A, %dma_wait3A] : memref<6272x16xf32, #tpu.memory_space<vmem>> -> memref<128x16xf32, #tpu.memory_space<vmem>>
        %dma_wait3A_28 = arith.constant 0 : i32
        %dma_wait3A_29 = tpu.memref_slice %arg6[%scan3A_17, %dma_wait3A_28] : memref<49x128xi32, #tpu.memory_space<vmem>> -> memref<1x128xi32, #tpu.memory_space<vmem>>
        %dma_wait3A_30 = tpu.memref_squeeze %dma_wait3A_29 : memref<1x128xi32, #tpu.memory_space<vmem>> -> memref<128xi32, #tpu.memory_space<vmem>>
        %dma_wait3A_31 = arith.constant 0 : i32
        %dma_wait3A_32 = arith.constant 0 : i32
        %dma_wait3A_33 = tpu.memref_slice %arg8[%dma_wait3A_31, %dma_wait3A_32] : memref<10016x16xf32, #tpu.memory_space<vmem_shared>> -> memref<10016x16xf32, #tpu.memory_space<vmem_shared>>
        tpu.wait_indirect_dma semaphore(%run_scoped3A : memref<!tpu.dma_semaphore, #tpu.memory_space<semaphore_mem>>) src(%dma_wait3A_27 : memref<128x16xf32, #tpu.memory_space<vmem>>) dst(%dma_wait3A_33 : memref<10016x16xf32, #tpu.memory_space<vmem_shared>>)
        tpu.yield
      }) : () -> ()
    }
    %scan3A_11 = arith.constant 49 : i32
    %barrier3A_12 = arith.constant 0 : index
    tpu.barrier barrier_id(%barrier3A_12)
    %mul3A_13 = arith.constant 626 : i32
    %mul3A_14 = arith.muli %arg1, %mul3A_13 : i32
    %mul3A_15 = arith.constant 626 : i32
    %mul3A_16 = arith.muli %arg1, %mul3A_15 : i32
    "tpu.region"() ({
      %run_scoped3A = tpu.sem_alloc : memref<!tpu.dma_semaphore, #tpu.memory_space<semaphore_mem>>
      %dma_start3A = arith.constant 0 : i32
      %dma_start3A_17 = tpu.memref_slice %arg5[%arg0, %mul3A_16, %dma_start3A] : memref<2x10016x16xf32, #tpu.memory_space<hbm>> -> memref<1x626x16xf32, #tpu.memory_space<hbm>>
      %dma_start3A_18 = tpu.memref_squeeze %dma_start3A_17 : memref<1x626x16xf32, #tpu.memory_space<hbm>> -> memref<626x16xf32, #tpu.memory_space<hbm>>
      %dma_start3A_19 = arith.constant 0 : i32
      %dma_start3A_20 = tpu.memref_slice %arg8[%mul3A_14, %dma_start3A_19] : memref<10016x16xf32, #tpu.memory_space<vmem_shared>> -> memref<626x16xf32, #tpu.memory_space<vmem_shared>>
      tpu.enqueue_dma source(%dma_start3A_20 : memref<626x16xf32, #tpu.memory_space<vmem_shared>>) target(%dma_start3A_18 : memref<626x16xf32, #tpu.memory_space<hbm>>) target_semaphore(%run_scoped3A : memref<!tpu.dma_semaphore, #tpu.memory_space<semaphore_mem>>)
      %dma_wait3A = arith.constant 0 : i32
      %dma_wait3A_21 = tpu.memref_slice %arg5[%arg0, %mul3A_16, %dma_wait3A] : memref<2x10016x16xf32, #tpu.memory_space<hbm>> -> memref<1x626x16xf32, #tpu.memory_space<hbm>>
      %dma_wait3A_22 = tpu.memref_squeeze %dma_wait3A_21 : memref<1x626x16xf32, #tpu.memory_space<hbm>> -> memref<626x16xf32, #tpu.memory_space<hbm>>
      %dma_wait3A_23 = arith.constant 0 : i32
      %dma_wait3A_24 = tpu.memref_slice %arg8[%mul3A_14, %dma_wait3A_23] : memref<10016x16xf32, #tpu.memory_space<vmem_shared>> -> memref<626x16xf32, #tpu.memory_space<vmem_shared>>
      tpu.wait_dma2 semaphore(%run_scoped3A : memref<!tpu.dma_semaphore, #tpu.memory_space<semaphore_mem>>) src(%dma_wait3A_24 : memref<626x16xf32, #tpu.memory_space<vmem_shared>>) dst(%dma_wait3A_22 : memref<626x16xf32, #tpu.memory_space<hbm>>)
      tpu.yield
    }) : () -> ()
    return
  }
}

#map = affine_map<(d0, d1) -> (0, 0)>
#map1 = affine_map<(d0, d1) -> (0, 0, 0)>
module attributes {stable_mosaic.version = 14 : i64} {
  func.func @k(%arg0: i32, %arg1: i32, %arg2: memref<200704x16xf32, #tpu.memory_space<hbm>>, %arg3: memref<32x49x128xi32, #tpu.memory_space<hbm>>, %arg4: memref<10016x16xf32, #tpu.memory_space<hbm>>, %arg5: memref<2x10016x16xf32, #tpu.memory_space<hbm>>, %arg6: memref<49x128xi32, #tpu.memory_space<vmem>>, %arg7: memref<6272x16xf32, #tpu.memory_space<vmem>>, %arg8: memref<10016x16xf32, #tpu.memory_space<vmem_shared>>, %arg9: memref<!tpu.dma_semaphore, #tpu.memory_space<semaphore_mem>>) attributes {dimension_semantics = [#tpu.dimension_semantics<core_parallel>, #tpu.dimension_semantics<subcore_parallel>], iteration_bounds = array<i64: 2, 16>, scalar_prefetch = 0 : i64, scratch_operands = 4 : i64, tpu.core_type = #tpu.core_type<sc_vector_subcore>, window_params = [{transform_indices = #map}, {transform_indices = #map1}, {transform_indices = #map}, {transform_indices = #map1}]} {
    %mul3A = arith.constant 2 : i32
    %mul3A_0 = arith.muli %arg1, %mul3A : i32
    %add3A = arith.addi %mul3A_0, %arg0 : i32
    "tpu.region"() ({
      %run_scoped3A = tpu.sem_alloc : memref<!tpu.dma_semaphore, #tpu.memory_space<semaphore_mem>>
      %dma_start3A = arith.constant 0 : i32
      %dma_start3A_17 = arith.constant 0 : i32
      %dma_start3A_18 = tpu.memref_slice %arg3[%add3A, %dma_start3A, %dma_start3A_17] : memref<32x49x128xi32, #tpu.memory_space<hbm>> -> memref<1x49x128xi32, #tpu.memory_space<hbm>>
      %dma_start3A_19 = tpu.memref_squeeze %dma_start3A_18 : memref<1x49x128xi32, #tpu.memory_space<hbm>> -> memref<49x128xi32, #tpu.memory_space<hbm>>
      %dma_start3A_20 = arith.constant 0 : i32
      %dma_start3A_21 = arith.constant 0 : i32
      %dma_start3A_22 = tpu.memref_slice %arg3[%add3A, %dma_start3A_20, %dma_start3A_21] : memref<32x49x128xi32, #tpu.memory_space<hbm>> -> memref<1x49x128xi32, #tpu.memory_space<hbm>>
      %dma_start3A_23 = tpu.memref_squeeze %dma_start3A_22 : memref<1x49x128xi32, #tpu.memory_space<hbm>> -> memref<49x128xi32, #tpu.memory_space<hbm>>
      tpu.enqueue_dma source(%dma_start3A_23 : memref<49x128xi32, #tpu.memory_space<hbm>>) target(%arg6 : memref<49x128xi32, #tpu.memory_space<vmem>>) target_semaphore(%run_scoped3A : memref<!tpu.dma_semaphore, #tpu.memory_space<semaphore_mem>>)
      %dma_wait3A = arith.constant 0 : i32
      %dma_wait3A_24 = arith.constant 0 : i32
      %dma_wait3A_25 = tpu.memref_slice %arg3[%add3A, %dma_wait3A, %dma_wait3A_24] : memref<32x49x128xi32, #tpu.memory_space<hbm>> -> memref<1x49x128xi32, #tpu.memory_space<hbm>>
      %dma_wait3A_26 = tpu.memref_squeeze %dma_wait3A_25 : memref<1x49x128xi32, #tpu.memory_space<hbm>> -> memref<49x128xi32, #tpu.memory_space<hbm>>
      %dma_wait3A_27 = arith.constant 0 : i32
      %dma_wait3A_28 = arith.constant 0 : i32
      %dma_wait3A_29 = tpu.memref_slice %arg3[%add3A, %dma_wait3A_27, %dma_wait3A_28] : memref<32x49x128xi32, #tpu.memory_space<hbm>> -> memref<1x49x128xi32, #tpu.memory_space<hbm>>
      %dma_wait3A_30 = tpu.memref_squeeze %dma_wait3A_29 : memref<1x49x128xi32, #tpu.memory_space<hbm>> -> memref<49x128xi32, #tpu.memory_space<hbm>>
      tpu.wait_dma2 semaphore(%run_scoped3A : memref<!tpu.dma_semaphore, #tpu.memory_space<semaphore_mem>>) src(%dma_wait3A_30 : memref<49x128xi32, #tpu.memory_space<hbm>>) dst(%arg6 : memref<49x128xi32, #tpu.memory_space<vmem>>)
      tpu.yield
    }) : () -> ()
    %mul3A_1 = arith.constant 6272 : i32
    %mul3A_2 = arith.muli %add3A, %mul3A_1 : i32
    "tpu.region"() ({
      %run_scoped3A = tpu.sem_alloc : memref<!tpu.dma_semaphore, #tpu.memory_space<semaphore_mem>>
      %dma_start3A = arith.constant 0 : i32
      %dma_start3A_17 = tpu.memref_slice %arg2[%mul3A_2, %dma_start3A] : memref<200704x16xf32, #tpu.memory_space<hbm>> -> memref<6272x16xf32, #tpu.memory_space<hbm>>
      %dma_start3A_18 = arith.constant 0 : i32
      %dma_start3A_19 = tpu.memref_slice %arg2[%mul3A_2, %dma_start3A_18] : memref<200704x16xf32, #tpu.memory_space<hbm>> -> memref<6272x16xf32, #tpu.memory_space<hbm>>
      tpu.enqueue_dma source(%dma_start3A_19 : memref<6272x16xf32, #tpu.memory_space<hbm>>) target(%arg7 : memref<6272x16xf32, #tpu.memory_space<vmem>>) target_semaphore(%run_scoped3A : memref<!tpu.dma_semaphore, #tpu.memory_space<semaphore_mem>>)
      %dma_wait3A = arith.constant 0 : i32
      %dma_wait3A_20 = tpu.memref_slice %arg2[%mul3A_2, %dma_wait3A] : memref<200704x16xf32, #tpu.memory_space<hbm>> -> memref<6272x16xf32, #tpu.memory_space<hbm>>
      %dma_wait3A_21 = arith.constant 0 : i32
      %dma_wait3A_22 = tpu.memref_slice %arg2[%mul3A_2, %dma_wait3A_21] : memref<200704x16xf32, #tpu.memory_space<hbm>> -> memref<6272x16xf32, #tpu.memory_space<hbm>>
      tpu.wait_dma2 semaphore(%run_scoped3A : memref<!tpu.dma_semaphore, #tpu.memory_space<semaphore_mem>>) src(%dma_wait3A_22 : memref<6272x16xf32, #tpu.memory_space<hbm>>) dst(%arg7 : memref<6272x16xf32, #tpu.memory_space<vmem>>)
      tpu.yield
    }) : () -> ()
    %mul3A_3 = arith.constant 626 : i32
    %mul3A_4 = arith.muli %arg1, %mul3A_3 : i32
    %mul3A_5 = arith.constant 626 : i32
    %mul3A_6 = arith.muli %arg1, %mul3A_5 : i32
    "tpu.region"() ({
      %run_scoped3A = tpu.sem_alloc : memref<!tpu.dma_semaphore, #tpu.memory_space<semaphore_mem>>
      %dma_start3A = arith.constant 0 : i32
      %dma_start3A_17 = tpu.memref_slice %arg8[%mul3A_6, %dma_start3A] : memref<10016x16xf32, #tpu.memory_space<vmem_shared>> -> memref<626x16xf32, #tpu.memory_space<vmem_shared>>
      %dma_start3A_18 = arith.constant 0 : i32
      %dma_start3A_19 = tpu.memref_slice %arg4[%mul3A_4, %dma_start3A_18] : memref<10016x16xf32, #tpu.memory_space<hbm>> -> memref<626x16xf32, #tpu.memory_space<hbm>>
      tpu.enqueue_dma source(%dma_start3A_19 : memref<626x16xf32, #tpu.memory_space<hbm>>) target(%dma_start3A_17 : memref<626x16xf32, #tpu.memory_space<vmem_shared>>) target_semaphore(%run_scoped3A : memref<!tpu.dma_semaphore, #tpu.memory_space<semaphore_mem>>)
      %dma_wait3A = arith.constant 0 : i32
      %dma_wait3A_20 = tpu.memref_slice %arg8[%mul3A_6, %dma_wait3A] : memref<10016x16xf32, #tpu.memory_space<vmem_shared>> -> memref<626x16xf32, #tpu.memory_space<vmem_shared>>
      %dma_wait3A_21 = arith.constant 0 : i32
      %dma_wait3A_22 = tpu.memref_slice %arg4[%mul3A_4, %dma_wait3A_21] : memref<10016x16xf32, #tpu.memory_space<hbm>> -> memref<626x16xf32, #tpu.memory_space<hbm>>
      tpu.wait_dma2 semaphore(%run_scoped3A : memref<!tpu.dma_semaphore, #tpu.memory_space<semaphore_mem>>) src(%dma_wait3A_22 : memref<626x16xf32, #tpu.memory_space<hbm>>) dst(%dma_wait3A_20 : memref<626x16xf32, #tpu.memory_space<vmem_shared>>)
      tpu.yield
    }) : () -> ()
    %barrier3A = arith.constant 0 : index
    tpu.barrier barrier_id(%barrier3A)
    %scan3A = arith.constant 0 : i32
    %scan3A_7 = arith.constant 0 : i32
    %scan3A_8 = arith.constant 49 : i32
    %scan3A_9 = arith.addi %scan3A_7, %scan3A_8 : i32
    %scan3A_10 = arith.constant 1 : i32
    scf.for %scan3A_17 = %scan3A_7 to %scan3A_9 step %scan3A_10  : i32 {
      %mul3A_18 = arith.constant 128 : i32
      %mul3A_19 = arith.muli %scan3A_17, %mul3A_18 : i32
      %multiple_of3A = tpu.assume_multiple %mul3A_19, 128 : i32
      "tpu.region"() ({
        %run_scoped3A = tpu.sem_alloc : memref<!tpu.dma_semaphore, #tpu.memory_space<semaphore_mem>>
        %dma_start3A = arith.constant 0 : i32
        %dma_start3A_20 = tpu.memref_slice %arg7[%multiple_of3A, %dma_start3A] : memref<6272x16xf32, #tpu.memory_space<vmem>> -> memref<128x16xf32, #tpu.memory_space<vmem>>
        %dma_start3A_21 = arith.constant 0 : i32
        %dma_start3A_22 = tpu.memref_slice %arg6[%scan3A_17, %dma_start3A_21] : memref<49x128xi32, #tpu.memory_space<vmem>> -> memref<1x128xi32, #tpu.memory_space<vmem>>
        %dma_start3A_23 = tpu.memref_squeeze %dma_start3A_22 : memref<1x128xi32, #tpu.memory_space<vmem>> -> memref<128xi32, #tpu.memory_space<vmem>>
        %dma_start3A_24 = arith.constant 0 : i32
        %dma_start3A_25 = arith.constant 0 : i32
        %dma_start3A_26 = tpu.memref_slice %arg8[%dma_start3A_24, %dma_start3A_25] : memref<10016x16xf32, #tpu.memory_space<vmem_shared>> -> memref<10016x16xf32, #tpu.memory_space<vmem_shared>>
        tpu.enqueue_indirect_dma source(%dma_start3A_20 : memref<128x16xf32, #tpu.memory_space<vmem>>) target(%dma_start3A_26 : memref<10016x16xf32, #tpu.memory_space<vmem_shared>>) offsets(%dma_start3A_23 : memref<128xi32, #tpu.memory_space<vmem>>) semaphore(%run_scoped3A : memref<!tpu.dma_semaphore, #tpu.memory_space<semaphore_mem>>) {add = true}
        %dma_wait3A = arith.constant 0 : i32
        %dma_wait3A_27 = tpu.memref_slice %arg7[%multiple_of3A, %dma_wait3A] : memref<6272x16xf32, #tpu.memory_space<vmem>> -> memref<128x16xf32, #tpu.memory_space<vmem>>
        %dma_wait3A_28 = arith.constant 0 : i32
        %dma_wait3A_29 = tpu.memref_slice %arg6[%scan3A_17, %dma_wait3A_28] : memref<49x128xi32, #tpu.memory_space<vmem>> -> memref<1x128xi32, #tpu.memory_space<vmem>>
        %dma_wait3A_30 = tpu.memref_squeeze %dma_wait3A_29 : memref<1x128xi32, #tpu.memory_space<vmem>> -> memref<128xi32, #tpu.memory_space<vmem>>
        %dma_wait3A_31 = arith.constant 0 : i32
        %dma_wait3A_32 = arith.constant 0 : i32
        %dma_wait3A_33 = tpu.memref_slice %arg8[%dma_wait3A_31, %dma_wait3A_32] : memref<10016x16xf32, #tpu.memory_space<vmem_shared>> -> memref<10016x16xf32, #tpu.memory_space<vmem_shared>>
        tpu.wait_indirect_dma semaphore(%run_scoped3A : memref<!tpu.dma_semaphore, #tpu.memory_space<semaphore_mem>>) src(%dma_wait3A_27 : memref<128x16xf32, #tpu.memory_space<vmem>>) dst(%dma_wait3A_33 : memref<10016x16xf32, #tpu.memory_space<vmem_shared>>)
        tpu.yield
      }) : () -> ()
    }
    %scan3A_11 = arith.constant 49 : i32
    %barrier3A_12 = arith.constant 0 : index
    tpu.barrier barrier_id(%barrier3A_12)
    %mul3A_13 = arith.constant 626 : i32
    %mul3A_14 = arith.muli %arg1, %mul3A_13 : i32
    %mul3A_15 = arith.constant 626 : i32
    %mul3A_16 = arith.muli %arg1, %mul3A_15 : i32
    "tpu.region"() ({
      %run_scoped3A = tpu.sem_alloc : memref<!tpu.dma_semaphore, #tpu.memory_space<semaphore_mem>>
      %dma_start3A = arith.constant 0 : i32
      %dma_start3A_17 = tpu.memref_slice %arg5[%arg0, %mul3A_16, %dma_start3A] : memref<2x10016x16xf32, #tpu.memory_space<hbm>> -> memref<1x626x16xf32, #tpu.memory_space<hbm>>
      %dma_start3A_18 = tpu.memref_squeeze %dma_start3A_17 : memref<1x626x16xf32, #tpu.memory_space<hbm>> -> memref<626x16xf32, #tpu.memory_space<hbm>>
      %dma_start3A_19 = arith.constant 0 : i32
      %dma_start3A_20 = tpu.memref_slice %arg8[%mul3A_14, %dma_start3A_19] : memref<10016x16xf32, #tpu.memory_space<vmem_shared>> -> memref<626x16xf32, #tpu.memory_space<vmem_shared>>
      tpu.enqueue_dma source(%dma_start3A_20 : memref<626x16xf32, #tpu.memory_space<vmem_shared>>) target(%dma_start3A_18 : memref<626x16xf32, #tpu.memory_space<hbm>>) target_semaphore(%run_scoped3A : memref<!tpu.dma_semaphore, #tpu.memory_space<semaphore_mem>>)
      %dma_wait3A = arith.constant 0 : i32
      %dma_wait3A_21 = tpu.memref_slice %arg5[%arg0, %mul3A_16, %dma_wait3A] : memref<2x10016x16xf32, #tpu.memory_space<hbm>> -> memref<1x626x16xf32, #tpu.memory_space<hbm>>
      %dma_wait3A_22 = tpu.memref_squeeze %dma_wait3A_21 : memref<1x626x16xf32, #tpu.memory_space<hbm>> -> memref<626x16xf32, #tpu.memory_space<hbm>>
      %dma_wait3A_23 = arith.constant 0 : i32
      %dma_wait3A_24 = tpu.memref_slice %arg8[%mul3A_14, %dma_wait3A_23] : memref<10016x16xf32, #tpu.memory_space<vmem_shared>> -> memref<626x16xf32, #tpu.memory_space<vmem_shared>>
      tpu.wait_dma2 semaphore(%run_scoped3A : memref<!tpu.dma_semaphore, #tpu.memory_space<semaphore_mem>>) src(%dma_wait3A_24 : memref<626x16xf32, #tpu.memory_space<vmem_shared>>) dst(%dma_wait3A_22 : memref<626x16xf32, #tpu.memory_space<hbm>>)
      tpu.yield
    }) : () -> ()
    return
  }
}

#map = affine_map<(d0, d1) -> (0, 0)>
#map1 = affine_map<(d0, d1) -> (0, 0, 0)>
module attributes {stable_mosaic.version = 14 : i64} {
  func.func @k(%arg0: i32, %arg1: i32, %arg2: memref<10016x16xf32, #tpu.memory_space<hbm>>, %arg3: memref<32x49x128xi32, #tpu.memory_space<hbm>>, %arg4: memref<200704x16xf32, #tpu.memory_space<hbm>>, %arg5: memref<49x128xi32, #tpu.memory_space<vmem>>, %arg6: memref<6272x16xf32, #tpu.memory_space<vmem>>, %arg7: memref<!tpu.dma_semaphore, #tpu.memory_space<semaphore_mem>>) attributes {dimension_semantics = [#tpu.dimension_semantics<core_parallel>, #tpu.dimension_semantics<subcore_parallel>], iteration_bounds = array<i64: 2, 16>, scalar_prefetch = 0 : i64, scratch_operands = 3 : i64, tpu.core_type = #tpu.core_type<sc_vector_subcore>, window_params = [{transform_indices = #map}, {transform_indices = #map1}, {transform_indices = #map}]} {
    %mul3A = arith.constant 2 : i32
    %mul3A_0 = arith.muli %arg1, %mul3A : i32
    %add3A = arith.addi %mul3A_0, %arg0 : i32
    "tpu.region"() ({
      %run_scoped3A = tpu.sem_alloc : memref<!tpu.dma_semaphore, #tpu.memory_space<semaphore_mem>>
      %dma_start3A = arith.constant 0 : i32
      %dma_start3A_8 = arith.constant 0 : i32
      %dma_start3A_9 = tpu.memref_slice %arg3[%add3A, %dma_start3A, %dma_start3A_8] : memref<32x49x128xi32, #tpu.memory_space<hbm>> -> memref<1x49x128xi32, #tpu.memory_space<hbm>>
      %dma_start3A_10 = tpu.memref_squeeze %dma_start3A_9 : memref<1x49x128xi32, #tpu.memory_space<hbm>> -> memref<49x128xi32, #tpu.memory_space<hbm>>
      %dma_start3A_11 = arith.constant 0 : i32
      %dma_start3A_12 = arith.constant 0 : i32
      %dma_start3A_13 = tpu.memref_slice %arg3[%add3A, %dma_start3A_11, %dma_start3A_12] : memref<32x49x128xi32, #tpu.memory_space<hbm>> -> memref<1x49x128xi32, #tpu.memory_space<hbm>>
      %dma_start3A_14 = tpu.memref_squeeze %dma_start3A_13 : memref<1x49x128xi32, #tpu.memory_space<hbm>> -> memref<49x128xi32, #tpu.memory_space<hbm>>
      tpu.enqueue_dma source(%dma_start3A_14 : memref<49x128xi32, #tpu.memory_space<hbm>>) target(%arg5 : memref<49x128xi32, #tpu.memory_space<vmem>>) target_semaphore(%run_scoped3A : memref<!tpu.dma_semaphore, #tpu.memory_space<semaphore_mem>>)
      %dma_wait3A = arith.constant 0 : i32
      %dma_wait3A_15 = arith.constant 0 : i32
      %dma_wait3A_16 = tpu.memref_slice %arg3[%add3A, %dma_wait3A, %dma_wait3A_15] : memref<32x49x128xi32, #tpu.memory_space<hbm>> -> memref<1x49x128xi32, #tpu.memory_space<hbm>>
      %dma_wait3A_17 = tpu.memref_squeeze %dma_wait3A_16 : memref<1x49x128xi32, #tpu.memory_space<hbm>> -> memref<49x128xi32, #tpu.memory_space<hbm>>
      %dma_wait3A_18 = arith.constant 0 : i32
      %dma_wait3A_19 = arith.constant 0 : i32
      %dma_wait3A_20 = tpu.memref_slice %arg3[%add3A, %dma_wait3A_18, %dma_wait3A_19] : memref<32x49x128xi32, #tpu.memory_space<hbm>> -> memref<1x49x128xi32, #tpu.memory_space<hbm>>
      %dma_wait3A_21 = tpu.memref_squeeze %dma_wait3A_20 : memref<1x49x128xi32, #tpu.memory_space<hbm>> -> memref<49x128xi32, #tpu.memory_space<hbm>>
      tpu.wait_dma2 semaphore(%run_scoped3A : memref<!tpu.dma_semaphore, #tpu.memory_space<semaphore_mem>>) src(%dma_wait3A_21 : memref<49x128xi32, #tpu.memory_space<hbm>>) dst(%arg5 : memref<49x128xi32, #tpu.memory_space<vmem>>)
      tpu.yield
    }) : () -> ()
    %scan3A = arith.constant 0 : i32
    %scan3A_1 = arith.constant 0 : i32
    %scan3A_2 = arith.constant 7 : i32
    %scan3A_3 = arith.addi %scan3A_1, %scan3A_2 : i32
    %scan3A_4 = arith.constant 1 : i32
    scf.for %scan3A_8 = %scan3A_1 to %scan3A_3 step %scan3A_4  : i32 {
      %mul3A_9 = arith.constant 7 : i32
      %mul3A_10 = arith.muli %scan3A_8, %mul3A_9 : i32
      %add3A_11 = arith.constant 0 : i32
      %add3A_12 = arith.addi %mul3A_10, %add3A_11 : i32
      %mul3A_13 = arith.constant 128 : i32
      %mul3A_14 = arith.muli %add3A_12, %mul3A_13 : i32
      %multiple_of3A = tpu.assume_multiple %mul3A_14, 128 : i32
      %dma_start3A = arith.constant 0 : i32
      %dma_start3A_15 = tpu.memref_slice %arg6[%multiple_of3A, %dma_start3A] : memref<6272x16xf32, #tpu.memory_space<vmem>> -> memref<128x16xf32, #tpu.memory_space<vmem>>
      %dma_start3A_16 = arith.constant 0 : i32
      %dma_start3A_17 = tpu.memref_slice %arg5[%add3A_12, %dma_start3A_16] : memref<49x128xi32, #tpu.memory_space<vmem>> -> memref<1x128xi32, #tpu.memory_space<vmem>>
      %dma_start3A_18 = tpu.memref_squeeze %dma_start3A_17 : memref<1x128xi32, #tpu.memory_space<vmem>> -> memref<128xi32, #tpu.memory_space<vmem>>
      %dma_start3A_19 = arith.constant 0 : i32
      %dma_start3A_20 = arith.constant 0 : i32
      %dma_start3A_21 = tpu.memref_slice %arg2[%dma_start3A_19, %dma_start3A_20] : memref<10016x16xf32, #tpu.memory_space<hbm>> -> memref<10016x16xf32, #tpu.memory_space<hbm>>
      tpu.enqueue_indirect_dma source(%dma_start3A_21 : memref<10016x16xf32, #tpu.memory_space<hbm>>) target(%dma_start3A_15 : memref<128x16xf32, #tpu.memory_space<vmem>>) offsets(%dma_start3A_18 : memref<128xi32, #tpu.memory_space<vmem>>) semaphore(%arg7 : memref<!tpu.dma_semaphore, #tpu.memory_space<semaphore_mem>>)
      %mul3A_22 = arith.constant 7 : i32
      %mul3A_23 = arith.muli %scan3A_8, %mul3A_22 : i32
      %add3A_24 = arith.constant 1 : i32
      %add3A_25 = arith.addi %mul3A_23, %add3A_24 : i32
      %mul3A_26 = arith.constant 128 : i32
      %mul3A_27 = arith.muli %add3A_25, %mul3A_26 : i32
      %multiple_of3A_28 = tpu.assume_multiple %mul3A_27, 128 : i32
      %dma_start3A_29 = arith.constant 0 : i32
      %dma_start3A_30 = tpu.memref_slice %arg6[%multiple_of3A_28, %dma_start3A_29] : memref<6272x16xf32, #tpu.memory_space<vmem>> -> memref<128x16xf32, #tpu.memory_space<vmem>>
      %dma_start3A_31 = arith.constant 0 : i32
      %dma_start3A_32 = tpu.memref_slice %arg5[%add3A_25, %dma_start3A_31] : memref<49x128xi32, #tpu.memory_space<vmem>> -> memref<1x128xi32, #tpu.memory_space<vmem>>
      %dma_start3A_33 = tpu.memref_squeeze %dma_start3A_32 : memref<1x128xi32, #tpu.memory_space<vmem>> -> memref<128xi32, #tpu.memory_space<vmem>>
      %dma_start3A_34 = arith.constant 0 : i32
      %dma_start3A_35 = arith.constant 0 : i32
      %dma_start3A_36 = tpu.memref_slice %arg2[%dma_start3A_34, %dma_start3A_35] : memref<10016x16xf32, #tpu.memory_space<hbm>> -> memref<10016x16xf32, #tpu.memory_space<hbm>>
      tpu.enqueue_indirect_dma source(%dma_start3A_36 : memref<10016x16xf32, #tpu.memory_space<hbm>>) target(%dma_start3A_30 : memref<128x16xf32, #tpu.memory_space<vmem>>) offsets(%dma_start3A_33 : memref<128xi32, #tpu.memory_space<vmem>>) semaphore(%arg7 : memref<!tpu.dma_semaphore, #tpu.memory_space<semaphore_mem>>)
      %mul3A_37 = arith.constant 7 : i32
      %mul3A_38 = arith.muli %scan3A_8, %mul3A_37 : i32
      %add3A_39 = arith.constant 2 : i32
      %add3A_40 = arith.addi %mul3A_38, %add3A_39 : i32
      %mul3A_41 = arith.constant 128 : i32
      %mul3A_42 = arith.muli %add3A_40, %mul3A_41 : i32
      %multiple_of3A_43 = tpu.assume_multiple %mul3A_42, 128 : i32
      %dma_start3A_44 = arith.constant 0 : i32
      %dma_start3A_45 = tpu.memref_slice %arg6[%multiple_of3A_43, %dma_start3A_44] : memref<6272x16xf32, #tpu.memory_space<vmem>> -> memref<128x16xf32, #tpu.memory_space<vmem>>
      %dma_start3A_46 = arith.constant 0 : i32
      %dma_start3A_47 = tpu.memref_slice %arg5[%add3A_40, %dma_start3A_46] : memref<49x128xi32, #tpu.memory_space<vmem>> -> memref<1x128xi32, #tpu.memory_space<vmem>>
      %dma_start3A_48 = tpu.memref_squeeze %dma_start3A_47 : memref<1x128xi32, #tpu.memory_space<vmem>> -> memref<128xi32, #tpu.memory_space<vmem>>
      %dma_start3A_49 = arith.constant 0 : i32
      %dma_start3A_50 = arith.constant 0 : i32
      %dma_start3A_51 = tpu.memref_slice %arg2[%dma_start3A_49, %dma_start3A_50] : memref<10016x16xf32, #tpu.memory_space<hbm>> -> memref<10016x16xf32, #tpu.memory_space<hbm>>
      tpu.enqueue_indirect_dma source(%dma_start3A_51 : memref<10016x16xf32, #tpu.memory_space<hbm>>) target(%dma_start3A_45 : memref<128x16xf32, #tpu.memory_space<vmem>>) offsets(%dma_start3A_48 : memref<128xi32, #tpu.memory_space<vmem>>) semaphore(%arg7 : memref<!tpu.dma_semaphore, #tpu.memory_space<semaphore_mem>>)
      %mul3A_52 = arith.constant 7 : i32
      %mul3A_53 = arith.muli %scan3A_8, %mul3A_52 : i32
      %add3A_54 = arith.constant 3 : i32
      %add3A_55 = arith.addi %mul3A_53, %add3A_54 : i32
      %mul3A_56 = arith.constant 128 : i32
      %mul3A_57 = arith.muli %add3A_55, %mul3A_56 : i32
      %multiple_of3A_58 = tpu.assume_multiple %mul3A_57, 128 : i32
      %dma_start3A_59 = arith.constant 0 : i32
      %dma_start3A_60 = tpu.memref_slice %arg6[%multiple_of3A_58, %dma_start3A_59] : memref<6272x16xf32, #tpu.memory_space<vmem>> -> memref<128x16xf32, #tpu.memory_space<vmem>>
      %dma_start3A_61 = arith.constant 0 : i32
      %dma_start3A_62 = tpu.memref_slice %arg5[%add3A_55, %dma_start3A_61] : memref<49x128xi32, #tpu.memory_space<vmem>> -> memref<1x128xi32, #tpu.memory_space<vmem>>
      %dma_start3A_63 = tpu.memref_squeeze %dma_start3A_62 : memref<1x128xi32, #tpu.memory_space<vmem>> -> memref<128xi32, #tpu.memory_space<vmem>>
      %dma_start3A_64 = arith.constant 0 : i32
      %dma_start3A_65 = arith.constant 0 : i32
      %dma_start3A_66 = tpu.memref_slice %arg2[%dma_start3A_64, %dma_start3A_65] : memref<10016x16xf32, #tpu.memory_space<hbm>> -> memref<10016x16xf32, #tpu.memory_space<hbm>>
      tpu.enqueue_indirect_dma source(%dma_start3A_66 : memref<10016x16xf32, #tpu.memory_space<hbm>>) target(%dma_start3A_60 : memref<128x16xf32, #tpu.memory_space<vmem>>) offsets(%dma_start3A_63 : memref<128xi32, #tpu.memory_space<vmem>>) semaphore(%arg7 : memref<!tpu.dma_semaphore, #tpu.memory_space<semaphore_mem>>)
      %mul3A_67 = arith.constant 7 : i32
      %mul3A_68 = arith.muli %scan3A_8, %mul3A_67 : i32
      %add3A_69 = arith.constant 4 : i32
      %add3A_70 = arith.addi %mul3A_68, %add3A_69 : i32
      %mul3A_71 = arith.constant 128 : i32
      %mul3A_72 = arith.muli %add3A_70, %mul3A_71 : i32
      %multiple_of3A_73 = tpu.assume_multiple %mul3A_72, 128 : i32
      %dma_start3A_74 = arith.constant 0 : i32
      %dma_start3A_75 = tpu.memref_slice %arg6[%multiple_of3A_73, %dma_start3A_74] : memref<6272x16xf32, #tpu.memory_space<vmem>> -> memref<128x16xf32, #tpu.memory_space<vmem>>
      %dma_start3A_76 = arith.constant 0 : i32
      %dma_start3A_77 = tpu.memref_slice %arg5[%add3A_70, %dma_start3A_76] : memref<49x128xi32, #tpu.memory_space<vmem>> -> memref<1x128xi32, #tpu.memory_space<vmem>>
      %dma_start3A_78 = tpu.memref_squeeze %dma_start3A_77 : memref<1x128xi32, #tpu.memory_space<vmem>> -> memref<128xi32, #tpu.memory_space<vmem>>
      %dma_start3A_79 = arith.constant 0 : i32
      %dma_start3A_80 = arith.constant 0 : i32
      %dma_start3A_81 = tpu.memref_slice %arg2[%dma_start3A_79, %dma_start3A_80] : memref<10016x16xf32, #tpu.memory_space<hbm>> -> memref<10016x16xf32, #tpu.memory_space<hbm>>
      tpu.enqueue_indirect_dma source(%dma_start3A_81 : memref<10016x16xf32, #tpu.memory_space<hbm>>) target(%dma_start3A_75 : memref<128x16xf32, #tpu.memory_space<vmem>>) offsets(%dma_start3A_78 : memref<128xi32, #tpu.memory_space<vmem>>) semaphore(%arg7 : memref<!tpu.dma_semaphore, #tpu.memory_space<semaphore_mem>>)
      %mul3A_82 = arith.constant 7 : i32
      %mul3A_83 = arith.muli %scan3A_8, %mul3A_82 : i32
      %add3A_84 = arith.constant 5 : i32
      %add3A_85 = arith.addi %mul3A_83, %add3A_84 : i32
      %mul3A_86 = arith.constant 128 : i32
      %mul3A_87 = arith.muli %add3A_85, %mul3A_86 : i32
      %multiple_of3A_88 = tpu.assume_multiple %mul3A_87, 128 : i32
      %dma_start3A_89 = arith.constant 0 : i32
      %dma_start3A_90 = tpu.memref_slice %arg6[%multiple_of3A_88, %dma_start3A_89] : memref<6272x16xf32, #tpu.memory_space<vmem>> -> memref<128x16xf32, #tpu.memory_space<vmem>>
      %dma_start3A_91 = arith.constant 0 : i32
      %dma_start3A_92 = tpu.memref_slice %arg5[%add3A_85, %dma_start3A_91] : memref<49x128xi32, #tpu.memory_space<vmem>> -> memref<1x128xi32, #tpu.memory_space<vmem>>
      %dma_start3A_93 = tpu.memref_squeeze %dma_start3A_92 : memref<1x128xi32, #tpu.memory_space<vmem>> -> memref<128xi32, #tpu.memory_space<vmem>>
      %dma_start3A_94 = arith.constant 0 : i32
      %dma_start3A_95 = arith.constant 0 : i32
      %dma_start3A_96 = tpu.memref_slice %arg2[%dma_start3A_94, %dma_start3A_95] : memref<10016x16xf32, #tpu.memory_space<hbm>> -> memref<10016x16xf32, #tpu.memory_space<hbm>>
      tpu.enqueue_indirect_dma source(%dma_start3A_96 : memref<10016x16xf32, #tpu.memory_space<hbm>>) target(%dma_start3A_90 : memref<128x16xf32, #tpu.memory_space<vmem>>) offsets(%dma_start3A_93 : memref<128xi32, #tpu.memory_space<vmem>>) semaphore(%arg7 : memref<!tpu.dma_semaphore, #tpu.memory_space<semaphore_mem>>)
      %mul3A_97 = arith.constant 7 : i32
      %mul3A_98 = arith.muli %scan3A_8, %mul3A_97 : i32
      %add3A_99 = arith.constant 6 : i32
      %add3A_100 = arith.addi %mul3A_98, %add3A_99 : i32
      %mul3A_101 = arith.constant 128 : i32
      %mul3A_102 = arith.muli %add3A_100, %mul3A_101 : i32
      %multiple_of3A_103 = tpu.assume_multiple %mul3A_102, 128 : i32
      %dma_start3A_104 = arith.constant 0 : i32
      %dma_start3A_105 = tpu.memref_slice %arg6[%multiple_of3A_103, %dma_start3A_104] : memref<6272x16xf32, #tpu.memory_space<vmem>> -> memref<128x16xf32, #tpu.memory_space<vmem>>
      %dma_start3A_106 = arith.constant 0 : i32
      %dma_start3A_107 = tpu.memref_slice %arg5[%add3A_100, %dma_start3A_106] : memref<49x128xi32, #tpu.memory_space<vmem>> -> memref<1x128xi32, #tpu.memory_space<vmem>>
      %dma_start3A_108 = tpu.memref_squeeze %dma_start3A_107 : memref<1x128xi32, #tpu.memory_space<vmem>> -> memref<128xi32, #tpu.memory_space<vmem>>
      %dma_start3A_109 = arith.constant 0 : i32
      %dma_start3A_110 = arith.constant 0 : i32
      %dma_start3A_111 = tpu.memref_slice %arg2[%dma_start3A_109, %dma_start3A_110] : memref<10016x16xf32, #tpu.memory_space<hbm>> -> memref<10016x16xf32, #tpu.memory_space<hbm>>
      tpu.enqueue_indirect_dma source(%dma_start3A_111 : memref<10016x16xf32, #tpu.memory_space<hbm>>) target(%dma_start3A_105 : memref<128x16xf32, #tpu.memory_space<vmem>>) offsets(%dma_start3A_108 : memref<128xi32, #tpu.memory_space<vmem>>) semaphore(%arg7 : memref<!tpu.dma_semaphore, #tpu.memory_space<semaphore_mem>>)
      %dma_wait3A = arith.constant 0 : i32
      %dma_wait3A_112 = tpu.memref_slice %arg6[%multiple_of3A, %dma_wait3A] : memref<6272x16xf32, #tpu.memory_space<vmem>> -> memref<128x16xf32, #tpu.memory_space<vmem>>
      %dma_wait3A_113 = arith.constant 0 : i32
      %dma_wait3A_114 = tpu.memref_slice %arg5[%add3A_12, %dma_wait3A_113] : memref<49x128xi32, #tpu.memory_space<vmem>> -> memref<1x128xi32, #tpu.memory_space<vmem>>
      %dma_wait3A_115 = tpu.memref_squeeze %dma_wait3A_114 : memref<1x128xi32, #tpu.memory_space<vmem>> -> memref<128xi32, #tpu.memory_space<vmem>>
      %dma_wait3A_116 = arith.constant 0 : i32
      %dma_wait3A_117 = arith.constant 0 : i32
      %dma_wait3A_118 = tpu.memref_slice %arg2[%dma_wait3A_116, %dma_wait3A_117] : memref<10016x16xf32, #tpu.memory_space<hbm>> -> memref<10016x16xf32, #tpu.memory_space<hbm>>
      tpu.wait_indirect_dma semaphore(%arg7 : memref<!tpu.dma_semaphore, #tpu.memory_space<semaphore_mem>>) src(%dma_wait3A_118 : memref<10016x16xf32, #tpu.memory_space<hbm>>) dst(%dma_wait3A_112 : memref<128x16xf32, #tpu.memory_space<vmem>>)
      %dma_wait3A_119 = arith.constant 0 : i32
      %dma_wait3A_120 = tpu.memref_slice %arg6[%multiple_of3A_28, %dma_wait3A_119] : memref<6272x16xf32, #tpu.memory_space<vmem>> -> memref<128x16xf32, #tpu.memory_space<vmem>>
      %dma_wait3A_121 = arith.constant 0 : i32
      %dma_wait3A_122 = tpu.memref_slice %arg5[%add3A_25, %dma_wait3A_121] : memref<49x128xi32, #tpu.memory_space<vmem>> -> memref<1x128xi32, #tpu.memory_space<vmem>>
      %dma_wait3A_123 = tpu.memref_squeeze %dma_wait3A_122 : memref<1x128xi32, #tpu.memory_space<vmem>> -> memref<128xi32, #tpu.memory_space<vmem>>
      %dma_wait3A_124 = arith.constant 0 : i32
      %dma_wait3A_125 = arith.constant 0 : i32
      %dma_wait3A_126 = tpu.memref_slice %arg2[%dma_wait3A_124, %dma_wait3A_125] : memref<10016x16xf32, #tpu.memory_space<hbm>> -> memref<10016x16xf32, #tpu.memory_space<hbm>>
      tpu.wait_indirect_dma semaphore(%arg7 : memref<!tpu.dma_semaphore, #tpu.memory_space<semaphore_mem>>) src(%dma_wait3A_126 : memref<10016x16xf32, #tpu.memory_space<hbm>>) dst(%dma_wait3A_120 : memref<128x16xf32, #tpu.memory_space<vmem>>)
      %dma_wait3A_127 = arith.constant 0 : i32
      %dma_wait3A_128 = tpu.memref_slice %arg6[%multiple_of3A_43, %dma_wait3A_127] : memref<6272x16xf32, #tpu.memory_space<vmem>> -> memref<128x16xf32, #tpu.memory_space<vmem>>
      %dma_wait3A_129 = arith.constant 0 : i32
      %dma_wait3A_130 = tpu.memref_slice %arg5[%add3A_40, %dma_wait3A_129] : memref<49x128xi32, #tpu.memory_space<vmem>> -> memref<1x128xi32, #tpu.memory_space<vmem>>
      %dma_wait3A_131 = tpu.memref_squeeze %dma_wait3A_130 : memref<1x128xi32, #tpu.memory_space<vmem>> -> memref<128xi32, #tpu.memory_space<vmem>>
      %dma_wait3A_132 = arith.constant 0 : i32
      %dma_wait3A_133 = arith.constant 0 : i32
      %dma_wait3A_134 = tpu.memref_slice %arg2[%dma_wait3A_132, %dma_wait3A_133] : memref<10016x16xf32, #tpu.memory_space<hbm>> -> memref<10016x16xf32, #tpu.memory_space<hbm>>
      tpu.wait_indirect_dma semaphore(%arg7 : memref<!tpu.dma_semaphore, #tpu.memory_space<semaphore_mem>>) src(%dma_wait3A_134 : memref<10016x16xf32, #tpu.memory_space<hbm>>) dst(%dma_wait3A_128 : memref<128x16xf32, #tpu.memory_space<vmem>>)
      %dma_wait3A_135 = arith.constant 0 : i32
      %dma_wait3A_136 = tpu.memref_slice %arg6[%multiple_of3A_58, %dma_wait3A_135] : memref<6272x16xf32, #tpu.memory_space<vmem>> -> memref<128x16xf32, #tpu.memory_space<vmem>>
      %dma_wait3A_137 = arith.constant 0 : i32
      %dma_wait3A_138 = tpu.memref_slice %arg5[%add3A_55, %dma_wait3A_137] : memref<49x128xi32, #tpu.memory_space<vmem>> -> memref<1x128xi32, #tpu.memory_space<vmem>>
      %dma_wait3A_139 = tpu.memref_squeeze %dma_wait3A_138 : memref<1x128xi32, #tpu.memory_space<vmem>> -> memref<128xi32, #tpu.memory_space<vmem>>
      %dma_wait3A_140 = arith.constant 0 : i32
      %dma_wait3A_141 = arith.constant 0 : i32
      %dma_wait3A_142 = tpu.memref_slice %arg2[%dma_wait3A_140, %dma_wait3A_141] : memref<10016x16xf32, #tpu.memory_space<hbm>> -> memref<10016x16xf32, #tpu.memory_space<hbm>>
      tpu.wait_indirect_dma semaphore(%arg7 : memref<!tpu.dma_semaphore, #tpu.memory_space<semaphore_mem>>) src(%dma_wait3A_142 : memref<10016x16xf32, #tpu.memory_space<hbm>>) dst(%dma_wait3A_136 : memref<128x16xf32, #tpu.memory_space<vmem>>)
      %dma_wait3A_143 = arith.constant 0 : i32
      %dma_wait3A_144 = tpu.memref_slice %arg6[%multiple_of3A_73, %dma_wait3A_143] : memref<6272x16xf32, #tpu.memory_space<vmem>> -> memref<128x16xf32, #tpu.memory_space<vmem>>
      %dma_wait3A_145 = arith.constant 0 : i32
      %dma_wait3A_146 = tpu.memref_slice %arg5[%add3A_70, %dma_wait3A_145] : memref<49x128xi32, #tpu.memory_space<vmem>> -> memref<1x128xi32, #tpu.memory_space<vmem>>
      %dma_wait3A_147 = tpu.memref_squeeze %dma_wait3A_146 : memref<1x128xi32, #tpu.memory_space<vmem>> -> memref<128xi32, #tpu.memory_space<vmem>>
      %dma_wait3A_148 = arith.constant 0 : i32
      %dma_wait3A_149 = arith.constant 0 : i32
      %dma_wait3A_150 = tpu.memref_slice %arg2[%dma_wait3A_148, %dma_wait3A_149] : memref<10016x16xf32, #tpu.memory_space<hbm>> -> memref<10016x16xf32, #tpu.memory_space<hbm>>
      tpu.wait_indirect_dma semaphore(%arg7 : memref<!tpu.dma_semaphore, #tpu.memory_space<semaphore_mem>>) src(%dma_wait3A_150 : memref<10016x16xf32, #tpu.memory_space<hbm>>) dst(%dma_wait3A_144 : memref<128x16xf32, #tpu.memory_space<vmem>>)
      %dma_wait3A_151 = arith.constant 0 : i32
      %dma_wait3A_152 = tpu.memref_slice %arg6[%multiple_of3A_88, %dma_wait3A_151] : memref<6272x16xf32, #tpu.memory_space<vmem>> -> memref<128x16xf32, #tpu.memory_space<vmem>>
      %dma_wait3A_153 = arith.constant 0 : i32
      %dma_wait3A_154 = tpu.memref_slice %arg5[%add3A_85, %dma_wait3A_153] : memref<49x128xi32, #tpu.memory_space<vmem>> -> memref<1x128xi32, #tpu.memory_space<vmem>>
      %dma_wait3A_155 = tpu.memref_squeeze %dma_wait3A_154 : memref<1x128xi32, #tpu.memory_space<vmem>> -> memref<128xi32, #tpu.memory_space<vmem>>
      %dma_wait3A_156 = arith.constant 0 : i32
      %dma_wait3A_157 = arith.constant 0 : i32
      %dma_wait3A_158 = tpu.memref_slice %arg2[%dma_wait3A_156, %dma_wait3A_157] : memref<10016x16xf32, #tpu.memory_space<hbm>> -> memref<10016x16xf32, #tpu.memory_space<hbm>>
      tpu.wait_indirect_dma semaphore(%arg7 : memref<!tpu.dma_semaphore, #tpu.memory_space<semaphore_mem>>) src(%dma_wait3A_158 : memref<10016x16xf32, #tpu.memory_space<hbm>>) dst(%dma_wait3A_152 : memref<128x16xf32, #tpu.memory_space<vmem>>)
      %dma_wait3A_159 = arith.constant 0 : i32
      %dma_wait3A_160 = tpu.memref_slice %arg6[%multiple_of3A_103, %dma_wait3A_159] : memref<6272x16xf32, #tpu.memory_space<vmem>> -> memref<128x16xf32, #tpu.memory_space<vmem>>
      %dma_wait3A_161 = arith.constant 0 : i32
      %dma_wait3A_162 = tpu.memref_slice %arg5[%add3A_100, %dma_wait3A_161] : memref<49x128xi32, #tpu.memory_space<vmem>> -> memref<1x128xi32, #tpu.memory_space<vmem>>
      %dma_wait3A_163 = tpu.memref_squeeze %dma_wait3A_162 : memref<1x128xi32, #tpu.memory_space<vmem>> -> memref<128xi32, #tpu.memory_space<vmem>>
      %dma_wait3A_164 = arith.constant 0 : i32
      %dma_wait3A_165 = arith.constant 0 : i32
      %dma_wait3A_166 = tpu.memref_slice %arg2[%dma_wait3A_164, %dma_wait3A_165] : memref<10016x16xf32, #tpu.memory_space<hbm>> -> memref<10016x16xf32, #tpu.memory_space<hbm>>
      tpu.wait_indirect_dma semaphore(%arg7 : memref<!tpu.dma_semaphore, #tpu.memory_space<semaphore_mem>>) src(%dma_wait3A_166 : memref<10016x16xf32, #tpu.memory_space<hbm>>) dst(%dma_wait3A_160 : memref<128x16xf32, #tpu.memory_space<vmem>>)
    }
    %scan3A_5 = arith.constant 7 : i32
    %mul3A_6 = arith.constant 6272 : i32
    %mul3A_7 = arith.muli %add3A, %mul3A_6 : i32
    "tpu.region"() ({
      %run_scoped3A = tpu.sem_alloc : memref<!tpu.dma_semaphore, #tpu.memory_space<semaphore_mem>>
      %dma_start3A = arith.constant 0 : i32
      %dma_start3A_8 = tpu.memref_slice %arg4[%mul3A_7, %dma_start3A] : memref<200704x16xf32, #tpu.memory_space<hbm>> -> memref<6272x16xf32, #tpu.memory_space<hbm>>
      %dma_start3A_9 = arith.constant 0 : i32
      %dma_start3A_10 = tpu.memref_slice %arg4[%mul3A_7, %dma_start3A_9] : memref<200704x16xf32, #tpu.memory_space<hbm>> -> memref<6272x16xf32, #tpu.memory_space<hbm>>
      tpu.enqueue_dma source(%arg6 : memref<6272x16xf32, #tpu.memory_space<vmem>>) target(%dma_start3A_10 : memref<6272x16xf32, #tpu.memory_space<hbm>>) target_semaphore(%run_scoped3A : memref<!tpu.dma_semaphore, #tpu.memory_space<semaphore_mem>>)
      %dma_wait3A = arith.constant 0 : i32
      %dma_wait3A_11 = tpu.memref_slice %arg4[%mul3A_7, %dma_wait3A] : memref<200704x16xf32, #tpu.memory_space<hbm>> -> memref<6272x16xf32, #tpu.memory_space<hbm>>
      %dma_wait3A_12 = arith.constant 0 : i32
      %dma_wait3A_13 = tpu.memref_slice %arg4[%mul3A_7, %dma_wait3A_12] : memref<200704x16xf32, #tpu.memory_space<hbm>> -> memref<6272x16xf32, #tpu.memory_space<hbm>>
      tpu.wait_dma2 semaphore(%run_scoped3A : memref<!tpu.dma_semaphore, #tpu.memory_space<semaphore_mem>>) src(%arg6 : memref<6272x16xf32, #tpu.memory_space<vmem>>) dst(%dma_wait3A_13 : memref<6272x16xf32, #tpu.memory_space<hbm>>)
      tpu.yield
    }) : () -> ()
    return
  }
}

#map = affine_map<(d0, d1) -> (0, 0)>
#map1 = affine_map<(d0, d1) -> (0, 0, 0)>
module attributes {stable_mosaic.version = 14 : i64} {
  func.func @k(%arg0: i32, %arg1: i32, %arg2: memref<10016x16xf32, #tpu.memory_space<hbm>>, %arg3: memref<32x49x128xi32, #tpu.memory_space<hbm>>, %arg4: memref<200704x16xf32, #tpu.memory_space<hbm>>, %arg5: memref<49x128xi32, #tpu.memory_space<vmem>>, %arg6: memref<6272x16xf32, #tpu.memory_space<vmem>>, %arg7: memref<!tpu.dma_semaphore, #tpu.memory_space<semaphore_mem>>) attributes {dimension_semantics = [#tpu.dimension_semantics<core_parallel>, #tpu.dimension_semantics<subcore_parallel>], iteration_bounds = array<i64: 2, 16>, scalar_prefetch = 0 : i64, scratch_operands = 3 : i64, tpu.core_type = #tpu.core_type<sc_vector_subcore>, window_params = [{transform_indices = #map}, {transform_indices = #map1}, {transform_indices = #map}]} {
    %mul3A = arith.constant 2 : i32
    %mul3A_0 = arith.muli %arg1, %mul3A : i32
    %add3A = arith.addi %mul3A_0, %arg0 : i32
    "tpu.region"() ({
      %run_scoped3A = tpu.sem_alloc : memref<!tpu.dma_semaphore, #tpu.memory_space<semaphore_mem>>
      %dma_start3A = arith.constant 0 : i32
      %dma_start3A_8 = arith.constant 0 : i32
      %dma_start3A_9 = tpu.memref_slice %arg3[%add3A, %dma_start3A, %dma_start3A_8] : memref<32x49x128xi32, #tpu.memory_space<hbm>> -> memref<1x49x128xi32, #tpu.memory_space<hbm>>
      %dma_start3A_10 = tpu.memref_squeeze %dma_start3A_9 : memref<1x49x128xi32, #tpu.memory_space<hbm>> -> memref<49x128xi32, #tpu.memory_space<hbm>>
      %dma_start3A_11 = arith.constant 0 : i32
      %dma_start3A_12 = arith.constant 0 : i32
      %dma_start3A_13 = tpu.memref_slice %arg3[%add3A, %dma_start3A_11, %dma_start3A_12] : memref<32x49x128xi32, #tpu.memory_space<hbm>> -> memref<1x49x128xi32, #tpu.memory_space<hbm>>
      %dma_start3A_14 = tpu.memref_squeeze %dma_start3A_13 : memref<1x49x128xi32, #tpu.memory_space<hbm>> -> memref<49x128xi32, #tpu.memory_space<hbm>>
      tpu.enqueue_dma source(%dma_start3A_14 : memref<49x128xi32, #tpu.memory_space<hbm>>) target(%arg5 : memref<49x128xi32, #tpu.memory_space<vmem>>) target_semaphore(%run_scoped3A : memref<!tpu.dma_semaphore, #tpu.memory_space<semaphore_mem>>)
      %dma_wait3A = arith.constant 0 : i32
      %dma_wait3A_15 = arith.constant 0 : i32
      %dma_wait3A_16 = tpu.memref_slice %arg3[%add3A, %dma_wait3A, %dma_wait3A_15] : memref<32x49x128xi32, #tpu.memory_space<hbm>> -> memref<1x49x128xi32, #tpu.memory_space<hbm>>
      %dma_wait3A_17 = tpu.memref_squeeze %dma_wait3A_16 : memref<1x49x128xi32, #tpu.memory_space<hbm>> -> memref<49x128xi32, #tpu.memory_space<hbm>>
      %dma_wait3A_18 = arith.constant 0 : i32
      %dma_wait3A_19 = arith.constant 0 : i32
      %dma_wait3A_20 = tpu.memref_slice %arg3[%add3A, %dma_wait3A_18, %dma_wait3A_19] : memref<32x49x128xi32, #tpu.memory_space<hbm>> -> memref<1x49x128xi32, #tpu.memory_space<hbm>>
      %dma_wait3A_21 = tpu.memref_squeeze %dma_wait3A_20 : memref<1x49x128xi32, #tpu.memory_space<hbm>> -> memref<49x128xi32, #tpu.memory_space<hbm>>
      tpu.wait_dma2 semaphore(%run_scoped3A : memref<!tpu.dma_semaphore, #tpu.memory_space<semaphore_mem>>) src(%dma_wait3A_21 : memref<49x128xi32, #tpu.memory_space<hbm>>) dst(%arg5 : memref<49x128xi32, #tpu.memory_space<vmem>>)
      tpu.yield
    }) : () -> ()
    %scan3A = arith.constant 0 : i32
    %scan3A_1 = arith.constant 0 : i32
    %scan3A_2 = arith.constant 7 : i32
    %scan3A_3 = arith.addi %scan3A_1, %scan3A_2 : i32
    %scan3A_4 = arith.constant 1 : i32
    scf.for %scan3A_8 = %scan3A_1 to %scan3A_3 step %scan3A_4  : i32 {
      %mul3A_9 = arith.constant 7 : i32
      %mul3A_10 = arith.muli %scan3A_8, %mul3A_9 : i32
      %add3A_11 = arith.constant 0 : i32
      %add3A_12 = arith.addi %mul3A_10, %add3A_11 : i32
      %mul3A_13 = arith.constant 128 : i32
      %mul3A_14 = arith.muli %add3A_12, %mul3A_13 : i32
      %multiple_of3A = tpu.assume_multiple %mul3A_14, 128 : i32
      %dma_start3A = arith.constant 0 : i32
      %dma_start3A_15 = tpu.memref_slice %arg6[%multiple_of3A, %dma_start3A] : memref<6272x16xf32, #tpu.memory_space<vmem>> -> memref<128x16xf32, #tpu.memory_space<vmem>>
      %dma_start3A_16 = arith.constant 0 : i32
      %dma_start3A_17 = tpu.memref_slice %arg5[%add3A_12, %dma_start3A_16] : memref<49x128xi32, #tpu.memory_space<vmem>> -> memref<1x128xi32, #tpu.memory_space<vmem>>
      %dma_start3A_18 = tpu.memref_squeeze %dma_start3A_17 : memref<1x128xi32, #tpu.memory_space<vmem>> -> memref<128xi32, #tpu.memory_space<vmem>>
      %dma_start3A_19 = arith.constant 0 : i32
      %dma_start3A_20 = arith.constant 0 : i32
      %dma_start3A_21 = tpu.memref_slice %arg2[%dma_start3A_19, %dma_start3A_20] : memref<10016x16xf32, #tpu.memory_space<hbm>> -> memref<10016x16xf32, #tpu.memory_space<hbm>>
      tpu.enqueue_indirect_dma source(%dma_start3A_21 : memref<10016x16xf32, #tpu.memory_space<hbm>>) target(%dma_start3A_15 : memref<128x16xf32, #tpu.memory_space<vmem>>) offsets(%dma_start3A_18 : memref<128xi32, #tpu.memory_space<vmem>>) semaphore(%arg7 : memref<!tpu.dma_semaphore, #tpu.memory_space<semaphore_mem>>)
      %mul3A_22 = arith.constant 7 : i32
      %mul3A_23 = arith.muli %scan3A_8, %mul3A_22 : i32
      %add3A_24 = arith.constant 1 : i32
      %add3A_25 = arith.addi %mul3A_23, %add3A_24 : i32
      %mul3A_26 = arith.constant 128 : i32
      %mul3A_27 = arith.muli %add3A_25, %mul3A_26 : i32
      %multiple_of3A_28 = tpu.assume_multiple %mul3A_27, 128 : i32
      %dma_start3A_29 = arith.constant 0 : i32
      %dma_start3A_30 = tpu.memref_slice %arg6[%multiple_of3A_28, %dma_start3A_29] : memref<6272x16xf32, #tpu.memory_space<vmem>> -> memref<128x16xf32, #tpu.memory_space<vmem>>
      %dma_start3A_31 = arith.constant 0 : i32
      %dma_start3A_32 = tpu.memref_slice %arg5[%add3A_25, %dma_start3A_31] : memref<49x128xi32, #tpu.memory_space<vmem>> -> memref<1x128xi32, #tpu.memory_space<vmem>>
      %dma_start3A_33 = tpu.memref_squeeze %dma_start3A_32 : memref<1x128xi32, #tpu.memory_space<vmem>> -> memref<128xi32, #tpu.memory_space<vmem>>
      %dma_start3A_34 = arith.constant 0 : i32
      %dma_start3A_35 = arith.constant 0 : i32
      %dma_start3A_36 = tpu.memref_slice %arg2[%dma_start3A_34, %dma_start3A_35] : memref<10016x16xf32, #tpu.memory_space<hbm>> -> memref<10016x16xf32, #tpu.memory_space<hbm>>
      tpu.enqueue_indirect_dma source(%dma_start3A_36 : memref<10016x16xf32, #tpu.memory_space<hbm>>) target(%dma_start3A_30 : memref<128x16xf32, #tpu.memory_space<vmem>>) offsets(%dma_start3A_33 : memref<128xi32, #tpu.memory_space<vmem>>) semaphore(%arg7 : memref<!tpu.dma_semaphore, #tpu.memory_space<semaphore_mem>>)
      %mul3A_37 = arith.constant 7 : i32
      %mul3A_38 = arith.muli %scan3A_8, %mul3A_37 : i32
      %add3A_39 = arith.constant 2 : i32
      %add3A_40 = arith.addi %mul3A_38, %add3A_39 : i32
      %mul3A_41 = arith.constant 128 : i32
      %mul3A_42 = arith.muli %add3A_40, %mul3A_41 : i32
      %multiple_of3A_43 = tpu.assume_multiple %mul3A_42, 128 : i32
      %dma_start3A_44 = arith.constant 0 : i32
      %dma_start3A_45 = tpu.memref_slice %arg6[%multiple_of3A_43, %dma_start3A_44] : memref<6272x16xf32, #tpu.memory_space<vmem>> -> memref<128x16xf32, #tpu.memory_space<vmem>>
      %dma_start3A_46 = arith.constant 0 : i32
      %dma_start3A_47 = tpu.memref_slice %arg5[%add3A_40, %dma_start3A_46] : memref<49x128xi32, #tpu.memory_space<vmem>> -> memref<1x128xi32, #tpu.memory_space<vmem>>
      %dma_start3A_48 = tpu.memref_squeeze %dma_start3A_47 : memref<1x128xi32, #tpu.memory_space<vmem>> -> memref<128xi32, #tpu.memory_space<vmem>>
      %dma_start3A_49 = arith.constant 0 : i32
      %dma_start3A_50 = arith.constant 0 : i32
      %dma_start3A_51 = tpu.memref_slice %arg2[%dma_start3A_49, %dma_start3A_50] : memref<10016x16xf32, #tpu.memory_space<hbm>> -> memref<10016x16xf32, #tpu.memory_space<hbm>>
      tpu.enqueue_indirect_dma source(%dma_start3A_51 : memref<10016x16xf32, #tpu.memory_space<hbm>>) target(%dma_start3A_45 : memref<128x16xf32, #tpu.memory_space<vmem>>) offsets(%dma_start3A_48 : memref<128xi32, #tpu.memory_space<vmem>>) semaphore(%arg7 : memref<!tpu.dma_semaphore, #tpu.memory_space<semaphore_mem>>)
      %mul3A_52 = arith.constant 7 : i32
      %mul3A_53 = arith.muli %scan3A_8, %mul3A_52 : i32
      %add3A_54 = arith.constant 3 : i32
      %add3A_55 = arith.addi %mul3A_53, %add3A_54 : i32
      %mul3A_56 = arith.constant 128 : i32
      %mul3A_57 = arith.muli %add3A_55, %mul3A_56 : i32
      %multiple_of3A_58 = tpu.assume_multiple %mul3A_57, 128 : i32
      %dma_start3A_59 = arith.constant 0 : i32
      %dma_start3A_60 = tpu.memref_slice %arg6[%multiple_of3A_58, %dma_start3A_59] : memref<6272x16xf32, #tpu.memory_space<vmem>> -> memref<128x16xf32, #tpu.memory_space<vmem>>
      %dma_start3A_61 = arith.constant 0 : i32
      %dma_start3A_62 = tpu.memref_slice %arg5[%add3A_55, %dma_start3A_61] : memref<49x128xi32, #tpu.memory_space<vmem>> -> memref<1x128xi32, #tpu.memory_space<vmem>>
      %dma_start3A_63 = tpu.memref_squeeze %dma_start3A_62 : memref<1x128xi32, #tpu.memory_space<vmem>> -> memref<128xi32, #tpu.memory_space<vmem>>
      %dma_start3A_64 = arith.constant 0 : i32
      %dma_start3A_65 = arith.constant 0 : i32
      %dma_start3A_66 = tpu.memref_slice %arg2[%dma_start3A_64, %dma_start3A_65] : memref<10016x16xf32, #tpu.memory_space<hbm>> -> memref<10016x16xf32, #tpu.memory_space<hbm>>
      tpu.enqueue_indirect_dma source(%dma_start3A_66 : memref<10016x16xf32, #tpu.memory_space<hbm>>) target(%dma_start3A_60 : memref<128x16xf32, #tpu.memory_space<vmem>>) offsets(%dma_start3A_63 : memref<128xi32, #tpu.memory_space<vmem>>) semaphore(%arg7 : memref<!tpu.dma_semaphore, #tpu.memory_space<semaphore_mem>>)
      %mul3A_67 = arith.constant 7 : i32
      %mul3A_68 = arith.muli %scan3A_8, %mul3A_67 : i32
      %add3A_69 = arith.constant 4 : i32
      %add3A_70 = arith.addi %mul3A_68, %add3A_69 : i32
      %mul3A_71 = arith.constant 128 : i32
      %mul3A_72 = arith.muli %add3A_70, %mul3A_71 : i32
      %multiple_of3A_73 = tpu.assume_multiple %mul3A_72, 128 : i32
      %dma_start3A_74 = arith.constant 0 : i32
      %dma_start3A_75 = tpu.memref_slice %arg6[%multiple_of3A_73, %dma_start3A_74] : memref<6272x16xf32, #tpu.memory_space<vmem>> -> memref<128x16xf32, #tpu.memory_space<vmem>>
      %dma_start3A_76 = arith.constant 0 : i32
      %dma_start3A_77 = tpu.memref_slice %arg5[%add3A_70, %dma_start3A_76] : memref<49x128xi32, #tpu.memory_space<vmem>> -> memref<1x128xi32, #tpu.memory_space<vmem>>
      %dma_start3A_78 = tpu.memref_squeeze %dma_start3A_77 : memref<1x128xi32, #tpu.memory_space<vmem>> -> memref<128xi32, #tpu.memory_space<vmem>>
      %dma_start3A_79 = arith.constant 0 : i32
      %dma_start3A_80 = arith.constant 0 : i32
      %dma_start3A_81 = tpu.memref_slice %arg2[%dma_start3A_79, %dma_start3A_80] : memref<10016x16xf32, #tpu.memory_space<hbm>> -> memref<10016x16xf32, #tpu.memory_space<hbm>>
      tpu.enqueue_indirect_dma source(%dma_start3A_81 : memref<10016x16xf32, #tpu.memory_space<hbm>>) target(%dma_start3A_75 : memref<128x16xf32, #tpu.memory_space<vmem>>) offsets(%dma_start3A_78 : memref<128xi32, #tpu.memory_space<vmem>>) semaphore(%arg7 : memref<!tpu.dma_semaphore, #tpu.memory_space<semaphore_mem>>)
      %mul3A_82 = arith.constant 7 : i32
      %mul3A_83 = arith.muli %scan3A_8, %mul3A_82 : i32
      %add3A_84 = arith.constant 5 : i32
      %add3A_85 = arith.addi %mul3A_83, %add3A_84 : i32
      %mul3A_86 = arith.constant 128 : i32
      %mul3A_87 = arith.muli %add3A_85, %mul3A_86 : i32
      %multiple_of3A_88 = tpu.assume_multiple %mul3A_87, 128 : i32
      %dma_start3A_89 = arith.constant 0 : i32
      %dma_start3A_90 = tpu.memref_slice %arg6[%multiple_of3A_88, %dma_start3A_89] : memref<6272x16xf32, #tpu.memory_space<vmem>> -> memref<128x16xf32, #tpu.memory_space<vmem>>
      %dma_start3A_91 = arith.constant 0 : i32
      %dma_start3A_92 = tpu.memref_slice %arg5[%add3A_85, %dma_start3A_91] : memref<49x128xi32, #tpu.memory_space<vmem>> -> memref<1x128xi32, #tpu.memory_space<vmem>>
      %dma_start3A_93 = tpu.memref_squeeze %dma_start3A_92 : memref<1x128xi32, #tpu.memory_space<vmem>> -> memref<128xi32, #tpu.memory_space<vmem>>
      %dma_start3A_94 = arith.constant 0 : i32
      %dma_start3A_95 = arith.constant 0 : i32
      %dma_start3A_96 = tpu.memref_slice %arg2[%dma_start3A_94, %dma_start3A_95] : memref<10016x16xf32, #tpu.memory_space<hbm>> -> memref<10016x16xf32, #tpu.memory_space<hbm>>
      tpu.enqueue_indirect_dma source(%dma_start3A_96 : memref<10016x16xf32, #tpu.memory_space<hbm>>) target(%dma_start3A_90 : memref<128x16xf32, #tpu.memory_space<vmem>>) offsets(%dma_start3A_93 : memref<128xi32, #tpu.memory_space<vmem>>) semaphore(%arg7 : memref<!tpu.dma_semaphore, #tpu.memory_space<semaphore_mem>>)
      %mul3A_97 = arith.constant 7 : i32
      %mul3A_98 = arith.muli %scan3A_8, %mul3A_97 : i32
      %add3A_99 = arith.constant 6 : i32
      %add3A_100 = arith.addi %mul3A_98, %add3A_99 : i32
      %mul3A_101 = arith.constant 128 : i32
      %mul3A_102 = arith.muli %add3A_100, %mul3A_101 : i32
      %multiple_of3A_103 = tpu.assume_multiple %mul3A_102, 128 : i32
      %dma_start3A_104 = arith.constant 0 : i32
      %dma_start3A_105 = tpu.memref_slice %arg6[%multiple_of3A_103, %dma_start3A_104] : memref<6272x16xf32, #tpu.memory_space<vmem>> -> memref<128x16xf32, #tpu.memory_space<vmem>>
      %dma_start3A_106 = arith.constant 0 : i32
      %dma_start3A_107 = tpu.memref_slice %arg5[%add3A_100, %dma_start3A_106] : memref<49x128xi32, #tpu.memory_space<vmem>> -> memref<1x128xi32, #tpu.memory_space<vmem>>
      %dma_start3A_108 = tpu.memref_squeeze %dma_start3A_107 : memref<1x128xi32, #tpu.memory_space<vmem>> -> memref<128xi32, #tpu.memory_space<vmem>>
      %dma_start3A_109 = arith.constant 0 : i32
      %dma_start3A_110 = arith.constant 0 : i32
      %dma_start3A_111 = tpu.memref_slice %arg2[%dma_start3A_109, %dma_start3A_110] : memref<10016x16xf32, #tpu.memory_space<hbm>> -> memref<10016x16xf32, #tpu.memory_space<hbm>>
      tpu.enqueue_indirect_dma source(%dma_start3A_111 : memref<10016x16xf32, #tpu.memory_space<hbm>>) target(%dma_start3A_105 : memref<128x16xf32, #tpu.memory_space<vmem>>) offsets(%dma_start3A_108 : memref<128xi32, #tpu.memory_space<vmem>>) semaphore(%arg7 : memref<!tpu.dma_semaphore, #tpu.memory_space<semaphore_mem>>)
      %dma_wait3A = arith.constant 0 : i32
      %dma_wait3A_112 = tpu.memref_slice %arg6[%multiple_of3A, %dma_wait3A] : memref<6272x16xf32, #tpu.memory_space<vmem>> -> memref<128x16xf32, #tpu.memory_space<vmem>>
      %dma_wait3A_113 = arith.constant 0 : i32
      %dma_wait3A_114 = tpu.memref_slice %arg5[%add3A_12, %dma_wait3A_113] : memref<49x128xi32, #tpu.memory_space<vmem>> -> memref<1x128xi32, #tpu.memory_space<vmem>>
      %dma_wait3A_115 = tpu.memref_squeeze %dma_wait3A_114 : memref<1x128xi32, #tpu.memory_space<vmem>> -> memref<128xi32, #tpu.memory_space<vmem>>
      %dma_wait3A_116 = arith.constant 0 : i32
      %dma_wait3A_117 = arith.constant 0 : i32
      %dma_wait3A_118 = tpu.memref_slice %arg2[%dma_wait3A_116, %dma_wait3A_117] : memref<10016x16xf32, #tpu.memory_space<hbm>> -> memref<10016x16xf32, #tpu.memory_space<hbm>>
      tpu.wait_indirect_dma semaphore(%arg7 : memref<!tpu.dma_semaphore, #tpu.memory_space<semaphore_mem>>) src(%dma_wait3A_118 : memref<10016x16xf32, #tpu.memory_space<hbm>>) dst(%dma_wait3A_112 : memref<128x16xf32, #tpu.memory_space<vmem>>)
      %dma_wait3A_119 = arith.constant 0 : i32
      %dma_wait3A_120 = tpu.memref_slice %arg6[%multiple_of3A_28, %dma_wait3A_119] : memref<6272x16xf32, #tpu.memory_space<vmem>> -> memref<128x16xf32, #tpu.memory_space<vmem>>
      %dma_wait3A_121 = arith.constant 0 : i32
      %dma_wait3A_122 = tpu.memref_slice %arg5[%add3A_25, %dma_wait3A_121] : memref<49x128xi32, #tpu.memory_space<vmem>> -> memref<1x128xi32, #tpu.memory_space<vmem>>
      %dma_wait3A_123 = tpu.memref_squeeze %dma_wait3A_122 : memref<1x128xi32, #tpu.memory_space<vmem>> -> memref<128xi32, #tpu.memory_space<vmem>>
      %dma_wait3A_124 = arith.constant 0 : i32
      %dma_wait3A_125 = arith.constant 0 : i32
      %dma_wait3A_126 = tpu.memref_slice %arg2[%dma_wait3A_124, %dma_wait3A_125] : memref<10016x16xf32, #tpu.memory_space<hbm>> -> memref<10016x16xf32, #tpu.memory_space<hbm>>
      tpu.wait_indirect_dma semaphore(%arg7 : memref<!tpu.dma_semaphore, #tpu.memory_space<semaphore_mem>>) src(%dma_wait3A_126 : memref<10016x16xf32, #tpu.memory_space<hbm>>) dst(%dma_wait3A_120 : memref<128x16xf32, #tpu.memory_space<vmem>>)
      %dma_wait3A_127 = arith.constant 0 : i32
      %dma_wait3A_128 = tpu.memref_slice %arg6[%multiple_of3A_43, %dma_wait3A_127] : memref<6272x16xf32, #tpu.memory_space<vmem>> -> memref<128x16xf32, #tpu.memory_space<vmem>>
      %dma_wait3A_129 = arith.constant 0 : i32
      %dma_wait3A_130 = tpu.memref_slice %arg5[%add3A_40, %dma_wait3A_129] : memref<49x128xi32, #tpu.memory_space<vmem>> -> memref<1x128xi32, #tpu.memory_space<vmem>>
      %dma_wait3A_131 = tpu.memref_squeeze %dma_wait3A_130 : memref<1x128xi32, #tpu.memory_space<vmem>> -> memref<128xi32, #tpu.memory_space<vmem>>
      %dma_wait3A_132 = arith.constant 0 : i32
      %dma_wait3A_133 = arith.constant 0 : i32
      %dma_wait3A_134 = tpu.memref_slice %arg2[%dma_wait3A_132, %dma_wait3A_133] : memref<10016x16xf32, #tpu.memory_space<hbm>> -> memref<10016x16xf32, #tpu.memory_space<hbm>>
      tpu.wait_indirect_dma semaphore(%arg7 : memref<!tpu.dma_semaphore, #tpu.memory_space<semaphore_mem>>) src(%dma_wait3A_134 : memref<10016x16xf32, #tpu.memory_space<hbm>>) dst(%dma_wait3A_128 : memref<128x16xf32, #tpu.memory_space<vmem>>)
      %dma_wait3A_135 = arith.constant 0 : i32
      %dma_wait3A_136 = tpu.memref_slice %arg6[%multiple_of3A_58, %dma_wait3A_135] : memref<6272x16xf32, #tpu.memory_space<vmem>> -> memref<128x16xf32, #tpu.memory_space<vmem>>
      %dma_wait3A_137 = arith.constant 0 : i32
      %dma_wait3A_138 = tpu.memref_slice %arg5[%add3A_55, %dma_wait3A_137] : memref<49x128xi32, #tpu.memory_space<vmem>> -> memref<1x128xi32, #tpu.memory_space<vmem>>
      %dma_wait3A_139 = tpu.memref_squeeze %dma_wait3A_138 : memref<1x128xi32, #tpu.memory_space<vmem>> -> memref<128xi32, #tpu.memory_space<vmem>>
      %dma_wait3A_140 = arith.constant 0 : i32
      %dma_wait3A_141 = arith.constant 0 : i32
      %dma_wait3A_142 = tpu.memref_slice %arg2[%dma_wait3A_140, %dma_wait3A_141] : memref<10016x16xf32, #tpu.memory_space<hbm>> -> memref<10016x16xf32, #tpu.memory_space<hbm>>
      tpu.wait_indirect_dma semaphore(%arg7 : memref<!tpu.dma_semaphore, #tpu.memory_space<semaphore_mem>>) src(%dma_wait3A_142 : memref<10016x16xf32, #tpu.memory_space<hbm>>) dst(%dma_wait3A_136 : memref<128x16xf32, #tpu.memory_space<vmem>>)
      %dma_wait3A_143 = arith.constant 0 : i32
      %dma_wait3A_144 = tpu.memref_slice %arg6[%multiple_of3A_73, %dma_wait3A_143] : memref<6272x16xf32, #tpu.memory_space<vmem>> -> memref<128x16xf32, #tpu.memory_space<vmem>>
      %dma_wait3A_145 = arith.constant 0 : i32
      %dma_wait3A_146 = tpu.memref_slice %arg5[%add3A_70, %dma_wait3A_145] : memref<49x128xi32, #tpu.memory_space<vmem>> -> memref<1x128xi32, #tpu.memory_space<vmem>>
      %dma_wait3A_147 = tpu.memref_squeeze %dma_wait3A_146 : memref<1x128xi32, #tpu.memory_space<vmem>> -> memref<128xi32, #tpu.memory_space<vmem>>
      %dma_wait3A_148 = arith.constant 0 : i32
      %dma_wait3A_149 = arith.constant 0 : i32
      %dma_wait3A_150 = tpu.memref_slice %arg2[%dma_wait3A_148, %dma_wait3A_149] : memref<10016x16xf32, #tpu.memory_space<hbm>> -> memref<10016x16xf32, #tpu.memory_space<hbm>>
      tpu.wait_indirect_dma semaphore(%arg7 : memref<!tpu.dma_semaphore, #tpu.memory_space<semaphore_mem>>) src(%dma_wait3A_150 : memref<10016x16xf32, #tpu.memory_space<hbm>>) dst(%dma_wait3A_144 : memref<128x16xf32, #tpu.memory_space<vmem>>)
      %dma_wait3A_151 = arith.constant 0 : i32
      %dma_wait3A_152 = tpu.memref_slice %arg6[%multiple_of3A_88, %dma_wait3A_151] : memref<6272x16xf32, #tpu.memory_space<vmem>> -> memref<128x16xf32, #tpu.memory_space<vmem>>
      %dma_wait3A_153 = arith.constant 0 : i32
      %dma_wait3A_154 = tpu.memref_slice %arg5[%add3A_85, %dma_wait3A_153] : memref<49x128xi32, #tpu.memory_space<vmem>> -> memref<1x128xi32, #tpu.memory_space<vmem>>
      %dma_wait3A_155 = tpu.memref_squeeze %dma_wait3A_154 : memref<1x128xi32, #tpu.memory_space<vmem>> -> memref<128xi32, #tpu.memory_space<vmem>>
      %dma_wait3A_156 = arith.constant 0 : i32
      %dma_wait3A_157 = arith.constant 0 : i32
      %dma_wait3A_158 = tpu.memref_slice %arg2[%dma_wait3A_156, %dma_wait3A_157] : memref<10016x16xf32, #tpu.memory_space<hbm>> -> memref<10016x16xf32, #tpu.memory_space<hbm>>
      tpu.wait_indirect_dma semaphore(%arg7 : memref<!tpu.dma_semaphore, #tpu.memory_space<semaphore_mem>>) src(%dma_wait3A_158 : memref<10016x16xf32, #tpu.memory_space<hbm>>) dst(%dma_wait3A_152 : memref<128x16xf32, #tpu.memory_space<vmem>>)
      %dma_wait3A_159 = arith.constant 0 : i32
      %dma_wait3A_160 = tpu.memref_slice %arg6[%multiple_of3A_103, %dma_wait3A_159] : memref<6272x16xf32, #tpu.memory_space<vmem>> -> memref<128x16xf32, #tpu.memory_space<vmem>>
      %dma_wait3A_161 = arith.constant 0 : i32
      %dma_wait3A_162 = tpu.memref_slice %arg5[%add3A_100, %dma_wait3A_161] : memref<49x128xi32, #tpu.memory_space<vmem>> -> memref<1x128xi32, #tpu.memory_space<vmem>>
      %dma_wait3A_163 = tpu.memref_squeeze %dma_wait3A_162 : memref<1x128xi32, #tpu.memory_space<vmem>> -> memref<128xi32, #tpu.memory_space<vmem>>
      %dma_wait3A_164 = arith.constant 0 : i32
      %dma_wait3A_165 = arith.constant 0 : i32
      %dma_wait3A_166 = tpu.memref_slice %arg2[%dma_wait3A_164, %dma_wait3A_165] : memref<10016x16xf32, #tpu.memory_space<hbm>> -> memref<10016x16xf32, #tpu.memory_space<hbm>>
      tpu.wait_indirect_dma semaphore(%arg7 : memref<!tpu.dma_semaphore, #tpu.memory_space<semaphore_mem>>) src(%dma_wait3A_166 : memref<10016x16xf32, #tpu.memory_space<hbm>>) dst(%dma_wait3A_160 : memref<128x16xf32, #tpu.memory_space<vmem>>)
    }
    %scan3A_5 = arith.constant 7 : i32
    %mul3A_6 = arith.constant 6272 : i32
    %mul3A_7 = arith.muli %add3A, %mul3A_6 : i32
    "tpu.region"() ({
      %run_scoped3A = tpu.sem_alloc : memref<!tpu.dma_semaphore, #tpu.memory_space<semaphore_mem>>
      %dma_start3A = arith.constant 0 : i32
      %dma_start3A_8 = tpu.memref_slice %arg4[%mul3A_7, %dma_start3A] : memref<200704x16xf32, #tpu.memory_space<hbm>> -> memref<6272x16xf32, #tpu.memory_space<hbm>>
      %dma_start3A_9 = arith.constant 0 : i32
      %dma_start3A_10 = tpu.memref_slice %arg4[%mul3A_7, %dma_start3A_9] : memref<200704x16xf32, #tpu.memory_space<hbm>> -> memref<6272x16xf32, #tpu.memory_space<hbm>>
      tpu.enqueue_dma source(%arg6 : memref<6272x16xf32, #tpu.memory_space<vmem>>) target(%dma_start3A_10 : memref<6272x16xf32, #tpu.memory_space<hbm>>) target_semaphore(%run_scoped3A : memref<!tpu.dma_semaphore, #tpu.memory_space<semaphore_mem>>)
      %dma_wait3A = arith.constant 0 : i32
      %dma_wait3A_11 = tpu.memref_slice %arg4[%mul3A_7, %dma_wait3A] : memref<200704x16xf32, #tpu.memory_space<hbm>> -> memref<6272x16xf32, #tpu.memory_space<hbm>>
      %dma_wait3A_12 = arith.constant 0 : i32
      %dma_wait3A_13 = tpu.memref_slice %arg4[%mul3A_7, %dma_wait3A_12] : memref<200704x16xf32, #tpu.memory_space<hbm>> -> memref<6272x16xf32, #tpu.memory_space<hbm>>
      tpu.wait_dma2 semaphore(%run_scoped3A : memref<!tpu.dma_semaphore, #tpu.memory_space<semaphore_mem>>) src(%arg6 : memref<6272x16xf32, #tpu.memory_space<vmem>>) dst(%dma_wait3A_13 : memref<6272x16xf32, #tpu.memory_space<hbm>>)
      tpu.yield
    }) : () -> ()
    return
  }
}

module attributes {stable_mosaic.version = 14 : i64} {
  func.func @_pgru_body(%arg0: i32, %arg1: memref<3136x128xf32, #tpu.memory_space<vmem>>, %arg2: memref<3136x16xf32, #tpu.memory_space<vmem>>, %arg3: memref<128x384xf32, #tpu.memory_space<vmem>>, %arg4: memref<16x48xf32, #tpu.memory_space<vmem>>, %arg5: memref<1x384xf32, #tpu.memory_space<vmem>>, %arg6: memref<1x48xf32, #tpu.memory_space<vmem>>, %arg7: memref<3136x128xf32, #tpu.memory_space<vmem>>, %arg8: memref<3136x16xf32, #tpu.memory_space<vmem>>) attributes {dimension_semantics = [#tpu.dimension_semantics<arbitrary>], iteration_bounds = array<i64: 8>, scalar_prefetch = 0 : i64, scratch_operands = 0 : i64, tpu.core_type = #tpu.core_type<tc>, window_params = [{transform_indices = @transform_0, window_bounds = array<i64: 3136, 128>}, {transform_indices = @transform_1, window_bounds = array<i64: 3136, 16>}, {pipeline_mode = #tpu.pipeline_mode<synchronous>, transform_indices = @transform_2, window_bounds = array<i64: 128, 384>}, {pipeline_mode = #tpu.pipeline_mode<synchronous>, transform_indices = @transform_3, window_bounds = array<i64: 16, 48>}, {pipeline_mode = #tpu.pipeline_mode<synchronous>, transform_indices = @transform_4, window_bounds = array<i64: 1, 384>}, {pipeline_mode = #tpu.pipeline_mode<synchronous>, transform_indices = @transform_5, window_bounds = array<i64: 1, 48>}, {transform_indices = @transform_6, window_bounds = array<i64: 3136, 128>}, {transform_indices = @transform_7, window_bounds = array<i64: 3136, 16>}]} {
    %get3A = arith.constant 0 : index
    %get3A_0 = arith.constant 0 : index
    %get3A_1 = vector.load %arg1[%get3A, %get3A_0] : memref<3136x128xf32, #tpu.memory_space<vmem>>, vector<3136x128xf32>
    %get3A_2 = arith.constant 0 : index
    %get3A_3 = arith.constant 0 : index
    %get3A_4 = vector.load %arg3[%get3A_2, %get3A_3] : memref<128x384xf32, #tpu.memory_space<vmem>>, vector<128x384xf32>
    %dot_general3A = arith.constant dense<0.000000e+00> : vector<3136x384xf32>
    %dot_general3A_5 = tpu.matmul %get3A_1, %get3A_4, %dot_general3A {dimension_numbers = #tpu.dot_dimension_numbers<[1], [0], [0], [1], [0, 0, 1, 1], [], []>, transpose_lhs_hint = false} : vector<3136x128xf32>, vector<128x384xf32>, vector<3136x384xf32> -> vector<3136x384xf32>
    %get3A_6 = arith.constant 0 : index
    %get3A_7 = arith.constant 0 : index
    %get3A_8 = vector.load %arg5[%get3A_6, %get3A_7] : memref<1x384xf32, #tpu.memory_space<vmem>>, vector<1x384xf32>
    %add3A = vector.broadcast %get3A_8 : vector<1x384xf32> to vector<3136x384xf32>
    %add3A_9 = arith.addf %dot_general3A_5, %add3A : vector<3136x384xf32>
    %get3A_10 = arith.constant 0 : index
    %get3A_11 = arith.constant 0 : index
    %get3A_12 = vector.load %arg2[%get3A_10, %get3A_11] : memref<3136x16xf32, #tpu.memory_space<vmem>>, vector<3136x16xf32>
    %get3A_13 = arith.constant 0 : index
    %get3A_14 = arith.constant 0 : index
    %get3A_15 = vector.load %arg4[%get3A_13, %get3A_14] : memref<16x48xf32, #tpu.memory_space<vmem>>, vector<16x48xf32>
    %get3A_16 = arith.constant 0 : index
    %get3A_17 = arith.constant 0 : index
    %get3A_18 = vector.load %arg6[%get3A_16, %get3A_17] : memref<1x48xf32, #tpu.memory_space<vmem>>, vector<1x48xf32>
    %dot_general3A_19 = arith.constant dense<0.000000e+00> : vector<3136x48xf32>
    %dot_general3A_20 = tpu.matmul %get3A_12, %get3A_15, %dot_general3A_19 {dimension_numbers = #tpu.dot_dimension_numbers<[1], [0], [0], [1], [0, 0, 1, 1], [], []>, transpose_lhs_hint = false} : vector<3136x16xf32>, vector<16x48xf32>, vector<3136x48xf32> -> vector<3136x48xf32>
    %add3A_21 = vector.broadcast %get3A_18 : vector<1x48xf32> to vector<3136x48xf32>
    %add3A_22 = arith.addf %dot_general3A_20, %add3A_21 : vector<3136x48xf32>
    %slice3A = vector.extract_strided_slice %add3A_9 {offsets = [0, 0], sizes = [3136, 48], strides = [1, 1]} : vector<3136x384xf32> to vector<3136x48xf32>
    %slice3A_23 = vector.extract_strided_slice %slice3A {offsets = [0, 0], sizes = [3136, 16], strides = [1, 1]} : vector<3136x48xf32> to vector<3136x16xf32>
    %slice3A_24 = vector.extract_strided_slice %add3A_22 {offsets = [0, 0], sizes = [3136, 16], strides = [1, 1]} : vector<3136x48xf32> to vector<3136x16xf32>
    %add3A_25 = arith.addf %slice3A_23, %slice3A_24 : vector<3136x16xf32>
    %logistic3A = arith.negf %add3A_25 : vector<3136x16xf32>
    %logistic3A_26 = math.exp %logistic3A : vector<3136x16xf32>
    %logistic3A_27 = arith.constant 1.000000e+00 : f32
    %logistic3A_28 = vector.broadcast %logistic3A_27 : f32 to vector<3136x16xf32>
    %logistic3A_29 = arith.addf %logistic3A_28, %logistic3A_26 : vector<3136x16xf32>
    %logistic3A_30 = arith.divf %logistic3A_28, %logistic3A_29 : vector<3136x16xf32>
    %slice3A_31 = vector.extract_strided_slice %slice3A {offsets = [0, 16], sizes = [3136, 16], strides = [1, 1]} : vector<3136x48xf32> to vector<3136x16xf32>
    %slice3A_32 = vector.extract_strided_slice %add3A_22 {offsets = [0, 16], sizes = [3136, 16], strides = [1, 1]} : vector<3136x48xf32> to vector<3136x16xf32>
    %add3A_33 = arith.addf %slice3A_31, %slice3A_32 : vector<3136x16xf32>
    %logistic3A_34 = arith.negf %add3A_33 : vector<3136x16xf32>
    %logistic3A_35 = math.exp %logistic3A_34 : vector<3136x16xf32>
    %logistic3A_36 = arith.constant 1.000000e+00 : f32
    %logistic3A_37 = vector.broadcast %logistic3A_36 : f32 to vector<3136x16xf32>
    %logistic3A_38 = arith.addf %logistic3A_37, %logistic3A_35 : vector<3136x16xf32>
    %logistic3A_39 = arith.divf %logistic3A_37, %logistic3A_38 : vector<3136x16xf32>
    %slice3A_40 = vector.extract_strided_slice %slice3A {offsets = [0, 32], sizes = [3136, 16], strides = [1, 1]} : vector<3136x48xf32> to vector<3136x16xf32>
    %slice3A_41 = vector.extract_strided_slice %add3A_22 {offsets = [0, 32], sizes = [3136, 16], strides = [1, 1]} : vector<3136x48xf32> to vector<3136x16xf32>
    %mul3A = arith.mulf %logistic3A_39, %slice3A_41 : vector<3136x16xf32>
    %add3A_42 = arith.addf %slice3A_40, %mul3A : vector<3136x16xf32>
    %tanh3A = math.tanh %add3A_42 : vector<3136x16xf32>
    %mul3A_43 = arith.mulf %logistic3A_30, %get3A_12 : vector<3136x16xf32>
    %sub3A = arith.constant 1.000000e+00 : f32
    %sub3A_44 = vector.broadcast %sub3A : f32 to vector<3136x16xf32>
    %sub3A_45 = arith.subf %sub3A_44, %logistic3A_30 : vector<3136x16xf32>
    %mul3A_46 = arith.mulf %sub3A_45, %tanh3A : vector<3136x16xf32>
    %add3A_47 = arith.addf %mul3A_43, %mul3A_46 : vector<3136x16xf32>
    %swap3A = arith.constant 0 : index
    %swap3A_48 = arith.constant 0 : index
    %swap3A_49 = vector.load %arg7[%swap3A, %swap3A_48] : memref<3136x128xf32, #tpu.memory_space<vmem>>, vector<3136x16xf32>
    tpu.vector_store %arg7[%swap3A, %swap3A_48], %add3A_47 {strides = array<i32>} : memref<3136x128xf32, #tpu.memory_space<vmem>>, vector<3136x16xf32>,
    %dot_general3A_50 = arith.constant dense<0.000000e+00> : vector<3136x48xf32>
    %dot_general3A_51 = tpu.matmul %add3A_47, %get3A_15, %dot_general3A_50 {dimension_numbers = #tpu.dot_dimension_numbers<[1], [0], [0], [1], [0, 0, 1, 1], [], []>, transpose_lhs_hint = false} : vector<3136x16xf32>, vector<16x48xf32>, vector<3136x48xf32> -> vector<3136x48xf32>
    %add3A_52 = vector.broadcast %get3A_18 : vector<1x48xf32> to vector<3136x48xf32>
    %add3A_53 = arith.addf %dot_general3A_51, %add3A_52 : vector<3136x48xf32>
    %slice3A_54 = vector.extract_strided_slice %add3A_9 {offsets = [0, 48], sizes = [3136, 48], strides = [1, 1]} : vector<3136x384xf32> to vector<3136x48xf32>
    %slice3A_55 = vector.extract_strided_slice %slice3A_54 {offsets = [0, 0], sizes = [3136, 16], strides = [1, 1]} : vector<3136x48xf32> to vector<3136x16xf32>
    %slice3A_56 = vector.extract_strided_slice %add3A_53 {offsets = [0, 0], sizes = [3136, 16], strides = [1, 1]} : vector<3136x48xf32> to vector<3136x16xf32>
    %add3A_57 = arith.addf %slice3A_55, %slice3A_56 : vector<3136x16xf32>
    %logistic3A_58 = arith.negf %add3A_57 : vector<3136x16xf32>
    %logistic3A_59 = math.exp %logistic3A_58 : vector<3136x16xf32>
    %logistic3A_60 = arith.constant 1.000000e+00 : f32
    %logistic3A_61 = vector.broadcast %logistic3A_60 : f32 to vector<3136x16xf32>
    %logistic3A_62 = arith.addf %logistic3A_61, %logistic3A_59 : vector<3136x16xf32>
    %logistic3A_63 = arith.divf %logistic3A_61, %logistic3A_62 : vector<3136x16xf32>
    %slice3A_64 = vector.extract_strided_slice %slice3A_54 {offsets = [0, 16], sizes = [3136, 16], strides = [1, 1]} : vector<3136x48xf32> to vector<3136x16xf32>
    %slice3A_65 = vector.extract_strided_slice %add3A_53 {offsets = [0, 16], sizes = [3136, 16], strides = [1, 1]} : vector<3136x48xf32> to vector<3136x16xf32>
    %add3A_66 = arith.addf %slice3A_64, %slice3A_65 : vector<3136x16xf32>
    %logistic3A_67 = arith.negf %add3A_66 : vector<3136x16xf32>
    %logistic3A_68 = math.exp %logistic3A_67 : vector<3136x16xf32>
    %logistic3A_69 = arith.constant 1.000000e+00 : f32
    %logistic3A_70 = vector.broadcast %logistic3A_69 : f32 to vector<3136x16xf32>
    %logistic3A_71 = arith.addf %logistic3A_70, %logistic3A_68 : vector<3136x16xf32>
    %logistic3A_72 = arith.divf %logistic3A_70, %logistic3A_71 : vector<3136x16xf32>
    %slice3A_73 = vector.extract_strided_slice %slice3A_54 {offsets = [0, 32], sizes = [3136, 16], strides = [1, 1]} : vector<3136x48xf32> to vector<3136x16xf32>
    %slice3A_74 = vector.extract_strided_slice %add3A_53 {offsets = [0, 32], sizes = [3136, 16], strides = [1, 1]} : vector<3136x48xf32> to vector<3136x16xf32>
    %mul3A_75 = arith.mulf %logistic3A_72, %slice3A_74 : vector<3136x16xf32>
    %add3A_76 = arith.addf %slice3A_73, %mul3A_75 : vector<3136x16xf32>
    %tanh3A_77 = math.tanh %add3A_76 : vector<3136x16xf32>
    %mul3A_78 = arith.mulf %logistic3A_63, %add3A_47 : vector<3136x16xf32>
    %sub3A_79 = arith.constant 1.000000e+00 : f32
    %sub3A_80 = vector.broadcast %sub3A_79 : f32 to vector<3136x16xf32>
    %sub3A_81 = arith.subf %sub3A_80, %logistic3A_63 : vector<3136x16xf32>
    %mul3A_82 = arith.mulf %sub3A_81, %tanh3A_77 : vector<3136x16xf32>
    %add3A_83 = arith.addf %mul3A_78, %mul3A_82 : vector<3136x16xf32>
    %swap3A_84 = arith.constant 0 : index
    %swap3A_85 = arith.constant 16 : index
    %swap3A_86 = vector.load %arg7[%swap3A_84, %swap3A_85] : memref<3136x128xf32, #tpu.memory_space<vmem>>, vector<3136x16xf32>
    tpu.vector_store %arg7[%swap3A_84, %swap3A_85], %add3A_83 {strides = array<i32>} : memref<3136x128xf32, #tpu.memory_space<vmem>>, vector<3136x16xf32>,
    %dot_general3A_87 = arith.constant dense<0.000000e+00> : vector<3136x48xf32>
    %dot_general3A_88 = tpu.matmul %add3A_83, %get3A_15, %dot_general3A_87 {dimension_numbers = #tpu.dot_dimension_numbers<[1], [0], [0], [1], [0, 0, 1, 1], [], []>, transpose_lhs_hint = false} : vector<3136x16xf32>, vector<16x48xf32>, vector<3136x48xf32> -> vector<3136x48xf32>
    %add3A_89 = vector.broadcast %get3A_18 : vector<1x48xf32> to vector<3136x48xf32>
    %add3A_90 = arith.addf %dot_general3A_88, %add3A_89 : vector<3136x48xf32>
    %slice3A_91 = vector.extract_strided_slice %add3A_9 {offsets = [0, 96], sizes = [3136, 48], strides = [1, 1]} : vector<3136x384xf32> to vector<3136x48xf32>
    %slice3A_92 = vector.extract_strided_slice %slice3A_91 {offsets = [0, 0], sizes = [3136, 16], strides = [1, 1]} : vector<3136x48xf32> to vector<3136x16xf32>
    %slice3A_93 = vector.extract_strided_slice %add3A_90 {offsets = [0, 0], sizes = [3136, 16], strides = [1, 1]} : vector<3136x48xf32> to vector<3136x16xf32>
    %add3A_94 = arith.addf %slice3A_92, %slice3A_93 : vector<3136x16xf32>
    %logistic3A_95 = arith.negf %add3A_94 : vector<3136x16xf32>
    %logistic3A_96 = math.exp %logistic3A_95 : vector<3136x16xf32>
    %logistic3A_97 = arith.constant 1.000000e+00 : f32
    %logistic3A_98 = vector.broadcast %logistic3A_97 : f32 to vector<3136x16xf32>
    %logistic3A_99 = arith.addf %logistic3A_98, %logistic3A_96 : vector<3136x16xf32>
    %logistic3A_100 = arith.divf %logistic3A_98, %logistic3A_99 : vector<3136x16xf32>
    %slice3A_101 = vector.extract_strided_slice %slice3A_91 {offsets = [0, 16], sizes = [3136, 16], strides = [1, 1]} : vector<3136x48xf32> to vector<3136x16xf32>
    %slice3A_102 = vector.extract_strided_slice %add3A_90 {offsets = [0, 16], sizes = [3136, 16], strides = [1, 1]} : vector<3136x48xf32> to vector<3136x16xf32>
    %add3A_103 = arith.addf %slice3A_101, %slice3A_102 : vector<3136x16xf32>
    %logistic3A_104 = arith.negf %add3A_103 : vector<3136x16xf32>
    %logistic3A_105 = math.exp %logistic3A_104 : vector<3136x16xf32>
    %logistic3A_106 = arith.constant 1.000000e+00 : f32
    %logistic3A_107 = vector.broadcast %logistic3A_106 : f32 to vector<3136x16xf32>
    %logistic3A_108 = arith.addf %logistic3A_107, %logistic3A_105 : vector<3136x16xf32>
    %logistic3A_109 = arith.divf %logistic3A_107, %logistic3A_108 : vector<3136x16xf32>
    %slice3A_110 = vector.extract_strided_slice %slice3A_91 {offsets = [0, 32], sizes = [3136, 16], strides = [1, 1]} : vector<3136x48xf32> to vector<3136x16xf32>
    %slice3A_111 = vector.extract_strided_slice %add3A_90 {offsets = [0, 32], sizes = [3136, 16], strides = [1, 1]} : vector<3136x48xf32> to vector<3136x16xf32>
    %mul3A_112 = arith.mulf %logistic3A_109, %slice3A_111 : vector<3136x16xf32>
    %add3A_113 = arith.addf %slice3A_110, %mul3A_112 : vector<3136x16xf32>
    %tanh3A_114 = math.tanh %add3A_113 : vector<3136x16xf32>
    %mul3A_115 = arith.mulf %logistic3A_100, %add3A_83 : vector<3136x16xf32>
    %sub3A_116 = arith.constant 1.000000e+00 : f32
    %sub3A_117 = vector.broadcast %sub3A_116 : f32 to vector<3136x16xf32>
    %sub3A_118 = arith.subf %sub3A_117, %logistic3A_100 : vector<3136x16xf32>
    %mul3A_119 = arith.mulf %sub3A_118, %tanh3A_114 : vector<3136x16xf32>
    %add3A_120 = arith.addf %mul3A_115, %mul3A_119 : vector<3136x16xf32>
    %swap3A_121 = arith.constant 0 : index
    %swap3A_122 = arith.constant 32 : index
    %swap3A_123 = vector.load %arg7[%swap3A_121, %swap3A_122] : memref<3136x128xf32, #tpu.memory_space<vmem>>, vector<3136x16xf32>
    tpu.vector_store %arg7[%swap3A_121, %swap3A_122], %add3A_120 {strides = array<i32>} : memref<3136x128xf32, #tpu.memory_space<vmem>>, vector<3136x16xf32>,
    %dot_general3A_124 = arith.constant dense<0.000000e+00> : vector<3136x48xf32>
    %dot_general3A_125 = tpu.matmul %add3A_120, %get3A_15, %dot_general3A_124 {dimension_numbers = #tpu.dot_dimension_numbers<[1], [0], [0], [1], [0, 0, 1, 1], [], []>, transpose_lhs_hint = false} : vector<3136x16xf32>, vector<16x48xf32>, vector<3136x48xf32> -> vector<3136x48xf32>
    %add3A_126 = vector.broadcast %get3A_18 : vector<1x48xf32> to vector<3136x48xf32>
    %add3A_127 = arith.addf %dot_general3A_125, %add3A_126 : vector<3136x48xf32>
    %slice3A_128 = vector.extract_strided_slice %add3A_9 {offsets = [0, 144], sizes = [3136, 48], strides = [1, 1]} : vector<3136x384xf32> to vector<3136x48xf32>
    %slice3A_129 = vector.extract_strided_slice %slice3A_128 {offsets = [0, 0], sizes = [3136, 16], strides = [1, 1]} : vector<3136x48xf32> to vector<3136x16xf32>
    %slice3A_130 = vector.extract_strided_slice %add3A_127 {offsets = [0, 0], sizes = [3136, 16], strides = [1, 1]} : vector<3136x48xf32> to vector<3136x16xf32>
    %add3A_131 = arith.addf %slice3A_129, %slice3A_130 : vector<3136x16xf32>
    %logistic3A_132 = arith.negf %add3A_131 : vector<3136x16xf32>
    %logistic3A_133 = math.exp %logistic3A_132 : vector<3136x16xf32>
    %logistic3A_134 = arith.constant 1.000000e+00 : f32
    %logistic3A_135 = vector.broadcast %logistic3A_134 : f32 to vector<3136x16xf32>
    %logistic3A_136 = arith.addf %logistic3A_135, %logistic3A_133 : vector<3136x16xf32>
    %logistic3A_137 = arith.divf %logistic3A_135, %logistic3A_136 : vector<3136x16xf32>
    %slice3A_138 = vector.extract_strided_slice %slice3A_128 {offsets = [0, 16], sizes = [3136, 16], strides = [1, 1]} : vector<3136x48xf32> to vector<3136x16xf32>
    %slice3A_139 = vector.extract_strided_slice %add3A_127 {offsets = [0, 16], sizes = [3136, 16], strides = [1, 1]} : vector<3136x48xf32> to vector<3136x16xf32>
    %add3A_140 = arith.addf %slice3A_138, %slice3A_139 : vector<3136x16xf32>
    %logistic3A_141 = arith.negf %add3A_140 : vector<3136x16xf32>
    %logistic3A_142 = math.exp %logistic3A_141 : vector<3136x16xf32>
    %logistic3A_143 = arith.constant 1.000000e+00 : f32
    %logistic3A_144 = vector.broadcast %logistic3A_143 : f32 to vector<3136x16xf32>
    %logistic3A_145 = arith.addf %logistic3A_144, %logistic3A_142 : vector<3136x16xf32>
    %logistic3A_146 = arith.divf %logistic3A_144, %logistic3A_145 : vector<3136x16xf32>
    %slice3A_147 = vector.extract_strided_slice %slice3A_128 {offsets = [0, 32], sizes = [3136, 16], strides = [1, 1]} : vector<3136x48xf32> to vector<3136x16xf32>
    %slice3A_148 = vector.extract_strided_slice %add3A_127 {offsets = [0, 32], sizes = [3136, 16], strides = [1, 1]} : vector<3136x48xf32> to vector<3136x16xf32>
    %mul3A_149 = arith.mulf %logistic3A_146, %slice3A_148 : vector<3136x16xf32>
    %add3A_150 = arith.addf %slice3A_147, %mul3A_149 : vector<3136x16xf32>
    %tanh3A_151 = math.tanh %add3A_150 : vector<3136x16xf32>
    %mul3A_152 = arith.mulf %logistic3A_137, %add3A_120 : vector<3136x16xf32>
    %sub3A_153 = arith.constant 1.000000e+00 : f32
    %sub3A_154 = vector.broadcast %sub3A_153 : f32 to vector<3136x16xf32>
    %sub3A_155 = arith.subf %sub3A_154, %logistic3A_137 : vector<3136x16xf32>
    %mul3A_156 = arith.mulf %sub3A_155, %tanh3A_151 : vector<3136x16xf32>
    %add3A_157 = arith.addf %mul3A_152, %mul3A_156 : vector<3136x16xf32>
    %swap3A_158 = arith.constant 0 : index
    %swap3A_159 = arith.constant 48 : index
    %swap3A_160 = vector.load %arg7[%swap3A_158, %swap3A_159] : memref<3136x128xf32, #tpu.memory_space<vmem>>, vector<3136x16xf32>
    tpu.vector_store %arg7[%swap3A_158, %swap3A_159], %add3A_157 {strides = array<i32>} : memref<3136x128xf32, #tpu.memory_space<vmem>>, vector<3136x16xf32>,
    %dot_general3A_161 = arith.constant dense<0.000000e+00> : vector<3136x48xf32>
    %dot_general3A_162 = tpu.matmul %add3A_157, %get3A_15, %dot_general3A_161 {dimension_numbers = #tpu.dot_dimension_numbers<[1], [0], [0], [1], [0, 0, 1, 1], [], []>, transpose_lhs_hint = false} : vector<3136x16xf32>, vector<16x48xf32>, vector<3136x48xf32> -> vector<3136x48xf32>
    %add3A_163 = vector.broadcast %get3A_18 : vector<1x48xf32> to vector<3136x48xf32>
    %add3A_164 = arith.addf %dot_general3A_162, %add3A_163 : vector<3136x48xf32>
    %slice3A_165 = vector.extract_strided_slice %add3A_9 {offsets = [0, 192], sizes = [3136, 48], strides = [1, 1]} : vector<3136x384xf32> to vector<3136x48xf32>
    %slice3A_166 = vector.extract_strided_slice %slice3A_165 {offsets = [0, 0], sizes = [3136, 16], strides = [1, 1]} : vector<3136x48xf32> to vector<3136x16xf32>
    %slice3A_167 = vector.extract_strided_slice %add3A_164 {offsets = [0, 0], sizes = [3136, 16], strides = [1, 1]} : vector<3136x48xf32> to vector<3136x16xf32>
    %add3A_168 = arith.addf %slice3A_166, %slice3A_167 : vector<3136x16xf32>
    %logistic3A_169 = arith.negf %add3A_168 : vector<3136x16xf32>
    %logistic3A_170 = math.exp %logistic3A_169 : vector<3136x16xf32>
    %logistic3A_171 = arith.constant 1.000000e+00 : f32
    %logistic3A_172 = vector.broadcast %logistic3A_171 : f32 to vector<3136x16xf32>
    %logistic3A_173 = arith.addf %logistic3A_172, %logistic3A_170 : vector<3136x16xf32>
    %logistic3A_174 = arith.divf %logistic3A_172, %logistic3A_173 : vector<3136x16xf32>
    %slice3A_175 = vector.extract_strided_slice %slice3A_165 {offsets = [0, 16], sizes = [3136, 16], strides = [1, 1]} : vector<3136x48xf32> to vector<3136x16xf32>
    %slice3A_176 = vector.extract_strided_slice %add3A_164 {offsets = [0, 16], sizes = [3136, 16], strides = [1, 1]} : vector<3136x48xf32> to vector<3136x16xf32>
    %add3A_177 = arith.addf %slice3A_175, %slice3A_176 : vector<3136x16xf32>
    %logistic3A_178 = arith.negf %add3A_177 : vector<3136x16xf32>
    %logistic3A_179 = math.exp %logistic3A_178 : vector<3136x16xf32>
    %logistic3A_180 = arith.constant 1.000000e+00 : f32
    %logistic3A_181 = vector.broadcast %logistic3A_180 : f32 to vector<3136x16xf32>
    %logistic3A_182 = arith.addf %logistic3A_181, %logistic3A_179 : vector<3136x16xf32>
    %logistic3A_183 = arith.divf %logistic3A_181, %logistic3A_182 : vector<3136x16xf32>
    %slice3A_184 = vector.extract_strided_slice %slice3A_165 {offsets = [0, 32], sizes = [3136, 16], strides = [1, 1]} : vector<3136x48xf32> to vector<3136x16xf32>
    %slice3A_185 = vector.extract_strided_slice %add3A_164 {offsets = [0, 32], sizes = [3136, 16], strides = [1, 1]} : vector<3136x48xf32> to vector<3136x16xf32>
    %mul3A_186 = arith.mulf %logistic3A_183, %slice3A_185 : vector<3136x16xf32>
    %add3A_187 = arith.addf %slice3A_184, %mul3A_186 : vector<3136x16xf32>
    %tanh3A_188 = math.tanh %add3A_187 : vector<3136x16xf32>
    %mul3A_189 = arith.mulf %logistic3A_174, %add3A_157 : vector<3136x16xf32>
    %sub3A_190 = arith.constant 1.000000e+00 : f32
    %sub3A_191 = vector.broadcast %sub3A_190 : f32 to vector<3136x16xf32>
    %sub3A_192 = arith.subf %sub3A_191, %logistic3A_174 : vector<3136x16xf32>
    %mul3A_193 = arith.mulf %sub3A_192, %tanh3A_188 : vector<3136x16xf32>
    %add3A_194 = arith.addf %mul3A_189, %mul3A_193 : vector<3136x16xf32>
    %swap3A_195 = arith.constant 0 : index
    %swap3A_196 = arith.constant 64 : index
    %swap3A_197 = vector.load %arg7[%swap3A_195, %swap3A_196] : memref<3136x128xf32, #tpu.memory_space<vmem>>, vector<3136x16xf32>
    tpu.vector_store %arg7[%swap3A_195, %swap3A_196], %add3A_194 {strides = array<i32>} : memref<3136x128xf32, #tpu.memory_space<vmem>>, vector<3136x16xf32>,
    %dot_general3A_198 = arith.constant dense<0.000000e+00> : vector<3136x48xf32>
    %dot_general3A_199 = tpu.matmul %add3A_194, %get3A_15, %dot_general3A_198 {dimension_numbers = #tpu.dot_dimension_numbers<[1], [0], [0], [1], [0, 0, 1, 1], [], []>, transpose_lhs_hint = false} : vector<3136x16xf32>, vector<16x48xf32>, vector<3136x48xf32> -> vector<3136x48xf32>
    %add3A_200 = vector.broadcast %get3A_18 : vector<1x48xf32> to vector<3136x48xf32>
    %add3A_201 = arith.addf %dot_general3A_199, %add3A_200 : vector<3136x48xf32>
    %slice3A_202 = vector.extract_strided_slice %add3A_9 {offsets = [0, 240], sizes = [3136, 48], strides = [1, 1]} : vector<3136x384xf32> to vector<3136x48xf32>
    %slice3A_203 = vector.extract_strided_slice %slice3A_202 {offsets = [0, 0], sizes = [3136, 16], strides = [1, 1]} : vector<3136x48xf32> to vector<3136x16xf32>
    %slice3A_204 = vector.extract_strided_slice %add3A_201 {offsets = [0, 0], sizes = [3136, 16], strides = [1, 1]} : vector<3136x48xf32> to vector<3136x16xf32>
    %add3A_205 = arith.addf %slice3A_203, %slice3A_204 : vector<3136x16xf32>
    %logistic3A_206 = arith.negf %add3A_205 : vector<3136x16xf32>
    %logistic3A_207 = math.exp %logistic3A_206 : vector<3136x16xf32>
    %logistic3A_208 = arith.constant 1.000000e+00 : f32
    %logistic3A_209 = vector.broadcast %logistic3A_208 : f32 to vector<3136x16xf32>
    %logistic3A_210 = arith.addf %logistic3A_209, %logistic3A_207 : vector<3136x16xf32>
    %logistic3A_211 = arith.divf %logistic3A_209, %logistic3A_210 : vector<3136x16xf32>
    %slice3A_212 = vector.extract_strided_slice %slice3A_202 {offsets = [0, 16], sizes = [3136, 16], strides = [1, 1]} : vector<3136x48xf32> to vector<3136x16xf32>
    %slice3A_213 = vector.extract_strided_slice %add3A_201 {offsets = [0, 16], sizes = [3136, 16], strides = [1, 1]} : vector<3136x48xf32> to vector<3136x16xf32>
    %add3A_214 = arith.addf %slice3A_212, %slice3A_213 : vector<3136x16xf32>
    %logistic3A_215 = arith.negf %add3A_214 : vector<3136x16xf32>
    %logistic3A_216 = math.exp %logistic3A_215 : vector<3136x16xf32>
    %logistic3A_217 = arith.constant 1.000000e+00 : f32
    %logistic3A_218 = vector.broadcast %logistic3A_217 : f32 to vector<3136x16xf32>
    %logistic3A_219 = arith.addf %logistic3A_218, %logistic3A_216 : vector<3136x16xf32>
    %logistic3A_220 = arith.divf %logistic3A_218, %logistic3A_219 : vector<3136x16xf32>
    %slice3A_221 = vector.extract_strided_slice %slice3A_202 {offsets = [0, 32], sizes = [3136, 16], strides = [1, 1]} : vector<3136x48xf32> to vector<3136x16xf32>
    %slice3A_222 = vector.extract_strided_slice %add3A_201 {offsets = [0, 32], sizes = [3136, 16], strides = [1, 1]} : vector<3136x48xf32> to vector<3136x16xf32>
    %mul3A_223 = arith.mulf %logistic3A_220, %slice3A_222 : vector<3136x16xf32>
    %add3A_224 = arith.addf %slice3A_221, %mul3A_223 : vector<3136x16xf32>
    %tanh3A_225 = math.tanh %add3A_224 : vector<3136x16xf32>
    %mul3A_226 = arith.mulf %logistic3A_211, %add3A_194 : vector<3136x16xf32>
    %sub3A_227 = arith.constant 1.000000e+00 : f32
    %sub3A_228 = vector.broadcast %sub3A_227 : f32 to vector<3136x16xf32>
    %sub3A_229 = arith.subf %sub3A_228, %logistic3A_211 : vector<3136x16xf32>
    %mul3A_230 = arith.mulf %sub3A_229, %tanh3A_225 : vector<3136x16xf32>
    %add3A_231 = arith.addf %mul3A_226, %mul3A_230 : vector<3136x16xf32>
    %swap3A_232 = arith.constant 0 : index
    %swap3A_233 = arith.constant 80 : index
    %swap3A_234 = vector.load %arg7[%swap3A_232, %swap3A_233] : memref<3136x128xf32, #tpu.memory_space<vmem>>, vector<3136x16xf32>
    tpu.vector_store %arg7[%swap3A_232, %swap3A_233], %add3A_231 {strides = array<i32>} : memref<3136x128xf32, #tpu.memory_space<vmem>>, vector<3136x16xf32>,
    %dot_general3A_235 = arith.constant dense<0.000000e+00> : vector<3136x48xf32>
    %dot_general3A_236 = tpu.matmul %add3A_231, %get3A_15, %dot_general3A_235 {dimension_numbers = #tpu.dot_dimension_numbers<[1], [0], [0], [1], [0, 0, 1, 1], [], []>, transpose_lhs_hint = false} : vector<3136x16xf32>, vector<16x48xf32>, vector<3136x48xf32> -> vector<3136x48xf32>
    %add3A_237 = vector.broadcast %get3A_18 : vector<1x48xf32> to vector<3136x48xf32>
    %add3A_238 = arith.addf %dot_general3A_236, %add3A_237 : vector<3136x48xf32>
    %slice3A_239 = vector.extract_strided_slice %add3A_9 {offsets = [0, 288], sizes = [3136, 48], strides = [1, 1]} : vector<3136x384xf32> to vector<3136x48xf32>
    %slice3A_240 = vector.extract_strided_slice %slice3A_239 {offsets = [0, 0], sizes = [3136, 16], strides = [1, 1]} : vector<3136x48xf32> to vector<3136x16xf32>
    %slice3A_241 = vector.extract_strided_slice %add3A_238 {offsets = [0, 0], sizes = [3136, 16], strides = [1, 1]} : vector<3136x48xf32> to vector<3136x16xf32>
    %add3A_242 = arith.addf %slice3A_240, %slice3A_241 : vector<3136x16xf32>
    %logistic3A_243 = arith.negf %add3A_242 : vector<3136x16xf32>
    %logistic3A_244 = math.exp %logistic3A_243 : vector<3136x16xf32>
    %logistic3A_245 = arith.constant 1.000000e+00 : f32
    %logistic3A_246 = vector.broadcast %logistic3A_245 : f32 to vector<3136x16xf32>
    %logistic3A_247 = arith.addf %logistic3A_246, %logistic3A_244 : vector<3136x16xf32>
    %logistic3A_248 = arith.divf %logistic3A_246, %logistic3A_247 : vector<3136x16xf32>
    %slice3A_249 = vector.extract_strided_slice %slice3A_239 {offsets = [0, 16], sizes = [3136, 16], strides = [1, 1]} : vector<3136x48xf32> to vector<3136x16xf32>
    %slice3A_250 = vector.extract_strided_slice %add3A_238 {offsets = [0, 16], sizes = [3136, 16], strides = [1, 1]} : vector<3136x48xf32> to vector<3136x16xf32>
    %add3A_251 = arith.addf %slice3A_249, %slice3A_250 : vector<3136x16xf32>
    %logistic3A_252 = arith.negf %add3A_251 : vector<3136x16xf32>
    %logistic3A_253 = math.exp %logistic3A_252 : vector<3136x16xf32>
    %logistic3A_254 = arith.constant 1.000000e+00 : f32
    %logistic3A_255 = vector.broadcast %logistic3A_254 : f32 to vector<3136x16xf32>
    %logistic3A_256 = arith.addf %logistic3A_255, %logistic3A_253 : vector<3136x16xf32>
    %logistic3A_257 = arith.divf %logistic3A_255, %logistic3A_256 : vector<3136x16xf32>
    %slice3A_258 = vector.extract_strided_slice %slice3A_239 {offsets = [0, 32], sizes = [3136, 16], strides = [1, 1]} : vector<3136x48xf32> to vector<3136x16xf32>
    %slice3A_259 = vector.extract_strided_slice %add3A_238 {offsets = [0, 32], sizes = [3136, 16], strides = [1, 1]} : vector<3136x48xf32> to vector<3136x16xf32>
    %mul3A_260 = arith.mulf %logistic3A_257, %slice3A_259 : vector<3136x16xf32>
    %add3A_261 = arith.addf %slice3A_258, %mul3A_260 : vector<3136x16xf32>
    %tanh3A_262 = math.tanh %add3A_261 : vector<3136x16xf32>
    %mul3A_263 = arith.mulf %logistic3A_248, %add3A_231 : vector<3136x16xf32>
    %sub3A_264 = arith.constant 1.000000e+00 : f32
    %sub3A_265 = vector.broadcast %sub3A_264 : f32 to vector<3136x16xf32>
    %sub3A_266 = arith.subf %sub3A_265, %logistic3A_248 : vector<3136x16xf32>
    %mul3A_267 = arith.mulf %sub3A_266, %tanh3A_262 : vector<3136x16xf32>
    %add3A_268 = arith.addf %mul3A_263, %mul3A_267 : vector<3136x16xf32>
    %swap3A_269 = arith.constant 0 : index
    %swap3A_270 = arith.constant 96 : index
    %swap3A_271 = vector.load %arg7[%swap3A_269, %swap3A_270] : memref<3136x128xf32, #tpu.memory_space<vmem>>, vector<3136x16xf32>
    tpu.vector_store %arg7[%swap3A_269, %swap3A_270], %add3A_268 {strides = array<i32>} : memref<3136x128xf32, #tpu.memory_space<vmem>>, vector<3136x16xf32>,
    %dot_general3A_272 = arith.constant dense<0.000000e+00> : vector<3136x48xf32>
    %dot_general3A_273 = tpu.matmul %add3A_268, %get3A_15, %dot_general3A_272 {dimension_numbers = #tpu.dot_dimension_numbers<[1], [0], [0], [1], [0, 0, 1, 1], [], []>, transpose_lhs_hint = false} : vector<3136x16xf32>, vector<16x48xf32>, vector<3136x48xf32> -> vector<3136x48xf32>
    %add3A_274 = vector.broadcast %get3A_18 : vector<1x48xf32> to vector<3136x48xf32>
    %add3A_275 = arith.addf %dot_general3A_273, %add3A_274 : vector<3136x48xf32>
    %slice3A_276 = vector.extract_strided_slice %add3A_9 {offsets = [0, 336], sizes = [3136, 48], strides = [1, 1]} : vector<3136x384xf32> to vector<3136x48xf32>
    %slice3A_277 = vector.extract_strided_slice %slice3A_276 {offsets = [0, 0], sizes = [3136, 16], strides = [1, 1]} : vector<3136x48xf32> to vector<3136x16xf32>
    %slice3A_278 = vector.extract_strided_slice %add3A_275 {offsets = [0, 0], sizes = [3136, 16], strides = [1, 1]} : vector<3136x48xf32> to vector<3136x16xf32>
    %add3A_279 = arith.addf %slice3A_277, %slice3A_278 : vector<3136x16xf32>
    %logistic3A_280 = arith.negf %add3A_279 : vector<3136x16xf32>
    %logistic3A_281 = math.exp %logistic3A_280 : vector<3136x16xf32>
    %logistic3A_282 = arith.constant 1.000000e+00 : f32
    %logistic3A_283 = vector.broadcast %logistic3A_282 : f32 to vector<3136x16xf32>
    %logistic3A_284 = arith.addf %logistic3A_283, %logistic3A_281 : vector<3136x16xf32>
    %logistic3A_285 = arith.divf %logistic3A_283, %logistic3A_284 : vector<3136x16xf32>
    %slice3A_286 = vector.extract_strided_slice %slice3A_276 {offsets = [0, 16], sizes = [3136, 16], strides = [1, 1]} : vector<3136x48xf32> to vector<3136x16xf32>
    %slice3A_287 = vector.extract_strided_slice %add3A_275 {offsets = [0, 16], sizes = [3136, 16], strides = [1, 1]} : vector<3136x48xf32> to vector<3136x16xf32>
    %add3A_288 = arith.addf %slice3A_286, %slice3A_287 : vector<3136x16xf32>
    %logistic3A_289 = arith.negf %add3A_288 : vector<3136x16xf32>
    %logistic3A_290 = math.exp %logistic3A_289 : vector<3136x16xf32>
    %logistic3A_291 = arith.constant 1.000000e+00 : f32
    %logistic3A_292 = vector.broadcast %logistic3A_291 : f32 to vector<3136x16xf32>
    %logistic3A_293 = arith.addf %logistic3A_292, %logistic3A_290 : vector<3136x16xf32>
    %logistic3A_294 = arith.divf %logistic3A_292, %logistic3A_293 : vector<3136x16xf32>
    %slice3A_295 = vector.extract_strided_slice %slice3A_276 {offsets = [0, 32], sizes = [3136, 16], strides = [1, 1]} : vector<3136x48xf32> to vector<3136x16xf32>
    %slice3A_296 = vector.extract_strided_slice %add3A_275 {offsets = [0, 32], sizes = [3136, 16], strides = [1, 1]} : vector<3136x48xf32> to vector<3136x16xf32>
    %mul3A_297 = arith.mulf %logistic3A_294, %slice3A_296 : vector<3136x16xf32>
    %add3A_298 = arith.addf %slice3A_295, %mul3A_297 : vector<3136x16xf32>
    %tanh3A_299 = math.tanh %add3A_298 : vector<3136x16xf32>
    %mul3A_300 = arith.mulf %logistic3A_285, %add3A_268 : vector<3136x16xf32>
    %sub3A_301 = arith.constant 1.000000e+00 : f32
    %sub3A_302 = vector.broadcast %sub3A_301 : f32 to vector<3136x16xf32>
    %sub3A_303 = arith.subf %sub3A_302, %logistic3A_285 : vector<3136x16xf32>
    %mul3A_304 = arith.mulf %sub3A_303, %tanh3A_299 : vector<3136x16xf32>
    %add3A_305 = arith.addf %mul3A_300, %mul3A_304 : vector<3136x16xf32>
    %swap3A_306 = arith.constant 0 : index
    %swap3A_307 = arith.constant 112 : index
    %swap3A_308 = vector.load %arg7[%swap3A_306, %swap3A_307] : memref<3136x128xf32, #tpu.memory_space<vmem>>, vector<3136x16xf32>
    tpu.vector_store %arg7[%swap3A_306, %swap3A_307], %add3A_305 {strides = array<i32>} : memref<3136x128xf32, #tpu.memory_space<vmem>>, vector<3136x16xf32>,
    %swap3A_309 = arith.constant 0 : index
    %swap3A_310 = arith.constant 0 : index
    %swap3A_311 = vector.load %arg8[%swap3A_309, %swap3A_310] : memref<3136x16xf32, #tpu.memory_space<vmem>>, vector<3136x16xf32>
    tpu.vector_store %arg8[%swap3A_309, %swap3A_310], %add3A_305 {strides = array<i32>} : memref<3136x16xf32, #tpu.memory_space<vmem>>, vector<3136x16xf32>,
    return
  }
  func.func @transform_0(%arg0: i32) -> (i32, i32) {
    %c0_i32 = arith.constant 0 : i32
    %c0_i32_0 = arith.constant 0 : i32
    return %arg0, %c0_i32 : i32, i32
  }
  func.func @transform_1(%arg0: i32) -> (i32, i32) {
    %c0_i32 = arith.constant 0 : i32
    %c0_i32_0 = arith.constant 0 : i32
    return %arg0, %c0_i32 : i32, i32
  }
  func.func @transform_2(%arg0: i32) -> (i32, i32) {
    %c0_i32 = arith.constant 0 : i32
    %c0_i32_0 = arith.constant 0 : i32
    %c0_i32_1 = arith.constant 0 : i32
    return %c0_i32, %c0_i32_0 : i32, i32
  }
  func.func @transform_3(%arg0: i32) -> (i32, i32) {
    %c0_i32 = arith.constant 0 : i32
    %c0_i32_0 = arith.constant 0 : i32
    %c0_i32_1 = arith.constant 0 : i32
    return %c0_i32, %c0_i32_0 : i32, i32
  }
  func.func @transform_4(%arg0: i32) -> (i32, i32) {
    %c0_i32 = arith.constant 0 : i32
    %c0_i32_0 = arith.constant 0 : i32
    %c0_i32_1 = arith.constant 0 : i32
    return %c0_i32, %c0_i32_0 : i32, i32
  }
  func.func @transform_5(%arg0: i32) -> (i32, i32) {
    %c0_i32 = arith.constant 0 : i32
    %c0_i32_0 = arith.constant 0 : i32
    %c0_i32_1 = arith.constant 0 : i32
    return %c0_i32, %c0_i32_0 : i32, i32
  }
  func.func @transform_6(%arg0: i32) -> (i32, i32) {
    %c0_i32 = arith.constant 0 : i32
    %c0_i32_0 = arith.constant 0 : i32
    return %arg0, %c0_i32 : i32, i32
  }
  func.func @transform_7(%arg0: i32) -> (i32, i32) {
    %c0_i32 = arith.constant 0 : i32
    %c0_i32_0 = arith.constant 0 : i32
    return %arg0, %c0_i32 : i32, i32
  }
}

module attributes {stable_mosaic.version = 14 : i64} {
  func.func @_lgru_body(%arg0: memref<2x10016x16xf32, #tpu.memory_space<vmem>>, %arg1: memref<10016x16xf32, #tpu.memory_space<vmem>>, %arg2: memref<16x48xf32, #tpu.memory_space<vmem>>, %arg3: memref<16x48xf32, #tpu.memory_space<vmem>>, %arg4: memref<2x48xf32, #tpu.memory_space<vmem>>, %arg5: memref<10016x16xf32, #tpu.memory_space<vmem>>) attributes {dimension_semantics = [], scalar_prefetch = 0 : i64, scratch_operands = 0 : i64, tpu.core_type = #tpu.core_type<tc>} {
    %get3A = arith.constant 0 : index
    %get3A_0 = arith.constant 0 : index
    %get3A_1 = arith.constant 0 : index
    %get3A_2 = vector.load %arg0[%get3A, %get3A_0, %get3A_1] : memref<2x10016x16xf32, #tpu.memory_space<vmem>>, vector<1x10016x16xf32>
    %get3A_3 = vector.shape_cast %get3A_2 : vector<1x10016x16xf32> to vector<10016x16xf32>
    %get3A_4 = arith.constant 1 : index
    %get3A_5 = arith.constant 0 : index
    %get3A_6 = arith.constant 0 : index
    %get3A_7 = vector.load %arg0[%get3A_4, %get3A_5, %get3A_6] : memref<2x10016x16xf32, #tpu.memory_space<vmem>>, vector<1x10016x16xf32>
    %get3A_8 = vector.shape_cast %get3A_7 : vector<1x10016x16xf32> to vector<10016x16xf32>
    %add3A = arith.addf %get3A_3, %get3A_8 : vector<10016x16xf32>
    %get3A_9 = arith.constant 0 : index
    %get3A_10 = arith.constant 0 : index
    %get3A_11 = vector.load %arg1[%get3A_9, %get3A_10] : memref<10016x16xf32, #tpu.memory_space<vmem>>, vector<10016x16xf32>
    %get3A_12 = arith.constant 0 : index
    %get3A_13 = arith.constant 0 : index
    %get3A_14 = vector.load %arg2[%get3A_12, %get3A_13] : memref<16x48xf32, #tpu.memory_space<vmem>>, vector<16x48xf32>
    %dot_general3A = arith.constant dense<0.000000e+00> : vector<10016x48xf32>
    %dot_general3A_15 = tpu.matmul %add3A, %get3A_14, %dot_general3A {dimension_numbers = #tpu.dot_dimension_numbers<[1], [0], [0], [1], [0, 0, 1, 1], [], []>, transpose_lhs_hint = false} : vector<10016x16xf32>, vector<16x48xf32>, vector<10016x48xf32> -> vector<10016x48xf32>
    %get3A_16 = arith.constant 0 : index
    %get3A_17 = arith.constant 0 : index
    %get3A_18 = vector.load %arg4[%get3A_16, %get3A_17] : memref<2x48xf32, #tpu.memory_space<vmem>>, vector<1x48xf32>
    %add3A_19 = vector.broadcast %get3A_18 : vector<1x48xf32> to vector<10016x48xf32>
    %add3A_20 = arith.addf %dot_general3A_15, %add3A_19 : vector<10016x48xf32>
    %get3A_21 = arith.constant 0 : index
    %get3A_22 = arith.constant 0 : index
    %get3A_23 = vector.load %arg3[%get3A_21, %get3A_22] : memref<16x48xf32, #tpu.memory_space<vmem>>, vector<16x48xf32>
    %dot_general3A_24 = arith.constant dense<0.000000e+00> : vector<10016x48xf32>
    %dot_general3A_25 = tpu.matmul %get3A_11, %get3A_23, %dot_general3A_24 {dimension_numbers = #tpu.dot_dimension_numbers<[1], [0], [0], [1], [0, 0, 1, 1], [], []>, transpose_lhs_hint = false} : vector<10016x16xf32>, vector<16x48xf32>, vector<10016x48xf32> -> vector<10016x48xf32>
    %get3A_26 = arith.constant 1 : index
    %get3A_27 = arith.constant 0 : index
    %get3A_28 = vector.load %arg4[%get3A_26, %get3A_27] : memref<2x48xf32, #tpu.memory_space<vmem>>, vector<1x48xf32>
    %add3A_29 = vector.broadcast %get3A_28 : vector<1x48xf32> to vector<10016x48xf32>
    %add3A_30 = arith.addf %dot_general3A_25, %add3A_29 : vector<10016x48xf32>
    %slice3A = vector.extract_strided_slice %add3A_20 {offsets = [0, 0], sizes = [10016, 16], strides = [1, 1]} : vector<10016x48xf32> to vector<10016x16xf32>
    %slice3A_31 = vector.extract_strided_slice %add3A_30 {offsets = [0, 0], sizes = [10016, 16], strides = [1, 1]} : vector<10016x48xf32> to vector<10016x16xf32>
    %add3A_32 = arith.addf %slice3A, %slice3A_31 : vector<10016x16xf32>
    %logistic3A = arith.negf %add3A_32 : vector<10016x16xf32>
    %logistic3A_33 = math.exp %logistic3A : vector<10016x16xf32>
    %logistic3A_34 = arith.constant 1.000000e+00 : f32
    %logistic3A_35 = vector.broadcast %logistic3A_34 : f32 to vector<10016x16xf32>
    %logistic3A_36 = arith.addf %logistic3A_35, %logistic3A_33 : vector<10016x16xf32>
    %logistic3A_37 = arith.divf %logistic3A_35, %logistic3A_36 : vector<10016x16xf32>
    %slice3A_38 = vector.extract_strided_slice %add3A_20 {offsets = [0, 16], sizes = [10016, 16], strides = [1, 1]} : vector<10016x48xf32> to vector<10016x16xf32>
    %slice3A_39 = vector.extract_strided_slice %add3A_30 {offsets = [0, 16], sizes = [10016, 16], strides = [1, 1]} : vector<10016x48xf32> to vector<10016x16xf32>
    %add3A_40 = arith.addf %slice3A_38, %slice3A_39 : vector<10016x16xf32>
    %logistic3A_41 = arith.negf %add3A_40 : vector<10016x16xf32>
    %logistic3A_42 = math.exp %logistic3A_41 : vector<10016x16xf32>
    %logistic3A_43 = arith.constant 1.000000e+00 : f32
    %logistic3A_44 = vector.broadcast %logistic3A_43 : f32 to vector<10016x16xf32>
    %logistic3A_45 = arith.addf %logistic3A_44, %logistic3A_42 : vector<10016x16xf32>
    %logistic3A_46 = arith.divf %logistic3A_44, %logistic3A_45 : vector<10016x16xf32>
    %slice3A_47 = vector.extract_strided_slice %add3A_20 {offsets = [0, 32], sizes = [10016, 16], strides = [1, 1]} : vector<10016x48xf32> to vector<10016x16xf32>
    %slice3A_48 = vector.extract_strided_slice %add3A_30 {offsets = [0, 32], sizes = [10016, 16], strides = [1, 1]} : vector<10016x48xf32> to vector<10016x16xf32>
    %mul3A = arith.mulf %logistic3A_46, %slice3A_48 : vector<10016x16xf32>
    %add3A_49 = arith.addf %slice3A_47, %mul3A : vector<10016x16xf32>
    %tanh3A = math.tanh %add3A_49 : vector<10016x16xf32>
    %mul3A_50 = arith.mulf %logistic3A_37, %get3A_11 : vector<10016x16xf32>
    %sub3A = arith.constant 1.000000e+00 : f32
    %sub3A_51 = vector.broadcast %sub3A : f32 to vector<10016x16xf32>
    %sub3A_52 = arith.subf %sub3A_51, %logistic3A_37 : vector<10016x16xf32>
    %mul3A_53 = arith.mulf %sub3A_52, %tanh3A : vector<10016x16xf32>
    %add3A_54 = arith.addf %mul3A_50, %mul3A_53 : vector<10016x16xf32>
    %swap3A = arith.constant 0 : index
    %swap3A_55 = arith.constant 0 : index
    %swap3A_56 = vector.load %arg5[%swap3A, %swap3A_55] : memref<10016x16xf32, #tpu.memory_space<vmem>>, vector<10016x16xf32>
    tpu.vector_store %arg5[%swap3A, %swap3A_55], %add3A_54 {strides = array<i32>} : memref<10016x16xf32, #tpu.memory_space<vmem>>, vector<10016x16xf32>,
    return
  }
}

module attributes {stable_mosaic.version = 14 : i64} {
  func.func @_pgru_last_body(%arg0: i32, %arg1: memref<3136x128xf32, #tpu.memory_space<vmem>>, %arg2: memref<3136x16xf32, #tpu.memory_space<vmem>>, %arg3: memref<128x384xf32, #tpu.memory_space<vmem>>, %arg4: memref<16x48xf32, #tpu.memory_space<vmem>>, %arg5: memref<1x384xf32, #tpu.memory_space<vmem>>, %arg6: memref<1x48xf32, #tpu.memory_space<vmem>>, %arg7: memref<3136x16xf32, #tpu.memory_space<vmem>>) attributes {dimension_semantics = [#tpu.dimension_semantics<arbitrary>], iteration_bounds = array<i64: 8>, scalar_prefetch = 0 : i64, scratch_operands = 0 : i64, tpu.core_type = #tpu.core_type<tc>, window_params = [{transform_indices = @transform_0, window_bounds = array<i64: 3136, 128>}, {transform_indices = @transform_1, window_bounds = array<i64: 3136, 16>}, {pipeline_mode = #tpu.pipeline_mode<synchronous>, transform_indices = @transform_2, window_bounds = array<i64: 128, 384>}, {pipeline_mode = #tpu.pipeline_mode<synchronous>, transform_indices = @transform_3, window_bounds = array<i64: 16, 48>}, {pipeline_mode = #tpu.pipeline_mode<synchronous>, transform_indices = @transform_4, window_bounds = array<i64: 1, 384>}, {pipeline_mode = #tpu.pipeline_mode<synchronous>, transform_indices = @transform_5, window_bounds = array<i64: 1, 48>}, {transform_indices = @transform_6, window_bounds = array<i64: 3136, 16>}]} {
    %get3A = arith.constant 0 : index
    %get3A_0 = arith.constant 0 : index
    %get3A_1 = vector.load %arg1[%get3A, %get3A_0] : memref<3136x128xf32, #tpu.memory_space<vmem>>, vector<3136x128xf32>
    %get3A_2 = arith.constant 0 : index
    %get3A_3 = arith.constant 0 : index
    %get3A_4 = vector.load %arg3[%get3A_2, %get3A_3] : memref<128x384xf32, #tpu.memory_space<vmem>>, vector<128x384xf32>
    %dot_general3A = arith.constant dense<0.000000e+00> : vector<3136x384xf32>
    %dot_general3A_5 = tpu.matmul %get3A_1, %get3A_4, %dot_general3A {dimension_numbers = #tpu.dot_dimension_numbers<[1], [0], [0], [1], [0, 0, 1, 1], [], []>, transpose_lhs_hint = false} : vector<3136x128xf32>, vector<128x384xf32>, vector<3136x384xf32> -> vector<3136x384xf32>
    %get3A_6 = arith.constant 0 : index
    %get3A_7 = arith.constant 0 : index
    %get3A_8 = vector.load %arg5[%get3A_6, %get3A_7] : memref<1x384xf32, #tpu.memory_space<vmem>>, vector<1x384xf32>
    %add3A = vector.broadcast %get3A_8 : vector<1x384xf32> to vector<3136x384xf32>
    %add3A_9 = arith.addf %dot_general3A_5, %add3A : vector<3136x384xf32>
    %get3A_10 = arith.constant 0 : index
    %get3A_11 = arith.constant 0 : index
    %get3A_12 = vector.load %arg2[%get3A_10, %get3A_11] : memref<3136x16xf32, #tpu.memory_space<vmem>>, vector<3136x16xf32>
    %get3A_13 = arith.constant 0 : index
    %get3A_14 = arith.constant 0 : index
    %get3A_15 = vector.load %arg4[%get3A_13, %get3A_14] : memref<16x48xf32, #tpu.memory_space<vmem>>, vector<16x48xf32>
    %get3A_16 = arith.constant 0 : index
    %get3A_17 = arith.constant 0 : index
    %get3A_18 = vector.load %arg6[%get3A_16, %get3A_17] : memref<1x48xf32, #tpu.memory_space<vmem>>, vector<1x48xf32>
    %dot_general3A_19 = arith.constant dense<0.000000e+00> : vector<3136x48xf32>
    %dot_general3A_20 = tpu.matmul %get3A_12, %get3A_15, %dot_general3A_19 {dimension_numbers = #tpu.dot_dimension_numbers<[1], [0], [0], [1], [0, 0, 1, 1], [], []>, transpose_lhs_hint = false} : vector<3136x16xf32>, vector<16x48xf32>, vector<3136x48xf32> -> vector<3136x48xf32>
    %add3A_21 = vector.broadcast %get3A_18 : vector<1x48xf32> to vector<3136x48xf32>
    %add3A_22 = arith.addf %dot_general3A_20, %add3A_21 : vector<3136x48xf32>
    %slice3A = vector.extract_strided_slice %add3A_9 {offsets = [0, 0], sizes = [3136, 48], strides = [1, 1]} : vector<3136x384xf32> to vector<3136x48xf32>
    %slice3A_23 = vector.extract_strided_slice %slice3A {offsets = [0, 0], sizes = [3136, 16], strides = [1, 1]} : vector<3136x48xf32> to vector<3136x16xf32>
    %slice3A_24 = vector.extract_strided_slice %add3A_22 {offsets = [0, 0], sizes = [3136, 16], strides = [1, 1]} : vector<3136x48xf32> to vector<3136x16xf32>
    %add3A_25 = arith.addf %slice3A_23, %slice3A_24 : vector<3136x16xf32>
    %logistic3A = arith.negf %add3A_25 : vector<3136x16xf32>
    %logistic3A_26 = math.exp %logistic3A : vector<3136x16xf32>
    %logistic3A_27 = arith.constant 1.000000e+00 : f32
    %logistic3A_28 = vector.broadcast %logistic3A_27 : f32 to vector<3136x16xf32>
    %logistic3A_29 = arith.addf %logistic3A_28, %logistic3A_26 : vector<3136x16xf32>
    %logistic3A_30 = arith.divf %logistic3A_28, %logistic3A_29 : vector<3136x16xf32>
    %slice3A_31 = vector.extract_strided_slice %slice3A {offsets = [0, 16], sizes = [3136, 16], strides = [1, 1]} : vector<3136x48xf32> to vector<3136x16xf32>
    %slice3A_32 = vector.extract_strided_slice %add3A_22 {offsets = [0, 16], sizes = [3136, 16], strides = [1, 1]} : vector<3136x48xf32> to vector<3136x16xf32>
    %add3A_33 = arith.addf %slice3A_31, %slice3A_32 : vector<3136x16xf32>
    %logistic3A_34 = arith.negf %add3A_33 : vector<3136x16xf32>
    %logistic3A_35 = math.exp %logistic3A_34 : vector<3136x16xf32>
    %logistic3A_36 = arith.constant 1.000000e+00 : f32
    %logistic3A_37 = vector.broadcast %logistic3A_36 : f32 to vector<3136x16xf32>
    %logistic3A_38 = arith.addf %logistic3A_37, %logistic3A_35 : vector<3136x16xf32>
    %logistic3A_39 = arith.divf %logistic3A_37, %logistic3A_38 : vector<3136x16xf32>
    %slice3A_40 = vector.extract_strided_slice %slice3A {offsets = [0, 32], sizes = [3136, 16], strides = [1, 1]} : vector<3136x48xf32> to vector<3136x16xf32>
    %slice3A_41 = vector.extract_strided_slice %add3A_22 {offsets = [0, 32], sizes = [3136, 16], strides = [1, 1]} : vector<3136x48xf32> to vector<3136x16xf32>
    %mul3A = arith.mulf %logistic3A_39, %slice3A_41 : vector<3136x16xf32>
    %add3A_42 = arith.addf %slice3A_40, %mul3A : vector<3136x16xf32>
    %tanh3A = math.tanh %add3A_42 : vector<3136x16xf32>
    %mul3A_43 = arith.mulf %logistic3A_30, %get3A_12 : vector<3136x16xf32>
    %sub3A = arith.constant 1.000000e+00 : f32
    %sub3A_44 = vector.broadcast %sub3A : f32 to vector<3136x16xf32>
    %sub3A_45 = arith.subf %sub3A_44, %logistic3A_30 : vector<3136x16xf32>
    %mul3A_46 = arith.mulf %sub3A_45, %tanh3A : vector<3136x16xf32>
    %add3A_47 = arith.addf %mul3A_43, %mul3A_46 : vector<3136x16xf32>
    %dot_general3A_48 = arith.constant dense<0.000000e+00> : vector<3136x48xf32>
    %dot_general3A_49 = tpu.matmul %add3A_47, %get3A_15, %dot_general3A_48 {dimension_numbers = #tpu.dot_dimension_numbers<[1], [0], [0], [1], [0, 0, 1, 1], [], []>, transpose_lhs_hint = false} : vector<3136x16xf32>, vector<16x48xf32>, vector<3136x48xf32> -> vector<3136x48xf32>
    %add3A_50 = vector.broadcast %get3A_18 : vector<1x48xf32> to vector<3136x48xf32>
    %add3A_51 = arith.addf %dot_general3A_49, %add3A_50 : vector<3136x48xf32>
    %slice3A_52 = vector.extract_strided_slice %add3A_9 {offsets = [0, 48], sizes = [3136, 48], strides = [1, 1]} : vector<3136x384xf32> to vector<3136x48xf32>
    %slice3A_53 = vector.extract_strided_slice %slice3A_52 {offsets = [0, 0], sizes = [3136, 16], strides = [1, 1]} : vector<3136x48xf32> to vector<3136x16xf32>
    %slice3A_54 = vector.extract_strided_slice %add3A_51 {offsets = [0, 0], sizes = [3136, 16], strides = [1, 1]} : vector<3136x48xf32> to vector<3136x16xf32>
    %add3A_55 = arith.addf %slice3A_53, %slice3A_54 : vector<3136x16xf32>
    %logistic3A_56 = arith.negf %add3A_55 : vector<3136x16xf32>
    %logistic3A_57 = math.exp %logistic3A_56 : vector<3136x16xf32>
    %logistic3A_58 = arith.constant 1.000000e+00 : f32
    %logistic3A_59 = vector.broadcast %logistic3A_58 : f32 to vector<3136x16xf32>
    %logistic3A_60 = arith.addf %logistic3A_59, %logistic3A_57 : vector<3136x16xf32>
    %logistic3A_61 = arith.divf %logistic3A_59, %logistic3A_60 : vector<3136x16xf32>
    %slice3A_62 = vector.extract_strided_slice %slice3A_52 {offsets = [0, 16], sizes = [3136, 16], strides = [1, 1]} : vector<3136x48xf32> to vector<3136x16xf32>
    %slice3A_63 = vector.extract_strided_slice %add3A_51 {offsets = [0, 16], sizes = [3136, 16], strides = [1, 1]} : vector<3136x48xf32> to vector<3136x16xf32>
    %add3A_64 = arith.addf %slice3A_62, %slice3A_63 : vector<3136x16xf32>
    %logistic3A_65 = arith.negf %add3A_64 : vector<3136x16xf32>
    %logistic3A_66 = math.exp %logistic3A_65 : vector<3136x16xf32>
    %logistic3A_67 = arith.constant 1.000000e+00 : f32
    %logistic3A_68 = vector.broadcast %logistic3A_67 : f32 to vector<3136x16xf32>
    %logistic3A_69 = arith.addf %logistic3A_68, %logistic3A_66 : vector<3136x16xf32>
    %logistic3A_70 = arith.divf %logistic3A_68, %logistic3A_69 : vector<3136x16xf32>
    %slice3A_71 = vector.extract_strided_slice %slice3A_52 {offsets = [0, 32], sizes = [3136, 16], strides = [1, 1]} : vector<3136x48xf32> to vector<3136x16xf32>
    %slice3A_72 = vector.extract_strided_slice %add3A_51 {offsets = [0, 32], sizes = [3136, 16], strides = [1, 1]} : vector<3136x48xf32> to vector<3136x16xf32>
    %mul3A_73 = arith.mulf %logistic3A_70, %slice3A_72 : vector<3136x16xf32>
    %add3A_74 = arith.addf %slice3A_71, %mul3A_73 : vector<3136x16xf32>
    %tanh3A_75 = math.tanh %add3A_74 : vector<3136x16xf32>
    %mul3A_76 = arith.mulf %logistic3A_61, %add3A_47 : vector<3136x16xf32>
    %sub3A_77 = arith.constant 1.000000e+00 : f32
    %sub3A_78 = vector.broadcast %sub3A_77 : f32 to vector<3136x16xf32>
    %sub3A_79 = arith.subf %sub3A_78, %logistic3A_61 : vector<3136x16xf32>
    %mul3A_80 = arith.mulf %sub3A_79, %tanh3A_75 : vector<3136x16xf32>
    %add3A_81 = arith.addf %mul3A_76, %mul3A_80 : vector<3136x16xf32>
    %dot_general3A_82 = arith.constant dense<0.000000e+00> : vector<3136x48xf32>
    %dot_general3A_83 = tpu.matmul %add3A_81, %get3A_15, %dot_general3A_82 {dimension_numbers = #tpu.dot_dimension_numbers<[1], [0], [0], [1], [0, 0, 1, 1], [], []>, transpose_lhs_hint = false} : vector<3136x16xf32>, vector<16x48xf32>, vector<3136x48xf32> -> vector<3136x48xf32>
    %add3A_84 = vector.broadcast %get3A_18 : vector<1x48xf32> to vector<3136x48xf32>
    %add3A_85 = arith.addf %dot_general3A_83, %add3A_84 : vector<3136x48xf32>
    %slice3A_86 = vector.extract_strided_slice %add3A_9 {offsets = [0, 96], sizes = [3136, 48], strides = [1, 1]} : vector<3136x384xf32> to vector<3136x48xf32>
    %slice3A_87 = vector.extract_strided_slice %slice3A_86 {offsets = [0, 0], sizes = [3136, 16], strides = [1, 1]} : vector<3136x48xf32> to vector<3136x16xf32>
    %slice3A_88 = vector.extract_strided_slice %add3A_85 {offsets = [0, 0], sizes = [3136, 16], strides = [1, 1]} : vector<3136x48xf32> to vector<3136x16xf32>
    %add3A_89 = arith.addf %slice3A_87, %slice3A_88 : vector<3136x16xf32>
    %logistic3A_90 = arith.negf %add3A_89 : vector<3136x16xf32>
    %logistic3A_91 = math.exp %logistic3A_90 : vector<3136x16xf32>
    %logistic3A_92 = arith.constant 1.000000e+00 : f32
    %logistic3A_93 = vector.broadcast %logistic3A_92 : f32 to vector<3136x16xf32>
    %logistic3A_94 = arith.addf %logistic3A_93, %logistic3A_91 : vector<3136x16xf32>
    %logistic3A_95 = arith.divf %logistic3A_93, %logistic3A_94 : vector<3136x16xf32>
    %slice3A_96 = vector.extract_strided_slice %slice3A_86 {offsets = [0, 16], sizes = [3136, 16], strides = [1, 1]} : vector<3136x48xf32> to vector<3136x16xf32>
    %slice3A_97 = vector.extract_strided_slice %add3A_85 {offsets = [0, 16], sizes = [3136, 16], strides = [1, 1]} : vector<3136x48xf32> to vector<3136x16xf32>
    %add3A_98 = arith.addf %slice3A_96, %slice3A_97 : vector<3136x16xf32>
    %logistic3A_99 = arith.negf %add3A_98 : vector<3136x16xf32>
    %logistic3A_100 = math.exp %logistic3A_99 : vector<3136x16xf32>
    %logistic3A_101 = arith.constant 1.000000e+00 : f32
    %logistic3A_102 = vector.broadcast %logistic3A_101 : f32 to vector<3136x16xf32>
    %logistic3A_103 = arith.addf %logistic3A_102, %logistic3A_100 : vector<3136x16xf32>
    %logistic3A_104 = arith.divf %logistic3A_102, %logistic3A_103 : vector<3136x16xf32>
    %slice3A_105 = vector.extract_strided_slice %slice3A_86 {offsets = [0, 32], sizes = [3136, 16], strides = [1, 1]} : vector<3136x48xf32> to vector<3136x16xf32>
    %slice3A_106 = vector.extract_strided_slice %add3A_85 {offsets = [0, 32], sizes = [3136, 16], strides = [1, 1]} : vector<3136x48xf32> to vector<3136x16xf32>
    %mul3A_107 = arith.mulf %logistic3A_104, %slice3A_106 : vector<3136x16xf32>
    %add3A_108 = arith.addf %slice3A_105, %mul3A_107 : vector<3136x16xf32>
    %tanh3A_109 = math.tanh %add3A_108 : vector<3136x16xf32>
    %mul3A_110 = arith.mulf %logistic3A_95, %add3A_81 : vector<3136x16xf32>
    %sub3A_111 = arith.constant 1.000000e+00 : f32
    %sub3A_112 = vector.broadcast %sub3A_111 : f32 to vector<3136x16xf32>
    %sub3A_113 = arith.subf %sub3A_112, %logistic3A_95 : vector<3136x16xf32>
    %mul3A_114 = arith.mulf %sub3A_113, %tanh3A_109 : vector<3136x16xf32>
    %add3A_115 = arith.addf %mul3A_110, %mul3A_114 : vector<3136x16xf32>
    %dot_general3A_116 = arith.constant dense<0.000000e+00> : vector<3136x48xf32>
    %dot_general3A_117 = tpu.matmul %add3A_115, %get3A_15, %dot_general3A_116 {dimension_numbers = #tpu.dot_dimension_numbers<[1], [0], [0], [1], [0, 0, 1, 1], [], []>, transpose_lhs_hint = false} : vector<3136x16xf32>, vector<16x48xf32>, vector<3136x48xf32> -> vector<3136x48xf32>
    %add3A_118 = vector.broadcast %get3A_18 : vector<1x48xf32> to vector<3136x48xf32>
    %add3A_119 = arith.addf %dot_general3A_117, %add3A_118 : vector<3136x48xf32>
    %slice3A_120 = vector.extract_strided_slice %add3A_9 {offsets = [0, 144], sizes = [3136, 48], strides = [1, 1]} : vector<3136x384xf32> to vector<3136x48xf32>
    %slice3A_121 = vector.extract_strided_slice %slice3A_120 {offsets = [0, 0], sizes = [3136, 16], strides = [1, 1]} : vector<3136x48xf32> to vector<3136x16xf32>
    %slice3A_122 = vector.extract_strided_slice %add3A_119 {offsets = [0, 0], sizes = [3136, 16], strides = [1, 1]} : vector<3136x48xf32> to vector<3136x16xf32>
    %add3A_123 = arith.addf %slice3A_121, %slice3A_122 : vector<3136x16xf32>
    %logistic3A_124 = arith.negf %add3A_123 : vector<3136x16xf32>
    %logistic3A_125 = math.exp %logistic3A_124 : vector<3136x16xf32>
    %logistic3A_126 = arith.constant 1.000000e+00 : f32
    %logistic3A_127 = vector.broadcast %logistic3A_126 : f32 to vector<3136x16xf32>
    %logistic3A_128 = arith.addf %logistic3A_127, %logistic3A_125 : vector<3136x16xf32>
    %logistic3A_129 = arith.divf %logistic3A_127, %logistic3A_128 : vector<3136x16xf32>
    %slice3A_130 = vector.extract_strided_slice %slice3A_120 {offsets = [0, 16], sizes = [3136, 16], strides = [1, 1]} : vector<3136x48xf32> to vector<3136x16xf32>
    %slice3A_131 = vector.extract_strided_slice %add3A_119 {offsets = [0, 16], sizes = [3136, 16], strides = [1, 1]} : vector<3136x48xf32> to vector<3136x16xf32>
    %add3A_132 = arith.addf %slice3A_130, %slice3A_131 : vector<3136x16xf32>
    %logistic3A_133 = arith.negf %add3A_132 : vector<3136x16xf32>
    %logistic3A_134 = math.exp %logistic3A_133 : vector<3136x16xf32>
    %logistic3A_135 = arith.constant 1.000000e+00 : f32
    %logistic3A_136 = vector.broadcast %logistic3A_135 : f32 to vector<3136x16xf32>
    %logistic3A_137 = arith.addf %logistic3A_136, %logistic3A_134 : vector<3136x16xf32>
    %logistic3A_138 = arith.divf %logistic3A_136, %logistic3A_137 : vector<3136x16xf32>
    %slice3A_139 = vector.extract_strided_slice %slice3A_120 {offsets = [0, 32], sizes = [3136, 16], strides = [1, 1]} : vector<3136x48xf32> to vector<3136x16xf32>
    %slice3A_140 = vector.extract_strided_slice %add3A_119 {offsets = [0, 32], sizes = [3136, 16], strides = [1, 1]} : vector<3136x48xf32> to vector<3136x16xf32>
    %mul3A_141 = arith.mulf %logistic3A_138, %slice3A_140 : vector<3136x16xf32>
    %add3A_142 = arith.addf %slice3A_139, %mul3A_141 : vector<3136x16xf32>
    %tanh3A_143 = math.tanh %add3A_142 : vector<3136x16xf32>
    %mul3A_144 = arith.mulf %logistic3A_129, %add3A_115 : vector<3136x16xf32>
    %sub3A_145 = arith.constant 1.000000e+00 : f32
    %sub3A_146 = vector.broadcast %sub3A_145 : f32 to vector<3136x16xf32>
    %sub3A_147 = arith.subf %sub3A_146, %logistic3A_129 : vector<3136x16xf32>
    %mul3A_148 = arith.mulf %sub3A_147, %tanh3A_143 : vector<3136x16xf32>
    %add3A_149 = arith.addf %mul3A_144, %mul3A_148 : vector<3136x16xf32>
    %dot_general3A_150 = arith.constant dense<0.000000e+00> : vector<3136x48xf32>
    %dot_general3A_151 = tpu.matmul %add3A_149, %get3A_15, %dot_general3A_150 {dimension_numbers = #tpu.dot_dimension_numbers<[1], [0], [0], [1], [0, 0, 1, 1], [], []>, transpose_lhs_hint = false} : vector<3136x16xf32>, vector<16x48xf32>, vector<3136x48xf32> -> vector<3136x48xf32>
    %add3A_152 = vector.broadcast %get3A_18 : vector<1x48xf32> to vector<3136x48xf32>
    %add3A_153 = arith.addf %dot_general3A_151, %add3A_152 : vector<3136x48xf32>
    %slice3A_154 = vector.extract_strided_slice %add3A_9 {offsets = [0, 192], sizes = [3136, 48], strides = [1, 1]} : vector<3136x384xf32> to vector<3136x48xf32>
    %slice3A_155 = vector.extract_strided_slice %slice3A_154 {offsets = [0, 0], sizes = [3136, 16], strides = [1, 1]} : vector<3136x48xf32> to vector<3136x16xf32>
    %slice3A_156 = vector.extract_strided_slice %add3A_153 {offsets = [0, 0], sizes = [3136, 16], strides = [1, 1]} : vector<3136x48xf32> to vector<3136x16xf32>
    %add3A_157 = arith.addf %slice3A_155, %slice3A_156 : vector<3136x16xf32>
    %logistic3A_158 = arith.negf %add3A_157 : vector<3136x16xf32>
    %logistic3A_159 = math.exp %logistic3A_158 : vector<3136x16xf32>
    %logistic3A_160 = arith.constant 1.000000e+00 : f32
    %logistic3A_161 = vector.broadcast %logistic3A_160 : f32 to vector<3136x16xf32>
    %logistic3A_162 = arith.addf %logistic3A_161, %logistic3A_159 : vector<3136x16xf32>
    %logistic3A_163 = arith.divf %logistic3A_161, %logistic3A_162 : vector<3136x16xf32>
    %slice3A_164 = vector.extract_strided_slice %slice3A_154 {offsets = [0, 16], sizes = [3136, 16], strides = [1, 1]} : vector<3136x48xf32> to vector<3136x16xf32>
    %slice3A_165 = vector.extract_strided_slice %add3A_153 {offsets = [0, 16], sizes = [3136, 16], strides = [1, 1]} : vector<3136x48xf32> to vector<3136x16xf32>
    %add3A_166 = arith.addf %slice3A_164, %slice3A_165 : vector<3136x16xf32>
    %logistic3A_167 = arith.negf %add3A_166 : vector<3136x16xf32>
    %logistic3A_168 = math.exp %logistic3A_167 : vector<3136x16xf32>
    %logistic3A_169 = arith.constant 1.000000e+00 : f32
    %logistic3A_170 = vector.broadcast %logistic3A_169 : f32 to vector<3136x16xf32>
    %logistic3A_171 = arith.addf %logistic3A_170, %logistic3A_168 : vector<3136x16xf32>
    %logistic3A_172 = arith.divf %logistic3A_170, %logistic3A_171 : vector<3136x16xf32>
    %slice3A_173 = vector.extract_strided_slice %slice3A_154 {offsets = [0, 32], sizes = [3136, 16], strides = [1, 1]} : vector<3136x48xf32> to vector<3136x16xf32>
    %slice3A_174 = vector.extract_strided_slice %add3A_153 {offsets = [0, 32], sizes = [3136, 16], strides = [1, 1]} : vector<3136x48xf32> to vector<3136x16xf32>
    %mul3A_175 = arith.mulf %logistic3A_172, %slice3A_174 : vector<3136x16xf32>
    %add3A_176 = arith.addf %slice3A_173, %mul3A_175 : vector<3136x16xf32>
    %tanh3A_177 = math.tanh %add3A_176 : vector<3136x16xf32>
    %mul3A_178 = arith.mulf %logistic3A_163, %add3A_149 : vector<3136x16xf32>
    %sub3A_179 = arith.constant 1.000000e+00 : f32
    %sub3A_180 = vector.broadcast %sub3A_179 : f32 to vector<3136x16xf32>
    %sub3A_181 = arith.subf %sub3A_180, %logistic3A_163 : vector<3136x16xf32>
    %mul3A_182 = arith.mulf %sub3A_181, %tanh3A_177 : vector<3136x16xf32>
    %add3A_183 = arith.addf %mul3A_178, %mul3A_182 : vector<3136x16xf32>
    %dot_general3A_184 = arith.constant dense<0.000000e+00> : vector<3136x48xf32>
    %dot_general3A_185 = tpu.matmul %add3A_183, %get3A_15, %dot_general3A_184 {dimension_numbers = #tpu.dot_dimension_numbers<[1], [0], [0], [1], [0, 0, 1, 1], [], []>, transpose_lhs_hint = false} : vector<3136x16xf32>, vector<16x48xf32>, vector<3136x48xf32> -> vector<3136x48xf32>
    %add3A_186 = vector.broadcast %get3A_18 : vector<1x48xf32> to vector<3136x48xf32>
    %add3A_187 = arith.addf %dot_general3A_185, %add3A_186 : vector<3136x48xf32>
    %slice3A_188 = vector.extract_strided_slice %add3A_9 {offsets = [0, 240], sizes = [3136, 48], strides = [1, 1]} : vector<3136x384xf32> to vector<3136x48xf32>
    %slice3A_189 = vector.extract_strided_slice %slice3A_188 {offsets = [0, 0], sizes = [3136, 16], strides = [1, 1]} : vector<3136x48xf32> to vector<3136x16xf32>
    %slice3A_190 = vector.extract_strided_slice %add3A_187 {offsets = [0, 0], sizes = [3136, 16], strides = [1, 1]} : vector<3136x48xf32> to vector<3136x16xf32>
    %add3A_191 = arith.addf %slice3A_189, %slice3A_190 : vector<3136x16xf32>
    %logistic3A_192 = arith.negf %add3A_191 : vector<3136x16xf32>
    %logistic3A_193 = math.exp %logistic3A_192 : vector<3136x16xf32>
    %logistic3A_194 = arith.constant 1.000000e+00 : f32
    %logistic3A_195 = vector.broadcast %logistic3A_194 : f32 to vector<3136x16xf32>
    %logistic3A_196 = arith.addf %logistic3A_195, %logistic3A_193 : vector<3136x16xf32>
    %logistic3A_197 = arith.divf %logistic3A_195, %logistic3A_196 : vector<3136x16xf32>
    %slice3A_198 = vector.extract_strided_slice %slice3A_188 {offsets = [0, 16], sizes = [3136, 16], strides = [1, 1]} : vector<3136x48xf32> to vector<3136x16xf32>
    %slice3A_199 = vector.extract_strided_slice %add3A_187 {offsets = [0, 16], sizes = [3136, 16], strides = [1, 1]} : vector<3136x48xf32> to vector<3136x16xf32>
    %add3A_200 = arith.addf %slice3A_198, %slice3A_199 : vector<3136x16xf32>
    %logistic3A_201 = arith.negf %add3A_200 : vector<3136x16xf32>
    %logistic3A_202 = math.exp %logistic3A_201 : vector<3136x16xf32>
    %logistic3A_203 = arith.constant 1.000000e+00 : f32
    %logistic3A_204 = vector.broadcast %logistic3A_203 : f32 to vector<3136x16xf32>
    %logistic3A_205 = arith.addf %logistic3A_204, %logistic3A_202 : vector<3136x16xf32>
    %logistic3A_206 = arith.divf %logistic3A_204, %logistic3A_205 : vector<3136x16xf32>
    %slice3A_207 = vector.extract_strided_slice %slice3A_188 {offsets = [0, 32], sizes = [3136, 16], strides = [1, 1]} : vector<3136x48xf32> to vector<3136x16xf32>
    %slice3A_208 = vector.extract_strided_slice %add3A_187 {offsets = [0, 32], sizes = [3136, 16], strides = [1, 1]} : vector<3136x48xf32> to vector<3136x16xf32>
    %mul3A_209 = arith.mulf %logistic3A_206, %slice3A_208 : vector<3136x16xf32>
    %add3A_210 = arith.addf %slice3A_207, %mul3A_209 : vector<3136x16xf32>
    %tanh3A_211 = math.tanh %add3A_210 : vector<3136x16xf32>
    %mul3A_212 = arith.mulf %logistic3A_197, %add3A_183 : vector<3136x16xf32>
    %sub3A_213 = arith.constant 1.000000e+00 : f32
    %sub3A_214 = vector.broadcast %sub3A_213 : f32 to vector<3136x16xf32>
    %sub3A_215 = arith.subf %sub3A_214, %logistic3A_197 : vector<3136x16xf32>
    %mul3A_216 = arith.mulf %sub3A_215, %tanh3A_211 : vector<3136x16xf32>
    %add3A_217 = arith.addf %mul3A_212, %mul3A_216 : vector<3136x16xf32>
    %dot_general3A_218 = arith.constant dense<0.000000e+00> : vector<3136x48xf32>
    %dot_general3A_219 = tpu.matmul %add3A_217, %get3A_15, %dot_general3A_218 {dimension_numbers = #tpu.dot_dimension_numbers<[1], [0], [0], [1], [0, 0, 1, 1], [], []>, transpose_lhs_hint = false} : vector<3136x16xf32>, vector<16x48xf32>, vector<3136x48xf32> -> vector<3136x48xf32>
    %add3A_220 = vector.broadcast %get3A_18 : vector<1x48xf32> to vector<3136x48xf32>
    %add3A_221 = arith.addf %dot_general3A_219, %add3A_220 : vector<3136x48xf32>
    %slice3A_222 = vector.extract_strided_slice %add3A_9 {offsets = [0, 288], sizes = [3136, 48], strides = [1, 1]} : vector<3136x384xf32> to vector<3136x48xf32>
    %slice3A_223 = vector.extract_strided_slice %slice3A_222 {offsets = [0, 0], sizes = [3136, 16], strides = [1, 1]} : vector<3136x48xf32> to vector<3136x16xf32>
    %slice3A_224 = vector.extract_strided_slice %add3A_221 {offsets = [0, 0], sizes = [3136, 16], strides = [1, 1]} : vector<3136x48xf32> to vector<3136x16xf32>
    %add3A_225 = arith.addf %slice3A_223, %slice3A_224 : vector<3136x16xf32>
    %logistic3A_226 = arith.negf %add3A_225 : vector<3136x16xf32>
    %logistic3A_227 = math.exp %logistic3A_226 : vector<3136x16xf32>
    %logistic3A_228 = arith.constant 1.000000e+00 : f32
    %logistic3A_229 = vector.broadcast %logistic3A_228 : f32 to vector<3136x16xf32>
    %logistic3A_230 = arith.addf %logistic3A_229, %logistic3A_227 : vector<3136x16xf32>
    %logistic3A_231 = arith.divf %logistic3A_229, %logistic3A_230 : vector<3136x16xf32>
    %slice3A_232 = vector.extract_strided_slice %slice3A_222 {offsets = [0, 16], sizes = [3136, 16], strides = [1, 1]} : vector<3136x48xf32> to vector<3136x16xf32>
    %slice3A_233 = vector.extract_strided_slice %add3A_221 {offsets = [0, 16], sizes = [3136, 16], strides = [1, 1]} : vector<3136x48xf32> to vector<3136x16xf32>
    %add3A_234 = arith.addf %slice3A_232, %slice3A_233 : vector<3136x16xf32>
    %logistic3A_235 = arith.negf %add3A_234 : vector<3136x16xf32>
    %logistic3A_236 = math.exp %logistic3A_235 : vector<3136x16xf32>
    %logistic3A_237 = arith.constant 1.000000e+00 : f32
    %logistic3A_238 = vector.broadcast %logistic3A_237 : f32 to vector<3136x16xf32>
    %logistic3A_239 = arith.addf %logistic3A_238, %logistic3A_236 : vector<3136x16xf32>
    %logistic3A_240 = arith.divf %logistic3A_238, %logistic3A_239 : vector<3136x16xf32>
    %slice3A_241 = vector.extract_strided_slice %slice3A_222 {offsets = [0, 32], sizes = [3136, 16], strides = [1, 1]} : vector<3136x48xf32> to vector<3136x16xf32>
    %slice3A_242 = vector.extract_strided_slice %add3A_221 {offsets = [0, 32], sizes = [3136, 16], strides = [1, 1]} : vector<3136x48xf32> to vector<3136x16xf32>
    %mul3A_243 = arith.mulf %logistic3A_240, %slice3A_242 : vector<3136x16xf32>
    %add3A_244 = arith.addf %slice3A_241, %mul3A_243 : vector<3136x16xf32>
    %tanh3A_245 = math.tanh %add3A_244 : vector<3136x16xf32>
    %mul3A_246 = arith.mulf %logistic3A_231, %add3A_217 : vector<3136x16xf32>
    %sub3A_247 = arith.constant 1.000000e+00 : f32
    %sub3A_248 = vector.broadcast %sub3A_247 : f32 to vector<3136x16xf32>
    %sub3A_249 = arith.subf %sub3A_248, %logistic3A_231 : vector<3136x16xf32>
    %mul3A_250 = arith.mulf %sub3A_249, %tanh3A_245 : vector<3136x16xf32>
    %add3A_251 = arith.addf %mul3A_246, %mul3A_250 : vector<3136x16xf32>
    %dot_general3A_252 = arith.constant dense<0.000000e+00> : vector<3136x48xf32>
    %dot_general3A_253 = tpu.matmul %add3A_251, %get3A_15, %dot_general3A_252 {dimension_numbers = #tpu.dot_dimension_numbers<[1], [0], [0], [1], [0, 0, 1, 1], [], []>, transpose_lhs_hint = false} : vector<3136x16xf32>, vector<16x48xf32>, vector<3136x48xf32> -> vector<3136x48xf32>
    %add3A_254 = vector.broadcast %get3A_18 : vector<1x48xf32> to vector<3136x48xf32>
    %add3A_255 = arith.addf %dot_general3A_253, %add3A_254 : vector<3136x48xf32>
    %slice3A_256 = vector.extract_strided_slice %add3A_9 {offsets = [0, 336], sizes = [3136, 48], strides = [1, 1]} : vector<3136x384xf32> to vector<3136x48xf32>
    %slice3A_257 = vector.extract_strided_slice %slice3A_256 {offsets = [0, 0], sizes = [3136, 16], strides = [1, 1]} : vector<3136x48xf32> to vector<3136x16xf32>
    %slice3A_258 = vector.extract_strided_slice %add3A_255 {offsets = [0, 0], sizes = [3136, 16], strides = [1, 1]} : vector<3136x48xf32> to vector<3136x16xf32>
    %add3A_259 = arith.addf %slice3A_257, %slice3A_258 : vector<3136x16xf32>
    %logistic3A_260 = arith.negf %add3A_259 : vector<3136x16xf32>
    %logistic3A_261 = math.exp %logistic3A_260 : vector<3136x16xf32>
    %logistic3A_262 = arith.constant 1.000000e+00 : f32
    %logistic3A_263 = vector.broadcast %logistic3A_262 : f32 to vector<3136x16xf32>
    %logistic3A_264 = arith.addf %logistic3A_263, %logistic3A_261 : vector<3136x16xf32>
    %logistic3A_265 = arith.divf %logistic3A_263, %logistic3A_264 : vector<3136x16xf32>
    %slice3A_266 = vector.extract_strided_slice %slice3A_256 {offsets = [0, 16], sizes = [3136, 16], strides = [1, 1]} : vector<3136x48xf32> to vector<3136x16xf32>
    %slice3A_267 = vector.extract_strided_slice %add3A_255 {offsets = [0, 16], sizes = [3136, 16], strides = [1, 1]} : vector<3136x48xf32> to vector<3136x16xf32>
    %add3A_268 = arith.addf %slice3A_266, %slice3A_267 : vector<3136x16xf32>
    %logistic3A_269 = arith.negf %add3A_268 : vector<3136x16xf32>
    %logistic3A_270 = math.exp %logistic3A_269 : vector<3136x16xf32>
    %logistic3A_271 = arith.constant 1.000000e+00 : f32
    %logistic3A_272 = vector.broadcast %logistic3A_271 : f32 to vector<3136x16xf32>
    %logistic3A_273 = arith.addf %logistic3A_272, %logistic3A_270 : vector<3136x16xf32>
    %logistic3A_274 = arith.divf %logistic3A_272, %logistic3A_273 : vector<3136x16xf32>
    %slice3A_275 = vector.extract_strided_slice %slice3A_256 {offsets = [0, 32], sizes = [3136, 16], strides = [1, 1]} : vector<3136x48xf32> to vector<3136x16xf32>
    %slice3A_276 = vector.extract_strided_slice %add3A_255 {offsets = [0, 32], sizes = [3136, 16], strides = [1, 1]} : vector<3136x48xf32> to vector<3136x16xf32>
    %mul3A_277 = arith.mulf %logistic3A_274, %slice3A_276 : vector<3136x16xf32>
    %add3A_278 = arith.addf %slice3A_275, %mul3A_277 : vector<3136x16xf32>
    %tanh3A_279 = math.tanh %add3A_278 : vector<3136x16xf32>
    %mul3A_280 = arith.mulf %logistic3A_265, %add3A_251 : vector<3136x16xf32>
    %sub3A_281 = arith.constant 1.000000e+00 : f32
    %sub3A_282 = vector.broadcast %sub3A_281 : f32 to vector<3136x16xf32>
    %sub3A_283 = arith.subf %sub3A_282, %logistic3A_265 : vector<3136x16xf32>
    %mul3A_284 = arith.mulf %sub3A_283, %tanh3A_279 : vector<3136x16xf32>
    %add3A_285 = arith.addf %mul3A_280, %mul3A_284 : vector<3136x16xf32>
    %swap3A = arith.constant 0 : index
    %swap3A_286 = arith.constant 0 : index
    %swap3A_287 = vector.load %arg7[%swap3A, %swap3A_286] : memref<3136x16xf32, #tpu.memory_space<vmem>>, vector<3136x16xf32>
    tpu.vector_store %arg7[%swap3A, %swap3A_286], %add3A_285 {strides = array<i32>} : memref<3136x16xf32, #tpu.memory_space<vmem>>, vector<3136x16xf32>,
    return
  }
  func.func @transform_0(%arg0: i32) -> (i32, i32) {
    %c0_i32 = arith.constant 0 : i32
    %c0_i32_0 = arith.constant 0 : i32
    return %arg0, %c0_i32 : i32, i32
  }
  func.func @transform_1(%arg0: i32) -> (i32, i32) {
    %c0_i32 = arith.constant 0 : i32
    %c0_i32_0 = arith.constant 0 : i32
    return %arg0, %c0_i32 : i32, i32
  }
  func.func @transform_2(%arg0: i32) -> (i32, i32) {
    %c0_i32 = arith.constant 0 : i32
    %c0_i32_0 = arith.constant 0 : i32
    %c0_i32_1 = arith.constant 0 : i32
    return %c0_i32, %c0_i32_0 : i32, i32
  }
  func.func @transform_3(%arg0: i32) -> (i32, i32) {
    %c0_i32 = arith.constant 0 : i32
    %c0_i32_0 = arith.constant 0 : i32
    %c0_i32_1 = arith.constant 0 : i32
    return %c0_i32, %c0_i32_0 : i32, i32
  }
  func.func @transform_4(%arg0: i32) -> (i32, i32) {
    %c0_i32 = arith.constant 0 : i32
    %c0_i32_0 = arith.constant 0 : i32
    %c0_i32_1 = arith.constant 0 : i32
    return %c0_i32, %c0_i32_0 : i32, i32
  }
  func.func @transform_5(%arg0: i32) -> (i32, i32) {
    %c0_i32 = arith.constant 0 : i32
    %c0_i32_0 = arith.constant 0 : i32
    %c0_i32_1 = arith.constant 0 : i32
    return %c0_i32, %c0_i32_0 : i32, i32
  }
  func.func @transform_6(%arg0: i32) -> (i32, i32) {
    %c0_i32 = arith.constant 0 : i32
    %c0_i32_0 = arith.constant 0 : i32
    return %arg0, %c0_i32 : i32, i32
  }
}

module attributes {stable_mosaic.version = 14 : i64} {
  func.func @_mlp_body(%arg0: i32, %arg1: memref<5000x16xf32, #tpu.memory_space<vmem>>, %arg2: memref<16x256xf32, #tpu.memory_space<vmem>>, %arg3: memref<1x256xf32, #tpu.memory_space<vmem>>, %arg4: memref<256x256xf32, #tpu.memory_space<vmem>>, %arg5: memref<1x256xf32, #tpu.memory_space<vmem>>, %arg6: memref<256x1xf32, #tpu.memory_space<vmem>>, %arg7: memref<1x1xf32, #tpu.memory_space<vmem>>, %arg8: memref<5000x256xf32, #tpu.memory_space<vmem>>, %arg9: memref<5000x256xf32, #tpu.memory_space<vmem>>, %arg10: memref<5000x1xf32, #tpu.memory_space<vmem>>) attributes {dimension_semantics = [#tpu.dimension_semantics<arbitrary>], iteration_bounds = array<i64: 5>, scalar_prefetch = 0 : i64, scratch_operands = 0 : i64, tpu.core_type = #tpu.core_type<tc>, window_params = [{transform_indices = @transform_0, window_bounds = array<i64: 5000, 16>}, {pipeline_mode = #tpu.pipeline_mode<synchronous>, transform_indices = @transform_1, window_bounds = array<i64: 16, 256>}, {pipeline_mode = #tpu.pipeline_mode<synchronous>, transform_indices = @transform_2, window_bounds = array<i64: 1, 256>}, {pipeline_mode = #tpu.pipeline_mode<synchronous>, transform_indices = @transform_3, window_bounds = array<i64: 256, 256>}, {pipeline_mode = #tpu.pipeline_mode<synchronous>, transform_indices = @transform_4, window_bounds = array<i64: 1, 256>}, {pipeline_mode = #tpu.pipeline_mode<synchronous>, transform_indices = @transform_5, window_bounds = array<i64: 256, 1>}, {pipeline_mode = #tpu.pipeline_mode<synchronous>, transform_indices = @transform_6, window_bounds = array<i64: 1, 1>}, {transform_indices = @transform_7, window_bounds = array<i64: 5000, 256>}, {transform_indices = @transform_8, window_bounds = array<i64: 5000, 256>}, {transform_indices = @transform_9, window_bounds = array<i64: 5000, 1>}]} {
    %get3A = arith.constant 0 : index
    %get3A_0 = arith.constant 0 : index
    %get3A_1 = vector.load %arg1[%get3A, %get3A_0] : memref<5000x16xf32, #tpu.memory_space<vmem>>, vector<5000x16xf32>
    %get3A_2 = arith.constant 0 : index
    %get3A_3 = arith.constant 0 : index
    %get3A_4 = vector.load %arg2[%get3A_2, %get3A_3] : memref<16x256xf32, #tpu.memory_space<vmem>>, vector<16x256xf32>
    %dot_general3A = arith.constant dense<0.000000e+00> : vector<5000x256xf32>
    %dot_general3A_5 = tpu.matmul %get3A_1, %get3A_4, %dot_general3A {dimension_numbers = #tpu.dot_dimension_numbers<[1], [0], [0], [1], [0, 0, 1, 1], [], []>, transpose_lhs_hint = false} : vector<5000x16xf32>, vector<16x256xf32>, vector<5000x256xf32> -> vector<5000x256xf32>
    %get3A_6 = arith.constant 0 : index
    %get3A_7 = arith.constant 0 : index
    %get3A_8 = vector.load %arg3[%get3A_6, %get3A_7] : memref<1x256xf32, #tpu.memory_space<vmem>>, vector<1x256xf32>
    %add3A = vector.broadcast %get3A_8 : vector<1x256xf32> to vector<5000x256xf32>
    %add3A_9 = arith.addf %dot_general3A_5, %add3A : vector<5000x256xf32>
    %gt3A = arith.constant 0.000000e+00 : f32
    %gt3A_10 = vector.broadcast %gt3A : f32 to vector<5000x256xf32>
    %gt3A_11 = arith.cmpf ogt, %add3A_9, %gt3A_10 : vector<5000x256xf32>
    %exp3A = math.exp %add3A_9 : vector<5000x256xf32>
    %sub3A = arith.constant 1.000000e+00 : f32
    %sub3A_12 = vector.broadcast %sub3A : f32 to vector<5000x256xf32>
    %sub3A_13 = arith.subf %exp3A, %sub3A_12 : vector<5000x256xf32>
    %mul3A = arith.constant 1.67326319 : f32
    %mul3A_14 = vector.broadcast %mul3A : f32 to vector<5000x256xf32>
    %mul3A_15 = arith.mulf %mul3A_14, %sub3A_13 : vector<5000x256xf32>
    %select_n3A = arith.select %gt3A_11, %add3A_9, %mul3A_15 : vector<5000x256xi1>, vector<5000x256xf32>
    %mul3A_16 = arith.constant 1.05070102 : f32
    %mul3A_17 = vector.broadcast %mul3A_16 : f32 to vector<5000x256xf32>
    %mul3A_18 = arith.mulf %mul3A_17, %select_n3A : vector<5000x256xf32>
    %get3A_19 = arith.constant 0 : index
    %get3A_20 = arith.constant 0 : index
    %get3A_21 = vector.load %arg8[%get3A_19, %get3A_20] : memref<5000x256xf32, #tpu.memory_space<vmem>>, vector<5000x256xf32>
    %mul3A_22 = arith.mulf %mul3A_18, %get3A_21 : vector<5000x256xf32>
    %get3A_23 = arith.constant 0 : index
    %get3A_24 = arith.constant 0 : index
    %get3A_25 = vector.load %arg4[%get3A_23, %get3A_24] : memref<256x256xf32, #tpu.memory_space<vmem>>, vector<256x256xf32>
    %dot_general3A_26 = arith.constant dense<0.000000e+00> : vector<5000x256xf32>
    %dot_general3A_27 = tpu.matmul %mul3A_22, %get3A_25, %dot_general3A_26 {dimension_numbers = #tpu.dot_dimension_numbers<[1], [0], [0], [1], [0, 0, 1, 1], [], []>, transpose_lhs_hint = false} : vector<5000x256xf32>, vector<256x256xf32>, vector<5000x256xf32> -> vector<5000x256xf32>
    %get3A_28 = arith.constant 0 : index
    %get3A_29 = arith.constant 0 : index
    %get3A_30 = vector.load %arg5[%get3A_28, %get3A_29] : memref<1x256xf32, #tpu.memory_space<vmem>>, vector<1x256xf32>
    %add3A_31 = vector.broadcast %get3A_30 : vector<1x256xf32> to vector<5000x256xf32>
    %add3A_32 = arith.addf %dot_general3A_27, %add3A_31 : vector<5000x256xf32>
    %gt3A_33 = arith.constant 0.000000e+00 : f32
    %gt3A_34 = vector.broadcast %gt3A_33 : f32 to vector<5000x256xf32>
    %gt3A_35 = arith.cmpf ogt, %add3A_32, %gt3A_34 : vector<5000x256xf32>
    %exp3A_36 = math.exp %add3A_32 : vector<5000x256xf32>
    %sub3A_37 = arith.constant 1.000000e+00 : f32
    %sub3A_38 = vector.broadcast %sub3A_37 : f32 to vector<5000x256xf32>
    %sub3A_39 = arith.subf %exp3A_36, %sub3A_38 : vector<5000x256xf32>
    %mul3A_40 = arith.constant 1.67326319 : f32
    %mul3A_41 = vector.broadcast %mul3A_40 : f32 to vector<5000x256xf32>
    %mul3A_42 = arith.mulf %mul3A_41, %sub3A_39 : vector<5000x256xf32>
    %select_n3A_43 = arith.select %gt3A_35, %add3A_32, %mul3A_42 : vector<5000x256xi1>, vector<5000x256xf32>
    %mul3A_44 = arith.constant 1.05070102 : f32
    %mul3A_45 = vector.broadcast %mul3A_44 : f32 to vector<5000x256xf32>
    %mul3A_46 = arith.mulf %mul3A_45, %select_n3A_43 : vector<5000x256xf32>
    %get3A_47 = arith.constant 0 : index
    %get3A_48 = arith.constant 0 : index
    %get3A_49 = vector.load %arg9[%get3A_47, %get3A_48] : memref<5000x256xf32, #tpu.memory_space<vmem>>, vector<5000x256xf32>
    %mul3A_50 = arith.mulf %mul3A_46, %get3A_49 : vector<5000x256xf32>
    %get3A_51 = arith.constant 0 : index
    %get3A_52 = arith.constant 0 : index
    %get3A_53 = vector.load %arg6[%get3A_51, %get3A_52] : memref<256x1xf32, #tpu.memory_space<vmem>>, vector<256x1xf32>
    %dot_general3A_54 = arith.constant dense<0.000000e+00> : vector<5000x1xf32>
    %dot_general3A_55 = tpu.matmul %mul3A_50, %get3A_53, %dot_general3A_54 {dimension_numbers = #tpu.dot_dimension_numbers<[1], [0], [0], [1], [0, 0, 1, 1], [], []>, transpose_lhs_hint = false} : vector<5000x256xf32>, vector<256x1xf32>, vector<5000x1xf32> -> vector<5000x1xf32>
    %get3A_56 = arith.constant 0 : index
    %get3A_57 = arith.constant 0 : index
    %get3A_58 = vector.load %arg7[%get3A_56, %get3A_57] : memref<1x1xf32, #tpu.memory_space<vmem>>, vector<1x1xf32>
    %add3A_59 = vector.broadcast %get3A_58 : vector<1x1xf32> to vector<5000x1xf32>
    %add3A_60 = arith.addf %dot_general3A_55, %add3A_59 : vector<5000x1xf32>
    %max3A = arith.constant 0.000000e+00 : f32
    %max3A_61 = vector.broadcast %max3A : f32 to vector<5000x1xf32>
    %max3A_62 = arith.maximumf %add3A_60, %max3A_61 : vector<5000x1xf32>
    %swap3A = arith.constant 0 : index
    %swap3A_63 = arith.constant 0 : index
    %swap3A_64 = vector.load %arg10[%swap3A, %swap3A_63] : memref<5000x1xf32, #tpu.memory_space<vmem>>, vector<5000x1xf32>
    tpu.vector_store %arg10[%swap3A, %swap3A_63], %max3A_62 {strides = array<i32>} : memref<5000x1xf32, #tpu.memory_space<vmem>>, vector<5000x1xf32>,
    return
  }
  func.func @transform_0(%arg0: i32) -> (i32, i32) {
    %c0_i32 = arith.constant 0 : i32
    %c0_i32_0 = arith.constant 0 : i32
    return %arg0, %c0_i32 : i32, i32
  }
  func.func @transform_1(%arg0: i32) -> (i32, i32) {
    %c0_i32 = arith.constant 0 : i32
    %c0_i32_0 = arith.constant 0 : i32
    %c0_i32_1 = arith.constant 0 : i32
    return %c0_i32, %c0_i32_0 : i32, i32
  }
  func.func @transform_2(%arg0: i32) -> (i32, i32) {
    %c0_i32 = arith.constant 0 : i32
    %c0_i32_0 = arith.constant 0 : i32
    %c0_i32_1 = arith.constant 0 : i32
    return %c0_i32, %c0_i32_0 : i32, i32
  }
  func.func @transform_3(%arg0: i32) -> (i32, i32) {
    %c0_i32 = arith.constant 0 : i32
    %c0_i32_0 = arith.constant 0 : i32
    %c0_i32_1 = arith.constant 0 : i32
    return %c0_i32, %c0_i32_0 : i32, i32
  }
  func.func @transform_4(%arg0: i32) -> (i32, i32) {
    %c0_i32 = arith.constant 0 : i32
    %c0_i32_0 = arith.constant 0 : i32
    %c0_i32_1 = arith.constant 0 : i32
    return %c0_i32, %c0_i32_0 : i32, i32
  }
  func.func @transform_5(%arg0: i32) -> (i32, i32) {
    %c0_i32 = arith.constant 0 : i32
    %c0_i32_0 = arith.constant 0 : i32
    %c0_i32_1 = arith.constant 0 : i32
    return %c0_i32, %c0_i32_0 : i32, i32
  }
  func.func @transform_6(%arg0: i32) -> (i32, i32) {
    %c0_i32 = arith.constant 0 : i32
    %c0_i32_0 = arith.constant 0 : i32
    %c0_i32_1 = arith.constant 0 : i32
    return %c0_i32, %c0_i32_0 : i32, i32
  }
  func.func @transform_7(%arg0: i32) -> (i32, i32) {
    %c0_i32 = arith.constant 0 : i32
    %c0_i32_0 = arith.constant 0 : i32
    return %arg0, %c0_i32 : i32, i32
  }
  func.func @transform_8(%arg0: i32) -> (i32, i32) {
    %c0_i32 = arith.constant 0 : i32
    %c0_i32_0 = arith.constant 0 : i32
    return %arg0, %c0_i32 : i32, i32
  }
  func.func @transform_9(%arg0: i32) -> (i32, i32) {
    %c0_i32 = arith.constant 0 : i32
    %c0_i32_0 = arith.constant 0 : i32
    return %arg0, %c0_i32 : i32, i32
  }
}

</mosaic_0001>

<sc_bundles>
// kernel: kernel.19.cloned.1.call-start
scs
__scs_entry_jumppad:
0x0: {  	(pc) =	sbr.rel $0x88, $3  }
0x1: {  	(tag) =	ssettag $0x0;
	lr =	simm.s32 $0x1  }
0x2: {  	[smem:$0x3F92] =	sst lr;
	_ =	strace $0xD0000000  }
0x3: {  	_ = 	snop  }
0x4: {  	_ = 	snop  }
0x5: {  	_ = 	snop  }
0x6: {  	_ = 	snop  }
0x7: {  	_ = 	snop  }
__scs_overlays_trampoline_lowered:
0x8: {  	[smem:$0x3FA1] =	sst s0  }
0x9: {  	[smem:$0x3FA2] =	sst s1  }
0xa: {  	[smem:$0x3FA3] =	sst s2  }
0xb: {  	[smem:$0x3FA4] =	sst s3  }
0xc: {  	[smem:$0x3FA5] =	sst s4  }
0xd: {  	[smem:$0x3FA6] =	sst s5  }
0xe: {  	[smem:$0x3FA7] =	sst s6  }
0xf: {  	[smem:$0x3FA8] =	sst s7  }
0x10: {  	[smem:$0x3FA9] =	sst s8  }
0x11: {  	[smem:$0x3FAA] =	sst s9;
	s0 =	simm.s32 @!p0 $0x0  }
0x12: {  	s1 =	sld [smem:$0x3F90];
	s0 =	simm.s32 @p0 $0x1  }
0x13: {  	[smem:$0x3FAB] =	sst s0;
	s0 =	simm.s32 @!p1 $0x0  }
0x14: {  	s2 =	sld [smem:$0x3F8F];
	s0 =	simm.s32 @p1 $0x1  }
0x15: {  	[smem:$0x3FAC] =	sst s0;
	s0 =	simm.s32 @!p2 $0x0  }
0x16: {  	s3 =	sld [smem:$0x3FDB];
	s0 =	simm.s32 @p2 $0x1  }
0x17: {  	s4 =	simm.s32 $0x1BF5;
	[smem:$0x3FAE] =	sst s0  }
0x18: {  	s0 =	sld [smem:$0x3F91];
	_ =	swait.ge [sflag:s4], $0x0  }
0x19: {  	s7 =	sld [smem:$0x3F92]  }
0x1a: {  	s8 =	sadd.s32 $0xFFFFE003, lr  }
0x1b: {  	s9 =	sadd.s32 $0xFFFFFEF7, lr;
	s5 =	simm.s32 $0xFFFFFFFF;
	p2 =	slt.u32 s8, $0xFFFFF086  }
0x1c: {  	p1 =	slt.u32 s9, $0xF7A;
	s5 =	simm.s32 @!p2 $0x0  }
0x1d: {  	s5 =	simm.s32 @p1 $0x1;
	p0 =	seq.s32 s7, s2  }
0x1e: {  	s7 =	smul.u32 @!p0 $0xF7A, s2;
	p2 =	seq.s32 @!p0 s5, $0x0  }
0x1f: {  	s9 =	smul.u32 $0xF7A, s1;
	s8 =	simm.s32 @!p0 $0x1BF5;
	p2 =	por !p2, p0  }
0x20: {  	[sflag:s8] =	ssyncset.s32 @!p0 $0xFFFFF086;
	s6 =	sadd.s32 @!p0 s3, s7;
	s7 =	simm.s32 @!p0 $0x108  }
0x21: {  	s3 =	sadd.s32 s3, s9;
	s6 =	sadd.s32 @!p0 $0x88, s6;
	s7 =	simm.s32 @p2 $0x1082  }
0x22: {  	[simem:s7], [sflag:s8] =	dma.local @!p0 [hbm:s6], $0xF7A  }
0x23: {  	s9 =	sor.u32 $0xD0000000, s2;
	s6 =	simm.s32 $0x108;
	_ =	swait.ge @!p0 [sflag:s8], $0x0  }
0x24: {  	s3 =	sadd.s32 $0x88, s3;
	s6 =	simm.s32 @!p1 $0x1082;
	[sflag:s4] =	ssyncset.s32 $0xFFFFF086  }
0x25: {  	[simem:s6], [sflag:s4] =	dma.local [hbm:s3], $0xF7A  }
0x26: {  	[smem:$0x3F92] =	sst s1;
	(tag) =	ssettag s2;
	_ =	strace s9  }
0x27: {  	s1 =	sld [smem:$0x3FA2]  }
0x28: {  	s2 =	sld [smem:$0x3FA3]  }
0x29: {  	s4 =	sld [smem:$0x3FA5]  }
0x2a: {  	p0 =	seq.s32 s5, $0x0;
	s5 =	sld [smem:$0x3FA6]  }
0x2b: {  	s6 =	sld [smem:$0x3FA7]  }
0x2c: {  	s7 =	sld [smem:$0x3FA8]  }
0x2d: {  	s3 =	simm.s32 $0x108;
	s8 =	sld [smem:$0x3FA9]  }
0x2e: {  	s3 =	simm.s32 @!p0 $0x1082;
	s9 =	sld [smem:$0x3FAA]  }
0x2f: {  	lr =	sadd.s32 s0, s3;
	s0 =	sld [smem:$0x3FA1]  }
0x30: {  	s3 =	sld [smem:$0x3FA4]  }
0x31: {  	[smem:$0x3FAD] =	sst s10  }
0x32: {  	s10 =	sld [smem:$0x3FAB];
	_ =	sdelay $0x3  }
0x33: {  	p0 =	seq.s32 s10, $0x1;
	s10 =	sld [smem:$0x3FAD];
	_ =	sdelay $0x3  }
0x34: {  	[smem:$0x3FAD] =	sst s10  }
0x35: {  	s10 =	sld [smem:$0x3FAC];
	_ =	sdelay $0x3  }
0x36: {  	p1 =	seq.s32 s10, $0x1;
	s10 =	sld [smem:$0x3FAD];
	_ =	sdelay $0x3  }
0x37: {  	[smem:$0x3FAD] =	sst s10  }
0x38: {  	s10 =	sld [smem:$0x3FAE]  }
0x39: {  	_ = 	snop;
	(pc) =	sbr.ind lr, $3  }
0x3a: {  	_ = 	snop  }
0x3b: {  	_ = 	snop  }
0x3c: {  	p2 =	seq.s32 s10, $0x1;
	s10 =	sld [smem:$0x3FAD]  }
0x3d: {  	_ =	shalt  }
0x3e: {  	_ =	shalt  }
0x3f: {  	_ =	shalt  }
0x40: {  	_ =	shalt  }
0x41: {  	_ =	shalt  }
0x42: {  	_ =	shalt  }
0x43: {  	_ =	shalt  }
0x44: {  	_ =	shalt  }
0x45: {  	_ =	shalt  }
0x46: {  	_ =	shalt  }
0x47: {  	_ =	shalt  }
0x48: {  	_ =	shalt  }
0x49: {  	_ =	shalt  }
0x4a: {  	_ =	shalt  }
0x4b: {  	_ =	shalt  }
0x4c: {  	_ =	shalt  }
0x4d: {  	_ =	shalt  }
0x4e: {  	_ =	shalt  }
0x4f: {  	_ =	shalt  }
0x50: {  	_ =	shalt  }
0x51: {  	_ =	shalt  }
0x52: {  	_ =	shalt  }
0x53: {  	_ =	shalt  }
0x54: {  	_ =	shalt  }
0x55: {  	_ =	shalt  }
0x56: {  	_ =	shalt  }
0x57: {  	_ =	shalt  }
0x58: {  	_ =	shalt  }
0x59: {  	_ =	shalt  }
0x5a: {  	_ =	shalt  }
0x5b: {  	_ =	shalt  }
0x5c: {  	_ =	shalt  }
0x5d: {  	_ =	shalt  }
0x5e: {  	_ =	shalt  }
0x5f: {  	_ =	shalt  }
0x60: {  	_ =	shalt  }
0x61: {  	_ =	shalt  }
0x62: {  	_ =	shalt  }
0x63: {  	_ =	shalt  }
0x64: {  	_ =	shalt  }
0x65: {  	_ =	shalt  }
0x66: {  	_ =	shalt  }
0x67: {  	_ =	shalt  }
0x68: {  	_ =	shalt  }
0x69: {  	_ =	shalt  }
0x6a: {  	_ =	shalt  }
0x6b: {  	_ =	shalt  }
0x6c: {  	_ =	shalt  }
0x6d: {  	_ =	shalt  }
0x6e: {  	_ =	shalt  }
0x6f: {  	_ =	shalt  }
0x70: {  	_ =	shalt  }
0x71: {  	_ =	shalt  }
0x72: {  	_ =	shalt  }
0x73: {  	_ =	shalt  }
0x74: {  	_ =	shalt  }
0x75: {  	_ =	shalt  }
0x76: {  	_ =	shalt  }
0x77: {  	_ =	shalt  }
0x78: {  	_ =	shalt  }
0x79: {  	_ =	shalt  }
0x7a: {  	_ =	shalt  }
0x7b: {  	_ =	shalt  }
0x7c: {  	_ =	shalt  }
0x7d: {  	_ =	shalt  }
0x7e: {  	_ =	shalt  }
0x7f: {  	_ =	shalt  }
0x80: {  	_ =	shalt  }
0x81: {  	_ =	shalt  }
0x82: {  	_ =	shalt  }
0x83: {  	_ =	shalt  }
0x84: {  	_ =	shalt  }
0x85: {  	_ =	shalt  }
0x86: {  	_ =	shalt  }
0x87: {  	_ =	shalt  }
.Lfunc_end0:
.L_simem_size_0:
called_computation_lowered:
.L_overlay_start_0:
0x88: {  	s2 =	sld [smem:$0x3FD9]  }
0x89: {  	s3 =	sld [smem:$0x3FFE];
	_ =	sdelay $0x1  }
0x8a: {  	s1 =	srdreg.scid  }
0x8b: {  	s0 =	sand.u32 $0x1, s1  }
0x8c: {  	s16 =	sshll.u32 s0, $0xA;
	s2 =	sadd.s32 s3, s2  }
0x8d: {  	s2 =	sadd.s32 s2, s16  }
0x8e: {  	[smem:$0x3FB9] =	sst s2  }
0x8f: {  	_ = 	snop  }
0x90: {  	(tm) =	ssettm $0x1  }
0x91: {  	s17 =	sld [smem:$0x3FFB];
	_ =	sdelay $0x3  }
0x92: {  	_ =	strace s17  }
0x93: {  	s2 =	sld [smem:$0x3FFC];
	_ =	sdelay $0x3  }
0x94: {  	_ =	strace s2  }
0x95: {  	s2 =	sld [smem:$0x3FFD];
	_ =	sdelay $0x3  }
0x96: {  	_ =	strace s2  }
0x97: {  	_ =	strace $0x8FFFFFFF  }
0x98: {  	s18 =	sld [smem:$0x3FDB];
	_ =	sdelay $0x1  }
0x99: {  	s19 =	simm.s32 $_scs_section_size  }
0x9a: {  	s4 =	simm.s32 $_size__tile_overlayer_lowered;
	s5 =	simm.s32 $_tile_overlayer_lowered  }
0x9b: {  	s22 =	simm.s32 $0x1BFF;
	s21 =	sshll.u32 s5, $0x1;
	s2 =	sadd.s32 s19, s18  }
0x9c: {  	s6 =	simm.s32 $0x0;
	s20 =	sshll.u32 s4, $0x1;
	s4 =	sadd.s32 s21, s2  }
0x9d: {  	[timem:s6], [sflag:s22] =	dma.local [hbm:s4], s20  }
0x9e: {  	_ =	swait.ge [sflag:s22], s20  }
0x9f: {  	s3 =	ssub.s32 $0x0, s20;
	[sflag:s22] =	ssyncset.done $0x0  }
0xa0: {  	[sflag:s22] =	ssyncadd.s32 s3;
	_ =	sdelay $0x1  }
0xa1: {  	s23 =	simm.s32 $0x1B8B  }
0xa2: {  	_ =	swait.ge [sflag:s23], $0x1  }
0xa3: {  	[sflag:s23] =	ssyncset.done $0x0  }
0xa4: {  	s25 =	simm.s32 $0x1B8E;
	s24 =	sld [smem:$0x3FFE];
	[sflag:s23] =	ssyncadd.s32 $0xFFFFFFFF  }
0xa5: {  	s26 =	simm.s32 $execute0_lowered;
	[smem:$0x3FD2] =	sst s25  }
0xa6: {  	s4 =	sshll.u32 s26, $0x1;
	_ =	strace $0x80000046;
	[dreg:$0x1] =	wrdreg $0xFFFFFFFF  }
0xa7: {  	s28 =	simm.s32 $_size_execute0_lowered;
	s2 =	sadd.s32 s2, s4;
	[dreg:$0x0] =	wrdreg $0x0  }
0xa8: {  	s4 =	sshll.u32 s28, $0x1;
	[dreg:$0x2] =	wrdreg s2  }
0xa9: {  	[dreg:$0x3] =	wrdreg s4  }
0xaa: {  	[dreg:$0x4] =	wrdreg $0xC0  }
0xab: {  	_ =	task [dreg:s6], $0x5FFFF  }
0xac: {  	[dreg:$0x1] =	wrdreg $0xFFFFFFFF  }
0xad: {  	[dreg:$0x0] =	wrdreg $0x60  }
0xae: {  	[dreg:$0x2] =	wrdreg s24  }
0xaf: {  	[dreg:$0x3] =	wrdreg $0x9  }
0xb0: {  	_ =	task.clear_ibuf [dreg:s6], $0x4FFFF;
	_ =	strace $0x90000046  }
0xb1: {  	s29 =	simm.s32 $0x9;
	_ =	strace $0x80000048  }
0xb2: {  	_ =	swait.ge [sflag:s29], $0x1  }
0xb3: {  	[sflag:s29] =	ssyncadd.s32 $0xFFFFFFFF  }
0xb4: {  	_ =	strace $0x90000048  }
0xb5: {  	_ =	sfence  }
0xb6: {  	s30 =	sld [smem:$0x0];
	_ =	sdelay $0x2  }
0xb7: {  	s31 =	sshll.u32 s1, $0xD;
	s1 =	sshrl.u32 s1, $0x2  }
0xb8: {  	s3 =	sand.u32 $0x4000, s31;
	s1 =	sadd.s32 s1, s30  }
0xb9: {  	s0 =	sor.u32 s3, s0;
	s1 =	sshll.u32 s1, $0x11  }
0xba: {  	s0 =	sor.u32 s1, s0  }
0xbb: {  	s0 =	sadd.s32 $0x8F2B, s0  }
0xbc: {  	[sflag:s0] =	ssyncadd.remote.s32 $0x1  }
0xbd: {  	_ =	sfence.sel $0xFFFF  }
0xbe: {  	[dreg:$0x0] =	wrdreg $0xFFFFFFFF;
	(pc) =	sbr.abs _section_cstart, $3  }
0xbf: {  	[dreg:$0x1] =	wrdreg $0xFFFFFFFF  }
0xc0: {  	_ =	task.clear_ibuf [dreg:s6], $0x2FFFF;
	_ =	strace $0x9FFFFFFF  }
0xc1: {  	(tm) =	ssettm $0x7FFFFFFF  }
tec
execute0_lowered:
.L_overlay_start_1:
0x0: {  	(tag) =	ssettag $0x1  }
0x1: {  	s1 =	srdreg.scid;
	s0 =	stileid.u32  }
0x2: {  	s5 =	rddreg [dreg:$0x0];
	s2 =	simm.s32 $0x0;
	s8 =	simm.s32 $0x80  }
0x3: {  	s9 =	simm.s32 $0x1;
	s4 =	sand.u32 $0x1, s1;
	s30 =	sshll.u32 s0, $0x1  }
0x4: {  	s10 =	simm.s32 $0x1880;
	s1 =	rddreg [dreg:$0x1];
	s3 =	sor.u32 s4, s30  }
0x5: {  	s11 =	simm.s32 $0x0;
	[smem:$0x7FF] =	sst s2;
	s6 =	smul.u32 $0x310, s3  }
0x6: {  	_ =	strace $0x80000047;
	s4 =	ssub.s32 $0x2, s4;
	s7 =	smul.u32 $0x3100, s3  }
0x7: {  	s3 =	sadd.s32 $0x4A00, s5;
	s31 =	sshrl.u32 s4, $0x1;
	s6 =	sadd.s32 s6, s5  }
0x8: {  	s5 =	sadd.s32 s7, s5;
	s7 =	ssub.s32 s4, s31;
	s4 =	sadd.s32 $0x9A00, s6  }
0x9: {  	s5 =	sadd.s32 $0xFC00, s5;
	s6 =	smax.u32 s7, $0x1;
	s7 =	simm.s32 $0x2  }
.LBB2_1:
0xa: {  	[tilespmem:s2], [sflag:$0x2] =	stream.linear.gather [hbm4b:s4+s2], $0x1880, $0x38;
	[tilespmem:$0x1A080] =	vst v63  }
0xb: {  	_ =	swait.ge [sflag:s7], $0x1880  }
0xc: {  	[sflag:s7] =	ssyncset.done $0x0  }
0xd: {  	s12 =	simm.s32 $0x0;
	s13 =	simm.s32 $0x1880;
	[sflag:s7] =	ssyncadd.s32 $0xFFFFE780  }
0xe: {  	[tilespmem:s13], [sflag:$0x1] =	stream.indirect.gather [hbm4b:s3+s8], $0x10, s12, s8, $0xb8;
	[tilespmem:$0x1A080] =	vst v63  }
0xf: {  	s19 =	simm.s32 $0x2080;
	s20 =	simm.s32 $0x80  }
0x10: {  	[tilespmem:s19], [sflag:$0x1] =	stream.indirect.gather [hbm4b:s3+s8], $0x10, s20, s8, $0xb8;
	[tilespmem:$0x1A080] =	vst v63  }
0x11: {  	s21 =	simm.s32 $0x2880;
	s22 =	simm.s32 $0x100  }
0x12: {  	[tilespmem:s21], [sflag:$0x1] =	stream.indirect.gather [hbm4b:s3+s8], $0x10, s22, s8, $0xb8;
	[tilespmem:$0x1A080] =	vst v63  }
0x13: {  	s23 =	simm.s32 $0x3080;
	s24 =	simm.s32 $0x180  }
0x14: {  	[tilespmem:s23], [sflag:$0x1] =	stream.indirect.gather [hbm4b:s3+s8], $0x10, s24, s8, $0xb8;
	[tilespmem:$0x1A080] =	vst v63  }
0x15: {  	s25 =	simm.s32 $0x3880;
	s26 =	simm.s32 $0x200  }
0x16: {  	[tilespmem:s25], [sflag:$0x1] =	stream.indirect.gather [hbm4b:s3+s8], $0x10, s26, s8, $0xb8;
	[tilespmem:$0x1A080] =	vst v63  }
0x17: {  	s28 =	simm.s32 $0x4080;
	s29 =	simm.s32 $0x280  }
0x18: {  	[tilespmem:s28], [sflag:$0x1] =	stream.indirect.gather [hbm4b:s3+s8], $0x10, s29, s8, $0xb8;
	[tilespmem:$0x1A080] =	vst v63  }
0x19: {  	s30 =	simm.s32 $0x300;
	s31 =	simm.s32 $0x4880  }
0x1a: {  	[tilespmem:s31], [sflag:$0x1] =	stream.indirect.gather [hbm4b:s3+s8], $0x10, s30, s8, $0xb8;
	[tilespmem:$0x1A080] =	vst v63  }
0x1b: {  	_ =	swait.ge [sflag:s9], $0x800  }
0x1c: {  	[sflag:s9] =	ssyncset.done $0x0  }
0x1d: {  	[sflag:s9] =	ssyncadd.s32 $0xFFFFF800  }
0x1e: {  	_ =	swait.ge [sflag:s9], $0x800  }
0x1f: {  	[sflag:s9] =	ssyncset.done $0x0  }
0x20: {  	[sflag:s9] =	ssyncadd.s32 $0xFFFFF800  }
0x21: {  	_ =	swait.ge [sflag:s9], $0x800  }
0x22: {  	[sflag:s9] =	ssyncset.done $0x0  }
0x23: {  	[sflag:s9] =	ssyncadd.s32 $0xFFFFF800  }
0x24: {  	_ =	swait.ge [sflag:s9], $0x800  }
0x25: {  	[sflag:s9] =	ssyncset.done $0x0  }
0x26: {  	[sflag:s9] =	ssyncadd.s32 $0xFFFFF800  }
0x27: {  	_ =	swait.ge [sflag:s9], $0x800  }
0x28: {  	[sflag:s9] =	ssyncset.done $0x0  }
0x29: {  	[sflag:s9] =	ssyncadd.s32 $0xFFFFF800  }
0x2a: {  	_ =	swait.ge [sflag:s9], $0x800  }
0x2b: {  	[sflag:s9] =	ssyncset.done $0x0  }
0x2c: {  	s14 =	simm.s32 $0x380;
	[sflag:s9] =	ssyncadd.s32 $0xFFFFF800  }
0x2d: {  	s18 =	simm.s32 $0x1C000;
	s17 =	simm.s32 $0x3800;
	_ =	swait.ge [sflag:s9], $0x800  }
0x2e: {  	s12 =	simm.s32 $0x680;
	s13 =	simm.s32 $0xA00;
	[sflag:s9] =	ssyncset.done $0x0  }
.LBB2_2:
0x2f: {  	s19 =	sadd.s32 $0xFFFFFD00, s13  }
0x30: {  	s16 =	sadd.s32 $0x1880, s17;
	[sflag:s9] =	ssyncadd.s32 $0xFFFFF800;
	s15 =	smov.u32 s18  }
0x31: {  	[tilespmem:s16], [sflag:$0x1] =	stream.indirect.gather [hbm4b:s3+s8], $0x10, s14, s8, $0xb8;
	[tilespmem:$0x1A080] =	vst v63  }
0x32: {  	s20 =	sadd.s32 $0xFFFFFD80, s12;
	s16 =	sadd.s32 $0xE000, s18;
	s14 =	sadd.s32 $0x2080, s17  }
0x33: {  	[tilespmem:s14], [sflag:$0x1] =	stream.indirect.gather [hbm4b:s3+s8], $0x10, s20, s8, $0xb8;
	[tilespmem:$0x1A080] =	vst v63  }
0x34: {  	p0 =	sne.s32 s18, $0x54000;
	s18 =	sadd.s32 $0xFFFFFE00, s12;
	s14 =	sadd.s32 $0x2880, s17  }
0x35: {  	[tilespmem:s14], [sflag:$0x1] =	stream.indirect.gather [hbm4b:s3+s8], $0x10, s18, s8, $0xb8;
	[tilespmem:$0x1A080] =	vst v63  }
0x36: {  	s20 =	sadd.s32 $0xFFFFFE80, s12;
	s18 =	sadd.s32 $0x3080, s17;
	s14 =	smov.u32 s19  }
0x37: {  	[tilespmem:s18], [sflag:$0x1] =	stream.indirect.gather [hbm4b:s3+s8], $0x10, s20, s8, $0xb8;
	[tilespmem:$0x1A080] =	vst v63  }
0x38: {  	s19 =	sadd.s32 $0xFFFFFF00, s12;
	s18 =	sadd.s32 $0x3880, s17  }
0x39: {  	[tilespmem:s18], [sflag:$0x1] =	stream.indirect.gather [hbm4b:s3+s8], $0x10, s19, s8, $0xb8;
	[tilespmem:$0x1A080] =	vst v63  }
0x3a: {  	s18 =	sadd.s32 $0x4080, s17;
	s19 =	sadd.s32 $0xFFFFFF80, s12  }
0x3b: {  	[tilespmem:s18], [sflag:$0x1] =	stream.indirect.gather [hbm4b:s3+s8], $0x10, s19, s8, $0xb8;
	[tilespmem:$0x1A080] =	vst v63  }
0x3c: {  	s17 =	sadd.s32 $0x4880, s17  }
0x3d: {  	[tilespmem:s17], [sflag:$0x1] =	stream.indirect.gather [hbm4b:s3+s8], $0x10, s12, s8, $0xb8;
	[tilespmem:$0x1A080] =	vst v63  }
0x3e: {  	s12 =	smov.u32 s13;
	_ =	swait.ge [sflag:s9], $0x800  }
0x3f: {  	[sflag:s9] =	ssyncset.done $0x0  }
0x40: {  	[sflag:s9] =	ssyncadd.s32 $0xFFFFF800  }
0x41: {  	_ =	swait.ge [sflag:s9], $0x800  }
0x42: {  	[sflag:s9] =	ssyncset.done $0x0  }
0x43: {  	[sflag:s9] =	ssyncadd.s32 $0xFFFFF800  }
0x44: {  	_ =	swait.ge [sflag:s9], $0x800  }
0x45: {  	[sflag:s9] =	ssyncset.done $0x0  }
0x46: {  	[sflag:s9] =	ssyncadd.s32 $0xFFFFF800  }
0x47: {  	_ =	swait.ge [sflag:s9], $0x800  }
0x48: {  	[sflag:s9] =	ssyncset.done $0x0  }
0x49: {  	[sflag:s9] =	ssyncadd.s32 $0xFFFFF800  }
0x4a: {  	_ =	swait.ge [sflag:s9], $0x800  }
0x4b: {  	[sflag:s9] =	ssyncset.done $0x0  }
0x4c: {  	[sflag:s9] =	ssyncadd.s32 $0xFFFFF800  }
.Ltmp0:
0x4d: {  	_ =	swait.ge [sflag:s9], $0x800;
	(pc) =	sbr.rel @p0 .LBB2_2-.Ltmp0, $4  }
0x4e: {  	[sflag:s9] =	ssyncset.done $0x0  }
0x4f: {  	[sflag:s9] =	ssyncadd.s32 $0xFFFFF800  }
0x50: {  	s18 =	smov.u32 s16;
	_ =	swait.ge [sflag:s9], $0x800  }
0x51: {  	s17 =	sshra.s32 s15, $0x2;
	s13 =	sadd.s32 $0x380, s13;
	[sflag:s9] =	ssyncset.done $0x0  }
0x52: {  	s13 =	sadd.s32 $0x1880, s17;
	[sflag:s9] =	ssyncadd.s32 $0xFFFFF800  }
0x53: {  	[tilespmem:s13], [sflag:$0x1] =	stream.indirect.gather [hbm4b:s3+s8], $0x10, s14, s8, $0xb8;
	[tilespmem:$0x1A080] =	vst v63  }
0x54: {  	s20 =	sadd.s32 $0x2080, s17;
	s21 =	sadd.s32 $0xFFFFFD80, s12  }
0x55: {  	[tilespmem:s20], [sflag:$0x1] =	stream.indirect.gather [hbm4b:s3+s8], $0x10, s21, s8, $0xb8;
	[tilespmem:$0x1A080] =	vst v63  }
0x56: {  	s22 =	sadd.s32 $0x2880, s17;
	s23 =	sadd.s32 $0xFFFFFE00, s12  }
0x57: {  	[tilespmem:s22], [sflag:$0x1] =	stream.indirect.gather [hbm4b:s3+s8], $0x10, s23, s8, $0xb8;
	[tilespmem:$0x1A080] =	vst v63  }
0x58: {  	s24 =	sadd.s32 $0x3080, s17;
	s25 =	sadd.s32 $0xFFFFFE80, s12  }
0x59: {  	[tilespmem:s24], [sflag:$0x1] =	stream.indirect.gather [hbm4b:s3+s8], $0x10, s25, s8, $0xb8;
	[tilespmem:$0x1A080] =	vst v63  }
0x5a: {  	s26 =	sadd.s32 $0x3880, s17;
	s28 =	sadd.s32 $0xFFFFFF00, s12  }
0x5b: {  	[tilespmem:s26], [sflag:$0x1] =	stream.indirect.gather [hbm4b:s3+s8], $0x10, s28, s8, $0xb8;
	[tilespmem:$0x1A080] =	vst v63  }
0x5c: {  	s29 =	sadd.s32 $0x4080, s17;
	s30 =	sadd.s32 $0xFFFFFF80, s12  }
0x5d: {  	[tilespmem:s29], [sflag:$0x1] =	stream.indirect.gather [hbm4b:s3+s8], $0x10, s30, s8, $0xb8;
	[tilespmem:$0x1A080] =	vst v63  }
0x5e: {  	s31 =	sadd.s32 $0x4880, s17  }
0x5f: {  	[tilespmem:s31], [sflag:$0x1] =	stream.indirect.gather [hbm4b:s3+s8], $0x10, s12, s8, $0xb8;
	[tilespmem:$0x1A080] =	vst v63  }
0x60: {  	_ =	swait.ge [sflag:s9], $0x800  }
0x61: {  	[sflag:s9] =	ssyncset.done $0x0  }
0x62: {  	[sflag:s9] =	ssyncadd.s32 $0xFFFFF800  }
0x63: {  	_ =	swait.ge [sflag:s9], $0x800  }
0x64: {  	[sflag:s9] =	ssyncset.done $0x0  }
0x65: {  	[sflag:s9] =	ssyncadd.s32 $0xFFFFF800  }
0x66: {  	_ =	swait.ge [sflag:s9], $0x800  }
0x67: {  	[sflag:s9] =	ssyncset.done $0x0  }
0x68: {  	[sflag:s9] =	ssyncadd.s32 $0xFFFFF800  }
0x69: {  	_ =	swait.ge [sflag:s9], $0x800  }
0x6a: {  	[sflag:s9] =	ssyncset.done $0x0  }
0x6b: {  	[sflag:s9] =	ssyncadd.s32 $0xFFFFF800  }
0x6c: {  	_ =	swait.ge [sflag:s9], $0x800  }
0x6d: {  	[sflag:s9] =	ssyncset.done $0x0  }
0x6e: {  	[sflag:s9] =	ssyncadd.s32 $0xFFFFF800  }
0x6f: {  	_ =	swait.ge [sflag:s9], $0x800  }
0x70: {  	[sflag:s9] =	ssyncset.done $0x0  }
0x71: {  	[sflag:s9] =	ssyncadd.s32 $0xFFFFF800  }
0x72: {  	s11 =	sadd.s32 $0x1, s11;
	_ =	swait.ge [sflag:s9], $0x800  }
0x73: {  	p0 =	sne.s32 s11, s6;
	[sflag:s9] =	ssyncset.done $0x0  }
.Ltmp1:
0x74: {  	[sflag:s9] =	ssyncadd.s32 $0xFFFFF800;
	(pc) =	sbr.rel @p0 .LBB2_1-.Ltmp1, $4  }
0x75: {  	[hbm4b:s5+s2] =	stream.linear.scatter [tilespmem:s10], [sflag:$0x2], $0x18800, $0x38;
	[tilespmem:$0x1A080] =	vst v63  }
0x76: {  	_ =	swait.ge [sflag:s7], $0x18800  }
0x77: {  	[sflag:s7] =	ssyncset.done $0x0  }
0x78: {  	[sflag:s7] =	ssyncadd.s32 $0xFFFE7800  }
0x79: {  	_ =	sfence.sel $0x180000  }
0x7a: {  	[bflag:$0x0] =	sbarrier.arrive $0xFFFF  }
0x7b: {  	p0 =	sne.s32 s0, $0x0;
	_ =	strace $0x90000047  }
0x7c: {  	s0 =	sadd.s32 @!p0 $0x100000, s1;
	[bflag:$0x2] =	sbarrier.arrive $0xFFFF  }
0x7d: {  	[sflag:s0] =	ssyncadd.tile.s32 @!p0 $0x1;
	_ =	shalt  }
.Lfunc_end2:
_tile_overlayer_lowered:
.L_overlay_start_2:
0x7e: {  	(tag) =	ssettag $0x2  }
0x7f: {  	s0 =	rddreg [dreg:$0x0];
	s2 =	stileid.u32  }
0x80: {  	s1 =	rddreg [dreg:$0x1];
	p0 =	sne.s32 s2, $0x0  }
0x81: {  	s3 =	rddreg [dreg:$0x2];
	[bflag:$0x3] =	sbarrier.arrive $0xFFFF;
	s2 =	simm.s32 @!p0 $0x1C02  }
0x82: {  	[timem:s3], [sflag:s2] =	dma.local @!p0 [hbm:s0], s1  }
0x83: {  	s0 =	simm.s32 @!p0 $0x2  }
0x84: {  	_ =	swait.ge @!p0 [sflag:s0], s1  }
0x85: {  	s1 =	ssub.s32 @!p0 $0x0, s1;
	[sflag:s0] =	ssyncset.done @!p0 $0x0  }
0x86: {  	[sflag:s0] =	ssyncadd.s32 @!p0 s1  }
0x87: {  	[bflag:$0x3] =	sbarrier.arrive $0xFFFF  }
0x88: {  	_ =	shalt  }

// kernel: kernel.22.cloned.1.call-start
scs
__scs_entry_jumppad:
0x0: {  	(pc) =	sbr.rel $0x88, $3  }
0x1: {  	(tag) =	ssettag $0x0;
	lr =	simm.s32 $0x1  }
0x2: {  	[smem:$0x3F92] =	sst lr;
	_ =	strace $0xD0000000  }
0x3: {  	_ = 	snop  }
0x4: {  	_ = 	snop  }
0x5: {  	_ = 	snop  }
0x6: {  	_ = 	snop  }
0x7: {  	_ = 	snop  }
__scs_overlays_trampoline_lowered:
0x8: {  	[smem:$0x3FA1] =	sst s0  }
0x9: {  	[smem:$0x3FA2] =	sst s1  }
0xa: {  	[smem:$0x3FA3] =	sst s2  }
0xb: {  	[smem:$0x3FA4] =	sst s3  }
0xc: {  	[smem:$0x3FA5] =	sst s4  }
0xd: {  	[smem:$0x3FA6] =	sst s5  }
0xe: {  	[smem:$0x3FA7] =	sst s6  }
0xf: {  	[smem:$0x3FA8] =	sst s7  }
0x10: {  	[smem:$0x3FA9] =	sst s8  }
0x11: {  	[smem:$0x3FAA] =	sst s9;
	s0 =	simm.s32 @!p0 $0x0  }
0x12: {  	s1 =	sld [smem:$0x3F90];
	s0 =	simm.s32 @p0 $0x1  }
0x13: {  	[smem:$0x3FAB] =	sst s0;
	s0 =	simm.s32 @!p1 $0x0  }
0x14: {  	s2 =	sld [smem:$0x3F8F];
	s0 =	simm.s32 @p1 $0x1  }
0x15: {  	[smem:$0x3FAC] =	sst s0;
	s0 =	simm.s32 @!p2 $0x0  }
0x16: {  	s3 =	sld [smem:$0x3FDB];
	s0 =	simm.s32 @p2 $0x1  }
0x17: {  	s4 =	simm.s32 $0x1BF5;
	[smem:$0x3FAE] =	sst s0  }
0x18: {  	s0 =	sld [smem:$0x3F91];
	_ =	swait.ge [sflag:s4], $0x0  }
0x19: {  	s7 =	sld [smem:$0x3F92]  }
0x1a: {  	s8 =	sadd.s32 $0xFFFFE003, lr  }
0x1b: {  	s9 =	sadd.s32 $0xFFFFFEF7, lr;
	s5 =	simm.s32 $0xFFFFFFFF;
	p2 =	slt.u32 s8, $0xFFFFF086  }
0x1c: {  	p1 =	slt.u32 s9, $0xF7A;
	s5 =	simm.s32 @!p2 $0x0  }
0x1d: {  	s5 =	simm.s32 @p1 $0x1;
	p0 =	seq.s32 s7, s2  }
0x1e: {  	s7 =	smul.u32 @!p0 $0xF7A, s2;
	p2 =	seq.s32 @!p0 s5, $0x0  }
0x1f: {  	s9 =	smul.u32 $0xF7A, s1;
	s8 =	simm.s32 @!p0 $0x1BF5;
	p2 =	por !p2, p0  }
0x20: {  	[sflag:s8] =	ssyncset.s32 @!p0 $0xFFFFF086;
	s6 =	sadd.s32 @!p0 s3, s7;
	s7 =	simm.s32 @!p0 $0x108  }
0x21: {  	s3 =	sadd.s32 s3, s9;
	s6 =	sadd.s32 @!p0 $0x88, s6;
	s7 =	simm.s32 @p2 $0x1082  }
0x22: {  	[simem:s7], [sflag:s8] =	dma.local @!p0 [hbm:s6], $0xF7A  }
0x23: {  	s9 =	sor.u32 $0xD0000000, s2;
	s6 =	simm.s32 $0x108;
	_ =	swait.ge @!p0 [sflag:s8], $0x0  }
0x24: {  	s3 =	sadd.s32 $0x88, s3;
	s6 =	simm.s32 @!p1 $0x1082;
	[sflag:s4] =	ssyncset.s32 $0xFFFFF086  }
0x25: {  	[simem:s6], [sflag:s4] =	dma.local [hbm:s3], $0xF7A  }
0x26: {  	[smem:$0x3F92] =	sst s1;
	(tag) =	ssettag s2;
	_ =	strace s9  }
0x27: {  	s1 =	sld [smem:$0x3FA2]  }
0x28: {  	s2 =	sld [smem:$0x3FA3]  }
0x29: {  	s4 =	sld [smem:$0x3FA5]  }
0x2a: {  	p0 =	seq.s32 s5, $0x0;
	s5 =	sld [smem:$0x3FA6]  }
0x2b: {  	s6 =	sld [smem:$0x3FA7]  }
0x2c: {  	s7 =	sld [smem:$0x3FA8]  }
0x2d: {  	s3 =	simm.s32 $0x108;
	s8 =	sld [smem:$0x3FA9]  }
0x2e: {  	s3 =	simm.s32 @!p0 $0x1082;
	s9 =	sld [smem:$0x3FAA]  }
0x2f: {  	lr =	sadd.s32 s0, s3;
	s0 =	sld [smem:$0x3FA1]  }
0x30: {  	s3 =	sld [smem:$0x3FA4]  }
0x31: {  	[smem:$0x3FAD] =	sst s10  }
0x32: {  	s10 =	sld [smem:$0x3FAB];
	_ =	sdelay $0x3  }
0x33: {  	p0 =	seq.s32 s10, $0x1;
	s10 =	sld [smem:$0x3FAD];
	_ =	sdelay $0x3  }
0x34: {  	[smem:$0x3FAD] =	sst s10  }
0x35: {  	s10 =	sld [smem:$0x3FAC];
	_ =	sdelay $0x3  }
0x36: {  	p1 =	seq.s32 s10, $0x1;
	s10 =	sld [smem:$0x3FAD];
	_ =	sdelay $0x3  }
0x37: {  	[smem:$0x3FAD] =	sst s10  }
0x38: {  	s10 =	sld [smem:$0x3FAE]  }
0x39: {  	_ = 	snop;
	(pc) =	sbr.ind lr, $3  }
0x3a: {  	_ = 	snop  }
0x3b: {  	_ = 	snop  }
0x3c: {  	p2 =	seq.s32 s10, $0x1;
	s10 =	sld [smem:$0x3FAD]  }
0x3d: {  	_ =	shalt  }
0x3e: {  	_ =	shalt  }
0x3f: {  	_ =	shalt  }
0x40: {  	_ =	shalt  }
0x41: {  	_ =	shalt  }
0x42: {  	_ =	shalt  }
0x43: {  	_ =	shalt  }
0x44: {  	_ =	shalt  }
0x45: {  	_ =	shalt  }
0x46: {  	_ =	shalt  }
0x47: {  	_ =	shalt  }
0x48: {  	_ =	shalt  }
0x49: {  	_ =	shalt  }
0x4a: {  	_ =	shalt  }
0x4b: {  	_ =	shalt  }
0x4c: {  	_ =	shalt  }
0x4d: {  	_ =	shalt  }
0x4e: {  	_ =	shalt  }
0x4f: {  	_ =	shalt  }
0x50: {  	_ =	shalt  }
0x51: {  	_ =	shalt  }
0x52: {  	_ =	shalt  }
0x53: {  	_ =	shalt  }
0x54: {  	_ =	shalt  }
0x55: {  	_ =	shalt  }
0x56: {  	_ =	shalt  }
0x57: {  	_ =	shalt  }
0x58: {  	_ =	shalt  }
0x59: {  	_ =	shalt  }
0x5a: {  	_ =	shalt  }
0x5b: {  	_ =	shalt  }
0x5c: {  	_ =	shalt  }
0x5d: {  	_ =	shalt  }
0x5e: {  	_ =	shalt  }
0x5f: {  	_ =	shalt  }
0x60: {  	_ =	shalt  }
0x61: {  	_ =	shalt  }
0x62: {  	_ =	shalt  }
0x63: {  	_ =	shalt  }
0x64: {  	_ =	shalt  }
0x65: {  	_ =	shalt  }
0x66: {  	_ =	shalt  }
0x67: {  	_ =	shalt  }
0x68: {  	_ =	shalt  }
0x69: {  	_ =	shalt  }
0x6a: {  	_ =	shalt  }
0x6b: {  	_ =	shalt  }
0x6c: {  	_ =	shalt  }
0x6d: {  	_ =	shalt  }
0x6e: {  	_ =	shalt  }
0x6f: {  	_ =	shalt  }
0x70: {  	_ =	shalt  }
0x71: {  	_ =	shalt  }
0x72: {  	_ =	shalt  }
0x73: {  	_ =	shalt  }
0x74: {  	_ =	shalt  }
0x75: {  	_ =	shalt  }
0x76: {  	_ =	shalt  }
0x77: {  	_ =	shalt  }
0x78: {  	_ =	shalt  }
0x79: {  	_ =	shalt  }
0x7a: {  	_ =	shalt  }
0x7b: {  	_ =	shalt  }
0x7c: {  	_ =	shalt  }
0x7d: {  	_ =	shalt  }
0x7e: {  	_ =	shalt  }
0x7f: {  	_ =	shalt  }
0x80: {  	_ =	shalt  }
0x81: {  	_ =	shalt  }
0x82: {  	_ =	shalt  }
0x83: {  	_ =	shalt  }
0x84: {  	_ =	shalt  }
0x85: {  	_ =	shalt  }
0x86: {  	_ =	shalt  }
0x87: {  	_ =	shalt  }
.Lfunc_end0:
.L_simem_size_0:
called_computation.1_lowered:
.L_overlay_start_0:
0x88: {  	s2 =	sld [smem:$0x3FD9]  }
0x89: {  	s3 =	sld [smem:$0x3FFE];
	_ =	sdelay $0x1  }
0x8a: {  	s1 =	srdreg.scid  }
0x8b: {  	s0 =	sand.u32 $0x1, s1  }
0x8c: {  	s16 =	sshll.u32 s0, $0xA;
	s2 =	sadd.s32 s3, s2  }
0x8d: {  	s2 =	sadd.s32 s2, s16  }
0x8e: {  	[smem:$0x3FB9] =	sst s2  }
0x8f: {  	_ = 	snop  }
0x90: {  	(tm) =	ssettm $0x1  }
0x91: {  	s17 =	sld [smem:$0x3FFB];
	_ =	sdelay $0x3  }
0x92: {  	_ =	strace s17  }
0x93: {  	s2 =	sld [smem:$0x3FFC];
	_ =	sdelay $0x3  }
0x94: {  	_ =	strace s2  }
0x95: {  	s2 =	sld [smem:$0x3FFD];
	_ =	sdelay $0x3  }
0x96: {  	_ =	strace s2  }
0x97: {  	_ =	strace $0x8FFFFFFF  }
0x98: {  	s18 =	sld [smem:$0x3FDB];
	_ =	sdelay $0x1  }
0x99: {  	s19 =	simm.s32 $_scs_section_size  }
0x9a: {  	s4 =	simm.s32 $_size__tile_overlayer_lowered;
	s5 =	simm.s32 $_tile_overlayer_lowered  }
0x9b: {  	s22 =	simm.s32 $0x1BFF;
	s21 =	sshll.u32 s5, $0x1;
	s2 =	sadd.s32 s19, s18  }
0x9c: {  	s6 =	simm.s32 $0x0;
	s20 =	sshll.u32 s4, $0x1;
	s4 =	sadd.s32 s21, s2  }
0x9d: {  	[timem:s6], [sflag:s22] =	dma.local [hbm:s4], s20  }
0x9e: {  	_ =	swait.ge [sflag:s22], s20  }
0x9f: {  	s3 =	ssub.s32 $0x0, s20;
	[sflag:s22] =	ssyncset.done $0x0  }
0xa0: {  	[sflag:s22] =	ssyncadd.s32 s3;
	_ =	sdelay $0x1  }
0xa1: {  	s23 =	simm.s32 $0x1B8B  }
0xa2: {  	_ =	swait.ge [sflag:s23], $0x1  }
0xa3: {  	[sflag:s23] =	ssyncset.done $0x0  }
0xa4: {  	s25 =	simm.s32 $0x1B8E;
	s24 =	sld [smem:$0x3FFE];
	[sflag:s23] =	ssyncadd.s32 $0xFFFFFFFF  }
0xa5: {  	s26 =	simm.s32 $execute0_lowered;
	[smem:$0x3FD2] =	sst s25  }
0xa6: {  	s4 =	sshll.u32 s26, $0x1;
	_ =	strace $0x80000049;
	[dreg:$0x1] =	wrdreg $0xFFFFFFFF  }
0xa7: {  	s28 =	simm.s32 $_size_execute0_lowered;
	s2 =	sadd.s32 s2, s4;
	[dreg:$0x0] =	wrdreg $0x0  }
0xa8: {  	s4 =	sshll.u32 s28, $0x1;
	[dreg:$0x2] =	wrdreg s2  }
0xa9: {  	[dreg:$0x3] =	wrdreg s4  }
0xaa: {  	[dreg:$0x4] =	wrdreg $0xC0  }
0xab: {  	_ =	task [dreg:s6], $0x5FFFF  }
0xac: {  	[dreg:$0x1] =	wrdreg $0xFFFFFFFF  }
0xad: {  	[dreg:$0x0] =	wrdreg $0x60  }
0xae: {  	[dreg:$0x2] =	wrdreg s24  }
0xaf: {  	[dreg:$0x3] =	wrdreg $0x1A0800  }
0xb0: {  	[dreg:$0x4] =	wrdreg $0x9  }
0xb1: {  	_ =	task.clear_ibuf [dreg:s6], $0x5FFFF;
	_ =	strace $0x90000049  }
0xb2: {  	s29 =	simm.s32 $0x9;
	_ =	strace $0x8000004B  }
0xb3: {  	_ =	swait.ge [sflag:s29], $0x1  }
0xb4: {  	[sflag:s29] =	ssyncadd.s32 $0xFFFFFFFF  }
0xb5: {  	_ =	strace $0x9000004B  }
0xb6: {  	_ =	sfence  }
0xb7: {  	s30 =	sld [smem:$0x0];
	_ =	sdelay $0x2  }
0xb8: {  	s31 =	sshll.u32 s1, $0xD;
	s1 =	sshrl.u32 s1, $0x2  }
0xb9: {  	s3 =	sand.u32 $0x4000, s31;
	s1 =	sadd.s32 s1, s30  }
0xba: {  	s0 =	sor.u32 s3, s0;
	s1 =	sshll.u32 s1, $0x11  }
0xbb: {  	s0 =	sor.u32 s1, s0  }
0xbc: {  	s0 =	sadd.s32 $0x8F2B, s0  }
0xbd: {  	[sflag:s0] =	ssyncadd.remote.s32 $0x1  }
0xbe: {  	_ =	sfence.sel $0xFFFF  }
0xbf: {  	[dreg:$0x0] =	wrdreg $0xFFFFFFFF;
	(pc) =	sbr.abs _section_cstart, $3  }
0xc0: {  	[dreg:$0x1] =	wrdreg $0xFFFFFFFF  }
0xc1: {  	_ =	task.clear_ibuf [dreg:s6], $0x2FFFF;
	_ =	strace $0x9FFFFFFF  }
0xc2: {  	(tm) =	ssettm $0x7FFFFFFF  }
0xc3: {  	_ =	shalt  }
tec
execute0_lowered:
.L_overlay_start_1:
0x0: {  	(tag) =	ssettag $0x1  }
0x1: {  	s1 =	srdreg.scid;
	s5 =	rddreg [dreg:$0x0]  }
0x2: {  	s0 =	stileid.u32;
	s2 =	rddreg [dreg:$0x1]  }
0x3: {  	s4 =	sand.u32 $0x1, s1;
	s30 =	sshll.u32 s0, $0x1;
	s8 =	smul.u32 $0x2720, s0  }
0x4: {  	s3 =	simm.s32 $0x0;
	s1 =	sor.u32 s4, s30;
	s9 =	smul.u32 $0x27200, s4  }
0x5: {  	s13 =	simm.s32 $0x0;
	[smem:$0x7FF] =	sst s3;
	s6 =	smul.u32 $0x3100, s1  }
0x6: {  	s31 =	sshll.u32 s0, $0x6;
	s4 =	ssub.s32 $0x2, s4;
	s7 =	smul.u32 $0x310, s1  }
0x7: {  	s1 =	rddreg [dreg:$0x2];
	_ =	strace $0x8000004A;
	s10 =	sshrl.u32 s8, $0x3  }
0x8: {  	s11 =	sshrl.u32 s4, $0x1;
	s12 =	sadd.s32 s8, s2;
	s9 =	sadd.s32 s8, s9  }
0x9: {  	s10 =	sadd.s32 s10, s5;
	s11 =	ssub.s32 s4, s11;
	s6 =	sadd.s32 s6, s5  }
0xa: {  	s7 =	sadd.s32 s7, s5;
	s9 =	sshrl.u32 s9, $0x3;
	s8 =	smax.u32 s11, $0x1  }
0xb: {  	s11 =	sshrl.u32 s12, $0x3;
	s12 =	simm.s32 $0x80;
	s9 =	sadd.s32 s9, s5  }
0xc: {  	s4 =	sadd.s32 $0x9A00, s7;
	s5 =	sadd.s32 $0xFC00, s6;
	s6 =	sadd.s32 $0x4A00, s10  }
0xd: {  	s10 =	sor.u32 $0x1C01, s31;
	s7 =	sadd.s32 $0x71C00, s9;
	s9 =	simm.s32 $0x1  }
.LBB2_1:
0xe: {  	[tilespmem:s3], [sflag:$0x1] =	stream.linear.gather [hbm4b:s4+s3], $0x1880, $0x38;
	[tilespmem:$0x1C7A0] =	vst v63  }
0xf: {  	_ =	swait.ge [sflag:s9], $0x1880  }
0x10: {  	[sflag:s9] =	ssyncset.done $0x0  }
0x11: {  	s14 =	simm.s32 $0x1880;
	[sflag:s9] =	ssyncadd.s32 $0xFFFFE780  }
0x12: {  	[tilespmem:s14], [sflag:$0x1] =	stream.linear.gather [hbm4b:s5+s3], $0x18800, $0x38;
	[tilespmem:$0x1C7A0] =	vst v63  }
0x13: {  	_ =	swait.ge [sflag:s9], $0x18800  }
0x14: {  	[sflag:s9] =	ssyncset.done $0x0  }
0x15: {  	[sflag:s9] =	ssyncadd.s32 $0xFFFE7800  }
0x16: {  	[spmem:s11], [sflag:s10] =	dma.local [hbm:s6], $0x4E4  }
0x17: {  	_ =	swait.ge [sflag:s9], $0x4E4  }
0x18: {  	[sflag:s9] =	ssyncset.done $0x0  }
0x19: {  	[sflag:s9] =	ssyncadd.s32 $0xFFFFFB1C  }
0x1a: {  	s15 =	simm.s32 $0x0;
	[bflag:$0x0] =	sbarrier.arrive $0xFFFF  }
0x1b: {  	[spmem:s2] =	stream.indirect.scatter.add.f32 [tilespmem:s14], [sflag:$0x1], $0x10, s15, s12, $0xb8;
	[tilespmem:$0x1C7A0] =	vst v63  }
0x1c: {  	_ =	swait.ge [sflag:s9], $0x800  }
0x1d: {  	s15 =	simm.s32 $0x200;
	[sflag:s9] =	ssyncset.done $0x0  }
.LBB2_2:
0x1e: {  	s16 =	sshra.s32 s15, $0x2  }
0x1f: {  	[sflag:s9] =	ssyncadd.s32 $0xFFFFF800;
	s14 =	sadd.s32 $0x800, s14;
	p0 =	sne.s32 s15, $0x6000  }
0x20: {  	[spmem:s2] =	stream.indirect.scatter.add.f32 [tilespmem:s14], [sflag:$0x1], $0x10, s16, s12, $0xb8;
	[tilespmem:$0x1C7A0] =	vst v63  }
.Ltmp0:
0x21: {  	_ = 	snop;
	(pc) =	sbr.rel @p0 .LBB2_2-.Ltmp0, $4  }
0x22: {  	_ = 	snop  }
0x23: {  	s15 =	sadd.s32 $0x200, s15  }
0x24: {  	_ =	swait.ge [sflag:s9], $0x800  }
0x25: {  	[sflag:s9] =	ssyncset.done $0x0  }
0x26: {  	s13 =	sadd.s32 $0x1, s13  }
0x27: {  	[sflag:s9] =	ssyncadd.s32 $0xFFFFF800;
	p0 =	sne.s32 s13, s8  }
.Ltmp1:
0x28: {  	[bflag:$0x0] =	sbarrier.arrive $0xFFFF;
	(pc) =	sbr.rel @p0 .LBB2_1-.Ltmp1, $4  }
0x29: {  	[hbm:s7], [sflag:s10] =	dma.local [spmem:s11], $0x4E4  }
0x2a: {  	_ =	swait.ge [sflag:s9], $0x4E4  }
0x2b: {  	[sflag:s9] =	ssyncset.done $0x0  }
0x2c: {  	[sflag:s9] =	ssyncadd.s32 $0xFFFFFB1C  }
0x2d: {  	_ =	sfence.sel $0x180000  }
0x2e: {  	[bflag:$0x0] =	sbarrier.arrive $0xFFFF  }
0x2f: {  	p0 =	sne.s32 s0, $0x0;
	_ =	strace $0x9000004A  }
0x30: {  	s0 =	sadd.s32 @!p0 $0x100000, s1;
	[bflag:$0x2] =	sbarrier.arrive $0xFFFF  }
0x31: {  	[sflag:s0] =	ssyncadd.tile.s32 @!p0 $0x1;
	_ =	shalt  }
.Lfunc_end2:
_tile_overlayer_lowered:
.L_overlay_start_2:
0x32: {  	(tag) =	ssettag $0x2  }
0x33: {  	s0 =	rddreg [dreg:$0x0];
	s2 =	stileid.u32  }
0x34: {  	s1 =	rddreg [dreg:$0x1];
	p0 =	sne.s32 s2, $0x0  }
0x35: {  	s3 =	rddreg [dreg:$0x2];
	[bflag:$0x3] =	sbarrier.arrive $0xFFFF;
	s2 =	simm.s32 @!p0 $0x1C01  }
0x36: {  	[timem:s3], [sflag:s2] =	dma.local @!p0 [hbm:s0], s1  }
0x37: {  	s0 =	simm.s32 @!p0 $0x1  }
0x38: {  	_ =	swait.ge @!p0 [sflag:s0], s1  }
0x39: {  	s1 =	ssub.s32 @!p0 $0x0, s1;
	[sflag:s0] =	ssyncset.done @!p0 $0x0  }
0x3a: {  	[sflag:s0] =	ssyncadd.s32 @!p0 s1  }
0x3b: {  	[bflag:$0x3] =	sbarrier.arrive $0xFFFF  }
0x3c: {  	_ =	shalt  }

// kernel: kernel.25.cloned.1.call-start
scs
__scs_entry_jumppad:
0x0: {  	(pc) =	sbr.rel $0x88, $3  }
0x1: {  	(tag) =	ssettag $0x0;
	lr =	simm.s32 $0x1  }
0x2: {  	[smem:$0x3F92] =	sst lr;
	_ =	strace $0xD0000000  }
0x3: {  	_ = 	snop  }
0x4: {  	_ = 	snop  }
0x5: {  	_ = 	snop  }
0x6: {  	_ = 	snop  }
0x7: {  	_ = 	snop  }
__scs_overlays_trampoline_lowered:
0x8: {  	[smem:$0x3FA1] =	sst s0  }
0x9: {  	[smem:$0x3FA2] =	sst s1  }
0xa: {  	[smem:$0x3FA3] =	sst s2  }
0xb: {  	[smem:$0x3FA4] =	sst s3  }
0xc: {  	[smem:$0x3FA5] =	sst s4  }
0xd: {  	[smem:$0x3FA6] =	sst s5  }
0xe: {  	[smem:$0x3FA7] =	sst s6  }
0xf: {  	[smem:$0x3FA8] =	sst s7  }
0x10: {  	[smem:$0x3FA9] =	sst s8  }
0x11: {  	[smem:$0x3FAA] =	sst s9;
	s0 =	simm.s32 @!p0 $0x0  }
0x12: {  	s1 =	sld [smem:$0x3F90];
	s0 =	simm.s32 @p0 $0x1  }
0x13: {  	[smem:$0x3FAB] =	sst s0;
	s0 =	simm.s32 @!p1 $0x0  }
0x14: {  	s2 =	sld [smem:$0x3F8F];
	s0 =	simm.s32 @p1 $0x1  }
0x15: {  	[smem:$0x3FAC] =	sst s0;
	s0 =	simm.s32 @!p2 $0x0  }
0x16: {  	s3 =	sld [smem:$0x3FDB];
	s0 =	simm.s32 @p2 $0x1  }
0x17: {  	s4 =	simm.s32 $0x1BF5;
	[smem:$0x3FAE] =	sst s0  }
0x18: {  	s0 =	sld [smem:$0x3F91];
	_ =	swait.ge [sflag:s4], $0x0  }
0x19: {  	s7 =	sld [smem:$0x3F92]  }
0x1a: {  	s8 =	sadd.s32 $0xFFFFE003, lr  }
0x1b: {  	s9 =	sadd.s32 $0xFFFFFEF7, lr;
	s5 =	simm.s32 $0xFFFFFFFF;
	p2 =	slt.u32 s8, $0xFFFFF086  }
0x1c: {  	p1 =	slt.u32 s9, $0xF7A;
	s5 =	simm.s32 @!p2 $0x0  }
0x1d: {  	s5 =	simm.s32 @p1 $0x1;
	p0 =	seq.s32 s7, s2  }
0x1e: {  	s7 =	smul.u32 @!p0 $0xF7A, s2;
	p2 =	seq.s32 @!p0 s5, $0x0  }
0x1f: {  	s9 =	smul.u32 $0xF7A, s1;
	s8 =	simm.s32 @!p0 $0x1BF5;
	p2 =	por !p2, p0  }
0x20: {  	[sflag:s8] =	ssyncset.s32 @!p0 $0xFFFFF086;
	s6 =	sadd.s32 @!p0 s3, s7;
	s7 =	simm.s32 @!p0 $0x108  }
0x21: {  	s3 =	sadd.s32 s3, s9;
	s6 =	sadd.s32 @!p0 $0x88, s6;
	s7 =	simm.s32 @p2 $0x1082  }
0x22: {  	[simem:s7], [sflag:s8] =	dma.local @!p0 [hbm:s6], $0xF7A  }
0x23: {  	s9 =	sor.u32 $0xD0000000, s2;
	s6 =	simm.s32 $0x108;
	_ =	swait.ge @!p0 [sflag:s8], $0x0  }
0x24: {  	s3 =	sadd.s32 $0x88, s3;
	s6 =	simm.s32 @!p1 $0x1082;
	[sflag:s4] =	ssyncset.s32 $0xFFFFF086  }
0x25: {  	[simem:s6], [sflag:s4] =	dma.local [hbm:s3], $0xF7A  }
0x26: {  	[smem:$0x3F92] =	sst s1;
	(tag) =	ssettag s2;
	_ =	strace s9  }
0x27: {  	s1 =	sld [smem:$0x3FA2]  }
0x28: {  	s2 =	sld [smem:$0x3FA3]  }
0x29: {  	s4 =	sld [smem:$0x3FA5]  }
0x2a: {  	p0 =	seq.s32 s5, $0x0;
	s5 =	sld [smem:$0x3FA6]  }
0x2b: {  	s6 =	sld [smem:$0x3FA7]  }
0x2c: {  	s7 =	sld [smem:$0x3FA8]  }
0x2d: {  	s3 =	simm.s32 $0x108;
	s8 =	sld [smem:$0x3FA9]  }
0x2e: {  	s3 =	simm.s32 @!p0 $0x1082;
	s9 =	sld [smem:$0x3FAA]  }
0x2f: {  	lr =	sadd.s32 s0, s3;
	s0 =	sld [smem:$0x3FA1]  }
0x30: {  	s3 =	sld [smem:$0x3FA4]  }
0x31: {  	[smem:$0x3FAD] =	sst s10  }
0x32: {  	s10 =	sld [smem:$0x3FAB];
	_ =	sdelay $0x3  }
0x33: {  	p0 =	seq.s32 s10, $0x1;
	s10 =	sld [smem:$0x3FAD];
	_ =	sdelay $0x3  }
0x34: {  	[smem:$0x3FAD] =	sst s10  }
0x35: {  	s10 =	sld [smem:$0x3FAC];
	_ =	sdelay $0x3  }
0x36: {  	p1 =	seq.s32 s10, $0x1;
	s10 =	sld [smem:$0x3FAD];
	_ =	sdelay $0x3  }
0x37: {  	[smem:$0x3FAD] =	sst s10  }
0x38: {  	s10 =	sld [smem:$0x3FAE]  }
0x39: {  	_ = 	snop;
	(pc) =	sbr.ind lr, $3  }
0x3a: {  	_ = 	snop  }
0x3b: {  	_ = 	snop  }
0x3c: {  	p2 =	seq.s32 s10, $0x1;
	s10 =	sld [smem:$0x3FAD]  }
0x3d: {  	_ =	shalt  }
0x3e: {  	_ =	shalt  }
0x3f: {  	_ =	shalt  }
0x40: {  	_ =	shalt  }
0x41: {  	_ =	shalt  }
0x42: {  	_ =	shalt  }
0x43: {  	_ =	shalt  }
0x44: {  	_ =	shalt  }
0x45: {  	_ =	shalt  }
0x46: {  	_ =	shalt  }
0x47: {  	_ =	shalt  }
0x48: {  	_ =	shalt  }
0x49: {  	_ =	shalt  }
0x4a: {  	_ =	shalt  }
0x4b: {  	_ =	shalt  }
0x4c: {  	_ =	shalt  }
0x4d: {  	_ =	shalt  }
0x4e: {  	_ =	shalt  }
0x4f: {  	_ =	shalt  }
0x50: {  	_ =	shalt  }
0x51: {  	_ =	shalt  }
0x52: {  	_ =	shalt  }
0x53: {  	_ =	shalt  }
0x54: {  	_ =	shalt  }
0x55: {  	_ =	shalt  }
0x56: {  	_ =	shalt  }
0x57: {  	_ =	shalt  }
0x58: {  	_ =	shalt  }
0x59: {  	_ =	shalt  }
0x5a: {  	_ =	shalt  }
0x5b: {  	_ =	shalt  }
0x5c: {  	_ =	shalt  }
0x5d: {  	_ =	shalt  }
0x5e: {  	_ =	shalt  }
0x5f: {  	_ =	shalt  }
0x60: {  	_ =	shalt  }
0x61: {  	_ =	shalt  }
0x62: {  	_ =	shalt  }
0x63: {  	_ =	shalt  }
0x64: {  	_ =	shalt  }
0x65: {  	_ =	shalt  }
0x66: {  	_ =	shalt  }
0x67: {  	_ =	shalt  }
0x68: {  	_ =	shalt  }
0x69: {  	_ =	shalt  }
0x6a: {  	_ =	shalt  }
0x6b: {  	_ =	shalt  }
0x6c: {  	_ =	shalt  }
0x6d: {  	_ =	shalt  }
0x6e: {  	_ =	shalt  }
0x6f: {  	_ =	shalt  }
0x70: {  	_ =	shalt  }
0x71: {  	_ =	shalt  }
0x72: {  	_ =	shalt  }
0x73: {  	_ =	shalt  }
0x74: {  	_ =	shalt  }
0x75: {  	_ =	shalt  }
0x76: {  	_ =	shalt  }
0x77: {  	_ =	shalt  }
0x78: {  	_ =	shalt  }
0x79: {  	_ =	shalt  }
0x7a: {  	_ =	shalt  }
0x7b: {  	_ =	shalt  }
0x7c: {  	_ =	shalt  }
0x7d: {  	_ =	shalt  }
0x7e: {  	_ =	shalt  }
0x7f: {  	_ =	shalt  }
0x80: {  	_ =	shalt  }
0x81: {  	_ =	shalt  }
0x82: {  	_ =	shalt  }
0x83: {  	_ =	shalt  }
0x84: {  	_ =	shalt  }
0x85: {  	_ =	shalt  }
0x86: {  	_ =	shalt  }
0x87: {  	_ =	shalt  }
.Lfunc_end0:
.L_simem_size_0:
called_computation.2_lowered:
.L_overlay_start_0:
0x88: {  	s2 =	sld [smem:$0x3FD9]  }
0x89: {  	s3 =	sld [smem:$0x3FFE];
	_ =	sdelay $0x1  }
0x8a: {  	s1 =	srdreg.scid  }
0x8b: {  	s0 =	sand.u32 $0x1, s1  }
0x8c: {  	s16 =	sshll.u32 s0, $0xA;
	s2 =	sadd.s32 s3, s2  }
0x8d: {  	s2 =	sadd.s32 s2, s16  }
0x8e: {  	[smem:$0x3FB9] =	sst s2  }
0x8f: {  	_ = 	snop  }
0x90: {  	(tm) =	ssettm $0x1  }
0x91: {  	s17 =	sld [smem:$0x3FFB];
	_ =	sdelay $0x3  }
0x92: {  	_ =	strace s17  }
0x93: {  	s2 =	sld [smem:$0x3FFC];
	_ =	sdelay $0x3  }
0x94: {  	_ =	strace s2  }
0x95: {  	s2 =	sld [smem:$0x3FFD];
	_ =	sdelay $0x3  }
0x96: {  	_ =	strace s2  }
0x97: {  	_ =	strace $0x8FFFFFFF  }
0x98: {  	s18 =	sld [smem:$0x3FDB];
	_ =	sdelay $0x1  }
0x99: {  	s19 =	simm.s32 $_scs_section_size  }
0x9a: {  	s4 =	simm.s32 $_size__tile_overlayer_lowered;
	s5 =	simm.s32 $_tile_overlayer_lowered  }
0x9b: {  	s22 =	simm.s32 $0x1BFF;
	s21 =	sshll.u32 s5, $0x1;
	s2 =	sadd.s32 s19, s18  }
0x9c: {  	s6 =	simm.s32 $0x0;
	s20 =	sshll.u32 s4, $0x1;
	s4 =	sadd.s32 s21, s2  }
0x9d: {  	[timem:s6], [sflag:s22] =	dma.local [hbm:s4], s20  }
0x9e: {  	_ =	swait.ge [sflag:s22], s20  }
0x9f: {  	s3 =	ssub.s32 $0x0, s20;
	[sflag:s22] =	ssyncset.done $0x0  }
0xa0: {  	[sflag:s22] =	ssyncadd.s32 s3;
	_ =	sdelay $0x1  }
0xa1: {  	s23 =	simm.s32 $0x1B8B  }
0xa2: {  	_ =	swait.ge [sflag:s23], $0x1  }
0xa3: {  	[sflag:s23] =	ssyncset.done $0x0  }
0xa4: {  	s25 =	simm.s32 $0x1B8E;
	s24 =	sld [smem:$0x3FFE];
	[sflag:s23] =	ssyncadd.s32 $0xFFFFFFFF  }
0xa5: {  	s26 =	simm.s32 $execute0_lowered;
	[smem:$0x3FD2] =	sst s25  }
0xa6: {  	s4 =	sshll.u32 s26, $0x1;
	_ =	strace $0x8000004C;
	[dreg:$0x1] =	wrdreg $0xFFFFFFFF  }
0xa7: {  	s28 =	simm.s32 $_size_execute0_lowered;
	s2 =	sadd.s32 s2, s4;
	[dreg:$0x0] =	wrdreg $0x0  }
0xa8: {  	s4 =	sshll.u32 s28, $0x1;
	[dreg:$0x2] =	wrdreg s2  }
0xa9: {  	[dreg:$0x3] =	wrdreg s4  }
0xaa: {  	[dreg:$0x4] =	wrdreg $0xC0  }
0xab: {  	_ =	task [dreg:s6], $0x5FFFF  }
0xac: {  	[dreg:$0x1] =	wrdreg $0xFFFFFFFF  }
0xad: {  	[dreg:$0x0] =	wrdreg $0x60  }
0xae: {  	[dreg:$0x2] =	wrdreg s24  }
0xaf: {  	[dreg:$0x3] =	wrdreg $0x9  }
0xb0: {  	_ =	task.clear_ibuf [dreg:s6], $0x4FFFF;
	_ =	strace $0x9000004C  }
0xb1: {  	s29 =	simm.s32 $0x9;
	_ =	strace $0x8000004E  }
0xb2: {  	_ =	swait.ge [sflag:s29], $0x1  }
0xb3: {  	[sflag:s29] =	ssyncadd.s32 $0xFFFFFFFF  }
0xb4: {  	_ =	strace $0x9000004E  }
0xb5: {  	_ =	sfence  }
0xb6: {  	s30 =	sld [smem:$0x0];
	_ =	sdelay $0x2  }
0xb7: {  	s31 =	sshll.u32 s1, $0xD;
	s1 =	sshrl.u32 s1, $0x2  }
0xb8: {  	s3 =	sand.u32 $0x4000, s31;
	s1 =	sadd.s32 s1, s30  }
0xb9: {  	s0 =	sor.u32 s3, s0;
	s1 =	sshll.u32 s1, $0x11  }
0xba: {  	s0 =	sor.u32 s1, s0  }
0xbb: {  	s0 =	sadd.s32 $0x8F2B, s0  }
0xbc: {  	[sflag:s0] =	ssyncadd.remote.s32 $0x1  }
0xbd: {  	_ =	sfence.sel $0xFFFF  }
0xbe: {  	[dreg:$0x0] =	wrdreg $0xFFFFFFFF;
	(pc) =	sbr.abs _section_cstart, $3  }
0xbf: {  	[dreg:$0x1] =	wrdreg $0xFFFFFFFF  }
0xc0: {  	_ =	task.clear_ibuf [dreg:s6], $0x2FFFF;
	_ =	strace $0x9FFFFFFF  }
0xc1: {  	(tm) =	ssettm $0x7FFFFFFF  }
tec
execute0_lowered:
.L_overlay_start_1:
0x0: {  	(tag) =	ssettag $0x1  }
0x1: {  	s1 =	srdreg.scid;
	s0 =	stileid.u32  }
0x2: {  	s5 =	rddreg [dreg:$0x0];
	s2 =	simm.s32 $0x0;
	s8 =	simm.s32 $0x80  }
0x3: {  	s9 =	simm.s32 $0x1;
	s4 =	sand.u32 $0x1, s1;
	s30 =	sshll.u32 s0, $0x1  }
0x4: {  	s10 =	simm.s32 $0x1880;
	s1 =	rddreg [dreg:$0x1];
	s3 =	sor.u32 s4, s30  }
0x5: {  	s11 =	simm.s32 $0x0;
	[smem:$0x7FF] =	sst s2;
	s6 =	smul.u32 $0x310, s3  }
0x6: {  	_ =	strace $0x8000004D;
	s4 =	ssub.s32 $0x2, s4;
	s7 =	smul.u32 $0x3100, s3  }
0x7: {  	s3 =	sadd.s32 $0xFC00, s5;
	s31 =	sshrl.u32 s4, $0x1;
	s6 =	sadd.s32 s6, s5  }
0x8: {  	s5 =	sadd.s32 s7, s5;
	s7 =	ssub.s32 s4, s31;
	s4 =	sadd.s32 $0x9A00, s6  }
0x9: {  	s5 =	sadd.s32 $0x14C00, s5;
	s6 =	smax.u32 s7, $0x1;
	s7 =	simm.s32 $0x2  }
.LBB2_1:
0xa: {  	[tilespmem:s2], [sflag:$0x2] =	stream.linear.gather [hbm4b:s4+s2], $0x1880, $0x38;
	[tilespmem:$0x1A080] =	vst v63  }
0xb: {  	_ =	swait.ge [sflag:s7], $0x1880  }
0xc: {  	[sflag:s7] =	ssyncset.done $0x0  }
0xd: {  	s12 =	simm.s32 $0x0;
	s13 =	simm.s32 $0x1880;
	[sflag:s7] =	ssyncadd.s32 $0xFFFFE780  }
0xe: {  	[tilespmem:s13], [sflag:$0x1] =	stream.indirect.gather [hbm4b:s3+s8], $0x10, s12, s8, $0xb8;
	[tilespmem:$0x1A080] =	vst v63  }
0xf: {  	s19 =	simm.s32 $0x2080;
	s20 =	simm.s32 $0x80  }
0x10: {  	[tilespmem:s19], [sflag:$0x1] =	stream.indirect.gather [hbm4b:s3+s8], $0x10, s20, s8, $0xb8;
	[tilespmem:$0x1A080] =	vst v63  }
0x11: {  	s21 =	simm.s32 $0x2880;
	s22 =	simm.s32 $0x100  }
0x12: {  	[tilespmem:s21], [sflag:$0x1] =	stream.indirect.gather [hbm4b:s3+s8], $0x10, s22, s8, $0xb8;
	[tilespmem:$0x1A080] =	vst v63  }
0x13: {  	s23 =	simm.s32 $0x3080;
	s24 =	simm.s32 $0x180  }
0x14: {  	[tilespmem:s23], [sflag:$0x1] =	stream.indirect.gather [hbm4b:s3+s8], $0x10, s24, s8, $0xb8;
	[tilespmem:$0x1A080] =	vst v63  }
0x15: {  	s25 =	simm.s32 $0x3880;
	s26 =	simm.s32 $0x200  }
0x16: {  	[tilespmem:s25], [sflag:$0x1] =	stream.indirect.gather [hbm4b:s3+s8], $0x10, s26, s8, $0xb8;
	[tilespmem:$0x1A080] =	vst v63  }
0x17: {  	s28 =	simm.s32 $0x4080;
	s29 =	simm.s32 $0x280  }
0x18: {  	[tilespmem:s28], [sflag:$0x1] =	stream.indirect.gather [hbm4b:s3+s8], $0x10, s29, s8, $0xb8;
	[tilespmem:$0x1A080] =	vst v63  }
0x19: {  	s30 =	simm.s32 $0x300;
	s31 =	simm.s32 $0x4880  }
0x1a: {  	[tilespmem:s31], [sflag:$0x1] =	stream.indirect.gather [hbm4b:s3+s8], $0x10, s30, s8, $0xb8;
	[tilespmem:$0x1A080] =	vst v63  }
0x1b: {  	_ =	swait.ge [sflag:s9], $0x800  }
0x1c: {  	[sflag:s9] =	ssyncset.done $0x0  }
0x1d: {  	[sflag:s9] =	ssyncadd.s32 $0xFFFFF800  }
0x1e: {  	_ =	swait.ge [sflag:s9], $0x800  }
0x1f: {  	[sflag:s9] =	ssyncset.done $0x0  }
0x20: {  	[sflag:s9] =	ssyncadd.s32 $0xFFFFF800  }
0x21: {  	_ =	swait.ge [sflag:s9], $0x800  }
0x22: {  	[sflag:s9] =	ssyncset.done $0x0  }
0x23: {  	[sflag:s9] =	ssyncadd.s32 $0xFFFFF800  }
0x24: {  	_ =	swait.ge [sflag:s9], $0x800  }
0x25: {  	[sflag:s9] =	ssyncset.done $0x0  }
0x26: {  	[sflag:s9] =	ssyncadd.s32 $0xFFFFF800  }
0x27: {  	_ =	swait.ge [sflag:s9], $0x800  }
0x28: {  	[sflag:s9] =	ssyncset.done $0x0  }
0x29: {  	[sflag:s9] =	ssyncadd.s32 $0xFFFFF800  }
0x2a: {  	_ =	swait.ge [sflag:s9], $0x800  }
0x2b: {  	[sflag:s9] =	ssyncset.done $0x0  }
0x2c: {  	s14 =	simm.s32 $0x380;
	[sflag:s9] =	ssyncadd.s32 $0xFFFFF800  }
0x2d: {  	s18 =	simm.s32 $0x1C000;
	s17 =	simm.s32 $0x3800;
	_ =	swait.ge [sflag:s9], $0x800  }
0x2e: {  	s12 =	simm.s32 $0x680;
	s13 =	simm.s32 $0xA00;
	[sflag:s9] =	ssyncset.done $0x0  }
.LBB2_2:
0x2f: {  	s19 =	sadd.s32 $0xFFFFFD00, s13  }
0x30: {  	s16 =	sadd.s32 $0x1880, s17;
	[sflag:s9] =	ssyncadd.s32 $0xFFFFF800;
	s15 =	smov.u32 s18  }
0x31: {  	[tilespmem:s16], [sflag:$0x1] =	stream.indirect.gather [hbm4b:s3+s8], $0x10, s14, s8, $0xb8;
	[tilespmem:$0x1A080] =	vst v63  }
0x32: {  	s20 =	sadd.s32 $0xFFFFFD80, s12;
	s16 =	sadd.s32 $0xE000, s18;
	s14 =	sadd.s32 $0x2080, s17  }
0x33: {  	[tilespmem:s14], [sflag:$0x1] =	stream.indirect.gather [hbm4b:s3+s8], $0x10, s20, s8, $0xb8;
	[tilespmem:$0x1A080] =	vst v63  }
0x34: {  	p0 =	sne.s32 s18, $0x54000;
	s18 =	sadd.s32 $0xFFFFFE00, s12;
	s14 =	sadd.s32 $0x2880, s17  }
0x35: {  	[tilespmem:s14], [sflag:$0x1] =	stream.indirect.gather [hbm4b:s3+s8], $0x10, s18, s8, $0xb8;
	[tilespmem:$0x1A080] =	vst v63  }
0x36: {  	s20 =	sadd.s32 $0xFFFFFE80, s12;
	s18 =	sadd.s32 $0x3080, s17;
	s14 =	smov.u32 s19  }
0x37: {  	[tilespmem:s18], [sflag:$0x1] =	stream.indirect.gather [hbm4b:s3+s8], $0x10, s20, s8, $0xb8;
	[tilespmem:$0x1A080] =	vst v63  }
0x38: {  	s19 =	sadd.s32 $0xFFFFFF00, s12;
	s18 =	sadd.s32 $0x3880, s17  }
0x39: {  	[tilespmem:s18], [sflag:$0x1] =	stream.indirect.gather [hbm4b:s3+s8], $0x10, s19, s8, $0xb8;
	[tilespmem:$0x1A080] =	vst v63  }
0x3a: {  	s18 =	sadd.s32 $0x4080, s17;
	s19 =	sadd.s32 $0xFFFFFF80, s12  }
0x3b: {  	[tilespmem:s18], [sflag:$0x1] =	stream.indirect.gather [hbm4b:s3+s8], $0x10, s19, s8, $0xb8;
	[tilespmem:$0x1A080] =	vst v63  }
0x3c: {  	s17 =	sadd.s32 $0x4880, s17  }
0x3d: {  	[tilespmem:s17], [sflag:$0x1] =	stream.indirect.gather [hbm4b:s3+s8], $0x10, s12, s8, $0xb8;
	[tilespmem:$0x1A080] =	vst v63  }
0x3e: {  	s12 =	smov.u32 s13;
	_ =	swait.ge [sflag:s9], $0x800  }
0x3f: {  	[sflag:s9] =	ssyncset.done $0x0  }
0x40: {  	[sflag:s9] =	ssyncadd.s32 $0xFFFFF800  }
0x41: {  	_ =	swait.ge [sflag:s9], $0x800  }
0x42: {  	[sflag:s9] =	ssyncset.done $0x0  }
0x43: {  	[sflag:s9] =	ssyncadd.s32 $0xFFFFF800  }
0x44: {  	_ =	swait.ge [sflag:s9], $0x800  }
0x45: {  	[sflag:s9] =	ssyncset.done $0x0  }
0x46: {  	[sflag:s9] =	ssyncadd.s32 $0xFFFFF800  }
0x47: {  	_ =	swait.ge [sflag:s9], $0x800  }
0x48: {  	[sflag:s9] =	ssyncset.done $0x0  }
0x49: {  	[sflag:s9] =	ssyncadd.s32 $0xFFFFF800  }
0x4a: {  	_ =	swait.ge [sflag:s9], $0x800  }
0x4b: {  	[sflag:s9] =	ssyncset.done $0x0  }
0x4c: {  	[sflag:s9] =	ssyncadd.s32 $0xFFFFF800  }
.Ltmp0:
0x4d: {  	_ =	swait.ge [sflag:s9], $0x800;
	(pc) =	sbr.rel @p0 .LBB2_2-.Ltmp0, $4  }
0x4e: {  	[sflag:s9] =	ssyncset.done $0x0  }
0x4f: {  	[sflag:s9] =	ssyncadd.s32 $0xFFFFF800  }
0x50: {  	s18 =	smov.u32 s16;
	_ =	swait.ge [sflag:s9], $0x800  }
0x51: {  	s17 =	sshra.s32 s15, $0x2;
	s13 =	sadd.s32 $0x380, s13;
	[sflag:s9] =	ssyncset.done $0x0  }
0x52: {  	s13 =	sadd.s32 $0x1880, s17;
	[sflag:s9] =	ssyncadd.s32 $0xFFFFF800  }
0x53: {  	[tilespmem:s13], [sflag:$0x1] =	stream.indirect.gather [hbm4b:s3+s8], $0x10, s14, s8, $0xb8;
	[tilespmem:$0x1A080] =	vst v63  }
0x54: {  	s20 =	sadd.s32 $0x2080, s17;
	s21 =	sadd.s32 $0xFFFFFD80, s12  }
0x55: {  	[tilespmem:s20], [sflag:$0x1] =	stream.indirect.gather [hbm4b:s3+s8], $0x10, s21, s8, $0xb8;
	[tilespmem:$0x1A080] =	vst v63  }
0x56: {  	s22 =	sadd.s32 $0x2880, s17;
	s23 =	sadd.s32 $0xFFFFFE00, s12  }
0x57: {  	[tilespmem:s22], [sflag:$0x1] =	stream.indirect.gather [hbm4b:s3+s8], $0x10, s23, s8, $0xb8;
	[tilespmem:$0x1A080] =	vst v63  }
0x58: {  	s24 =	sadd.s32 $0x3080, s17;
	s25 =	sadd.s32 $0xFFFFFE80, s12  }
0x59: {  	[tilespmem:s24], [sflag:$0x1] =	stream.indirect.gather [hbm4b:s3+s8], $0x10, s25, s8, $0xb8;
	[tilespmem:$0x1A080] =	vst v63  }
0x5a: {  	s26 =	sadd.s32 $0x3880, s17;
	s28 =	sadd.s32 $0xFFFFFF00, s12  }
0x5b: {  	[tilespmem:s26], [sflag:$0x1] =	stream.indirect.gather [hbm4b:s3+s8], $0x10, s28, s8, $0xb8;
	[tilespmem:$0x1A080] =	vst v63  }
0x5c: {  	s29 =	sadd.s32 $0x4080, s17;
	s30 =	sadd.s32 $0xFFFFFF80, s12  }
0x5d: {  	[tilespmem:s29], [sflag:$0x1] =	stream.indirect.gather [hbm4b:s3+s8], $0x10, s30, s8, $0xb8;
	[tilespmem:$0x1A080] =	vst v63  }
0x5e: {  	s31 =	sadd.s32 $0x4880, s17  }
0x5f: {  	[tilespmem:s31], [sflag:$0x1] =	stream.indirect.gather [hbm4b:s3+s8], $0x10, s12, s8, $0xb8;
	[tilespmem:$0x1A080] =	vst v63  }
0x60: {  	_ =	swait.ge [sflag:s9], $0x800  }
0x61: {  	[sflag:s9] =	ssyncset.done $0x0  }
0x62: {  	[sflag:s9] =	ssyncadd.s32 $0xFFFFF800  }
0x63: {  	_ =	swait.ge [sflag:s9], $0x800  }
0x64: {  	[sflag:s9] =	ssyncset.done $0x0  }
0x65: {  	[sflag:s9] =	ssyncadd.s32 $0xFFFFF800  }
0x66: {  	_ =	swait.ge [sflag:s9], $0x800  }
0x67: {  	[sflag:s9] =	ssyncset.done $0x0  }
0x68: {  	[sflag:s9] =	ssyncadd.s32 $0xFFFFF800  }
0x69: {  	_ =	swait.ge [sflag:s9], $0x800  }
0x6a: {  	[sflag:s9] =	ssyncset.done $0x0  }
0x6b: {  	[sflag:s9] =	ssyncadd.s32 $0xFFFFF800  }
0x6c: {  	_ =	swait.ge [sflag:s9], $0x800  }
0x6d: {  	[sflag:s9] =	ssyncset.done $0x0  }
0x6e: {  	[sflag:s9] =	ssyncadd.s32 $0xFFFFF800  }
0x6f: {  	_ =	swait.ge [sflag:s9], $0x800  }
0x70: {  	[sflag:s9] =	ssyncset.done $0x0  }
0x71: {  	[sflag:s9] =	ssyncadd.s32 $0xFFFFF800  }
0x72: {  	s11 =	sadd.s32 $0x1, s11;
	_ =	swait.ge [sflag:s9], $0x800  }
0x73: {  	p0 =	sne.s32 s11, s6;
	[sflag:s9] =	ssyncset.done $0x0  }
.Ltmp1:
0x74: {  	[sflag:s9] =	ssyncadd.s32 $0xFFFFF800;
	(pc) =	sbr.rel @p0 .LBB2_1-.Ltmp1, $4  }
0x75: {  	[hbm4b:s5+s2] =	stream.linear.scatter [tilespmem:s10], [sflag:$0x2], $0x18800, $0x38;
	[tilespmem:$0x1A080] =	vst v63  }
0x76: {  	_ =	swait.ge [sflag:s7], $0x18800  }
0x77: {  	[sflag:s7] =	ssyncset.done $0x0  }
0x78: {  	[sflag:s7] =	ssyncadd.s32 $0xFFFE7800  }
0x79: {  	_ =	sfence.sel $0x180000  }
0x7a: {  	[bflag:$0x0] =	sbarrier.arrive $0xFFFF  }
0x7b: {  	p0 =	sne.s32 s0, $0x0;
	_ =	strace $0x9000004D  }
0x7c: {  	s0 =	sadd.s32 @!p0 $0x100000, s1;
	[bflag:$0x2] =	sbarrier.arrive $0xFFFF  }
0x7d: {  	[sflag:s0] =	ssyncadd.tile.s32 @!p0 $0x1;
	_ =	shalt  }
.Lfunc_end2:
_tile_overlayer_lowered:
.L_overlay_start_2:
0x7e: {  	(tag) =	ssettag $0x2  }
0x7f: {  	s0 =	rddreg [dreg:$0x0];
	s2 =	stileid.u32  }
0x80: {  	s1 =	rddreg [dreg:$0x1];
	p0 =	sne.s32 s2, $0x0  }
0x81: {  	s3 =	rddreg [dreg:$0x2];
	[bflag:$0x3] =	sbarrier.arrive $0xFFFF;
	s2 =	simm.s32 @!p0 $0x1C02  }
0x82: {  	[timem:s3], [sflag:s2] =	dma.local @!p0 [hbm:s0], s1  }
0x83: {  	s0 =	simm.s32 @!p0 $0x2  }
0x84: {  	_ =	swait.ge @!p0 [sflag:s0], s1  }
0x85: {  	s1 =	ssub.s32 @!p0 $0x0, s1;
	[sflag:s0] =	ssyncset.done @!p0 $0x0  }
0x86: {  	[sflag:s0] =	ssyncadd.s32 @!p0 s1  }
0x87: {  	[bflag:$0x3] =	sbarrier.arrive $0xFFFF  }
0x88: {  	_ =	shalt  }

// kernel: kernel.28.cloned.1.call-start
scs
__scs_entry_jumppad:
0x0: {  	(pc) =	sbr.rel $0x88, $3  }
0x1: {  	(tag) =	ssettag $0x0;
	lr =	simm.s32 $0x1  }
0x2: {  	[smem:$0x3F92] =	sst lr;
	_ =	strace $0xD0000000  }
0x3: {  	_ = 	snop  }
0x4: {  	_ = 	snop  }
0x5: {  	_ = 	snop  }
0x6: {  	_ = 	snop  }
0x7: {  	_ = 	snop  }
__scs_overlays_trampoline_lowered:
0x8: {  	[smem:$0x3FA1] =	sst s0  }
0x9: {  	[smem:$0x3FA2] =	sst s1  }
0xa: {  	[smem:$0x3FA3] =	sst s2  }
0xb: {  	[smem:$0x3FA4] =	sst s3  }
0xc: {  	[smem:$0x3FA5] =	sst s4  }
0xd: {  	[smem:$0x3FA6] =	sst s5  }
0xe: {  	[smem:$0x3FA7] =	sst s6  }
0xf: {  	[smem:$0x3FA8] =	sst s7  }
0x10: {  	[smem:$0x3FA9] =	sst s8  }
0x11: {  	[smem:$0x3FAA] =	sst s9;
	s0 =	simm.s32 @!p0 $0x0  }
0x12: {  	s1 =	sld [smem:$0x3F90];
	s0 =	simm.s32 @p0 $0x1  }
0x13: {  	[smem:$0x3FAB] =	sst s0;
	s0 =	simm.s32 @!p1 $0x0  }
0x14: {  	s2 =	sld [smem:$0x3F8F];
	s0 =	simm.s32 @p1 $0x1  }
0x15: {  	[smem:$0x3FAC] =	sst s0;
	s0 =	simm.s32 @!p2 $0x0  }
0x16: {  	s3 =	sld [smem:$0x3FDB];
	s0 =	simm.s32 @p2 $0x1  }
0x17: {  	s4 =	simm.s32 $0x1BF5;
	[smem:$0x3FAE] =	sst s0  }
0x18: {  	s0 =	sld [smem:$0x3F91];
	_ =	swait.ge [sflag:s4], $0x0  }
0x19: {  	s7 =	sld [smem:$0x3F92]  }
0x1a: {  	s8 =	sadd.s32 $0xFFFFE003, lr  }
0x1b: {  	s9 =	sadd.s32 $0xFFFFFEF7, lr;
	s5 =	simm.s32 $0xFFFFFFFF;
	p2 =	slt.u32 s8, $0xFFFFF086  }
0x1c: {  	p1 =	slt.u32 s9, $0xF7A;
	s5 =	simm.s32 @!p2 $0x0  }
0x1d: {  	s5 =	simm.s32 @p1 $0x1;
	p0 =	seq.s32 s7, s2  }
0x1e: {  	s7 =	smul.u32 @!p0 $0xF7A, s2;
	p2 =	seq.s32 @!p0 s5, $0x0  }
0x1f: {  	s9 =	smul.u32 $0xF7A, s1;
	s8 =	simm.s32 @!p0 $0x1BF5;
	p2 =	por !p2, p0  }
0x20: {  	[sflag:s8] =	ssyncset.s32 @!p0 $0xFFFFF086;
	s6 =	sadd.s32 @!p0 s3, s7;
	s7 =	simm.s32 @!p0 $0x108  }
0x21: {  	s3 =	sadd.s32 s3, s9;
	s6 =	sadd.s32 @!p0 $0x88, s6;
	s7 =	simm.s32 @p2 $0x1082  }
0x22: {  	[simem:s7], [sflag:s8] =	dma.local @!p0 [hbm:s6], $0xF7A  }
0x23: {  	s9 =	sor.u32 $0xD0000000, s2;
	s6 =	simm.s32 $0x108;
	_ =	swait.ge @!p0 [sflag:s8], $0x0  }
0x24: {  	s3 =	sadd.s32 $0x88, s3;
	s6 =	simm.s32 @!p1 $0x1082;
	[sflag:s4] =	ssyncset.s32 $0xFFFFF086  }
0x25: {  	[simem:s6], [sflag:s4] =	dma.local [hbm:s3], $0xF7A  }
0x26: {  	[smem:$0x3F92] =	sst s1;
	(tag) =	ssettag s2;
	_ =	strace s9  }
0x27: {  	s1 =	sld [smem:$0x3FA2]  }
0x28: {  	s2 =	sld [smem:$0x3FA3]  }
0x29: {  	s4 =	sld [smem:$0x3FA5]  }
0x2a: {  	p0 =	seq.s32 s5, $0x0;
	s5 =	sld [smem:$0x3FA6]  }
0x2b: {  	s6 =	sld [smem:$0x3FA7]  }
0x2c: {  	s7 =	sld [smem:$0x3FA8]  }
0x2d: {  	s3 =	simm.s32 $0x108;
	s8 =	sld [smem:$0x3FA9]  }
0x2e: {  	s3 =	simm.s32 @!p0 $0x1082;
	s9 =	sld [smem:$0x3FAA]  }
0x2f: {  	lr =	sadd.s32 s0, s3;
	s0 =	sld [smem:$0x3FA1]  }
0x30: {  	s3 =	sld [smem:$0x3FA4]  }
0x31: {  	[smem:$0x3FAD] =	sst s10  }
0x32: {  	s10 =	sld [smem:$0x3FAB];
	_ =	sdelay $0x3  }
0x33: {  	p0 =	seq.s32 s10, $0x1;
	s10 =	sld [smem:$0x3FAD];
	_ =	sdelay $0x3  }
0x34: {  	[smem:$0x3FAD] =	sst s10  }
0x35: {  	s10 =	sld [smem:$0x3FAC];
	_ =	sdelay $0x3  }
0x36: {  	p1 =	seq.s32 s10, $0x1;
	s10 =	sld [smem:$0x3FAD];
	_ =	sdelay $0x3  }
0x37: {  	[smem:$0x3FAD] =	sst s10  }
0x38: {  	s10 =	sld [smem:$0x3FAE]  }
0x39: {  	_ = 	snop;
	(pc) =	sbr.ind lr, $3  }
0x3a: {  	_ = 	snop  }
0x3b: {  	_ = 	snop  }
0x3c: {  	p2 =	seq.s32 s10, $0x1;
	s10 =	sld [smem:$0x3FAD]  }
0x3d: {  	_ =	shalt  }
0x3e: {  	_ =	shalt  }
0x3f: {  	_ =	shalt  }
0x40: {  	_ =	shalt  }
0x41: {  	_ =	shalt  }
0x42: {  	_ =	shalt  }
0x43: {  	_ =	shalt  }
0x44: {  	_ =	shalt  }
0x45: {  	_ =	shalt  }
0x46: {  	_ =	shalt  }
0x47: {  	_ =	shalt  }
0x48: {  	_ =	shalt  }
0x49: {  	_ =	shalt  }
0x4a: {  	_ =	shalt  }
0x4b: {  	_ =	shalt  }
0x4c: {  	_ =	shalt  }
0x4d: {  	_ =	shalt  }
0x4e: {  	_ =	shalt  }
0x4f: {  	_ =	shalt  }
0x50: {  	_ =	shalt  }
0x51: {  	_ =	shalt  }
0x52: {  	_ =	shalt  }
0x53: {  	_ =	shalt  }
0x54: {  	_ =	shalt  }
0x55: {  	_ =	shalt  }
0x56: {  	_ =	shalt  }
0x57: {  	_ =	shalt  }
0x58: {  	_ =	shalt  }
0x59: {  	_ =	shalt  }
0x5a: {  	_ =	shalt  }
0x5b: {  	_ =	shalt  }
0x5c: {  	_ =	shalt  }
0x5d: {  	_ =	shalt  }
0x5e: {  	_ =	shalt  }
0x5f: {  	_ =	shalt  }
0x60: {  	_ =	shalt  }
0x61: {  	_ =	shalt  }
0x62: {  	_ =	shalt  }
0x63: {  	_ =	shalt  }
0x64: {  	_ =	shalt  }
0x65: {  	_ =	shalt  }
0x66: {  	_ =	shalt  }
0x67: {  	_ =	shalt  }
0x68: {  	_ =	shalt  }
0x69: {  	_ =	shalt  }
0x6a: {  	_ =	shalt  }
0x6b: {  	_ =	shalt  }
0x6c: {  	_ =	shalt  }
0x6d: {  	_ =	shalt  }
0x6e: {  	_ =	shalt  }
0x6f: {  	_ =	shalt  }
0x70: {  	_ =	shalt  }
0x71: {  	_ =	shalt  }
0x72: {  	_ =	shalt  }
0x73: {  	_ =	shalt  }
0x74: {  	_ =	shalt  }
0x75: {  	_ =	shalt  }
0x76: {  	_ =	shalt  }
0x77: {  	_ =	shalt  }
0x78: {  	_ =	shalt  }
0x79: {  	_ =	shalt  }
0x7a: {  	_ =	shalt  }
0x7b: {  	_ =	shalt  }
0x7c: {  	_ =	shalt  }
0x7d: {  	_ =	shalt  }
0x7e: {  	_ =	shalt  }
0x7f: {  	_ =	shalt  }
0x80: {  	_ =	shalt  }
0x81: {  	_ =	shalt  }
0x82: {  	_ =	shalt  }
0x83: {  	_ =	shalt  }
0x84: {  	_ =	shalt  }
0x85: {  	_ =	shalt  }
0x86: {  	_ =	shalt  }
0x87: {  	_ =	shalt  }
.Lfunc_end0:
.L_simem_size_0:
called_computation.3_lowered:
.L_overlay_start_0:
0x88: {  	s2 =	sld [smem:$0x3FD9]  }
0x89: {  	s3 =	sld [smem:$0x3FFE];
	_ =	sdelay $0x1  }
0x8a: {  	s1 =	srdreg.scid  }
0x8b: {  	s0 =	sand.u32 $0x1, s1  }
0x8c: {  	s16 =	sshll.u32 s0, $0xA;
	s2 =	sadd.s32 s3, s2  }
0x8d: {  	s2 =	sadd.s32 s2, s16  }
0x8e: {  	[smem:$0x3FB9] =	sst s2  }
0x8f: {  	_ = 	snop  }
0x90: {  	(tm) =	ssettm $0x1  }
0x91: {  	s17 =	sld [smem:$0x3FFB];
	_ =	sdelay $0x3  }
0x92: {  	_ =	strace s17  }
0x93: {  	s2 =	sld [smem:$0x3FFC];
	_ =	sdelay $0x3  }
0x94: {  	_ =	strace s2  }
0x95: {  	s2 =	sld [smem:$0x3FFD];
	_ =	sdelay $0x3  }
0x96: {  	_ =	strace s2  }
0x97: {  	_ =	strace $0x8FFFFFFF  }
0x98: {  	s18 =	sld [smem:$0x3FDB];
	_ =	sdelay $0x1  }
0x99: {  	s19 =	simm.s32 $_scs_section_size  }
0x9a: {  	s4 =	simm.s32 $_size__tile_overlayer_lowered;
	s5 =	simm.s32 $_tile_overlayer_lowered  }
0x9b: {  	s22 =	simm.s32 $0x1BFF;
	s21 =	sshll.u32 s5, $0x1;
	s2 =	sadd.s32 s19, s18  }
0x9c: {  	s6 =	simm.s32 $0x0;
	s20 =	sshll.u32 s4, $0x1;
	s4 =	sadd.s32 s21, s2  }
0x9d: {  	[timem:s6], [sflag:s22] =	dma.local [hbm:s4], s20  }
0x9e: {  	_ =	swait.ge [sflag:s22], s20  }
0x9f: {  	s3 =	ssub.s32 $0x0, s20;
	[sflag:s22] =	ssyncset.done $0x0  }
0xa0: {  	[sflag:s22] =	ssyncadd.s32 s3;
	_ =	sdelay $0x1  }
0xa1: {  	s23 =	simm.s32 $0x1B8B  }
0xa2: {  	_ =	swait.ge [sflag:s23], $0x1  }
0xa3: {  	[sflag:s23] =	ssyncset.done $0x0  }
0xa4: {  	s25 =	simm.s32 $0x1B8E;
	s24 =	sld [smem:$0x3FFE];
	[sflag:s23] =	ssyncadd.s32 $0xFFFFFFFF  }
0xa5: {  	s26 =	simm.s32 $execute0_lowered;
	[smem:$0x3FD2] =	sst s25  }
0xa6: {  	s4 =	sshll.u32 s26, $0x1;
	_ =	strace $0x8000004F;
	[dreg:$0x1] =	wrdreg $0xFFFFFFFF  }
0xa7: {  	s28 =	simm.s32 $_size_execute0_lowered;
	s2 =	sadd.s32 s2, s4;
	[dreg:$0x0] =	wrdreg $0x0  }
0xa8: {  	s4 =	sshll.u32 s28, $0x1;
	[dreg:$0x2] =	wrdreg s2  }
0xa9: {  	[dreg:$0x3] =	wrdreg s4  }
0xaa: {  	[dreg:$0x4] =	wrdreg $0xC0  }
0xab: {  	_ =	task [dreg:s6], $0x5FFFF  }
0xac: {  	[dreg:$0x1] =	wrdreg $0xFFFFFFFF  }
0xad: {  	[dreg:$0x0] =	wrdreg $0x60  }
0xae: {  	[dreg:$0x2] =	wrdreg s24  }
0xaf: {  	[dreg:$0x3] =	wrdreg $0x1A0800  }
0xb0: {  	[dreg:$0x4] =	wrdreg $0x9  }
0xb1: {  	_ =	task.clear_ibuf [dreg:s6], $0x5FFFF;
	_ =	strace $0x9000004F  }
0xb2: {  	s29 =	simm.s32 $0x9;
	_ =	strace $0x80000051  }
0xb3: {  	_ =	swait.ge [sflag:s29], $0x1  }
0xb4: {  	[sflag:s29] =	ssyncadd.s32 $0xFFFFFFFF  }
0xb5: {  	_ =	strace $0x90000051  }
0xb6: {  	_ =	sfence  }
0xb7: {  	s30 =	sld [smem:$0x0];
	_ =	sdelay $0x2  }
0xb8: {  	s31 =	sshll.u32 s1, $0xD;
	s1 =	sshrl.u32 s1, $0x2  }
0xb9: {  	s3 =	sand.u32 $0x4000, s31;
	s1 =	sadd.s32 s1, s30  }
0xba: {  	s0 =	sor.u32 s3, s0;
	s1 =	sshll.u32 s1, $0x11  }
0xbb: {  	s0 =	sor.u32 s1, s0  }
0xbc: {  	s0 =	sadd.s32 $0x8F2B, s0  }
0xbd: {  	[sflag:s0] =	ssyncadd.remote.s32 $0x1  }
0xbe: {  	_ =	sfence.sel $0xFFFF  }
0xbf: {  	[dreg:$0x0] =	wrdreg $0xFFFFFFFF;
	(pc) =	sbr.abs _section_cstart, $3  }
0xc0: {  	[dreg:$0x1] =	wrdreg $0xFFFFFFFF  }
0xc1: {  	_ =	task.clear_ibuf [dreg:s6], $0x2FFFF;
	_ =	strace $0x9FFFFFFF  }
0xc2: {  	(tm) =	ssettm $0x7FFFFFFF  }
0xc3: {  	_ =	shalt  }
tec
execute0_lowered:
.L_overlay_start_1:
0x0: {  	(tag) =	ssettag $0x1  }
0x1: {  	s1 =	srdreg.scid;
	s5 =	rddreg [dreg:$0x0]  }
0x2: {  	s0 =	stileid.u32;
	s2 =	rddreg [dreg:$0x1]  }
0x3: {  	s4 =	sand.u32 $0x1, s1;
	s30 =	sshll.u32 s0, $0x1;
	s8 =	smul.u32 $0x2720, s0  }
0x4: {  	s3 =	simm.s32 $0x0;
	s1 =	sor.u32 s4, s30;
	s9 =	smul.u32 $0x27200, s4  }
0x5: {  	s13 =	simm.s32 $0x0;
	[smem:$0x7FF] =	sst s3;
	s6 =	smul.u32 $0x3100, s1  }
0x6: {  	s31 =	sshll.u32 s0, $0x6;
	s4 =	ssub.s32 $0x2, s4;
	s7 =	smul.u32 $0x310, s1  }
0x7: {  	s1 =	rddreg [dreg:$0x2];
	_ =	strace $0x80000050;
	s10 =	sshrl.u32 s8, $0x3  }
0x8: {  	s11 =	sshrl.u32 s4, $0x1;
	s12 =	sadd.s32 s8, s2;
	s9 =	sadd.s32 s8, s9  }
0x9: {  	s10 =	sadd.s32 s10, s5;
	s11 =	ssub.s32 s4, s11;
	s6 =	sadd.s32 s6, s5  }
0xa: {  	s7 =	sadd.s32 s7, s5;
	s9 =	sshrl.u32 s9, $0x3;
	s8 =	smax.u32 s11, $0x1  }
0xb: {  	s11 =	sshrl.u32 s12, $0x3;
	s12 =	simm.s32 $0x80;
	s9 =	sadd.s32 s9, s5  }
0xc: {  	s4 =	sadd.s32 $0x9A00, s7;
	s5 =	sadd.s32 $0xFC00, s6;
	s6 =	sadd.s32 $0x4A00, s10  }
0xd: {  	s10 =	sor.u32 $0x1C01, s31;
	s7 =	sadd.s32 $0x71C00, s9;
	s9 =	simm.s32 $0x1  }
.LBB2_1:
0xe: {  	[tilespmem:s3], [sflag:$0x1] =	stream.linear.gather [hbm4b:s4+s3], $0x1880, $0x38;
	[tilespmem:$0x1C7A0] =	vst v63  }
0xf: {  	_ =	swait.ge [sflag:s9], $0x1880  }
0x10: {  	[sflag:s9] =	ssyncset.done $0x0  }
0x11: {  	s14 =	simm.s32 $0x1880;
	[sflag:s9] =	ssyncadd.s32 $0xFFFFE780  }
0x12: {  	[tilespmem:s14], [sflag:$0x1] =	stream.linear.gather [hbm4b:s5+s3], $0x18800, $0x38;
	[tilespmem:$0x1C7A0] =	vst v63  }
0x13: {  	_ =	swait.ge [sflag:s9], $0x18800  }
0x14: {  	[sflag:s9] =	ssyncset.done $0x0  }
0x15: {  	[sflag:s9] =	ssyncadd.s32 $0xFFFE7800  }
0x16: {  	[spmem:s11], [sflag:s10] =	dma.local [hbm:s6], $0x4E4  }
0x17: {  	_ =	swait.ge [sflag:s9], $0x4E4  }
0x18: {  	[sflag:s9] =	ssyncset.done $0x0  }
0x19: {  	[sflag:s9] =	ssyncadd.s32 $0xFFFFFB1C  }
0x1a: {  	s15 =	simm.s32 $0x0;
	[bflag:$0x0] =	sbarrier.arrive $0xFFFF  }
0x1b: {  	[spmem:s2] =	stream.indirect.scatter.add.f32 [tilespmem:s14], [sflag:$0x1], $0x10, s15, s12, $0xb8;
	[tilespmem:$0x1C7A0] =	vst v63  }
0x1c: {  	_ =	swait.ge [sflag:s9], $0x800  }
0x1d: {  	s15 =	simm.s32 $0x200;
	[sflag:s9] =	ssyncset.done $0x0  }
.LBB2_2:
0x1e: {  	s16 =	sshra.s32 s15, $0x2  }
0x1f: {  	[sflag:s9] =	ssyncadd.s32 $0xFFFFF800;
	s14 =	sadd.s32 $0x800, s14;
	p0 =	sne.s32 s15, $0x6000  }
0x20: {  	[spmem:s2] =	stream.indirect.scatter.add.f32 [tilespmem:s14], [sflag:$0x1], $0x10, s16, s12, $0xb8;
	[tilespmem:$0x1C7A0] =	vst v63  }
.Ltmp0:
0x21: {  	_ = 	snop;
	(pc) =	sbr.rel @p0 .LBB2_2-.Ltmp0, $4  }
0x22: {  	_ = 	snop  }
0x23: {  	s15 =	sadd.s32 $0x200, s15  }
0x24: {  	_ =	swait.ge [sflag:s9], $0x800  }
0x25: {  	[sflag:s9] =	ssyncset.done $0x0  }
0x26: {  	s13 =	sadd.s32 $0x1, s13  }
0x27: {  	[sflag:s9] =	ssyncadd.s32 $0xFFFFF800;
	p0 =	sne.s32 s13, s8  }
.Ltmp1:
0x28: {  	[bflag:$0x0] =	sbarrier.arrive $0xFFFF;
	(pc) =	sbr.rel @p0 .LBB2_1-.Ltmp1, $4  }
0x29: {  	[hbm:s7], [sflag:s10] =	dma.local [spmem:s11], $0x4E4  }
0x2a: {  	_ =	swait.ge [sflag:s9], $0x4E4  }
0x2b: {  	[sflag:s9] =	ssyncset.done $0x0  }
0x2c: {  	[sflag:s9] =	ssyncadd.s32 $0xFFFFFB1C  }
0x2d: {  	_ =	sfence.sel $0x180000  }
0x2e: {  	[bflag:$0x0] =	sbarrier.arrive $0xFFFF  }
0x2f: {  	p0 =	sne.s32 s0, $0x0;
	_ =	strace $0x90000050  }
0x30: {  	s0 =	sadd.s32 @!p0 $0x100000, s1;
	[bflag:$0x2] =	sbarrier.arrive $0xFFFF  }
0x31: {  	[sflag:s0] =	ssyncadd.tile.s32 @!p0 $0x1;
	_ =	shalt  }
.Lfunc_end2:
_tile_overlayer_lowered:
.L_overlay_start_2:
0x32: {  	(tag) =	ssettag $0x2  }
0x33: {  	s0 =	rddreg [dreg:$0x0];
	s2 =	stileid.u32  }
0x34: {  	s1 =	rddreg [dreg:$0x1];
	p0 =	sne.s32 s2, $0x0  }
0x35: {  	s3 =	rddreg [dreg:$0x2];
	[bflag:$0x3] =	sbarrier.arrive $0xFFFF;
	s2 =	simm.s32 @!p0 $0x1C01  }
0x36: {  	[timem:s3], [sflag:s2] =	dma.local @!p0 [hbm:s0], s1  }
0x37: {  	s0 =	simm.s32 @!p0 $0x1  }
0x38: {  	_ =	swait.ge @!p0 [sflag:s0], s1  }
0x39: {  	s1 =	ssub.s32 @!p0 $0x0, s1;
	[sflag:s0] =	ssyncset.done @!p0 $0x0  }
0x3a: {  	[sflag:s0] =	ssyncadd.s32 @!p0 s1  }
0x3b: {  	[bflag:$0x3] =	sbarrier.arrive $0xFFFF  }
0x3c: {  	_ =	shalt  }

// kernel: kernel.31.cloned.1.call-start
scs
__scs_entry_jumppad:
0x0: {  	(pc) =	sbr.rel $0x88, $3  }
0x1: {  	(tag) =	ssettag $0x0;
	lr =	simm.s32 $0x1  }
0x2: {  	[smem:$0x3F92] =	sst lr;
	_ =	strace $0xD0000000  }
0x3: {  	_ = 	snop  }
0x4: {  	_ = 	snop  }
0x5: {  	_ = 	snop  }
0x6: {  	_ = 	snop  }
0x7: {  	_ = 	snop  }
__scs_overlays_trampoline_lowered:
0x8: {  	[smem:$0x3FA1] =	sst s0  }
0x9: {  	[smem:$0x3FA2] =	sst s1  }
0xa: {  	[smem:$0x3FA3] =	sst s2  }
0xb: {  	[smem:$0x3FA4] =	sst s3  }
0xc: {  	[smem:$0x3FA5] =	sst s4  }
0xd: {  	[smem:$0x3FA6] =	sst s5  }
0xe: {  	[smem:$0x3FA7] =	sst s6  }
0xf: {  	[smem:$0x3FA8] =	sst s7  }
0x10: {  	[smem:$0x3FA9] =	sst s8  }
0x11: {  	[smem:$0x3FAA] =	sst s9;
	s0 =	simm.s32 @!p0 $0x0  }
0x12: {  	s1 =	sld [smem:$0x3F90];
	s0 =	simm.s32 @p0 $0x1  }
0x13: {  	[smem:$0x3FAB] =	sst s0;
	s0 =	simm.s32 @!p1 $0x0  }
0x14: {  	s2 =	sld [smem:$0x3F8F];
	s0 =	simm.s32 @p1 $0x1  }
0x15: {  	[smem:$0x3FAC] =	sst s0;
	s0 =	simm.s32 @!p2 $0x0  }
0x16: {  	s3 =	sld [smem:$0x3FDB];
	s0 =	simm.s32 @p2 $0x1  }
0x17: {  	s4 =	simm.s32 $0x1BF5;
	[smem:$0x3FAE] =	sst s0  }
0x18: {  	s0 =	sld [smem:$0x3F91];
	_ =	swait.ge [sflag:s4], $0x0  }
0x19: {  	s7 =	sld [smem:$0x3F92]  }
0x1a: {  	s8 =	sadd.s32 $0xFFFFE003, lr  }
0x1b: {  	s9 =	sadd.s32 $0xFFFFFEF7, lr;
	s5 =	simm.s32 $0xFFFFFFFF;
	p2 =	slt.u32 s8, $0xFFFFF086  }
0x1c: {  	p1 =	slt.u32 s9, $0xF7A;
	s5 =	simm.s32 @!p2 $0x0  }
0x1d: {  	s5 =	simm.s32 @p1 $0x1;
	p0 =	seq.s32 s7, s2  }
0x1e: {  	s7 =	smul.u32 @!p0 $0xF7A, s2;
	p2 =	seq.s32 @!p0 s5, $0x0  }
0x1f: {  	s9 =	smul.u32 $0xF7A, s1;
	s8 =	simm.s32 @!p0 $0x1BF5;
	p2 =	por !p2, p0  }
0x20: {  	[sflag:s8] =	ssyncset.s32 @!p0 $0xFFFFF086;
	s6 =	sadd.s32 @!p0 s3, s7;
	s7 =	simm.s32 @!p0 $0x108  }
0x21: {  	s3 =	sadd.s32 s3, s9;
	s6 =	sadd.s32 @!p0 $0x88, s6;
	s7 =	simm.s32 @p2 $0x1082  }
0x22: {  	[simem:s7], [sflag:s8] =	dma.local @!p0 [hbm:s6], $0xF7A  }
0x23: {  	s9 =	sor.u32 $0xD0000000, s2;
	s6 =	simm.s32 $0x108;
	_ =	swait.ge @!p0 [sflag:s8], $0x0  }
0x24: {  	s3 =	sadd.s32 $0x88, s3;
	s6 =	simm.s32 @!p1 $0x1082;
	[sflag:s4] =	ssyncset.s32 $0xFFFFF086  }
0x25: {  	[simem:s6], [sflag:s4] =	dma.local [hbm:s3], $0xF7A  }
0x26: {  	[smem:$0x3F92] =	sst s1;
	(tag) =	ssettag s2;
	_ =	strace s9  }
0x27: {  	s1 =	sld [smem:$0x3FA2]  }
0x28: {  	s2 =	sld [smem:$0x3FA3]  }
0x29: {  	s4 =	sld [smem:$0x3FA5]  }
0x2a: {  	p0 =	seq.s32 s5, $0x0;
	s5 =	sld [smem:$0x3FA6]  }
0x2b: {  	s6 =	sld [smem:$0x3FA7]  }
0x2c: {  	s7 =	sld [smem:$0x3FA8]  }
0x2d: {  	s3 =	simm.s32 $0x108;
	s8 =	sld [smem:$0x3FA9]  }
0x2e: {  	s3 =	simm.s32 @!p0 $0x1082;
	s9 =	sld [smem:$0x3FAA]  }
0x2f: {  	lr =	sadd.s32 s0, s3;
	s0 =	sld [smem:$0x3FA1]  }
0x30: {  	s3 =	sld [smem:$0x3FA4]  }
0x31: {  	[smem:$0x3FAD] =	sst s10  }
0x32: {  	s10 =	sld [smem:$0x3FAB];
	_ =	sdelay $0x3  }
0x33: {  	p0 =	seq.s32 s10, $0x1;
	s10 =	sld [smem:$0x3FAD];
	_ =	sdelay $0x3  }
0x34: {  	[smem:$0x3FAD] =	sst s10  }
0x35: {  	s10 =	sld [smem:$0x3FAC];
	_ =	sdelay $0x3  }
0x36: {  	p1 =	seq.s32 s10, $0x1;
	s10 =	sld [smem:$0x3FAD];
	_ =	sdelay $0x3  }
0x37: {  	[smem:$0x3FAD] =	sst s10  }
0x38: {  	s10 =	sld [smem:$0x3FAE]  }
0x39: {  	_ = 	snop;
	(pc) =	sbr.ind lr, $3  }
0x3a: {  	_ = 	snop  }
0x3b: {  	_ = 	snop  }
0x3c: {  	p2 =	seq.s32 s10, $0x1;
	s10 =	sld [smem:$0x3FAD]  }
0x3d: {  	_ =	shalt  }
0x3e: {  	_ =	shalt  }
0x3f: {  	_ =	shalt  }
0x40: {  	_ =	shalt  }
0x41: {  	_ =	shalt  }
0x42: {  	_ =	shalt  }
0x43: {  	_ =	shalt  }
0x44: {  	_ =	shalt  }
0x45: {  	_ =	shalt  }
0x46: {  	_ =	shalt  }
0x47: {  	_ =	shalt  }
0x48: {  	_ =	shalt  }
0x49: {  	_ =	shalt  }
0x4a: {  	_ =	shalt  }
0x4b: {  	_ =	shalt  }
0x4c: {  	_ =	shalt  }
0x4d: {  	_ =	shalt  }
0x4e: {  	_ =	shalt  }
0x4f: {  	_ =	shalt  }
0x50: {  	_ =	shalt  }
0x51: {  	_ =	shalt  }
0x52: {  	_ =	shalt  }
0x53: {  	_ =	shalt  }
0x54: {  	_ =	shalt  }
0x55: {  	_ =	shalt  }
0x56: {  	_ =	shalt  }
0x57: {  	_ =	shalt  }
0x58: {  	_ =	shalt  }
0x59: {  	_ =	shalt  }
0x5a: {  	_ =	shalt  }
0x5b: {  	_ =	shalt  }
0x5c: {  	_ =	shalt  }
0x5d: {  	_ =	shalt  }
0x5e: {  	_ =	shalt  }
0x5f: {  	_ =	shalt  }
0x60: {  	_ =	shalt  }
0x61: {  	_ =	shalt  }
0x62: {  	_ =	shalt  }
0x63: {  	_ =	shalt  }
0x64: {  	_ =	shalt  }
0x65: {  	_ =	shalt  }
0x66: {  	_ =	shalt  }
0x67: {  	_ =	shalt  }
0x68: {  	_ =	shalt  }
0x69: {  	_ =	shalt  }
0x6a: {  	_ =	shalt  }
0x6b: {  	_ =	shalt  }
0x6c: {  	_ =	shalt  }
0x6d: {  	_ =	shalt  }
0x6e: {  	_ =	shalt  }
0x6f: {  	_ =	shalt  }
0x70: {  	_ =	shalt  }
0x71: {  	_ =	shalt  }
0x72: {  	_ =	shalt  }
0x73: {  	_ =	shalt  }
0x74: {  	_ =	shalt  }
0x75: {  	_ =	shalt  }
0x76: {  	_ =	shalt  }
0x77: {  	_ =	shalt  }
0x78: {  	_ =	shalt  }
0x79: {  	_ =	shalt  }
0x7a: {  	_ =	shalt  }
0x7b: {  	_ =	shalt  }
0x7c: {  	_ =	shalt  }
0x7d: {  	_ =	shalt  }
0x7e: {  	_ =	shalt  }
0x7f: {  	_ =	shalt  }
0x80: {  	_ =	shalt  }
0x81: {  	_ =	shalt  }
0x82: {  	_ =	shalt  }
0x83: {  	_ =	shalt  }
0x84: {  	_ =	shalt  }
0x85: {  	_ =	shalt  }
0x86: {  	_ =	shalt  }
0x87: {  	_ =	shalt  }
.Lfunc_end0:
.L_simem_size_0:
called_computation.4_lowered:
.L_overlay_start_0:
0x88: {  	s2 =	sld [smem:$0x3FD9]  }
0x89: {  	s3 =	sld [smem:$0x3FFE];
	_ =	sdelay $0x1  }
0x8a: {  	s1 =	srdreg.scid  }
0x8b: {  	s0 =	sand.u32 $0x1, s1  }
0x8c: {  	s16 =	sshll.u32 s0, $0xA;
	s2 =	sadd.s32 s3, s2  }
0x8d: {  	s2 =	sadd.s32 s2, s16  }
0x8e: {  	[smem:$0x3FB9] =	sst s2  }
0x8f: {  	_ = 	snop  }
0x90: {  	(tm) =	ssettm $0x1  }
0x91: {  	s17 =	sld [smem:$0x3FFB];
	_ =	sdelay $0x3  }
0x92: {  	_ =	strace s17  }
0x93: {  	s2 =	sld [smem:$0x3FFC];
	_ =	sdelay $0x3  }
0x94: {  	_ =	strace s2  }
0x95: {  	s2 =	sld [smem:$0x3FFD];
	_ =	sdelay $0x3  }
0x96: {  	_ =	strace s2  }
0x97: {  	_ =	strace $0x8FFFFFFF  }
0x98: {  	s18 =	sld [smem:$0x3FDB];
	_ =	sdelay $0x1  }
0x99: {  	s19 =	simm.s32 $_scs_section_size  }
0x9a: {  	s4 =	simm.s32 $_size__tile_overlayer_lowered;
	s5 =	simm.s32 $_tile_overlayer_lowered  }
0x9b: {  	s22 =	simm.s32 $0x1BFF;
	s21 =	sshll.u32 s5, $0x1;
	s2 =	sadd.s32 s19, s18  }
0x9c: {  	s6 =	simm.s32 $0x0;
	s20 =	sshll.u32 s4, $0x1;
	s4 =	sadd.s32 s21, s2  }
0x9d: {  	[timem:s6], [sflag:s22] =	dma.local [hbm:s4], s20  }
0x9e: {  	_ =	swait.ge [sflag:s22], s20  }
0x9f: {  	s3 =	ssub.s32 $0x0, s20;
	[sflag:s22] =	ssyncset.done $0x0  }
0xa0: {  	[sflag:s22] =	ssyncadd.s32 s3;
	_ =	sdelay $0x1  }
0xa1: {  	s23 =	simm.s32 $0x1B8B  }
0xa2: {  	_ =	swait.ge [sflag:s23], $0x1  }
0xa3: {  	[sflag:s23] =	ssyncset.done $0x0  }
0xa4: {  	s25 =	simm.s32 $0x1B8E;
	s24 =	sld [smem:$0x3FFE];
	[sflag:s23] =	ssyncadd.s32 $0xFFFFFFFF  }
0xa5: {  	s26 =	simm.s32 $execute0_lowered;
	[smem:$0x3FD2] =	sst s25  }
0xa6: {  	s4 =	sshll.u32 s26, $0x1;
	_ =	strace $0x80000052;
	[dreg:$0x1] =	wrdreg $0xFFFFFFFF  }
0xa7: {  	s28 =	simm.s32 $_size_execute0_lowered;
	s2 =	sadd.s32 s2, s4;
	[dreg:$0x0] =	wrdreg $0x0  }
0xa8: {  	s4 =	sshll.u32 s28, $0x1;
	[dreg:$0x2] =	wrdreg s2  }
0xa9: {  	[dreg:$0x3] =	wrdreg s4  }
0xaa: {  	[dreg:$0x4] =	wrdreg $0xC0  }
0xab: {  	_ =	task [dreg:s6], $0x5FFFF  }
0xac: {  	[dreg:$0x1] =	wrdreg $0xFFFFFFFF  }
0xad: {  	[dreg:$0x0] =	wrdreg $0x60  }
0xae: {  	[dreg:$0x2] =	wrdreg s24  }
0xaf: {  	[dreg:$0x3] =	wrdreg $0x9  }
0xb0: {  	_ =	task.clear_ibuf [dreg:s6], $0x4FFFF;
	_ =	strace $0x90000052  }
0xb1: {  	s29 =	simm.s32 $0x9;
	_ =	strace $0x80000054  }
0xb2: {  	_ =	swait.ge [sflag:s29], $0x1  }
0xb3: {  	[sflag:s29] =	ssyncadd.s32 $0xFFFFFFFF  }
0xb4: {  	_ =	strace $0x90000054  }
0xb5: {  	_ =	sfence  }
0xb6: {  	s30 =	sld [smem:$0x0];
	_ =	sdelay $0x2  }
0xb7: {  	s31 =	sshll.u32 s1, $0xD;
	s1 =	sshrl.u32 s1, $0x2  }
0xb8: {  	s3 =	sand.u32 $0x4000, s31;
	s1 =	sadd.s32 s1, s30  }
0xb9: {  	s0 =	sor.u32 s3, s0;
	s1 =	sshll.u32 s1, $0x11  }
0xba: {  	s0 =	sor.u32 s1, s0  }
0xbb: {  	s0 =	sadd.s32 $0x8F2B, s0  }
0xbc: {  	[sflag:s0] =	ssyncadd.remote.s32 $0x1  }
0xbd: {  	_ =	sfence.sel $0xFFFF  }
0xbe: {  	[dreg:$0x0] =	wrdreg $0xFFFFFFFF;
	(pc) =	sbr.abs _section_cstart, $3  }
0xbf: {  	[dreg:$0x1] =	wrdreg $0xFFFFFFFF  }
0xc0: {  	_ =	task.clear_ibuf [dreg:s6], $0x2FFFF;
	_ =	strace $0x9FFFFFFF  }
0xc1: {  	(tm) =	ssettm $0x7FFFFFFF  }
tec
execute0_lowered:
.L_overlay_start_1:
0x0: {  	(tag) =	ssettag $0x1  }
0x1: {  	s1 =	srdreg.scid;
	s0 =	stileid.u32  }
0x2: {  	s5 =	rddreg [dreg:$0x0];
	s2 =	simm.s32 $0x0;
	s8 =	simm.s32 $0x80  }
0x3: {  	s9 =	simm.s32 $0x1;
	s4 =	sand.u32 $0x1, s1;
	s30 =	sshll.u32 s0, $0x1  }
0x4: {  	s10 =	simm.s32 $0x1880;
	s1 =	rddreg [dreg:$0x1];
	s3 =	sor.u32 s4, s30  }
0x5: {  	s11 =	simm.s32 $0x0;
	[smem:$0x7FF] =	sst s2;
	s6 =	smul.u32 $0x310, s3  }
0x6: {  	_ =	strace $0x80000053;
	s4 =	ssub.s32 $0x2, s4;
	s7 =	smul.u32 $0x3100, s3  }
0x7: {  	s3 =	sadd.s32 $0xFC00, s5;
	s31 =	sshrl.u32 s4, $0x1;
	s6 =	sadd.s32 s6, s5  }
0x8: {  	s5 =	sadd.s32 s7, s5;
	s7 =	ssub.s32 s4, s31;
	s4 =	sadd.s32 $0x9A00, s6  }
0x9: {  	s5 =	sadd.s32 $0x14C00, s5;
	s6 =	smax.u32 s7, $0x1;
	s7 =	simm.s32 $0x2  }
.LBB2_1:
0xa: {  	[tilespmem:s2], [sflag:$0x2] =	stream.linear.gather [hbm4b:s4+s2], $0x1880, $0x38;
	[tilespmem:$0x1A080] =	vst v63  }
0xb: {  	_ =	swait.ge [sflag:s7], $0x1880  }
0xc: {  	[sflag:s7] =	ssyncset.done $0x0  }
0xd: {  	s12 =	simm.s32 $0x0;
	s13 =	simm.s32 $0x1880;
	[sflag:s7] =	ssyncadd.s32 $0xFFFFE780  }
0xe: {  	[tilespmem:s13], [sflag:$0x1] =	stream.indirect.gather [hbm4b:s3+s8], $0x10, s12, s8, $0xb8;
	[tilespmem:$0x1A080] =	vst v63  }
0xf: {  	s19 =	simm.s32 $0x2080;
	s20 =	simm.s32 $0x80  }
0x10: {  	[tilespmem:s19], [sflag:$0x1] =	stream.indirect.gather [hbm4b:s3+s8], $0x10, s20, s8, $0xb8;
	[tilespmem:$0x1A080] =	vst v63  }
0x11: {  	s21 =	simm.s32 $0x2880;
	s22 =	simm.s32 $0x100  }
0x12: {  	[tilespmem:s21], [sflag:$0x1] =	stream.indirect.gather [hbm4b:s3+s8], $0x10, s22, s8, $0xb8;
	[tilespmem:$0x1A080] =	vst v63  }
0x13: {  	s23 =	simm.s32 $0x3080;
	s24 =	simm.s32 $0x180  }
0x14: {  	[tilespmem:s23], [sflag:$0x1] =	stream.indirect.gather [hbm4b:s3+s8], $0x10, s24, s8, $0xb8;
	[tilespmem:$0x1A080] =	vst v63  }
0x15: {  	s25 =	simm.s32 $0x3880;
	s26 =	simm.s32 $0x200  }
0x16: {  	[tilespmem:s25], [sflag:$0x1] =	stream.indirect.gather [hbm4b:s3+s8], $0x10, s26, s8, $0xb8;
	[tilespmem:$0x1A080] =	vst v63  }
0x17: {  	s28 =	simm.s32 $0x4080;
	s29 =	simm.s32 $0x280  }
0x18: {  	[tilespmem:s28], [sflag:$0x1] =	stream.indirect.gather [hbm4b:s3+s8], $0x10, s29, s8, $0xb8;
	[tilespmem:$0x1A080] =	vst v63  }
0x19: {  	s30 =	simm.s32 $0x300;
	s31 =	simm.s32 $0x4880  }
0x1a: {  	[tilespmem:s31], [sflag:$0x1] =	stream.indirect.gather [hbm4b:s3+s8], $0x10, s30, s8, $0xb8;
	[tilespmem:$0x1A080] =	vst v63  }
0x1b: {  	_ =	swait.ge [sflag:s9], $0x800  }
0x1c: {  	[sflag:s9] =	ssyncset.done $0x0  }
0x1d: {  	[sflag:s9] =	ssyncadd.s32 $0xFFFFF800  }
0x1e: {  	_ =	swait.ge [sflag:s9], $0x800  }
0x1f: {  	[sflag:s9] =	ssyncset.done $0x0  }
0x20: {  	[sflag:s9] =	ssyncadd.s32 $0xFFFFF800  }
0x21: {  	_ =	swait.ge [sflag:s9], $0x800  }
0x22: {  	[sflag:s9] =	ssyncset.done $0x0  }
0x23: {  	[sflag:s9] =	ssyncadd.s32 $0xFFFFF800  }
0x24: {  	_ =	swait.ge [sflag:s9], $0x800  }
0x25: {  	[sflag:s9] =	ssyncset.done $0x0  }
0x26: {  	[sflag:s9] =	ssyncadd.s32 $0xFFFFF800  }
0x27: {  	_ =	swait.ge [sflag:s9], $0x800  }
0x28: {  	[sflag:s9] =	ssyncset.done $0x0  }
0x29: {  	[sflag:s9] =	ssyncadd.s32 $0xFFFFF800  }
0x2a: {  	_ =	swait.ge [sflag:s9], $0x800  }
0x2b: {  	[sflag:s9] =	ssyncset.done $0x0  }
0x2c: {  	s14 =	simm.s32 $0x380;
	[sflag:s9] =	ssyncadd.s32 $0xFFFFF800  }
0x2d: {  	s18 =	simm.s32 $0x1C000;
	s17 =	simm.s32 $0x3800;
	_ =	swait.ge [sflag:s9], $0x800  }
0x2e: {  	s12 =	simm.s32 $0x680;
	s13 =	simm.s32 $0xA00;
	[sflag:s9] =	ssyncset.done $0x0  }
.LBB2_2:
0x2f: {  	s19 =	sadd.s32 $0xFFFFFD00, s13  }
0x30: {  	s16 =	sadd.s32 $0x1880, s17;
	[sflag:s9] =	ssyncadd.s32 $0xFFFFF800;
	s15 =	smov.u32 s18  }
0x31: {  	[tilespmem:s16], [sflag:$0x1] =	stream.indirect.gather [hbm4b:s3+s8], $0x10, s14, s8, $0xb8;
	[tilespmem:$0x1A080] =	vst v63  }
0x32: {  	s20 =	sadd.s32 $0xFFFFFD80, s12;
	s16 =	sadd.s32 $0xE000, s18;
	s14 =	sadd.s32 $0x2080, s17  }
0x33: {  	[tilespmem:s14], [sflag:$0x1] =	stream.indirect.gather [hbm4b:s3+s8], $0x10, s20, s8, $0xb8;
	[tilespmem:$0x1A080] =	vst v63  }
0x34: {  	p0 =	sne.s32 s18, $0x54000;
	s18 =	sadd.s32 $0xFFFFFE00, s12;
	s14 =	sadd.s32 $0x2880, s17  }
0x35: {  	[tilespmem:s14], [sflag:$0x1] =	stream.indirect.gather [hbm4b:s3+s8], $0x10, s18, s8, $0xb8;
	[tilespmem:$0x1A080] =	vst v63  }
0x36: {  	s20 =	sadd.s32 $0xFFFFFE80, s12;
	s18 =	sadd.s32 $0x3080, s17;
	s14 =	smov.u32 s19  }
0x37: {  	[tilespmem:s18], [sflag:$0x1] =	stream.indirect.gather [hbm4b:s3+s8], $0x10, s20, s8, $0xb8;
	[tilespmem:$0x1A080] =	vst v63  }
0x38: {  	s19 =	sadd.s32 $0xFFFFFF00, s12;
	s18 =	sadd.s32 $0x3880, s17  }
0x39: {  	[tilespmem:s18], [sflag:$0x1] =	stream.indirect.gather [hbm4b:s3+s8], $0x10, s19, s8, $0xb8;
	[tilespmem:$0x1A080] =	vst v63  }
0x3a: {  	s18 =	sadd.s32 $0x4080, s17;
	s19 =	sadd.s32 $0xFFFFFF80, s12  }
0x3b: {  	[tilespmem:s18], [sflag:$0x1] =	stream.indirect.gather [hbm4b:s3+s8], $0x10, s19, s8, $0xb8;
	[tilespmem:$0x1A080] =	vst v63  }
0x3c: {  	s17 =	sadd.s32 $0x4880, s17  }
0x3d: {  	[tilespmem:s17], [sflag:$0x1] =	stream.indirect.gather [hbm4b:s3+s8], $0x10, s12, s8, $0xb8;
	[tilespmem:$0x1A080] =	vst v63  }
0x3e: {  	s12 =	smov.u32 s13;
	_ =	swait.ge [sflag:s9], $0x800  }
0x3f: {  	[sflag:s9] =	ssyncset.done $0x0  }
0x40: {  	[sflag:s9] =	ssyncadd.s32 $0xFFFFF800  }
0x41: {  	_ =	swait.ge [sflag:s9], $0x800  }
0x42: {  	[sflag:s9] =	ssyncset.done $0x0  }
0x43: {  	[sflag:s9] =	ssyncadd.s32 $0xFFFFF800  }
0x44: {  	_ =	swait.ge [sflag:s9], $0x800  }
0x45: {  	[sflag:s9] =	ssyncset.done $0x0  }
0x46: {  	[sflag:s9] =	ssyncadd.s32 $0xFFFFF800  }
0x47: {  	_ =	swait.ge [sflag:s9], $0x800  }
0x48: {  	[sflag:s9] =	ssyncset.done $0x0  }
0x49: {  	[sflag:s9] =	ssyncadd.s32 $0xFFFFF800  }
0x4a: {  	_ =	swait.ge [sflag:s9], $0x800  }
0x4b: {  	[sflag:s9] =	ssyncset.done $0x0  }
0x4c: {  	[sflag:s9] =	ssyncadd.s32 $0xFFFFF800  }
.Ltmp0:
0x4d: {  	_ =	swait.ge [sflag:s9], $0x800;
	(pc) =	sbr.rel @p0 .LBB2_2-.Ltmp0, $4  }
0x4e: {  	[sflag:s9] =	ssyncset.done $0x0  }
0x4f: {  	[sflag:s9] =	ssyncadd.s32 $0xFFFFF800  }
0x50: {  	s18 =	smov.u32 s16;
	_ =	swait.ge [sflag:s9], $0x800  }
0x51: {  	s17 =	sshra.s32 s15, $0x2;
	s13 =	sadd.s32 $0x380, s13;
	[sflag:s9] =	ssyncset.done $0x0  }
0x52: {  	s13 =	sadd.s32 $0x1880, s17;
	[sflag:s9] =	ssyncadd.s32 $0xFFFFF800  }
0x53: {  	[tilespmem:s13], [sflag:$0x1] =	stream.indirect.gather [hbm4b:s3+s8], $0x10, s14, s8, $0xb8;
	[tilespmem:$0x1A080] =	vst v63  }
0x54: {  	s20 =	sadd.s32 $0x2080, s17;
	s21 =	sadd.s32 $0xFFFFFD80, s12  }
0x55: {  	[tilespmem:s20], [sflag:$0x1] =	stream.indirect.gather [hbm4b:s3+s8], $0x10, s21, s8, $0xb8;
	[tilespmem:$0x1A080] =	vst v63  }
0x56: {  	s22 =	sadd.s32 $0x2880, s17;
	s23 =	sadd.s32 $0xFFFFFE00, s12  }
0x57: {  	[tilespmem:s22], [sflag:$0x1] =	stream.indirect.gather [hbm4b:s3+s8], $0x10, s23, s8, $0xb8;
	[tilespmem:$0x1A080] =	vst v63  }
0x58: {  	s24 =	sadd.s32 $0x3080, s17;
	s25 =	sadd.s32 $0xFFFFFE80, s12  }
0x59: {  	[tilespmem:s24], [sflag:$0x1] =	stream.indirect.gather [hbm4b:s3+s8], $0x10, s25, s8, $0xb8;
	[tilespmem:$0x1A080] =	vst v63  }
0x5a: {  	s26 =	sadd.s32 $0x3880, s17;
	s28 =	sadd.s32 $0xFFFFFF00, s12  }
0x5b: {  	[tilespmem:s26], [sflag:$0x1] =	stream.indirect.gather [hbm4b:s3+s8], $0x10, s28, s8, $0xb8;
	[tilespmem:$0x1A080] =	vst v63  }
0x5c: {  	s29 =	sadd.s32 $0x4080, s17;
	s30 =	sadd.s32 $0xFFFFFF80, s12  }
0x5d: {  	[tilespmem:s29], [sflag:$0x1] =	stream.indirect.gather [hbm4b:s3+s8], $0x10, s30, s8, $0xb8;
	[tilespmem:$0x1A080] =	vst v63  }
0x5e: {  	s31 =	sadd.s32 $0x4880, s17  }
0x5f: {  	[tilespmem:s31], [sflag:$0x1] =	stream.indirect.gather [hbm4b:s3+s8], $0x10, s12, s8, $0xb8;
	[tilespmem:$0x1A080] =	vst v63  }
0x60: {  	_ =	swait.ge [sflag:s9], $0x800  }
0x61: {  	[sflag:s9] =	ssyncset.done $0x0  }
0x62: {  	[sflag:s9] =	ssyncadd.s32 $0xFFFFF800  }
0x63: {  	_ =	swait.ge [sflag:s9], $0x800  }
0x64: {  	[sflag:s9] =	ssyncset.done $0x0  }
0x65: {  	[sflag:s9] =	ssyncadd.s32 $0xFFFFF800  }
0x66: {  	_ =	swait.ge [sflag:s9], $0x800  }
0x67: {  	[sflag:s9] =	ssyncset.done $0x0  }
0x68: {  	[sflag:s9] =	ssyncadd.s32 $0xFFFFF800  }
0x69: {  	_ =	swait.ge [sflag:s9], $0x800  }
0x6a: {  	[sflag:s9] =	ssyncset.done $0x0  }
0x6b: {  	[sflag:s9] =	ssyncadd.s32 $0xFFFFF800  }
0x6c: {  	_ =	swait.ge [sflag:s9], $0x800  }
0x6d: {  	[sflag:s9] =	ssyncset.done $0x0  }
0x6e: {  	[sflag:s9] =	ssyncadd.s32 $0xFFFFF800  }
0x6f: {  	_ =	swait.ge [sflag:s9], $0x800  }
0x70: {  	[sflag:s9] =	ssyncset.done $0x0  }
0x71: {  	[sflag:s9] =	ssyncadd.s32 $0xFFFFF800  }
0x72: {  	s11 =	sadd.s32 $0x1, s11;
	_ =	swait.ge [sflag:s9], $0x800  }
0x73: {  	p0 =	sne.s32 s11, s6;
	[sflag:s9] =	ssyncset.done $0x0  }
.Ltmp1:
0x74: {  	[sflag:s9] =	ssyncadd.s32 $0xFFFFF800;
	(pc) =	sbr.rel @p0 .LBB2_1-.Ltmp1, $4  }
0x75: {  	[hbm4b:s5+s2] =	stream.linear.scatter [tilespmem:s10], [sflag:$0x2], $0x18800, $0x38;
	[tilespmem:$0x1A080] =	vst v63  }
0x76: {  	_ =	swait.ge [sflag:s7], $0x18800  }
0x77: {  	[sflag:s7] =	ssyncset.done $0x0  }
0x78: {  	[sflag:s7] =	ssyncadd.s32 $0xFFFE7800  }
0x79: {  	_ =	sfence.sel $0x180000  }
0x7a: {  	[bflag:$0x0] =	sbarrier.arrive $0xFFFF  }
0x7b: {  	p0 =	sne.s32 s0, $0x0;
	_ =	strace $0x90000053  }
0x7c: {  	s0 =	sadd.s32 @!p0 $0x100000, s1;
	[bflag:$0x2] =	sbarrier.arrive $0xFFFF  }
0x7d: {  	[sflag:s0] =	ssyncadd.tile.s32 @!p0 $0x1;
	_ =	shalt  }
.Lfunc_end2:
_tile_overlayer_lowered:
.L_overlay_start_2:
0x7e: {  	(tag) =	ssettag $0x2  }
0x7f: {  	s0 =	rddreg [dreg:$0x0];
	s2 =	stileid.u32  }
0x80: {  	s1 =	rddreg [dreg:$0x1];
	p0 =	sne.s32 s2, $0x0  }
0x81: {  	s3 =	rddreg [dreg:$0x2];
	[bflag:$0x3] =	sbarrier.arrive $0xFFFF;
	s2 =	simm.s32 @!p0 $0x1C02  }
0x82: {  	[timem:s3], [sflag:s2] =	dma.local @!p0 [hbm:s0], s1  }
0x83: {  	s0 =	simm.s32 @!p0 $0x2  }
0x84: {  	_ =	swait.ge @!p0 [sflag:s0], s1  }
0x85: {  	s1 =	ssub.s32 @!p0 $0x0, s1;
	[sflag:s0] =	ssyncset.done @!p0 $0x0  }
0x86: {  	[sflag:s0] =	ssyncadd.s32 @!p0 s1  }
0x87: {  	[bflag:$0x3] =	sbarrier.arrive $0xFFFF  }
0x88: {  	_ =	shalt  }

// kernel: kernel.34.cloned.1.call-start
scs
__scs_entry_jumppad:
0x0: {  	(pc) =	sbr.rel $0x88, $3  }
0x1: {  	(tag) =	ssettag $0x0;
	lr =	simm.s32 $0x1  }
0x2: {  	[smem:$0x3F92] =	sst lr;
	_ =	strace $0xD0000000  }
0x3: {  	_ = 	snop  }
0x4: {  	_ = 	snop  }
0x5: {  	_ = 	snop  }
0x6: {  	_ = 	snop  }
0x7: {  	_ = 	snop  }
__scs_overlays_trampoline_lowered:
0x8: {  	[smem:$0x3FA1] =	sst s0  }
0x9: {  	[smem:$0x3FA2] =	sst s1  }
0xa: {  	[smem:$0x3FA3] =	sst s2  }
0xb: {  	[smem:$0x3FA4] =	sst s3  }
0xc: {  	[smem:$0x3FA5] =	sst s4  }
0xd: {  	[smem:$0x3FA6] =	sst s5  }
0xe: {  	[smem:$0x3FA7] =	sst s6  }
0xf: {  	[smem:$0x3FA8] =	sst s7  }
0x10: {  	[smem:$0x3FA9] =	sst s8  }
0x11: {  	[smem:$0x3FAA] =	sst s9;
	s0 =	simm.s32 @!p0 $0x0  }
0x12: {  	s1 =	sld [smem:$0x3F90];
	s0 =	simm.s32 @p0 $0x1  }
0x13: {  	[smem:$0x3FAB] =	sst s0;
	s0 =	simm.s32 @!p1 $0x0  }
0x14: {  	s2 =	sld [smem:$0x3F8F];
	s0 =	simm.s32 @p1 $0x1  }
0x15: {  	[smem:$0x3FAC] =	sst s0;
	s0 =	simm.s32 @!p2 $0x0  }
0x16: {  	s3 =	sld [smem:$0x3FDB];
	s0 =	simm.s32 @p2 $0x1  }
0x17: {  	s4 =	simm.s32 $0x1BF5;
	[smem:$0x3FAE] =	sst s0  }
0x18: {  	s0 =	sld [smem:$0x3F91];
	_ =	swait.ge [sflag:s4], $0x0  }
0x19: {  	s7 =	sld [smem:$0x3F92]  }
0x1a: {  	s8 =	sadd.s32 $0xFFFFE003, lr  }
0x1b: {  	s9 =	sadd.s32 $0xFFFFFEF7, lr;
	s5 =	simm.s32 $0xFFFFFFFF;
	p2 =	slt.u32 s8, $0xFFFFF086  }
0x1c: {  	p1 =	slt.u32 s9, $0xF7A;
	s5 =	simm.s32 @!p2 $0x0  }
0x1d: {  	s5 =	simm.s32 @p1 $0x1;
	p0 =	seq.s32 s7, s2  }
0x1e: {  	s7 =	smul.u32 @!p0 $0xF7A, s2;
	p2 =	seq.s32 @!p0 s5, $0x0  }
0x1f: {  	s9 =	smul.u32 $0xF7A, s1;
	s8 =	simm.s32 @!p0 $0x1BF5;
	p2 =	por !p2, p0  }
0x20: {  	[sflag:s8] =	ssyncset.s32 @!p0 $0xFFFFF086;
	s6 =	sadd.s32 @!p0 s3, s7;
	s7 =	simm.s32 @!p0 $0x108  }
0x21: {  	s3 =	sadd.s32 s3, s9;
	s6 =	sadd.s32 @!p0 $0x88, s6;
	s7 =	simm.s32 @p2 $0x1082  }
0x22: {  	[simem:s7], [sflag:s8] =	dma.local @!p0 [hbm:s6], $0xF7A  }
0x23: {  	s9 =	sor.u32 $0xD0000000, s2;
	s6 =	simm.s32 $0x108;
	_ =	swait.ge @!p0 [sflag:s8], $0x0  }
0x24: {  	s3 =	sadd.s32 $0x88, s3;
	s6 =	simm.s32 @!p1 $0x1082;
	[sflag:s4] =	ssyncset.s32 $0xFFFFF086  }
0x25: {  	[simem:s6], [sflag:s4] =	dma.local [hbm:s3], $0xF7A  }
0x26: {  	[smem:$0x3F92] =	sst s1;
	(tag) =	ssettag s2;
	_ =	strace s9  }
0x27: {  	s1 =	sld [smem:$0x3FA2]  }
0x28: {  	s2 =	sld [smem:$0x3FA3]  }
0x29: {  	s4 =	sld [smem:$0x3FA5]  }
0x2a: {  	p0 =	seq.s32 s5, $0x0;
	s5 =	sld [smem:$0x3FA6]  }
0x2b: {  	s6 =	sld [smem:$0x3FA7]  }
0x2c: {  	s7 =	sld [smem:$0x3FA8]  }
0x2d: {  	s3 =	simm.s32 $0x108;
	s8 =	sld [smem:$0x3FA9]  }
0x2e: {  	s3 =	simm.s32 @!p0 $0x1082;
	s9 =	sld [smem:$0x3FAA]  }
0x2f: {  	lr =	sadd.s32 s0, s3;
	s0 =	sld [smem:$0x3FA1]  }
0x30: {  	s3 =	sld [smem:$0x3FA4]  }
0x31: {  	[smem:$0x3FAD] =	sst s10  }
0x32: {  	s10 =	sld [smem:$0x3FAB];
	_ =	sdelay $0x3  }
0x33: {  	p0 =	seq.s32 s10, $0x1;
	s10 =	sld [smem:$0x3FAD];
	_ =	sdelay $0x3  }
0x34: {  	[smem:$0x3FAD] =	sst s10  }
0x35: {  	s10 =	sld [smem:$0x3FAC];
	_ =	sdelay $0x3  }
0x36: {  	p1 =	seq.s32 s10, $0x1;
	s10 =	sld [smem:$0x3FAD];
	_ =	sdelay $0x3  }
0x37: {  	[smem:$0x3FAD] =	sst s10  }
0x38: {  	s10 =	sld [smem:$0x3FAE]  }
0x39: {  	_ = 	snop;
	(pc) =	sbr.ind lr, $3  }
0x3a: {  	_ = 	snop  }
0x3b: {  	_ = 	snop  }
0x3c: {  	p2 =	seq.s32 s10, $0x1;
	s10 =	sld [smem:$0x3FAD]  }
0x3d: {  	_ =	shalt  }
0x3e: {  	_ =	shalt  }
0x3f: {  	_ =	shalt  }
0x40: {  	_ =	shalt  }
0x41: {  	_ =	shalt  }
0x42: {  	_ =	shalt  }
0x43: {  	_ =	shalt  }
0x44: {  	_ =	shalt  }
0x45: {  	_ =	shalt  }
0x46: {  	_ =	shalt  }
0x47: {  	_ =	shalt  }
0x48: {  	_ =	shalt  }
0x49: {  	_ =	shalt  }
0x4a: {  	_ =	shalt  }
0x4b: {  	_ =	shalt  }
0x4c: {  	_ =	shalt  }
0x4d: {  	_ =	shalt  }
0x4e: {  	_ =	shalt  }
0x4f: {  	_ =	shalt  }
0x50: {  	_ =	shalt  }
0x51: {  	_ =	shalt  }
0x52: {  	_ =	shalt  }
0x53: {  	_ =	shalt  }
0x54: {  	_ =	shalt  }
0x55: {  	_ =	shalt  }
0x56: {  	_ =	shalt  }
0x57: {  	_ =	shalt  }
0x58: {  	_ =	shalt  }
0x59: {  	_ =	shalt  }
0x5a: {  	_ =	shalt  }
0x5b: {  	_ =	shalt  }
0x5c: {  	_ =	shalt  }
0x5d: {  	_ =	shalt  }
0x5e: {  	_ =	shalt  }
0x5f: {  	_ =	shalt  }
0x60: {  	_ =	shalt  }
0x61: {  	_ =	shalt  }
0x62: {  	_ =	shalt  }
0x63: {  	_ =	shalt  }
0x64: {  	_ =	shalt  }
0x65: {  	_ =	shalt  }
0x66: {  	_ =	shalt  }
0x67: {  	_ =	shalt  }
0x68: {  	_ =	shalt  }
0x69: {  	_ =	shalt  }
0x6a: {  	_ =	shalt  }
0x6b: {  	_ =	shalt  }
0x6c: {  	_ =	shalt  }
0x6d: {  	_ =	shalt  }
0x6e: {  	_ =	shalt  }
0x6f: {  	_ =	shalt  }
0x70: {  	_ =	shalt  }
0x71: {  	_ =	shalt  }
0x72: {  	_ =	shalt  }
0x73: {  	_ =	shalt  }
0x74: {  	_ =	shalt  }
0x75: {  	_ =	shalt  }
0x76: {  	_ =	shalt  }
0x77: {  	_ =	shalt  }
0x78: {  	_ =	shalt  }
0x79: {  	_ =	shalt  }
0x7a: {  	_ =	shalt  }
0x7b: {  	_ =	shalt  }
0x7c: {  	_ =	shalt  }
0x7d: {  	_ =	shalt  }
0x7e: {  	_ =	shalt  }
0x7f: {  	_ =	shalt  }
0x80: {  	_ =	shalt  }
0x81: {  	_ =	shalt  }
0x82: {  	_ =	shalt  }
0x83: {  	_ =	shalt  }
0x84: {  	_ =	shalt  }
0x85: {  	_ =	shalt  }
0x86: {  	_ =	shalt  }
0x87: {  	_ =	shalt  }
.Lfunc_end0:
.L_simem_size_0:
called_computation.5_lowered:
.L_overlay_start_0:
0x88: {  	s2 =	sld [smem:$0x3FD9]  }
0x89: {  	s3 =	sld [smem:$0x3FFE];
	_ =	sdelay $0x1  }
0x8a: {  	s1 =	srdreg.scid  }
0x8b: {  	s0 =	sand.u32 $0x1, s1  }
0x8c: {  	s16 =	sshll.u32 s0, $0xA;
	s2 =	sadd.s32 s3, s2  }
0x8d: {  	s2 =	sadd.s32 s2, s16  }
0x8e: {  	[smem:$0x3FB9] =	sst s2  }
0x8f: {  	_ = 	snop  }
0x90: {  	(tm) =	ssettm $0x1  }
0x91: {  	s17 =	sld [smem:$0x3FFB];
	_ =	sdelay $0x3  }
0x92: {  	_ =	strace s17  }
0x93: {  	s2 =	sld [smem:$0x3FFC];
	_ =	sdelay $0x3  }
0x94: {  	_ =	strace s2  }
0x95: {  	s2 =	sld [smem:$0x3FFD];
	_ =	sdelay $0x3  }
0x96: {  	_ =	strace s2  }
0x97: {  	_ =	strace $0x8FFFFFFF  }
0x98: {  	s18 =	sld [smem:$0x3FDB];
	_ =	sdelay $0x1  }
0x99: {  	s19 =	simm.s32 $_scs_section_size  }
0x9a: {  	s4 =	simm.s32 $_size__tile_overlayer_lowered;
	s5 =	simm.s32 $_tile_overlayer_lowered  }
0x9b: {  	s22 =	simm.s32 $0x1BFF;
	s21 =	sshll.u32 s5, $0x1;
	s2 =	sadd.s32 s19, s18  }
0x9c: {  	s6 =	simm.s32 $0x0;
	s20 =	sshll.u32 s4, $0x1;
	s4 =	sadd.s32 s21, s2  }
0x9d: {  	[timem:s6], [sflag:s22] =	dma.local [hbm:s4], s20  }
0x9e: {  	_ =	swait.ge [sflag:s22], s20  }
0x9f: {  	s3 =	ssub.s32 $0x0, s20;
	[sflag:s22] =	ssyncset.done $0x0  }
0xa0: {  	[sflag:s22] =	ssyncadd.s32 s3;
	_ =	sdelay $0x1  }
0xa1: {  	s23 =	simm.s32 $0x1B8B  }
0xa2: {  	_ =	swait.ge [sflag:s23], $0x1  }
0xa3: {  	[sflag:s23] =	ssyncset.done $0x0  }
0xa4: {  	s25 =	simm.s32 $0x1B8E;
	s24 =	sld [smem:$0x3FFE];
	[sflag:s23] =	ssyncadd.s32 $0xFFFFFFFF  }
0xa5: {  	s26 =	simm.s32 $execute0_lowered;
	[smem:$0x3FD2] =	sst s25  }
0xa6: {  	s4 =	sshll.u32 s26, $0x1;
	_ =	strace $0x80000055;
	[dreg:$0x1] =	wrdreg $0xFFFFFFFF  }
0xa7: {  	s28 =	simm.s32 $_size_execute0_lowered;
	s2 =	sadd.s32 s2, s4;
	[dreg:$0x0] =	wrdreg $0x0  }
0xa8: {  	s4 =	sshll.u32 s28, $0x1;
	[dreg:$0x2] =	wrdreg s2  }
0xa9: {  	[dreg:$0x3] =	wrdreg s4  }
0xaa: {  	[dreg:$0x4] =	wrdreg $0xC0  }
0xab: {  	_ =	task [dreg:s6], $0x5FFFF  }
0xac: {  	[dreg:$0x1] =	wrdreg $0xFFFFFFFF  }
0xad: {  	[dreg:$0x0] =	wrdreg $0x60  }
0xae: {  	[dreg:$0x2] =	wrdreg s24  }
0xaf: {  	[dreg:$0x3] =	wrdreg $0x1A0800  }
0xb0: {  	[dreg:$0x4] =	wrdreg $0x9  }
0xb1: {  	_ =	task.clear_ibuf [dreg:s6], $0x5FFFF;
	_ =	strace $0x90000055  }
0xb2: {  	s29 =	simm.s32 $0x9;
	_ =	strace $0x80000057  }
0xb3: {  	_ =	swait.ge [sflag:s29], $0x1  }
0xb4: {  	[sflag:s29] =	ssyncadd.s32 $0xFFFFFFFF  }
0xb5: {  	_ =	strace $0x90000057  }
0xb6: {  	_ =	sfence  }
0xb7: {  	s30 =	sld [smem:$0x0];
	_ =	sdelay $0x2  }
0xb8: {  	s31 =	sshll.u32 s1, $0xD;
	s1 =	sshrl.u32 s1, $0x2  }
0xb9: {  	s3 =	sand.u32 $0x4000, s31;
	s1 =	sadd.s32 s1, s30  }
0xba: {  	s0 =	sor.u32 s3, s0;
	s1 =	sshll.u32 s1, $0x11  }
0xbb: {  	s0 =	sor.u32 s1, s0  }
0xbc: {  	s0 =	sadd.s32 $0x8F2B, s0  }
0xbd: {  	[sflag:s0] =	ssyncadd.remote.s32 $0x1  }
0xbe: {  	_ =	sfence.sel $0xFFFF  }
0xbf: {  	[dreg:$0x0] =	wrdreg $0xFFFFFFFF;
	(pc) =	sbr.abs _section_cstart, $3  }
0xc0: {  	[dreg:$0x1] =	wrdreg $0xFFFFFFFF  }
0xc1: {  	_ =	task.clear_ibuf [dreg:s6], $0x2FFFF;
	_ =	strace $0x9FFFFFFF  }
0xc2: {  	(tm) =	ssettm $0x7FFFFFFF  }
0xc3: {  	_ =	shalt  }
tec
execute0_lowered:
.L_overlay_start_1:
0x0: {  	(tag) =	ssettag $0x1  }
0x1: {  	s1 =	srdreg.scid;
	s5 =	rddreg [dreg:$0x0]  }
0x2: {  	s0 =	stileid.u32;
	s2 =	rddreg [dreg:$0x1]  }
0x3: {  	s4 =	sand.u32 $0x1, s1;
	s30 =	sshll.u32 s0, $0x1;
	s8 =	smul.u32 $0x2720, s0  }
0x4: {  	s3 =	simm.s32 $0x0;
	s1 =	sor.u32 s4, s30;
	s9 =	smul.u32 $0x27200, s4  }
0x5: {  	s13 =	simm.s32 $0x0;
	[smem:$0x7FF] =	sst s3;
	s6 =	smul.u32 $0x3100, s1  }
0x6: {  	s31 =	sshll.u32 s0, $0x6;
	s4 =	ssub.s32 $0x2, s4;
	s7 =	smul.u32 $0x310, s1  }
0x7: {  	s1 =	rddreg [dreg:$0x2];
	_ =	strace $0x80000056;
	s10 =	sshrl.u32 s8, $0x3  }
0x8: {  	s11 =	sshrl.u32 s4, $0x1;
	s12 =	sadd.s32 s8, s2;
	s9 =	sadd.s32 s8, s9  }
0x9: {  	s10 =	sadd.s32 s10, s5;
	s11 =	ssub.s32 s4, s11;
	s6 =	sadd.s32 s6, s5  }
0xa: {  	s7 =	sadd.s32 s7, s5;
	s9 =	sshrl.u32 s9, $0x3;
	s8 =	smax.u32 s11, $0x1  }
0xb: {  	s11 =	sshrl.u32 s12, $0x3;
	s12 =	simm.s32 $0x80;
	s9 =	sadd.s32 s9, s5  }
0xc: {  	s4 =	sadd.s32 $0x9A00, s7;
	s5 =	sadd.s32 $0xFC00, s6;
	s6 =	sadd.s32 $0x4A00, s10  }
0xd: {  	s10 =	sor.u32 $0x1C01, s31;
	s7 =	sadd.s32 $0xD8C00, s9;
	s9 =	simm.s32 $0x1  }
.LBB2_1:
0xe: {  	[tilespmem:s3], [sflag:$0x1] =	stream.linear.gather [hbm4b:s4+s3], $0x1880, $0x38;
	[tilespmem:$0x1C7A0] =	vst v63  }
0xf: {  	_ =	swait.ge [sflag:s9], $0x1880  }
0x10: {  	[sflag:s9] =	ssyncset.done $0x0  }
0x11: {  	s14 =	simm.s32 $0x1880;
	[sflag:s9] =	ssyncadd.s32 $0xFFFFE780  }
0x12: {  	[tilespmem:s14], [sflag:$0x1] =	stream.linear.gather [hbm4b:s5+s3], $0x18800, $0x38;
	[tilespmem:$0x1C7A0] =	vst v63  }
0x13: {  	_ =	swait.ge [sflag:s9], $0x18800  }
0x14: {  	[sflag:s9] =	ssyncset.done $0x0  }
0x15: {  	[sflag:s9] =	ssyncadd.s32 $0xFFFE7800  }
0x16: {  	[spmem:s11], [sflag:s10] =	dma.local [hbm:s6], $0x4E4  }
0x17: {  	_ =	swait.ge [sflag:s9], $0x4E4  }
0x18: {  	[sflag:s9] =	ssyncset.done $0x0  }
0x19: {  	[sflag:s9] =	ssyncadd.s32 $0xFFFFFB1C  }
0x1a: {  	s15 =	simm.s32 $0x0;
	[bflag:$0x0] =	sbarrier.arrive $0xFFFF  }
0x1b: {  	[spmem:s2] =	stream.indirect.scatter.add.f32 [tilespmem:s14], [sflag:$0x1], $0x10, s15, s12, $0xb8;
	[tilespmem:$0x1C7A0] =	vst v63  }
0x1c: {  	_ =	swait.ge [sflag:s9], $0x800  }
0x1d: {  	s15 =	simm.s32 $0x200;
	[sflag:s9] =	ssyncset.done $0x0  }
.LBB2_2:
0x1e: {  	s16 =	sshra.s32 s15, $0x2  }
0x1f: {  	[sflag:s9] =	ssyncadd.s32 $0xFFFFF800;
	s14 =	sadd.s32 $0x800, s14;
	p0 =	sne.s32 s15, $0x6000  }
0x20: {  	[spmem:s2] =	stream.indirect.scatter.add.f32 [tilespmem:s14], [sflag:$0x1], $0x10, s16, s12, $0xb8;
	[tilespmem:$0x1C7A0] =	vst v63  }
.Ltmp0:
0x21: {  	_ = 	snop;
	(pc) =	sbr.rel @p0 .LBB2_2-.Ltmp0, $4  }
0x22: {  	_ = 	snop  }
0x23: {  	s15 =	sadd.s32 $0x200, s15  }
0x24: {  	_ =	swait.ge [sflag:s9], $0x800  }
0x25: {  	[sflag:s9] =	ssyncset.done $0x0  }
0x26: {  	s13 =	sadd.s32 $0x1, s13  }
0x27: {  	[sflag:s9] =	ssyncadd.s32 $0xFFFFF800;
	p0 =	sne.s32 s13, s8  }
.Ltmp1:
0x28: {  	[bflag:$0x0] =	sbarrier.arrive $0xFFFF;
	(pc) =	sbr.rel @p0 .LBB2_1-.Ltmp1, $4  }
0x29: {  	[hbm:s7], [sflag:s10] =	dma.local [spmem:s11], $0x4E4  }
0x2a: {  	_ =	swait.ge [sflag:s9], $0x4E4  }
0x2b: {  	[sflag:s9] =	ssyncset.done $0x0  }
0x2c: {  	[sflag:s9] =	ssyncadd.s32 $0xFFFFFB1C  }
0x2d: {  	_ =	sfence.sel $0x180000  }
0x2e: {  	[bflag:$0x0] =	sbarrier.arrive $0xFFFF  }
0x2f: {  	p0 =	sne.s32 s0, $0x0;
	_ =	strace $0x90000056  }
0x30: {  	s0 =	sadd.s32 @!p0 $0x100000, s1;
	[bflag:$0x2] =	sbarrier.arrive $0xFFFF  }
0x31: {  	[sflag:s0] =	ssyncadd.tile.s32 @!p0 $0x1;
	_ =	shalt  }
.Lfunc_end2:
_tile_overlayer_lowered:
.L_overlay_start_2:
0x32: {  	(tag) =	ssettag $0x2  }
0x33: {  	s0 =	rddreg [dreg:$0x0];
	s2 =	stileid.u32  }
0x34: {  	s1 =	rddreg [dreg:$0x1];
	p0 =	sne.s32 s2, $0x0  }
0x35: {  	s3 =	rddreg [dreg:$0x2];
	[bflag:$0x3] =	sbarrier.arrive $0xFFFF;
	s2 =	simm.s32 @!p0 $0x1C01  }
0x36: {  	[timem:s3], [sflag:s2] =	dma.local @!p0 [hbm:s0], s1  }
0x37: {  	s0 =	simm.s32 @!p0 $0x1  }
0x38: {  	_ =	swait.ge @!p0 [sflag:s0], s1  }
0x39: {  	s1 =	ssub.s32 @!p0 $0x0, s1;
	[sflag:s0] =	ssyncset.done @!p0 $0x0  }
0x3a: {  	[sflag:s0] =	ssyncadd.s32 @!p0 s1  }
0x3b: {  	[bflag:$0x3] =	sbarrier.arrive $0xFFFF  }
0x3c: {  	_ =	shalt  }

// kernel: kernel.37.cloned.1.call-start
scs
__scs_entry_jumppad:
0x0: {  	(pc) =	sbr.rel $0x88, $3  }
0x1: {  	(tag) =	ssettag $0x0;
	lr =	simm.s32 $0x1  }
0x2: {  	[smem:$0x3F92] =	sst lr;
	_ =	strace $0xD0000000  }
0x3: {  	_ = 	snop  }
0x4: {  	_ = 	snop  }
0x5: {  	_ = 	snop  }
0x6: {  	_ = 	snop  }
0x7: {  	_ = 	snop  }
__scs_overlays_trampoline_lowered:
0x8: {  	[smem:$0x3FA1] =	sst s0  }
0x9: {  	[smem:$0x3FA2] =	sst s1  }
0xa: {  	[smem:$0x3FA3] =	sst s2  }
0xb: {  	[smem:$0x3FA4] =	sst s3  }
0xc: {  	[smem:$0x3FA5] =	sst s4  }
0xd: {  	[smem:$0x3FA6] =	sst s5  }
0xe: {  	[smem:$0x3FA7] =	sst s6  }
0xf: {  	[smem:$0x3FA8] =	sst s7  }
0x10: {  	[smem:$0x3FA9] =	sst s8  }
0x11: {  	[smem:$0x3FAA] =	sst s9;
	s0 =	simm.s32 @!p0 $0x0  }
0x12: {  	s1 =	sld [smem:$0x3F90];
	s0 =	simm.s32 @p0 $0x1  }
0x13: {  	[smem:$0x3FAB] =	sst s0;
	s0 =	simm.s32 @!p1 $0x0  }
0x14: {  	s2 =	sld [smem:$0x3F8F];
	s0 =	simm.s32 @p1 $0x1  }
0x15: {  	[smem:$0x3FAC] =	sst s0;
	s0 =	simm.s32 @!p2 $0x0  }
0x16: {  	s3 =	sld [smem:$0x3FDB];
	s0 =	simm.s32 @p2 $0x1  }
0x17: {  	s4 =	simm.s32 $0x1BF5;
	[smem:$0x3FAE] =	sst s0  }
0x18: {  	s0 =	sld [smem:$0x3F91];
	_ =	swait.ge [sflag:s4], $0x0  }
0x19: {  	s7 =	sld [smem:$0x3F92]  }
0x1a: {  	s8 =	sadd.s32 $0xFFFFE003, lr  }
0x1b: {  	s9 =	sadd.s32 $0xFFFFFEF7, lr;
	s5 =	simm.s32 $0xFFFFFFFF;
	p2 =	slt.u32 s8, $0xFFFFF086  }
0x1c: {  	p1 =	slt.u32 s9, $0xF7A;
	s5 =	simm.s32 @!p2 $0x0  }
0x1d: {  	s5 =	simm.s32 @p1 $0x1;
	p0 =	seq.s32 s7, s2  }
0x1e: {  	s7 =	smul.u32 @!p0 $0xF7A, s2;
	p2 =	seq.s32 @!p0 s5, $0x0  }
0x1f: {  	s9 =	smul.u32 $0xF7A, s1;
	s8 =	simm.s32 @!p0 $0x1BF5;
	p2 =	por !p2, p0  }
0x20: {  	[sflag:s8] =	ssyncset.s32 @!p0 $0xFFFFF086;
	s6 =	sadd.s32 @!p0 s3, s7;
	s7 =	simm.s32 @!p0 $0x108  }
0x21: {  	s3 =	sadd.s32 s3, s9;
	s6 =	sadd.s32 @!p0 $0x88, s6;
	s7 =	simm.s32 @p2 $0x1082  }
0x22: {  	[simem:s7], [sflag:s8] =	dma.local @!p0 [hbm:s6], $0xF7A  }
0x23: {  	s9 =	sor.u32 $0xD0000000, s2;
	s6 =	simm.s32 $0x108;
	_ =	swait.ge @!p0 [sflag:s8], $0x0  }
0x24: {  	s3 =	sadd.s32 $0x88, s3;
	s6 =	simm.s32 @!p1 $0x1082;
	[sflag:s4] =	ssyncset.s32 $0xFFFFF086  }
0x25: {  	[simem:s6], [sflag:s4] =	dma.local [hbm:s3], $0xF7A  }
0x26: {  	[smem:$0x3F92] =	sst s1;
	(tag) =	ssettag s2;
	_ =	strace s9  }
0x27: {  	s1 =	sld [smem:$0x3FA2]  }
0x28: {  	s2 =	sld [smem:$0x3FA3]  }
0x29: {  	s4 =	sld [smem:$0x3FA5]  }
0x2a: {  	p0 =	seq.s32 s5, $0x0;
	s5 =	sld [smem:$0x3FA6]  }
0x2b: {  	s6 =	sld [smem:$0x3FA7]  }
0x2c: {  	s7 =	sld [smem:$0x3FA8]  }
0x2d: {  	s3 =	simm.s32 $0x108;
	s8 =	sld [smem:$0x3FA9]  }
0x2e: {  	s3 =	simm.s32 @!p0 $0x1082;
	s9 =	sld [smem:$0x3FAA]  }
0x2f: {  	lr =	sadd.s32 s0, s3;
	s0 =	sld [smem:$0x3FA1]  }
0x30: {  	s3 =	sld [smem:$0x3FA4]  }
0x31: {  	[smem:$0x3FAD] =	sst s10  }
0x32: {  	s10 =	sld [smem:$0x3FAB];
	_ =	sdelay $0x3  }
0x33: {  	p0 =	seq.s32 s10, $0x1;
	s10 =	sld [smem:$0x3FAD];
	_ =	sdelay $0x3  }
0x34: {  	[smem:$0x3FAD] =	sst s10  }
0x35: {  	s10 =	sld [smem:$0x3FAC];
	_ =	sdelay $0x3  }
0x36: {  	p1 =	seq.s32 s10, $0x1;
	s10 =	sld [smem:$0x3FAD];
	_ =	sdelay $0x3  }
0x37: {  	[smem:$0x3FAD] =	sst s10  }
0x38: {  	s10 =	sld [smem:$0x3FAE]  }
0x39: {  	_ = 	snop;
	(pc) =	sbr.ind lr, $3  }
0x3a: {  	_ = 	snop  }
0x3b: {  	_ = 	snop  }
0x3c: {  	p2 =	seq.s32 s10, $0x1;
	s10 =	sld [smem:$0x3FAD]  }
0x3d: {  	_ =	shalt  }
0x3e: {  	_ =	shalt  }
0x3f: {  	_ =	shalt  }
0x40: {  	_ =	shalt  }
0x41: {  	_ =	shalt  }
0x42: {  	_ =	shalt  }
0x43: {  	_ =	shalt  }
0x44: {  	_ =	shalt  }
0x45: {  	_ =	shalt  }
0x46: {  	_ =	shalt  }
0x47: {  	_ =	shalt  }
0x48: {  	_ =	shalt  }
0x49: {  	_ =	shalt  }
0x4a: {  	_ =	shalt  }
0x4b: {  	_ =	shalt  }
0x4c: {  	_ =	shalt  }
0x4d: {  	_ =	shalt  }
0x4e: {  	_ =	shalt  }
0x4f: {  	_ =	shalt  }
0x50: {  	_ =	shalt  }
0x51: {  	_ =	shalt  }
0x52: {  	_ =	shalt  }
0x53: {  	_ =	shalt  }
0x54: {  	_ =	shalt  }
0x55: {  	_ =	shalt  }
0x56: {  	_ =	shalt  }
0x57: {  	_ =	shalt  }
0x58: {  	_ =	shalt  }
0x59: {  	_ =	shalt  }
0x5a: {  	_ =	shalt  }
0x5b: {  	_ =	shalt  }
0x5c: {  	_ =	shalt  }
0x5d: {  	_ =	shalt  }
0x5e: {  	_ =	shalt  }
0x5f: {  	_ =	shalt  }
0x60: {  	_ =	shalt  }
0x61: {  	_ =	shalt  }
0x62: {  	_ =	shalt  }
0x63: {  	_ =	shalt  }
0x64: {  	_ =	shalt  }
0x65: {  	_ =	shalt  }
0x66: {  	_ =	shalt  }
0x67: {  	_ =	shalt  }
0x68: {  	_ =	shalt  }
0x69: {  	_ =	shalt  }
0x6a: {  	_ =	shalt  }
0x6b: {  	_ =	shalt  }
0x6c: {  	_ =	shalt  }
0x6d: {  	_ =	shalt  }
0x6e: {  	_ =	shalt  }
0x6f: {  	_ =	shalt  }
0x70: {  	_ =	shalt  }
0x71: {  	_ =	shalt  }
0x72: {  	_ =	shalt  }
0x73: {  	_ =	shalt  }
0x74: {  	_ =	shalt  }
0x75: {  	_ =	shalt  }
0x76: {  	_ =	shalt  }
0x77: {  	_ =	shalt  }
0x78: {  	_ =	shalt  }
0x79: {  	_ =	shalt  }
0x7a: {  	_ =	shalt  }
0x7b: {  	_ =	shalt  }
0x7c: {  	_ =	shalt  }
0x7d: {  	_ =	shalt  }
0x7e: {  	_ =	shalt  }
0x7f: {  	_ =	shalt  }
0x80: {  	_ =	shalt  }
0x81: {  	_ =	shalt  }
0x82: {  	_ =	shalt  }
0x83: {  	_ =	shalt  }
0x84: {  	_ =	shalt  }
0x85: {  	_ =	shalt  }
0x86: {  	_ =	shalt  }
0x87: {  	_ =	shalt  }
.Lfunc_end0:
.L_simem_size_0:
called_computation.6_lowered:
.L_overlay_start_0:
0x88: {  	s2 =	sld [smem:$0x3FD9]  }
0x89: {  	s3 =	sld [smem:$0x3FFE];
	_ =	sdelay $0x1  }
0x8a: {  	s1 =	srdreg.scid  }
0x8b: {  	s0 =	sand.u32 $0x1, s1  }
0x8c: {  	s16 =	sshll.u32 s0, $0xA;
	s2 =	sadd.s32 s3, s2  }
0x8d: {  	s2 =	sadd.s32 s2, s16  }
0x8e: {  	[smem:$0x3FB9] =	sst s2  }
0x8f: {  	_ = 	snop  }
0x90: {  	(tm) =	ssettm $0x1  }
0x91: {  	s17 =	sld [smem:$0x3FFB];
	_ =	sdelay $0x3  }
0x92: {  	_ =	strace s17  }
0x93: {  	s2 =	sld [smem:$0x3FFC];
	_ =	sdelay $0x3  }
0x94: {  	_ =	strace s2  }
0x95: {  	s2 =	sld [smem:$0x3FFD];
	_ =	sdelay $0x3  }
0x96: {  	_ =	strace s2  }
0x97: {  	_ =	strace $0x8FFFFFFF  }
0x98: {  	s18 =	sld [smem:$0x3FDB];
	_ =	sdelay $0x1  }
0x99: {  	s19 =	simm.s32 $_scs_section_size  }
0x9a: {  	s4 =	simm.s32 $_size__tile_overlayer_lowered;
	s5 =	simm.s32 $_tile_overlayer_lowered  }
0x9b: {  	s22 =	simm.s32 $0x1BFF;
	s21 =	sshll.u32 s5, $0x1;
	s2 =	sadd.s32 s19, s18  }
0x9c: {  	s6 =	simm.s32 $0x0;
	s20 =	sshll.u32 s4, $0x1;
	s4 =	sadd.s32 s21, s2  }
0x9d: {  	[timem:s6], [sflag:s22] =	dma.local [hbm:s4], s20  }
0x9e: {  	_ =	swait.ge [sflag:s22], s20  }
0x9f: {  	s3 =	ssub.s32 $0x0, s20;
	[sflag:s22] =	ssyncset.done $0x0  }
0xa0: {  	[sflag:s22] =	ssyncadd.s32 s3;
	_ =	sdelay $0x1  }
0xa1: {  	s23 =	simm.s32 $0x1B8B  }
0xa2: {  	_ =	swait.ge [sflag:s23], $0x1  }
0xa3: {  	[sflag:s23] =	ssyncset.done $0x0  }
0xa4: {  	s25 =	simm.s32 $0x1B8E;
	s24 =	sld [smem:$0x3FFE];
	[sflag:s23] =	ssyncadd.s32 $0xFFFFFFFF  }
0xa5: {  	s26 =	simm.s32 $execute0_lowered;
	[smem:$0x3FD2] =	sst s25  }
0xa6: {  	s4 =	sshll.u32 s26, $0x1;
	_ =	strace $0x80000058;
	[dreg:$0x1] =	wrdreg $0xFFFFFFFF  }
0xa7: {  	s28 =	simm.s32 $_size_execute0_lowered;
	s2 =	sadd.s32 s2, s4;
	[dreg:$0x0] =	wrdreg $0x0  }
0xa8: {  	s4 =	sshll.u32 s28, $0x1;
	[dreg:$0x2] =	wrdreg s2  }
0xa9: {  	[dreg:$0x3] =	wrdreg s4  }
0xaa: {  	[dreg:$0x4] =	wrdreg $0xC0  }
0xab: {  	_ =	task [dreg:s6], $0x5FFFF  }
0xac: {  	[dreg:$0x1] =	wrdreg $0xFFFFFFFF  }
0xad: {  	[dreg:$0x0] =	wrdreg $0x60  }
0xae: {  	[dreg:$0x2] =	wrdreg s24  }
0xaf: {  	[dreg:$0x3] =	wrdreg $0x9  }
0xb0: {  	_ =	task.clear_ibuf [dreg:s6], $0x4FFFF;
	_ =	strace $0x90000058  }
0xb1: {  	s29 =	simm.s32 $0x9;
	_ =	strace $0x8000005A  }
0xb2: {  	_ =	swait.ge [sflag:s29], $0x1  }
0xb3: {  	[sflag:s29] =	ssyncadd.s32 $0xFFFFFFFF  }
0xb4: {  	_ =	strace $0x9000005A  }
0xb5: {  	_ =	sfence  }
0xb6: {  	s30 =	sld [smem:$0x0];
	_ =	sdelay $0x2  }
0xb7: {  	s31 =	sshll.u32 s1, $0xD;
	s1 =	sshrl.u32 s1, $0x2  }
0xb8: {  	s3 =	sand.u32 $0x4000, s31;
	s1 =	sadd.s32 s1, s30  }
0xb9: {  	s0 =	sor.u32 s3, s0;
	s1 =	sshll.u32 s1, $0x11  }
0xba: {  	s0 =	sor.u32 s1, s0  }
0xbb: {  	s0 =	sadd.s32 $0x8F2B, s0  }
0xbc: {  	[sflag:s0] =	ssyncadd.remote.s32 $0x1  }
0xbd: {  	_ =	sfence.sel $0xFFFF  }
0xbe: {  	[dreg:$0x0] =	wrdreg $0xFFFFFFFF;
	(pc) =	sbr.abs _section_cstart, $3  }
0xbf: {  	[dreg:$0x1] =	wrdreg $0xFFFFFFFF  }
0xc0: {  	_ =	task.clear_ibuf [dreg:s6], $0x2FFFF;
	_ =	strace $0x9FFFFFFF  }
0xc1: {  	(tm) =	ssettm $0x7FFFFFFF  }
tec
execute0_lowered:
.L_overlay_start_1:
0x0: {  	(tag) =	ssettag $0x1  }
0x1: {  	s1 =	srdreg.scid;
	s0 =	stileid.u32  }
0x2: {  	s5 =	rddreg [dreg:$0x0];
	s2 =	simm.s32 $0x0;
	s8 =	simm.s32 $0x80  }
0x3: {  	s9 =	simm.s32 $0x1;
	s4 =	sand.u32 $0x1, s1;
	s30 =	sshll.u32 s0, $0x1  }
0x4: {  	s10 =	simm.s32 $0x1880;
	s1 =	rddreg [dreg:$0x1];
	s3 =	sor.u32 s4, s30  }
0x5: {  	s11 =	simm.s32 $0x0;
	[smem:$0x7FF] =	sst s2;
	s6 =	smul.u32 $0x310, s3  }
0x6: {  	_ =	strace $0x80000059;
	s4 =	ssub.s32 $0x2, s4;
	s7 =	smul.u32 $0x3100, s3  }
0x7: {  	s3 =	sadd.s32 $0x4A00, s5;
	s31 =	sshrl.u32 s4, $0x1;
	s6 =	sadd.s32 s6, s5  }
0x8: {  	s5 =	sadd.s32 s7, s5;
	s7 =	ssub.s32 s4, s31;
	s4 =	sadd.s32 $0x9A00, s6  }
0x9: {  	s5 =	sadd.s32 $0xFC00, s5;
	s6 =	smax.u32 s7, $0x1;
	s7 =	simm.s32 $0x2  }
.LBB2_1:
0xa: {  	[tilespmem:s2], [sflag:$0x2] =	stream.linear.gather [hbm4b:s4+s2], $0x1880, $0x38;
	[tilespmem:$0x1A080] =	vst v63  }
0xb: {  	_ =	swait.ge [sflag:s7], $0x1880  }
0xc: {  	[sflag:s7] =	ssyncset.done $0x0  }
0xd: {  	s12 =	simm.s32 $0x0;
	s13 =	simm.s32 $0x1880;
	[sflag:s7] =	ssyncadd.s32 $0xFFFFE780  }
0xe: {  	[tilespmem:s13], [sflag:$0x1] =	stream.indirect.gather [hbm4b:s3+s8], $0x10, s12, s8, $0xb8;
	[tilespmem:$0x1A080] =	vst v63  }
0xf: {  	s19 =	simm.s32 $0x2080;
	s20 =	simm.s32 $0x80  }
0x10: {  	[tilespmem:s19], [sflag:$0x1] =	stream.indirect.gather [hbm4b:s3+s8], $0x10, s20, s8, $0xb8;
	[tilespmem:$0x1A080] =	vst v63  }
0x11: {  	s21 =	simm.s32 $0x2880;
	s22 =	simm.s32 $0x100  }
0x12: {  	[tilespmem:s21], [sflag:$0x1] =	stream.indirect.gather [hbm4b:s3+s8], $0x10, s22, s8, $0xb8;
	[tilespmem:$0x1A080] =	vst v63  }
0x13: {  	s23 =	simm.s32 $0x3080;
	s24 =	simm.s32 $0x180  }
0x14: {  	[tilespmem:s23], [sflag:$0x1] =	stream.indirect.gather [hbm4b:s3+s8], $0x10, s24, s8, $0xb8;
	[tilespmem:$0x1A080] =	vst v63  }
0x15: {  	s25 =	simm.s32 $0x3880;
	s26 =	simm.s32 $0x200  }
0x16: {  	[tilespmem:s25], [sflag:$0x1] =	stream.indirect.gather [hbm4b:s3+s8], $0x10, s26, s8, $0xb8;
	[tilespmem:$0x1A080] =	vst v63  }
0x17: {  	s28 =	simm.s32 $0x4080;
	s29 =	simm.s32 $0x280  }
0x18: {  	[tilespmem:s28], [sflag:$0x1] =	stream.indirect.gather [hbm4b:s3+s8], $0x10, s29, s8, $0xb8;
	[tilespmem:$0x1A080] =	vst v63  }
0x19: {  	s30 =	simm.s32 $0x300;
	s31 =	simm.s32 $0x4880  }
0x1a: {  	[tilespmem:s31], [sflag:$0x1] =	stream.indirect.gather [hbm4b:s3+s8], $0x10, s30, s8, $0xb8;
	[tilespmem:$0x1A080] =	vst v63  }
0x1b: {  	_ =	swait.ge [sflag:s9], $0x800  }
0x1c: {  	[sflag:s9] =	ssyncset.done $0x0  }
0x1d: {  	[sflag:s9] =	ssyncadd.s32 $0xFFFFF800  }
0x1e: {  	_ =	swait.ge [sflag:s9], $0x800  }
0x1f: {  	[sflag:s9] =	ssyncset.done $0x0  }
0x20: {  	[sflag:s9] =	ssyncadd.s32 $0xFFFFF800  }
0x21: {  	_ =	swait.ge [sflag:s9], $0x800  }
0x22: {  	[sflag:s9] =	ssyncset.done $0x0  }
0x23: {  	[sflag:s9] =	ssyncadd.s32 $0xFFFFF800  }
0x24: {  	_ =	swait.ge [sflag:s9], $0x800  }
0x25: {  	[sflag:s9] =	ssyncset.done $0x0  }
0x26: {  	[sflag:s9] =	ssyncadd.s32 $0xFFFFF800  }
0x27: {  	_ =	swait.ge [sflag:s9], $0x800  }
0x28: {  	[sflag:s9] =	ssyncset.done $0x0  }
0x29: {  	[sflag:s9] =	ssyncadd.s32 $0xFFFFF800  }
0x2a: {  	_ =	swait.ge [sflag:s9], $0x800  }
0x2b: {  	[sflag:s9] =	ssyncset.done $0x0  }
0x2c: {  	s14 =	simm.s32 $0x380;
	[sflag:s9] =	ssyncadd.s32 $0xFFFFF800  }
0x2d: {  	s18 =	simm.s32 $0x1C000;
	s17 =	simm.s32 $0x3800;
	_ =	swait.ge [sflag:s9], $0x800  }
0x2e: {  	s12 =	simm.s32 $0x680;
	s13 =	simm.s32 $0xA00;
	[sflag:s9] =	ssyncset.done $0x0  }
.LBB2_2:
0x2f: {  	s19 =	sadd.s32 $0xFFFFFD00, s13  }
0x30: {  	s16 =	sadd.s32 $0x1880, s17;
	[sflag:s9] =	ssyncadd.s32 $0xFFFFF800;
	s15 =	smov.u32 s18  }
0x31: {  	[tilespmem:s16], [sflag:$0x1] =	stream.indirect.gather [hbm4b:s3+s8], $0x10, s14, s8, $0xb8;
	[tilespmem:$0x1A080] =	vst v63  }
0x32: {  	s20 =	sadd.s32 $0xFFFFFD80, s12;
	s16 =	sadd.s32 $0xE000, s18;
	s14 =	sadd.s32 $0x2080, s17  }
0x33: {  	[tilespmem:s14], [sflag:$0x1] =	stream.indirect.gather [hbm4b:s3+s8], $0x10, s20, s8, $0xb8;
	[tilespmem:$0x1A080] =	vst v63  }
0x34: {  	p0 =	sne.s32 s18, $0x54000;
	s18 =	sadd.s32 $0xFFFFFE00, s12;
	s14 =	sadd.s32 $0x2880, s17  }
0x35: {  	[tilespmem:s14], [sflag:$0x1] =	stream.indirect.gather [hbm4b:s3+s8], $0x10, s18, s8, $0xb8;
	[tilespmem:$0x1A080] =	vst v63  }
0x36: {  	s20 =	sadd.s32 $0xFFFFFE80, s12;
	s18 =	sadd.s32 $0x3080, s17;
	s14 =	smov.u32 s19  }
0x37: {  	[tilespmem:s18], [sflag:$0x1] =	stream.indirect.gather [hbm4b:s3+s8], $0x10, s20, s8, $0xb8;
	[tilespmem:$0x1A080] =	vst v63  }
0x38: {  	s19 =	sadd.s32 $0xFFFFFF00, s12;
	s18 =	sadd.s32 $0x3880, s17  }
0x39: {  	[tilespmem:s18], [sflag:$0x1] =	stream.indirect.gather [hbm4b:s3+s8], $0x10, s19, s8, $0xb8;
	[tilespmem:$0x1A080] =	vst v63  }
0x3a: {  	s18 =	sadd.s32 $0x4080, s17;
	s19 =	sadd.s32 $0xFFFFFF80, s12  }
0x3b: {  	[tilespmem:s18], [sflag:$0x1] =	stream.indirect.gather [hbm4b:s3+s8], $0x10, s19, s8, $0xb8;
	[tilespmem:$0x1A080] =	vst v63  }
0x3c: {  	s17 =	sadd.s32 $0x4880, s17  }
0x3d: {  	[tilespmem:s17], [sflag:$0x1] =	stream.indirect.gather [hbm4b:s3+s8], $0x10, s12, s8, $0xb8;
	[tilespmem:$0x1A080] =	vst v63  }
0x3e: {  	s12 =	smov.u32 s13;
	_ =	swait.ge [sflag:s9], $0x800  }
0x3f: {  	[sflag:s9] =	ssyncset.done $0x0  }
0x40: {  	[sflag:s9] =	ssyncadd.s32 $0xFFFFF800  }
0x41: {  	_ =	swait.ge [sflag:s9], $0x800  }
0x42: {  	[sflag:s9] =	ssyncset.done $0x0  }
0x43: {  	[sflag:s9] =	ssyncadd.s32 $0xFFFFF800  }
0x44: {  	_ =	swait.ge [sflag:s9], $0x800  }
0x45: {  	[sflag:s9] =	ssyncset.done $0x0  }
0x46: {  	[sflag:s9] =	ssyncadd.s32 $0xFFFFF800  }
0x47: {  	_ =	swait.ge [sflag:s9], $0x800  }
0x48: {  	[sflag:s9] =	ssyncset.done $0x0  }
0x49: {  	[sflag:s9] =	ssyncadd.s32 $0xFFFFF800  }
0x4a: {  	_ =	swait.ge [sflag:s9], $0x800  }
0x4b: {  	[sflag:s9] =	ssyncset.done $0x0  }
0x4c: {  	[sflag:s9] =	ssyncadd.s32 $0xFFFFF800  }
.Ltmp0:
0x4d: {  	_ =	swait.ge [sflag:s9], $0x800;
	(pc) =	sbr.rel @p0 .LBB2_2-.Ltmp0, $4  }
0x4e: {  	[sflag:s9] =	ssyncset.done $0x0  }
0x4f: {  	[sflag:s9] =	ssyncadd.s32 $0xFFFFF800  }
0x50: {  	s18 =	smov.u32 s16;
	_ =	swait.ge [sflag:s9], $0x800  }
0x51: {  	s17 =	sshra.s32 s15, $0x2;
	s13 =	sadd.s32 $0x380, s13;
	[sflag:s9] =	ssyncset.done $0x0  }
0x52: {  	s13 =	sadd.s32 $0x1880, s17;
	[sflag:s9] =	ssyncadd.s32 $0xFFFFF800  }
0x53: {  	[tilespmem:s13], [sflag:$0x1] =	stream.indirect.gather [hbm4b:s3+s8], $0x10, s14, s8, $0xb8;
	[tilespmem:$0x1A080] =	vst v63  }
0x54: {  	s20 =	sadd.s32 $0x2080, s17;
	s21 =	sadd.s32 $0xFFFFFD80, s12  }
0x55: {  	[tilespmem:s20], [sflag:$0x1] =	stream.indirect.gather [hbm4b:s3+s8], $0x10, s21, s8, $0xb8;
	[tilespmem:$0x1A080] =	vst v63  }
0x56: {  	s22 =	sadd.s32 $0x2880, s17;
	s23 =	sadd.s32 $0xFFFFFE00, s12  }
0x57: {  	[tilespmem:s22], [sflag:$0x1] =	stream.indirect.gather [hbm4b:s3+s8], $0x10, s23, s8, $0xb8;
	[tilespmem:$0x1A080] =	vst v63  }
0x58: {  	s24 =	sadd.s32 $0x3080, s17;
	s25 =	sadd.s32 $0xFFFFFE80, s12  }
0x59: {  	[tilespmem:s24], [sflag:$0x1] =	stream.indirect.gather [hbm4b:s3+s8], $0x10, s25, s8, $0xb8;
	[tilespmem:$0x1A080] =	vst v63  }
0x5a: {  	s26 =	sadd.s32 $0x3880, s17;
	s28 =	sadd.s32 $0xFFFFFF00, s12  }
0x5b: {  	[tilespmem:s26], [sflag:$0x1] =	stream.indirect.gather [hbm4b:s3+s8], $0x10, s28, s8, $0xb8;
	[tilespmem:$0x1A080] =	vst v63  }
0x5c: {  	s29 =	sadd.s32 $0x4080, s17;
	s30 =	sadd.s32 $0xFFFFFF80, s12  }
0x5d: {  	[tilespmem:s29], [sflag:$0x1] =	stream.indirect.gather [hbm4b:s3+s8], $0x10, s30, s8, $0xb8;
	[tilespmem:$0x1A080] =	vst v63  }
0x5e: {  	s31 =	sadd.s32 $0x4880, s17  }
0x5f: {  	[tilespmem:s31], [sflag:$0x1] =	stream.indirect.gather [hbm4b:s3+s8], $0x10, s12, s8, $0xb8;
	[tilespmem:$0x1A080] =	vst v63  }
0x60: {  	_ =	swait.ge [sflag:s9], $0x800  }
0x61: {  	[sflag:s9] =	ssyncset.done $0x0  }
0x62: {  	[sflag:s9] =	ssyncadd.s32 $0xFFFFF800  }
0x63: {  	_ =	swait.ge [sflag:s9], $0x800  }
0x64: {  	[sflag:s9] =	ssyncset.done $0x0  }
0x65: {  	[sflag:s9] =	ssyncadd.s32 $0xFFFFF800  }
0x66: {  	_ =	swait.ge [sflag:s9], $0x800  }
0x67: {  	[sflag:s9] =	ssyncset.done $0x0  }
0x68: {  	[sflag:s9] =	ssyncadd.s32 $0xFFFFF800  }
0x69: {  	_ =	swait.ge [sflag:s9], $0x800  }
0x6a: {  	[sflag:s9] =	ssyncset.done $0x0  }
0x6b: {  	[sflag:s9] =	ssyncadd.s32 $0xFFFFF800  }
0x6c: {  	_ =	swait.ge [sflag:s9], $0x800  }
0x6d: {  	[sflag:s9] =	ssyncset.done $0x0  }
0x6e: {  	[sflag:s9] =	ssyncadd.s32 $0xFFFFF800  }
0x6f: {  	_ =	swait.ge [sflag:s9], $0x800  }
0x70: {  	[sflag:s9] =	ssyncset.done $0x0  }
0x71: {  	[sflag:s9] =	ssyncadd.s32 $0xFFFFF800  }
0x72: {  	s11 =	sadd.s32 $0x1, s11;
	_ =	swait.ge [sflag:s9], $0x800  }
0x73: {  	p0 =	sne.s32 s11, s6;
	[sflag:s9] =	ssyncset.done $0x0  }
.Ltmp1:
0x74: {  	[sflag:s9] =	ssyncadd.s32 $0xFFFFF800;
	(pc) =	sbr.rel @p0 .LBB2_1-.Ltmp1, $4  }
0x75: {  	[hbm4b:s5+s2] =	stream.linear.scatter [tilespmem:s10], [sflag:$0x2], $0x18800, $0x38;
	[tilespmem:$0x1A080] =	vst v63  }
0x76: {  	_ =	swait.ge [sflag:s7], $0x18800  }
0x77: {  	[sflag:s7] =	ssyncset.done $0x0  }
0x78: {  	[sflag:s7] =	ssyncadd.s32 $0xFFFE7800  }
0x79: {  	_ =	sfence.sel $0x180000  }
0x7a: {  	[bflag:$0x0] =	sbarrier.arrive $0xFFFF  }
0x7b: {  	p0 =	sne.s32 s0, $0x0;
	_ =	strace $0x90000059  }
0x7c: {  	s0 =	sadd.s32 @!p0 $0x100000, s1;
	[bflag:$0x2] =	sbarrier.arrive $0xFFFF  }
0x7d: {  	[sflag:s0] =	ssyncadd.tile.s32 @!p0 $0x1;
	_ =	shalt  }
.Lfunc_end2:
_tile_overlayer_lowered:
.L_overlay_start_2:
0x7e: {  	(tag) =	ssettag $0x2  }
0x7f: {  	s0 =	rddreg [dreg:$0x0];
	s2 =	stileid.u32  }
0x80: {  	s1 =	rddreg [dreg:$0x1];
	p0 =	sne.s32 s2, $0x0  }
0x81: {  	s3 =	rddreg [dreg:$0x2];
	[bflag:$0x3] =	sbarrier.arrive $0xFFFF;
	s2 =	simm.s32 @!p0 $0x1C02  }
0x82: {  	[timem:s3], [sflag:s2] =	dma.local @!p0 [hbm:s0], s1  }
0x83: {  	s0 =	simm.s32 @!p0 $0x2  }
0x84: {  	_ =	swait.ge @!p0 [sflag:s0], s1  }
0x85: {  	s1 =	ssub.s32 @!p0 $0x0, s1;
	[sflag:s0] =	ssyncset.done @!p0 $0x0  }
0x86: {  	[sflag:s0] =	ssyncadd.s32 @!p0 s1  }
0x87: {  	[bflag:$0x3] =	sbarrier.arrive $0xFFFF  }
0x88: {  	_ =	shalt  }

</sc_bundles>
